<compile_context>
chip_gen: v7x
topology: tpu7x:2x2x1
jax: 0.10.2.dev20260603
libtpu: 0.0.44.dev20260713+nightly
codegen_flags: <defaults>
</compile_context>

<pallas_src>
import functools

import jax
import jax.numpy as jnp
from jax import lax
from jax.experimental import pallas as pl
from jax.experimental.pallas import tpu as pltpu
from jax.experimental.pallas import tpu_sc as plsc

_LANES = 16


def _lane_bcast(v, k):
    idx = jnp.full((_LANES,), k, dtype=jnp.int32)
    return lax.gather(
        v, idx[:, None],
        lax.GatherDimensionNumbers(
            offset_dims=(), collapsed_slice_dims=(0,), start_index_map=(0,)),
        (1,), mode=lax.GatherScatterMode.PROMISE_IN_BOUNDS)


def _make_sc_edge_agg(B, Nn, De):
    CH = 16
    NCH = Nn // CH
    nt = Nn // _LANES
    NACC = 4
    rw = Nn * De

    mesh = plsc.VectorSubcoreMesh(core_axis_name="c", subcore_axis_name="s")

    @functools.partial(
        pl.kernel,
        out_type=jax.ShapeDtypeStruct((B, Nn, De), jnp.float32),
        mesh=mesh,
        scratch_types=[
            pltpu.VMEM((Nn, Nn), jnp.float32),
            pltpu.VMEM((2, CH, rw), jnp.float32),
            pltpu.VMEM((Nn, De), jnp.float32),
            pltpu.SemaphoreType.DMA,
            pltpu.SemaphoreType.DMA,
            pltpu.SemaphoreType.DMA,
        ],
    )
    def sc_edge_agg(a_hbm, e_hbm, m_hbm, a_v, e_v, m_v, sem_a, sem_e0, sem_e1):
        cid = lax.axis_index("c")
        sid = lax.axis_index("s")
        w = sid * 2 + cid
        cp_a = pltpu.async_copy(a_hbm.at[w], a_v, sem_a)
        sems = (sem_e0, sem_e1)
        cp = [None, None]
        cp[0] = pltpu.async_copy(e_hbm.at[w, pl.ds(0, CH)], e_v.at[0], sems[0])
        cp_a.wait()
        for ch in range(NCH):
            buf = ch % 2
            if ch + 1 < NCH:
                cp[1 - buf] = pltpu.async_copy(
                    e_hbm.at[w, pl.ds((ch + 1) * CH, CH)],
                    e_v.at[1 - buf], sems[1 - buf])
            cp[buf].wait()

            def row_body(i_loc, _, *, buf=buf, ch=ch):
                i = ch * CH + i_loc
                zero = jnp.zeros((De,), jnp.float32)

                def t_body(t, accs):
                    av = a_v[i, pl.ds(t * _LANES, _LANES)]
                    accs = list(accs)
                    for k in range(_LANES):
                        ev = e_v[buf, i_loc,
                                 pl.ds(t * _LANES * De + k * De, De)]
                        accs[k % NACC] = (accs[k % NACC]
                                          + _lane_bcast(av, k) * ev)
                    return tuple(accs)

                accs = lax.fori_loop(0, nt, t_body, (zero,) * NACC)
                acc = (accs[0] + accs[1]) + (accs[2] + accs[3])
                m_v[i, :] = acc
                return 0

            lax.fori_loop(0, CH, row_body, 0)
        pltpu.sync_copy(m_v, m_hbm.at[w])

    return sc_edge_agg


def _tc_body(h_ref, a_ref, m_ref, wcat_ref, we_ref, b_ref, o_ref, *, d):
    hw = jnp.dot(h_ref[...], wcat_ref[...],
                 preferred_element_type=jnp.float32)
    deg = jnp.sum(a_ref[...], axis=1, keepdims=True)
    me = jnp.dot(m_ref[...], we_ref[...], preferred_element_type=jnp.float32)
    o_ref[...] = hw[:, :d] + deg * hw[:, d:] + me + b_ref[...]


def kernel(H, A, E, N, W_self, W_nei, bias):
    B, Nn, D = H.shape
    De = E.shape[-1]

    sc_call = _make_sc_edge_agg(B, Nn, De)
    M = sc_call(A, E.reshape(B, Nn, Nn * De))

    H4 = H.reshape(B * Nn, D)
    A4 = A.reshape(B * Nn, Nn)
    M4 = M.reshape(B * Nn, De)
    W_cat = jnp.concatenate([W_self, W_nei[:D]], axis=1)
    W_e = W_nei[D:]
    bias2 = bias[None, :]

    RB = 512
    grid = (B * Nn // RB,)
    out = pl.pallas_call(
        functools.partial(_tc_body, d=D),
        grid=grid,
        in_specs=[
            pl.BlockSpec((RB, D), lambda r: (r, 0)),
            pl.BlockSpec((RB, Nn), lambda r: (r, 0)),
            pl.BlockSpec((RB, De), lambda r: (r, 0)),
            pl.BlockSpec((D, 2 * D), lambda r: (0, 0)),
            pl.BlockSpec((De, D), lambda r: (0, 0)),
            pl.BlockSpec((1, D), lambda r: (0, 0)),
        ],
        out_specs=pl.BlockSpec((RB, D), lambda r: (r, 0)),
        out_shape=jax.ShapeDtypeStruct((B * Nn, D), jnp.float32),
        compiler_params=pltpu.CompilerParams(
            dimension_semantics=("arbitrary",),
        ),
    )(H4, A4, M4, W_cat, W_e, bias2)
    return out.reshape(B, Nn, D)

# --- scband reference (transcript-rebuilt; emitter-appended) ---
"""Pipeline reference for scband-message-passing-1872605741887 (READ-ONLY COPY).

The authoritative reference and input builder live on the scoring server;
editing this copy changes nothing except your own understanding.
"""

import jax, jax.numpy as jnp
import numpy as np

N_BATCH = 32
N_NODE = 128
D_NODE = 512
D_EDGE = 16

def setup_inputs(seed: int = 0) -> dict:
    key = jax.random.key(seed)
    k1, k2, k3, k4, k5, k6 = jax.random.split(key, 6)
    H = jax.random.normal(k1, (N_BATCH, N_NODE, D_NODE), dtype=jnp.float32)
    A = jax.random.uniform(k2, (N_BATCH, N_NODE, N_NODE), dtype=jnp.float32)
    E = jax.random.normal(k3, (N_BATCH, N_NODE, N_NODE, D_EDGE), dtype=jnp.float32)
    N = jnp.arange(N_BATCH, dtype=jnp.int32)
    stdv_self = 1.0 / np.sqrt(D_NODE)
    W_self = jax.random.uniform(k4, (D_NODE, D_NODE), dtype=jnp.float32, minval=-stdv_self, maxval=stdv_self)
    stdv_nei = 1.0 / np.sqrt(D_NODE + D_EDGE)
    W_nei = jax.random.uniform(k5, (D_NODE + D_EDGE, D_NODE), dtype=jnp.float32, minval=-stdv_nei, maxval=stdv_nei)
    stdv_b = 1.0 / np.sqrt(D_NODE)
    bias = jax.random.uniform(k6, (D_NODE,), dtype=jnp.float32, minval=-stdv_b, maxval=stdv_b)
    return {"H": H, "A": A, "E": E, "N": N, "W_self": W_self, "W_nei": W_nei, "bias": bias}

def reference(H, A, E, N, W_self, W_nei, bias):
    # H_filtered_self = einsum('aij,jk->aik', H, W_self)
    H_filtered_self = jnp.einsum('aij,jk->aik', H, W_self)
    # message_convolution: for each edge (row, col) with weight A[a,row,col],
    #   HE[a, row] += concat(H[a, row], E[a, row, col])
    # Dense-tensor equivalent of the per-edge dict accumulation:
    deg = jnp.sum(A, axis=2)                       # (B, N) number/weight of edges per row node
    HE_h = deg[..., None] * H                      # H[a,row] added once per incident edge
    HE_e = jnp.einsum('aij,aijc->aic', A, E)       # scatter-add of edge features into row nodes
    HE = jnp.concatenate([HE_h, HE_e], axis=2)     # (B, N, D_NODE + D_EDGE)
    H_filtered_nei = jnp.einsum('aij,jk->aik', HE, W_nei)
    H1 = H_filtered_self + H_filtered_nei + bias
    return H1

if __name__ == "__main__":
    import jax
    _d = setup_inputs()
    print(jax.jit(kernel)(*tuple(_d.values())))

</pallas_src>

<mosaic_0001>
#map = affine_map<(d0, d1) -> (0, 0, 0)>
module attributes {stable_mosaic.version = 14 : i64} {
  func.func @sc_edge_agg(%arg0: i32, %arg1: i32, %arg2: memref<32x128x128xf32, #tpu.memory_space<hbm>>, %arg3: memref<32x128x2048xf32, #tpu.memory_space<hbm>>, %arg4: memref<32x128x16xf32, #tpu.memory_space<hbm>>, %arg5: memref<128x128xf32, #tpu.memory_space<vmem>>, %arg6: memref<2x16x2048xf32, #tpu.memory_space<vmem>>, %arg7: memref<128x16xf32, #tpu.memory_space<vmem>>, %arg8: memref<!tpu.dma_semaphore, #tpu.memory_space<semaphore_mem>>, %arg9: memref<!tpu.dma_semaphore, #tpu.memory_space<semaphore_mem>>, %arg10: memref<!tpu.dma_semaphore, #tpu.memory_space<semaphore_mem>>) attributes {dimension_semantics = [#tpu.dimension_semantics<core_parallel>, #tpu.dimension_semantics<subcore_parallel>], iteration_bounds = array<i64: 2, 16>, scalar_prefetch = 0 : i64, scratch_operands = 6 : i64, tpu.core_type = #tpu.core_type<sc_vector_subcore>, window_params = [{transform_indices = #map}, {transform_indices = #map}, {transform_indices = #map}]} {
    %mul3A = arith.constant 2 : i32
    %mul3A_0 = arith.muli %arg1, %mul3A : i32
    %add3A = arith.addi %mul3A_0, %arg0 : i32
    %dma_start3A = arith.constant 0 : i32
    %dma_start3A_1 = arith.constant 0 : i32
    %dma_start3A_2 = tpu.memref_slice %arg2[%add3A, %dma_start3A, %dma_start3A_1] : memref<32x128x128xf32, #tpu.memory_space<hbm>> -> memref<1x128x128xf32, #tpu.memory_space<hbm>>
    %dma_start3A_3 = tpu.memref_squeeze %dma_start3A_2 : memref<1x128x128xf32, #tpu.memory_space<hbm>> -> memref<128x128xf32, #tpu.memory_space<hbm>>
    %dma_start3A_4 = arith.constant 0 : i32
    %dma_start3A_5 = arith.constant 0 : i32
    %dma_start3A_6 = tpu.memref_slice %arg2[%add3A, %dma_start3A_4, %dma_start3A_5] : memref<32x128x128xf32, #tpu.memory_space<hbm>> -> memref<1x128x128xf32, #tpu.memory_space<hbm>>
    %dma_start3A_7 = tpu.memref_squeeze %dma_start3A_6 : memref<1x128x128xf32, #tpu.memory_space<hbm>> -> memref<128x128xf32, #tpu.memory_space<hbm>>
    tpu.enqueue_dma source(%dma_start3A_7 : memref<128x128xf32, #tpu.memory_space<hbm>>) target(%arg5 : memref<128x128xf32, #tpu.memory_space<vmem>>) target_semaphore(%arg8 : memref<!tpu.dma_semaphore, #tpu.memory_space<semaphore_mem>>)
    %dma_start3A_8 = arith.constant 0 : i32
    %dma_start3A_9 = arith.constant 0 : i32
    %dma_start3A_10 = arith.constant 0 : i32
    %dma_start3A_11 = tpu.memref_slice %arg6[%dma_start3A_8, %dma_start3A_9, %dma_start3A_10] : memref<2x16x2048xf32, #tpu.memory_space<vmem>> -> memref<1x16x2048xf32, #tpu.memory_space<vmem>>
    %dma_start3A_12 = tpu.memref_squeeze %dma_start3A_11 : memref<1x16x2048xf32, #tpu.memory_space<vmem>> -> memref<16x2048xf32, #tpu.memory_space<vmem>>
    %dma_start3A_13 = arith.constant 0 : i32
    %dma_start3A_14 = arith.constant 0 : i32
    %dma_start3A_15 = tpu.memref_slice %arg3[%add3A, %dma_start3A_13, %dma_start3A_14] : memref<32x128x2048xf32, #tpu.memory_space<hbm>> -> memref<1x16x2048xf32, #tpu.memory_space<hbm>>
    %dma_start3A_16 = tpu.memref_squeeze %dma_start3A_15 : memref<1x16x2048xf32, #tpu.memory_space<hbm>> -> memref<16x2048xf32, #tpu.memory_space<hbm>>
    %dma_start3A_17 = arith.constant 0 : i32
    %dma_start3A_18 = arith.constant 0 : i32
    %dma_start3A_19 = tpu.memref_slice %arg6[%dma_start3A_8, %dma_start3A_17, %dma_start3A_18] : memref<2x16x2048xf32, #tpu.memory_space<vmem>> -> memref<1x16x2048xf32, #tpu.memory_space<vmem>>
    %dma_start3A_20 = tpu.memref_squeeze %dma_start3A_19 : memref<1x16x2048xf32, #tpu.memory_space<vmem>> -> memref<16x2048xf32, #tpu.memory_space<vmem>>
    %dma_start3A_21 = arith.constant 0 : i32
    %dma_start3A_22 = arith.constant 0 : i32
    %dma_start3A_23 = tpu.memref_slice %arg3[%add3A, %dma_start3A_21, %dma_start3A_22] : memref<32x128x2048xf32, #tpu.memory_space<hbm>> -> memref<1x16x2048xf32, #tpu.memory_space<hbm>>
    %dma_start3A_24 = tpu.memref_squeeze %dma_start3A_23 : memref<1x16x2048xf32, #tpu.memory_space<hbm>> -> memref<16x2048xf32, #tpu.memory_space<hbm>>
    tpu.enqueue_dma source(%dma_start3A_24 : memref<16x2048xf32, #tpu.memory_space<hbm>>) target(%dma_start3A_20 : memref<16x2048xf32, #tpu.memory_space<vmem>>) target_semaphore(%arg9 : memref<!tpu.dma_semaphore, #tpu.memory_space<semaphore_mem>>)
    %dma_wait3A = arith.constant 0 : i32
    %dma_wait3A_25 = arith.constant 0 : i32
    %dma_wait3A_26 = tpu.memref_slice %arg2[%add3A, %dma_wait3A, %dma_wait3A_25] : memref<32x128x128xf32, #tpu.memory_space<hbm>> -> memref<1x128x128xf32, #tpu.memory_space<hbm>>
    %dma_wait3A_27 = tpu.memref_squeeze %dma_wait3A_26 : memref<1x128x128xf32, #tpu.memory_space<hbm>> -> memref<128x128xf32, #tpu.memory_space<hbm>>
    %dma_wait3A_28 = arith.constant 0 : i32
    %dma_wait3A_29 = arith.constant 0 : i32
    %dma_wait3A_30 = tpu.memref_slice %arg2[%add3A, %dma_wait3A_28, %dma_wait3A_29] : memref<32x128x128xf32, #tpu.memory_space<hbm>> -> memref<1x128x128xf32, #tpu.memory_space<hbm>>
    %dma_wait3A_31 = tpu.memref_squeeze %dma_wait3A_30 : memref<1x128x128xf32, #tpu.memory_space<hbm>> -> memref<128x128xf32, #tpu.memory_space<hbm>>
    tpu.wait_dma2 semaphore(%arg8 : memref<!tpu.dma_semaphore, #tpu.memory_space<semaphore_mem>>) src(%dma_wait3A_31 : memref<128x128xf32, #tpu.memory_space<hbm>>) dst(%arg5 : memref<128x128xf32, #tpu.memory_space<vmem>>)
    %dma_start3A_32 = arith.constant 1 : i32
    %dma_start3A_33 = arith.constant 0 : i32
    %dma_start3A_34 = arith.constant 0 : i32
    %dma_start3A_35 = tpu.memref_slice %arg6[%dma_start3A_32, %dma_start3A_33, %dma_start3A_34] : memref<2x16x2048xf32, #tpu.memory_space<vmem>> -> memref<1x16x2048xf32, #tpu.memory_space<vmem>>
    %dma_start3A_36 = tpu.memref_squeeze %dma_start3A_35 : memref<1x16x2048xf32, #tpu.memory_space<vmem>> -> memref<16x2048xf32, #tpu.memory_space<vmem>>
    %dma_start3A_37 = arith.constant 16 : i32
    %dma_start3A_38 = arith.constant 0 : i32
    %dma_start3A_39 = tpu.memref_slice %arg3[%add3A, %dma_start3A_37, %dma_start3A_38] : memref<32x128x2048xf32, #tpu.memory_space<hbm>> -> memref<1x16x2048xf32, #tpu.memory_space<hbm>>
    %dma_start3A_40 = tpu.memref_squeeze %dma_start3A_39 : memref<1x16x2048xf32, #tpu.memory_space<hbm>> -> memref<16x2048xf32, #tpu.memory_space<hbm>>
    %dma_start3A_41 = arith.constant 0 : i32
    %dma_start3A_42 = arith.constant 0 : i32
    %dma_start3A_43 = tpu.memref_slice %arg6[%dma_start3A_32, %dma_start3A_41, %dma_start3A_42] : memref<2x16x2048xf32, #tpu.memory_space<vmem>> -> memref<1x16x2048xf32, #tpu.memory_space<vmem>>
    %dma_start3A_44 = tpu.memref_squeeze %dma_start3A_43 : memref<1x16x2048xf32, #tpu.memory_space<vmem>> -> memref<16x2048xf32, #tpu.memory_space<vmem>>
    %dma_start3A_45 = arith.constant 16 : i32
    %dma_start3A_46 = arith.constant 0 : i32
    %dma_start3A_47 = tpu.memref_slice %arg3[%add3A, %dma_start3A_45, %dma_start3A_46] : memref<32x128x2048xf32, #tpu.memory_space<hbm>> -> memref<1x16x2048xf32, #tpu.memory_space<hbm>>
    %dma_start3A_48 = tpu.memref_squeeze %dma_start3A_47 : memref<1x16x2048xf32, #tpu.memory_space<hbm>> -> memref<16x2048xf32, #tpu.memory_space<hbm>>
    tpu.enqueue_dma source(%dma_start3A_48 : memref<16x2048xf32, #tpu.memory_space<hbm>>) target(%dma_start3A_44 : memref<16x2048xf32, #tpu.memory_space<vmem>>) target_semaphore(%arg10 : memref<!tpu.dma_semaphore, #tpu.memory_space<semaphore_mem>>)
    %dma_wait3A_49 = arith.constant 0 : i32
    %dma_wait3A_50 = arith.constant 0 : i32
    %dma_wait3A_51 = arith.constant 0 : i32
    %dma_wait3A_52 = tpu.memref_slice %arg6[%dma_wait3A_49, %dma_wait3A_50, %dma_wait3A_51] : memref<2x16x2048xf32, #tpu.memory_space<vmem>> -> memref<1x16x2048xf32, #tpu.memory_space<vmem>>
    %dma_wait3A_53 = tpu.memref_squeeze %dma_wait3A_52 : memref<1x16x2048xf32, #tpu.memory_space<vmem>> -> memref<16x2048xf32, #tpu.memory_space<vmem>>
    %dma_wait3A_54 = arith.constant 0 : i32
    %dma_wait3A_55 = arith.constant 0 : i32
    %dma_wait3A_56 = tpu.memref_slice %arg3[%add3A, %dma_wait3A_54, %dma_wait3A_55] : memref<32x128x2048xf32, #tpu.memory_space<hbm>> -> memref<1x16x2048xf32, #tpu.memory_space<hbm>>
    %dma_wait3A_57 = tpu.memref_squeeze %dma_wait3A_56 : memref<1x16x2048xf32, #tpu.memory_space<hbm>> -> memref<16x2048xf32, #tpu.memory_space<hbm>>
    %dma_wait3A_58 = arith.constant 0 : i32
    %dma_wait3A_59 = arith.constant 0 : i32
    %dma_wait3A_60 = tpu.memref_slice %arg6[%dma_wait3A_49, %dma_wait3A_58, %dma_wait3A_59] : memref<2x16x2048xf32, #tpu.memory_space<vmem>> -> memref<1x16x2048xf32, #tpu.memory_space<vmem>>
    %dma_wait3A_61 = tpu.memref_squeeze %dma_wait3A_60 : memref<1x16x2048xf32, #tpu.memory_space<vmem>> -> memref<16x2048xf32, #tpu.memory_space<vmem>>
    %dma_wait3A_62 = arith.constant 0 : i32
    %dma_wait3A_63 = arith.constant 0 : i32
    %dma_wait3A_64 = tpu.memref_slice %arg3[%add3A, %dma_wait3A_62, %dma_wait3A_63] : memref<32x128x2048xf32, #tpu.memory_space<hbm>> -> memref<1x16x2048xf32, #tpu.memory_space<hbm>>
    %dma_wait3A_65 = tpu.memref_squeeze %dma_wait3A_64 : memref<1x16x2048xf32, #tpu.memory_space<hbm>> -> memref<16x2048xf32, #tpu.memory_space<hbm>>
    tpu.wait_dma2 semaphore(%arg9 : memref<!tpu.dma_semaphore, #tpu.memory_space<semaphore_mem>>) src(%dma_wait3A_65 : memref<16x2048xf32, #tpu.memory_space<hbm>>) dst(%dma_wait3A_61 : memref<16x2048xf32, #tpu.memory_space<vmem>>)
    %scan3A = arith.constant 0 : i32
    %scan3A_66 = arith.constant 0 : i32
    %scan3A_67 = arith.constant 16 : i32
    %scan3A_68 = arith.addi %scan3A_66, %scan3A_67 : i32
    %scan3A_69 = arith.constant 1 : i32
    %scan3A_70 = scf.for %scan3A_342 = %scan3A_66 to %scan3A_68 step %scan3A_69 iter_args(%scan3A_343 = %scan3A) -> (i32)  : i32 {
      %add3A_344 = arith.constant 0 : i32
      %add3A_345 = arith.addi %add3A_344, %scan3A_342 : i32
      %broadcast_in_dim3A = arith.constant 0.000000e+00 : f32
      %broadcast_in_dim3A_346 = vector.broadcast %broadcast_in_dim3A : f32 to vector<16xf32>
      %scan3A_347 = arith.constant 0 : i32
      %scan3A_348 = arith.constant 8 : i32
      %scan3A_349 = arith.addi %scan3A_347, %scan3A_348 : i32
      %scan3A_350 = arith.constant 1 : i32
      %scan3A_351:4 = scf.for %scan3A_361 = %scan3A_347 to %scan3A_349 step %scan3A_350 iter_args(%scan3A_362 = %broadcast_in_dim3A_346, %scan3A_363 = %broadcast_in_dim3A_346, %scan3A_364 = %broadcast_in_dim3A_346, %scan3A_365 = %broadcast_in_dim3A_346) -> (vector<16xf32>, vector<16xf32>, vector<16xf32>, vector<16xf32>)  : i32 {
        %mul3A_366 = arith.constant 16 : i32
        %mul3A_367 = arith.muli %scan3A_361, %mul3A_366 : i32
        %get3A = arith.index_cast %add3A_345 : i32 to index
        %get3A_368 = arith.index_cast %mul3A_367 : i32 to index
        %get3A_369 = tpu.vector_load %arg5[%get3A, %get3A_368] {strides = array<i32>} : memref<128x128xf32, #tpu.memory_space<vmem>>, vector<1x16xf32>,
        %get3A_370 = vector.shape_cast %get3A_369 : vector<1x16xf32> to vector<16xf32>
        %mul3A_371 = arith.constant 16 : i32
        %mul3A_372 = arith.muli %scan3A_361, %mul3A_371 : i32
        %mul3A_373 = arith.constant 16 : i32
        %mul3A_374 = arith.muli %mul3A_372, %mul3A_373 : i32
        %add3A_375 = arith.constant 0 : i32
        %add3A_376 = arith.addi %mul3A_374, %add3A_375 : i32
        %get3A_377 = arith.constant 0 : i32
        %get3A_378 = arith.index_cast %get3A_377 : i32 to index
        %get3A_379 = arith.index_cast %scan3A_342 : i32 to index
        %get3A_380 = arith.index_cast %add3A_376 : i32 to index
        %get3A_381 = tpu.vector_load %arg6[%get3A_378, %get3A_379, %get3A_380] {strides = array<i32>} : memref<2x16x2048xf32, #tpu.memory_space<vmem>>, vector<1x1x16xf32>,
        %get3A_382 = vector.shape_cast %get3A_381 : vector<1x1x16xf32> to vector<16xf32>
        %broadcast_in_dim3A_383 = arith.constant 0 : i32
        %broadcast_in_dim3A_384 = vector.broadcast %broadcast_in_dim3A_383 : i32 to vector<16xi32>
        %broadcast_in_dim3A_385 = vector.shape_cast %broadcast_in_dim3A_384 : vector<16xi32> to vector<16x1xi32>
        %gather3A = vector.shape_cast %broadcast_in_dim3A_385 : vector<16x1xi32> to vector<16xi32>
        %gather3A_386 = tpu.dynamic_gather %get3A_370[%gather3A] in [0] : vector<16xf32>, vector<16xi32> -> vector<16xf32>
        %mul3A_387 = arith.mulf %gather3A_386, %get3A_382 : vector<16xf32>
        %add3A_388 = arith.addf %scan3A_362, %mul3A_387 : vector<16xf32>
        %mul3A_389 = arith.constant 16 : i32
        %mul3A_390 = arith.muli %scan3A_361, %mul3A_389 : i32
        %mul3A_391 = arith.constant 16 : i32
        %mul3A_392 = arith.muli %mul3A_390, %mul3A_391 : i32
        %add3A_393 = arith.constant 16 : i32
        %add3A_394 = arith.addi %mul3A_392, %add3A_393 : i32
        %get3A_395 = arith.constant 0 : i32
        %get3A_396 = arith.index_cast %get3A_395 : i32 to index
        %get3A_397 = arith.index_cast %scan3A_342 : i32 to index
        %get3A_398 = arith.index_cast %add3A_394 : i32 to index
        %get3A_399 = tpu.vector_load %arg6[%get3A_396, %get3A_397, %get3A_398] {strides = array<i32>} : memref<2x16x2048xf32, #tpu.memory_space<vmem>>, vector<1x1x16xf32>,
        %get3A_400 = vector.shape_cast %get3A_399 : vector<1x1x16xf32> to vector<16xf32>
        %broadcast_in_dim3A_401 = arith.constant 1 : i32
        %broadcast_in_dim3A_402 = vector.broadcast %broadcast_in_dim3A_401 : i32 to vector<16xi32>
        %broadcast_in_dim3A_403 = vector.shape_cast %broadcast_in_dim3A_402 : vector<16xi32> to vector<16x1xi32>
        %gather3A_404 = vector.shape_cast %broadcast_in_dim3A_403 : vector<16x1xi32> to vector<16xi32>
        %gather3A_405 = tpu.dynamic_gather %get3A_370[%gather3A_404] in [0] : vector<16xf32>, vector<16xi32> -> vector<16xf32>
        %mul3A_406 = arith.mulf %gather3A_405, %get3A_400 : vector<16xf32>
        %add3A_407 = arith.addf %scan3A_363, %mul3A_406 : vector<16xf32>
        %mul3A_408 = arith.constant 16 : i32
        %mul3A_409 = arith.muli %scan3A_361, %mul3A_408 : i32
        %mul3A_410 = arith.constant 16 : i32
        %mul3A_411 = arith.muli %mul3A_409, %mul3A_410 : i32
        %add3A_412 = arith.constant 32 : i32
        %add3A_413 = arith.addi %mul3A_411, %add3A_412 : i32
        %get3A_414 = arith.constant 0 : i32
        %get3A_415 = arith.index_cast %get3A_414 : i32 to index
        %get3A_416 = arith.index_cast %scan3A_342 : i32 to index
        %get3A_417 = arith.index_cast %add3A_413 : i32 to index
        %get3A_418 = tpu.vector_load %arg6[%get3A_415, %get3A_416, %get3A_417] {strides = array<i32>} : memref<2x16x2048xf32, #tpu.memory_space<vmem>>, vector<1x1x16xf32>,
        %get3A_419 = vector.shape_cast %get3A_418 : vector<1x1x16xf32> to vector<16xf32>
        %broadcast_in_dim3A_420 = arith.constant 2 : i32
        %broadcast_in_dim3A_421 = vector.broadcast %broadcast_in_dim3A_420 : i32 to vector<16xi32>
        %broadcast_in_dim3A_422 = vector.shape_cast %broadcast_in_dim3A_421 : vector<16xi32> to vector<16x1xi32>
        %gather3A_423 = vector.shape_cast %broadcast_in_dim3A_422 : vector<16x1xi32> to vector<16xi32>
        %gather3A_424 = tpu.dynamic_gather %get3A_370[%gather3A_423] in [0] : vector<16xf32>, vector<16xi32> -> vector<16xf32>
        %mul3A_425 = arith.mulf %gather3A_424, %get3A_419 : vector<16xf32>
        %add3A_426 = arith.addf %scan3A_364, %mul3A_425 : vector<16xf32>
        %mul3A_427 = arith.constant 16 : i32
        %mul3A_428 = arith.muli %scan3A_361, %mul3A_427 : i32
        %mul3A_429 = arith.constant 16 : i32
        %mul3A_430 = arith.muli %mul3A_428, %mul3A_429 : i32
        %add3A_431 = arith.constant 48 : i32
        %add3A_432 = arith.addi %mul3A_430, %add3A_431 : i32
        %get3A_433 = arith.constant 0 : i32
        %get3A_434 = arith.index_cast %get3A_433 : i32 to index
        %get3A_435 = arith.index_cast %scan3A_342 : i32 to index
        %get3A_436 = arith.index_cast %add3A_432 : i32 to index
        %get3A_437 = tpu.vector_load %arg6[%get3A_434, %get3A_435, %get3A_436] {strides = array<i32>} : memref<2x16x2048xf32, #tpu.memory_space<vmem>>, vector<1x1x16xf32>,
        %get3A_438 = vector.shape_cast %get3A_437 : vector<1x1x16xf32> to vector<16xf32>
        %broadcast_in_dim3A_439 = arith.constant 3 : i32
        %broadcast_in_dim3A_440 = vector.broadcast %broadcast_in_dim3A_439 : i32 to vector<16xi32>
        %broadcast_in_dim3A_441 = vector.shape_cast %broadcast_in_dim3A_440 : vector<16xi32> to vector<16x1xi32>
        %gather3A_442 = vector.shape_cast %broadcast_in_dim3A_441 : vector<16x1xi32> to vector<16xi32>
        %gather3A_443 = tpu.dynamic_gather %get3A_370[%gather3A_442] in [0] : vector<16xf32>, vector<16xi32> -> vector<16xf32>
        %mul3A_444 = arith.mulf %gather3A_443, %get3A_438 : vector<16xf32>
        %add3A_445 = arith.addf %scan3A_365, %mul3A_444 : vector<16xf32>
        %mul3A_446 = arith.constant 16 : i32
        %mul3A_447 = arith.muli %scan3A_361, %mul3A_446 : i32
        %mul3A_448 = arith.constant 16 : i32
        %mul3A_449 = arith.muli %mul3A_447, %mul3A_448 : i32
        %add3A_450 = arith.constant 64 : i32
        %add3A_451 = arith.addi %mul3A_449, %add3A_450 : i32
        %get3A_452 = arith.constant 0 : i32
        %get3A_453 = arith.index_cast %get3A_452 : i32 to index
        %get3A_454 = arith.index_cast %scan3A_342 : i32 to index
        %get3A_455 = arith.index_cast %add3A_451 : i32 to index
        %get3A_456 = tpu.vector_load %arg6[%get3A_453, %get3A_454, %get3A_455] {strides = array<i32>} : memref<2x16x2048xf32, #tpu.memory_space<vmem>>, vector<1x1x16xf32>,
        %get3A_457 = vector.shape_cast %get3A_456 : vector<1x1x16xf32> to vector<16xf32>
        %broadcast_in_dim3A_458 = arith.constant 4 : i32
        %broadcast_in_dim3A_459 = vector.broadcast %broadcast_in_dim3A_458 : i32 to vector<16xi32>
        %broadcast_in_dim3A_460 = vector.shape_cast %broadcast_in_dim3A_459 : vector<16xi32> to vector<16x1xi32>
        %gather3A_461 = vector.shape_cast %broadcast_in_dim3A_460 : vector<16x1xi32> to vector<16xi32>
        %gather3A_462 = tpu.dynamic_gather %get3A_370[%gather3A_461] in [0] : vector<16xf32>, vector<16xi32> -> vector<16xf32>
        %mul3A_463 = arith.mulf %gather3A_462, %get3A_457 : vector<16xf32>
        %add3A_464 = arith.addf %add3A_388, %mul3A_463 : vector<16xf32>
        %mul3A_465 = arith.constant 16 : i32
        %mul3A_466 = arith.muli %scan3A_361, %mul3A_465 : i32
        %mul3A_467 = arith.constant 16 : i32
        %mul3A_468 = arith.muli %mul3A_466, %mul3A_467 : i32
        %add3A_469 = arith.constant 80 : i32
        %add3A_470 = arith.addi %mul3A_468, %add3A_469 : i32
        %get3A_471 = arith.constant 0 : i32
        %get3A_472 = arith.index_cast %get3A_471 : i32 to index
        %get3A_473 = arith.index_cast %scan3A_342 : i32 to index
        %get3A_474 = arith.index_cast %add3A_470 : i32 to index
        %get3A_475 = tpu.vector_load %arg6[%get3A_472, %get3A_473, %get3A_474] {strides = array<i32>} : memref<2x16x2048xf32, #tpu.memory_space<vmem>>, vector<1x1x16xf32>,
        %get3A_476 = vector.shape_cast %get3A_475 : vector<1x1x16xf32> to vector<16xf32>
        %broadcast_in_dim3A_477 = arith.constant 5 : i32
        %broadcast_in_dim3A_478 = vector.broadcast %broadcast_in_dim3A_477 : i32 to vector<16xi32>
        %broadcast_in_dim3A_479 = vector.shape_cast %broadcast_in_dim3A_478 : vector<16xi32> to vector<16x1xi32>
        %gather3A_480 = vector.shape_cast %broadcast_in_dim3A_479 : vector<16x1xi32> to vector<16xi32>
        %gather3A_481 = tpu.dynamic_gather %get3A_370[%gather3A_480] in [0] : vector<16xf32>, vector<16xi32> -> vector<16xf32>
        %mul3A_482 = arith.mulf %gather3A_481, %get3A_476 : vector<16xf32>
        %add3A_483 = arith.addf %add3A_407, %mul3A_482 : vector<16xf32>
        %mul3A_484 = arith.constant 16 : i32
        %mul3A_485 = arith.muli %scan3A_361, %mul3A_484 : i32
        %mul3A_486 = arith.constant 16 : i32
        %mul3A_487 = arith.muli %mul3A_485, %mul3A_486 : i32
        %add3A_488 = arith.constant 96 : i32
        %add3A_489 = arith.addi %mul3A_487, %add3A_488 : i32
        %get3A_490 = arith.constant 0 : i32
        %get3A_491 = arith.index_cast %get3A_490 : i32 to index
        %get3A_492 = arith.index_cast %scan3A_342 : i32 to index
        %get3A_493 = arith.index_cast %add3A_489 : i32 to index
        %get3A_494 = tpu.vector_load %arg6[%get3A_491, %get3A_492, %get3A_493] {strides = array<i32>} : memref<2x16x2048xf32, #tpu.memory_space<vmem>>, vector<1x1x16xf32>,
        %get3A_495 = vector.shape_cast %get3A_494 : vector<1x1x16xf32> to vector<16xf32>
        %broadcast_in_dim3A_496 = arith.constant 6 : i32
        %broadcast_in_dim3A_497 = vector.broadcast %broadcast_in_dim3A_496 : i32 to vector<16xi32>
        %broadcast_in_dim3A_498 = vector.shape_cast %broadcast_in_dim3A_497 : vector<16xi32> to vector<16x1xi32>
        %gather3A_499 = vector.shape_cast %broadcast_in_dim3A_498 : vector<16x1xi32> to vector<16xi32>
        %gather3A_500 = tpu.dynamic_gather %get3A_370[%gather3A_499] in [0] : vector<16xf32>, vector<16xi32> -> vector<16xf32>
        %mul3A_501 = arith.mulf %gather3A_500, %get3A_495 : vector<16xf32>
        %add3A_502 = arith.addf %add3A_426, %mul3A_501 : vector<16xf32>
        %mul3A_503 = arith.constant 16 : i32
        %mul3A_504 = arith.muli %scan3A_361, %mul3A_503 : i32
        %mul3A_505 = arith.constant 16 : i32
        %mul3A_506 = arith.muli %mul3A_504, %mul3A_505 : i32
        %add3A_507 = arith.constant 112 : i32
        %add3A_508 = arith.addi %mul3A_506, %add3A_507 : i32
        %get3A_509 = arith.constant 0 : i32
        %get3A_510 = arith.index_cast %get3A_509 : i32 to index
        %get3A_511 = arith.index_cast %scan3A_342 : i32 to index
        %get3A_512 = arith.index_cast %add3A_508 : i32 to index
        %get3A_513 = tpu.vector_load %arg6[%get3A_510, %get3A_511, %get3A_512] {strides = array<i32>} : memref<2x16x2048xf32, #tpu.memory_space<vmem>>, vector<1x1x16xf32>,
        %get3A_514 = vector.shape_cast %get3A_513 : vector<1x1x16xf32> to vector<16xf32>
        %broadcast_in_dim3A_515 = arith.constant 7 : i32
        %broadcast_in_dim3A_516 = vector.broadcast %broadcast_in_dim3A_515 : i32 to vector<16xi32>
        %broadcast_in_dim3A_517 = vector.shape_cast %broadcast_in_dim3A_516 : vector<16xi32> to vector<16x1xi32>
        %gather3A_518 = vector.shape_cast %broadcast_in_dim3A_517 : vector<16x1xi32> to vector<16xi32>
        %gather3A_519 = tpu.dynamic_gather %get3A_370[%gather3A_518] in [0] : vector<16xf32>, vector<16xi32> -> vector<16xf32>
        %mul3A_520 = arith.mulf %gather3A_519, %get3A_514 : vector<16xf32>
        %add3A_521 = arith.addf %add3A_445, %mul3A_520 : vector<16xf32>
        %mul3A_522 = arith.constant 16 : i32
        %mul3A_523 = arith.muli %scan3A_361, %mul3A_522 : i32
        %mul3A_524 = arith.constant 16 : i32
        %mul3A_525 = arith.muli %mul3A_523, %mul3A_524 : i32
        %add3A_526 = arith.constant 128 : i32
        %add3A_527 = arith.addi %mul3A_525, %add3A_526 : i32
        %get3A_528 = arith.constant 0 : i32
        %get3A_529 = arith.index_cast %get3A_528 : i32 to index
        %get3A_530 = arith.index_cast %scan3A_342 : i32 to index
        %get3A_531 = arith.index_cast %add3A_527 : i32 to index
        %get3A_532 = tpu.vector_load %arg6[%get3A_529, %get3A_530, %get3A_531] {strides = array<i32>} : memref<2x16x2048xf32, #tpu.memory_space<vmem>>, vector<1x1x16xf32>,
        %get3A_533 = vector.shape_cast %get3A_532 : vector<1x1x16xf32> to vector<16xf32>
        %broadcast_in_dim3A_534 = arith.constant 8 : i32
        %broadcast_in_dim3A_535 = vector.broadcast %broadcast_in_dim3A_534 : i32 to vector<16xi32>
        %broadcast_in_dim3A_536 = vector.shape_cast %broadcast_in_dim3A_535 : vector<16xi32> to vector<16x1xi32>
        %gather3A_537 = vector.shape_cast %broadcast_in_dim3A_536 : vector<16x1xi32> to vector<16xi32>
        %gather3A_538 = tpu.dynamic_gather %get3A_370[%gather3A_537] in [0] : vector<16xf32>, vector<16xi32> -> vector<16xf32>
        %mul3A_539 = arith.mulf %gather3A_538, %get3A_533 : vector<16xf32>
        %add3A_540 = arith.addf %add3A_464, %mul3A_539 : vector<16xf32>
        %mul3A_541 = arith.constant 16 : i32
        %mul3A_542 = arith.muli %scan3A_361, %mul3A_541 : i32
        %mul3A_543 = arith.constant 16 : i32
        %mul3A_544 = arith.muli %mul3A_542, %mul3A_543 : i32
        %add3A_545 = arith.constant 144 : i32
        %add3A_546 = arith.addi %mul3A_544, %add3A_545 : i32
        %get3A_547 = arith.constant 0 : i32
        %get3A_548 = arith.index_cast %get3A_547 : i32 to index
        %get3A_549 = arith.index_cast %scan3A_342 : i32 to index
        %get3A_550 = arith.index_cast %add3A_546 : i32 to index
        %get3A_551 = tpu.vector_load %arg6[%get3A_548, %get3A_549, %get3A_550] {strides = array<i32>} : memref<2x16x2048xf32, #tpu.memory_space<vmem>>, vector<1x1x16xf32>,
        %get3A_552 = vector.shape_cast %get3A_551 : vector<1x1x16xf32> to vector<16xf32>
        %broadcast_in_dim3A_553 = arith.constant 9 : i32
        %broadcast_in_dim3A_554 = vector.broadcast %broadcast_in_dim3A_553 : i32 to vector<16xi32>
        %broadcast_in_dim3A_555 = vector.shape_cast %broadcast_in_dim3A_554 : vector<16xi32> to vector<16x1xi32>
        %gather3A_556 = vector.shape_cast %broadcast_in_dim3A_555 : vector<16x1xi32> to vector<16xi32>
        %gather3A_557 = tpu.dynamic_gather %get3A_370[%gather3A_556] in [0] : vector<16xf32>, vector<16xi32> -> vector<16xf32>
        %mul3A_558 = arith.mulf %gather3A_557, %get3A_552 : vector<16xf32>
        %add3A_559 = arith.addf %add3A_483, %mul3A_558 : vector<16xf32>
        %mul3A_560 = arith.constant 16 : i32
        %mul3A_561 = arith.muli %scan3A_361, %mul3A_560 : i32
        %mul3A_562 = arith.constant 16 : i32
        %mul3A_563 = arith.muli %mul3A_561, %mul3A_562 : i32
        %add3A_564 = arith.constant 160 : i32
        %add3A_565 = arith.addi %mul3A_563, %add3A_564 : i32
        %get3A_566 = arith.constant 0 : i32
        %get3A_567 = arith.index_cast %get3A_566 : i32 to index
        %get3A_568 = arith.index_cast %scan3A_342 : i32 to index
        %get3A_569 = arith.index_cast %add3A_565 : i32 to index
        %get3A_570 = tpu.vector_load %arg6[%get3A_567, %get3A_568, %get3A_569] {strides = array<i32>} : memref<2x16x2048xf32, #tpu.memory_space<vmem>>, vector<1x1x16xf32>,
        %get3A_571 = vector.shape_cast %get3A_570 : vector<1x1x16xf32> to vector<16xf32>
        %broadcast_in_dim3A_572 = arith.constant 10 : i32
        %broadcast_in_dim3A_573 = vector.broadcast %broadcast_in_dim3A_572 : i32 to vector<16xi32>
        %broadcast_in_dim3A_574 = vector.shape_cast %broadcast_in_dim3A_573 : vector<16xi32> to vector<16x1xi32>
        %gather3A_575 = vector.shape_cast %broadcast_in_dim3A_574 : vector<16x1xi32> to vector<16xi32>
        %gather3A_576 = tpu.dynamic_gather %get3A_370[%gather3A_575] in [0] : vector<16xf32>, vector<16xi32> -> vector<16xf32>
        %mul3A_577 = arith.mulf %gather3A_576, %get3A_571 : vector<16xf32>
        %add3A_578 = arith.addf %add3A_502, %mul3A_577 : vector<16xf32>
        %mul3A_579 = arith.constant 16 : i32
        %mul3A_580 = arith.muli %scan3A_361, %mul3A_579 : i32
        %mul3A_581 = arith.constant 16 : i32
        %mul3A_582 = arith.muli %mul3A_580, %mul3A_581 : i32
        %add3A_583 = arith.constant 176 : i32
        %add3A_584 = arith.addi %mul3A_582, %add3A_583 : i32
        %get3A_585 = arith.constant 0 : i32
        %get3A_586 = arith.index_cast %get3A_585 : i32 to index
        %get3A_587 = arith.index_cast %scan3A_342 : i32 to index
        %get3A_588 = arith.index_cast %add3A_584 : i32 to index
        %get3A_589 = tpu.vector_load %arg6[%get3A_586, %get3A_587, %get3A_588] {strides = array<i32>} : memref<2x16x2048xf32, #tpu.memory_space<vmem>>, vector<1x1x16xf32>,
        %get3A_590 = vector.shape_cast %get3A_589 : vector<1x1x16xf32> to vector<16xf32>
        %broadcast_in_dim3A_591 = arith.constant 11 : i32
        %broadcast_in_dim3A_592 = vector.broadcast %broadcast_in_dim3A_591 : i32 to vector<16xi32>
        %broadcast_in_dim3A_593 = vector.shape_cast %broadcast_in_dim3A_592 : vector<16xi32> to vector<16x1xi32>
        %gather3A_594 = vector.shape_cast %broadcast_in_dim3A_593 : vector<16x1xi32> to vector<16xi32>
        %gather3A_595 = tpu.dynamic_gather %get3A_370[%gather3A_594] in [0] : vector<16xf32>, vector<16xi32> -> vector<16xf32>
        %mul3A_596 = arith.mulf %gather3A_595, %get3A_590 : vector<16xf32>
        %add3A_597 = arith.addf %add3A_521, %mul3A_596 : vector<16xf32>
        %mul3A_598 = arith.constant 16 : i32
        %mul3A_599 = arith.muli %scan3A_361, %mul3A_598 : i32
        %mul3A_600 = arith.constant 16 : i32
        %mul3A_601 = arith.muli %mul3A_599, %mul3A_600 : i32
        %add3A_602 = arith.constant 192 : i32
        %add3A_603 = arith.addi %mul3A_601, %add3A_602 : i32
        %get3A_604 = arith.constant 0 : i32
        %get3A_605 = arith.index_cast %get3A_604 : i32 to index
        %get3A_606 = arith.index_cast %scan3A_342 : i32 to index
        %get3A_607 = arith.index_cast %add3A_603 : i32 to index
        %get3A_608 = tpu.vector_load %arg6[%get3A_605, %get3A_606, %get3A_607] {strides = array<i32>} : memref<2x16x2048xf32, #tpu.memory_space<vmem>>, vector<1x1x16xf32>,
        %get3A_609 = vector.shape_cast %get3A_608 : vector<1x1x16xf32> to vector<16xf32>
        %broadcast_in_dim3A_610 = arith.constant 12 : i32
        %broadcast_in_dim3A_611 = vector.broadcast %broadcast_in_dim3A_610 : i32 to vector<16xi32>
        %broadcast_in_dim3A_612 = vector.shape_cast %broadcast_in_dim3A_611 : vector<16xi32> to vector<16x1xi32>
        %gather3A_613 = vector.shape_cast %broadcast_in_dim3A_612 : vector<16x1xi32> to vector<16xi32>
        %gather3A_614 = tpu.dynamic_gather %get3A_370[%gather3A_613] in [0] : vector<16xf32>, vector<16xi32> -> vector<16xf32>
        %mul3A_615 = arith.mulf %gather3A_614, %get3A_609 : vector<16xf32>
        %add3A_616 = arith.addf %add3A_540, %mul3A_615 : vector<16xf32>
        %mul3A_617 = arith.constant 16 : i32
        %mul3A_618 = arith.muli %scan3A_361, %mul3A_617 : i32
        %mul3A_619 = arith.constant 16 : i32
        %mul3A_620 = arith.muli %mul3A_618, %mul3A_619 : i32
        %add3A_621 = arith.constant 208 : i32
        %add3A_622 = arith.addi %mul3A_620, %add3A_621 : i32
        %get3A_623 = arith.constant 0 : i32
        %get3A_624 = arith.index_cast %get3A_623 : i32 to index
        %get3A_625 = arith.index_cast %scan3A_342 : i32 to index
        %get3A_626 = arith.index_cast %add3A_622 : i32 to index
        %get3A_627 = tpu.vector_load %arg6[%get3A_624, %get3A_625, %get3A_626] {strides = array<i32>} : memref<2x16x2048xf32, #tpu.memory_space<vmem>>, vector<1x1x16xf32>,
        %get3A_628 = vector.shape_cast %get3A_627 : vector<1x1x16xf32> to vector<16xf32>
        %broadcast_in_dim3A_629 = arith.constant 13 : i32
        %broadcast_in_dim3A_630 = vector.broadcast %broadcast_in_dim3A_629 : i32 to vector<16xi32>
        %broadcast_in_dim3A_631 = vector.shape_cast %broadcast_in_dim3A_630 : vector<16xi32> to vector<16x1xi32>
        %gather3A_632 = vector.shape_cast %broadcast_in_dim3A_631 : vector<16x1xi32> to vector<16xi32>
        %gather3A_633 = tpu.dynamic_gather %get3A_370[%gather3A_632] in [0] : vector<16xf32>, vector<16xi32> -> vector<16xf32>
        %mul3A_634 = arith.mulf %gather3A_633, %get3A_628 : vector<16xf32>
        %add3A_635 = arith.addf %add3A_559, %mul3A_634 : vector<16xf32>
        %mul3A_636 = arith.constant 16 : i32
        %mul3A_637 = arith.muli %scan3A_361, %mul3A_636 : i32
        %mul3A_638 = arith.constant 16 : i32
        %mul3A_639 = arith.muli %mul3A_637, %mul3A_638 : i32
        %add3A_640 = arith.constant 224 : i32
        %add3A_641 = arith.addi %mul3A_639, %add3A_640 : i32
        %get3A_642 = arith.constant 0 : i32
        %get3A_643 = arith.index_cast %get3A_642 : i32 to index
        %get3A_644 = arith.index_cast %scan3A_342 : i32 to index
        %get3A_645 = arith.index_cast %add3A_641 : i32 to index
        %get3A_646 = tpu.vector_load %arg6[%get3A_643, %get3A_644, %get3A_645] {strides = array<i32>} : memref<2x16x2048xf32, #tpu.memory_space<vmem>>, vector<1x1x16xf32>,
        %get3A_647 = vector.shape_cast %get3A_646 : vector<1x1x16xf32> to vector<16xf32>
        %broadcast_in_dim3A_648 = arith.constant 14 : i32
        %broadcast_in_dim3A_649 = vector.broadcast %broadcast_in_dim3A_648 : i32 to vector<16xi32>
        %broadcast_in_dim3A_650 = vector.shape_cast %broadcast_in_dim3A_649 : vector<16xi32> to vector<16x1xi32>
        %gather3A_651 = vector.shape_cast %broadcast_in_dim3A_650 : vector<16x1xi32> to vector<16xi32>
        %gather3A_652 = tpu.dynamic_gather %get3A_370[%gather3A_651] in [0] : vector<16xf32>, vector<16xi32> -> vector<16xf32>
        %mul3A_653 = arith.mulf %gather3A_652, %get3A_647 : vector<16xf32>
        %add3A_654 = arith.addf %add3A_578, %mul3A_653 : vector<16xf32>
        %mul3A_655 = arith.constant 16 : i32
        %mul3A_656 = arith.muli %scan3A_361, %mul3A_655 : i32
        %mul3A_657 = arith.constant 16 : i32
        %mul3A_658 = arith.muli %mul3A_656, %mul3A_657 : i32
        %add3A_659 = arith.constant 240 : i32
        %add3A_660 = arith.addi %mul3A_658, %add3A_659 : i32
        %get3A_661 = arith.constant 0 : i32
        %get3A_662 = arith.index_cast %get3A_661 : i32 to index
        %get3A_663 = arith.index_cast %scan3A_342 : i32 to index
        %get3A_664 = arith.index_cast %add3A_660 : i32 to index
        %get3A_665 = tpu.vector_load %arg6[%get3A_662, %get3A_663, %get3A_664] {strides = array<i32>} : memref<2x16x2048xf32, #tpu.memory_space<vmem>>, vector<1x1x16xf32>,
        %get3A_666 = vector.shape_cast %get3A_665 : vector<1x1x16xf32> to vector<16xf32>
        %broadcast_in_dim3A_667 = arith.constant 15 : i32
        %broadcast_in_dim3A_668 = vector.broadcast %broadcast_in_dim3A_667 : i32 to vector<16xi32>
        %broadcast_in_dim3A_669 = vector.shape_cast %broadcast_in_dim3A_668 : vector<16xi32> to vector<16x1xi32>
        %gather3A_670 = vector.shape_cast %broadcast_in_dim3A_669 : vector<16x1xi32> to vector<16xi32>
        %gather3A_671 = tpu.dynamic_gather %get3A_370[%gather3A_670] in [0] : vector<16xf32>, vector<16xi32> -> vector<16xf32>
        %mul3A_672 = arith.mulf %gather3A_671, %get3A_666 : vector<16xf32>
        %add3A_673 = arith.addf %add3A_597, %mul3A_672 : vector<16xf32>
        scf.yield %add3A_616, %add3A_635, %add3A_654, %add3A_673 : vector<16xf32>, vector<16xf32>, vector<16xf32>, vector<16xf32>
      }
      %scan3A_352 = arith.constant 8 : i32
      %add3A_353 = arith.addf %scan3A_351#0, %scan3A_351#1 : vector<16xf32>
      %add3A_354 = arith.addf %scan3A_351#2, %scan3A_351#3 : vector<16xf32>
      %add3A_355 = arith.addf %add3A_353, %add3A_354 : vector<16xf32>
      %swap3A = arith.index_cast %add3A_345 : i32 to index
      %swap3A_356 = arith.constant 0 : index
      %swap3A_357 = tpu.vector_load %arg7[%swap3A, %swap3A_356] {strides = array<i32>} : memref<128x16xf32, #tpu.memory_space<vmem>>, vector<1x16xf32>,
      %swap3A_358 = vector.shape_cast %swap3A_357 : vector<1x16xf32> to vector<16xf32>
      %swap3A_359 = vector.shape_cast %add3A_355 : vector<16xf32> to vector<1x16xf32>
      tpu.vector_store %arg7[%swap3A, %swap3A_356], %swap3A_359 {strides = array<i32>} : memref<128x16xf32, #tpu.memory_space<vmem>>, vector<1x16xf32>,
      %scan3A_360 = arith.constant 0 : i32
      scf.yield %scan3A_360 : i32
    }
    %scan3A_71 = arith.constant 16 : i32
    %dma_start3A_72 = arith.constant 0 : i32
    %dma_start3A_73 = arith.constant 0 : i32
    %dma_start3A_74 = arith.constant 0 : i32
    %dma_start3A_75 = tpu.memref_slice %arg6[%dma_start3A_72, %dma_start3A_73, %dma_start3A_74] : memref<2x16x2048xf32, #tpu.memory_space<vmem>> -> memref<1x16x2048xf32, #tpu.memory_space<vmem>>
    %dma_start3A_76 = tpu.memref_squeeze %dma_start3A_75 : memref<1x16x2048xf32, #tpu.memory_space<vmem>> -> memref<16x2048xf32, #tpu.memory_space<vmem>>
    %dma_start3A_77 = arith.constant 32 : i32
    %dma_start3A_78 = arith.constant 0 : i32
    %dma_start3A_79 = tpu.memref_slice %arg3[%add3A, %dma_start3A_77, %dma_start3A_78] : memref<32x128x2048xf32, #tpu.memory_space<hbm>> -> memref<1x16x2048xf32, #tpu.memory_space<hbm>>
    %dma_start3A_80 = tpu.memref_squeeze %dma_start3A_79 : memref<1x16x2048xf32, #tpu.memory_space<hbm>> -> memref<16x2048xf32, #tpu.memory_space<hbm>>
    %dma_start3A_81 = arith.constant 0 : i32
    %dma_start3A_82 = arith.constant 0 : i32
    %dma_start3A_83 = tpu.memref_slice %arg6[%dma_start3A_72, %dma_start3A_81, %dma_start3A_82] : memref<2x16x2048xf32, #tpu.memory_space<vmem>> -> memref<1x16x2048xf32, #tpu.memory_space<vmem>>
    %dma_start3A_84 = tpu.memref_squeeze %dma_start3A_83 : memref<1x16x2048xf32, #tpu.memory_space<vmem>> -> memref<16x2048xf32, #tpu.memory_space<vmem>>
    %dma_start3A_85 = arith.constant 32 : i32
    %dma_start3A_86 = arith.constant 0 : i32
    %dma_start3A_87 = tpu.memref_slice %arg3[%add3A, %dma_start3A_85, %dma_start3A_86] : memref<32x128x2048xf32, #tpu.memory_space<hbm>> -> memref<1x16x2048xf32, #tpu.memory_space<hbm>>
    %dma_start3A_88 = tpu.memref_squeeze %dma_start3A_87 : memref<1x16x2048xf32, #tpu.memory_space<hbm>> -> memref<16x2048xf32, #tpu.memory_space<hbm>>
    tpu.enqueue_dma source(%dma_start3A_88 : memref<16x2048xf32, #tpu.memory_space<hbm>>) target(%dma_start3A_84 : memref<16x2048xf32, #tpu.memory_space<vmem>>) target_semaphore(%arg9 : memref<!tpu.dma_semaphore, #tpu.memory_space<semaphore_mem>>)
    %dma_wait3A_89 = arith.constant 1 : i32
    %dma_wait3A_90 = arith.constant 0 : i32
    %dma_wait3A_91 = arith.constant 0 : i32
    %dma_wait3A_92 = tpu.memref_slice %arg6[%dma_wait3A_89, %dma_wait3A_90, %dma_wait3A_91] : memref<2x16x2048xf32, #tpu.memory_space<vmem>> -> memref<1x16x2048xf32, #tpu.memory_space<vmem>>
    %dma_wait3A_93 = tpu.memref_squeeze %dma_wait3A_92 : memref<1x16x2048xf32, #tpu.memory_space<vmem>> -> memref<16x2048xf32, #tpu.memory_space<vmem>>
    %dma_wait3A_94 = arith.constant 16 : i32
    %dma_wait3A_95 = arith.constant 0 : i32
    %dma_wait3A_96 = tpu.memref_slice %arg3[%add3A, %dma_wait3A_94, %dma_wait3A_95] : memref<32x128x2048xf32, #tpu.memory_space<hbm>> -> memref<1x16x2048xf32, #tpu.memory_space<hbm>>
    %dma_wait3A_97 = tpu.memref_squeeze %dma_wait3A_96 : memref<1x16x2048xf32, #tpu.memory_space<hbm>> -> memref<16x2048xf32, #tpu.memory_space<hbm>>
    %dma_wait3A_98 = arith.constant 0 : i32
    %dma_wait3A_99 = arith.constant 0 : i32
    %dma_wait3A_100 = tpu.memref_slice %arg6[%dma_wait3A_89, %dma_wait3A_98, %dma_wait3A_99] : memref<2x16x2048xf32, #tpu.memory_space<vmem>> -> memref<1x16x2048xf32, #tpu.memory_space<vmem>>
    %dma_wait3A_101 = tpu.memref_squeeze %dma_wait3A_100 : memref<1x16x2048xf32, #tpu.memory_space<vmem>> -> memref<16x2048xf32, #tpu.memory_space<vmem>>
    %dma_wait3A_102 = arith.constant 16 : i32
    %dma_wait3A_103 = arith.constant 0 : i32
    %dma_wait3A_104 = tpu.memref_slice %arg3[%add3A, %dma_wait3A_102, %dma_wait3A_103] : memref<32x128x2048xf32, #tpu.memory_space<hbm>> -> memref<1x16x2048xf32, #tpu.memory_space<hbm>>
    %dma_wait3A_105 = tpu.memref_squeeze %dma_wait3A_104 : memref<1x16x2048xf32, #tpu.memory_space<hbm>> -> memref<16x2048xf32, #tpu.memory_space<hbm>>
    tpu.wait_dma2 semaphore(%arg10 : memref<!tpu.dma_semaphore, #tpu.memory_space<semaphore_mem>>) src(%dma_wait3A_105 : memref<16x2048xf32, #tpu.memory_space<hbm>>) dst(%dma_wait3A_101 : memref<16x2048xf32, #tpu.memory_space<vmem>>)
    %scan3A_106 = arith.constant 0 : i32
    %scan3A_107 = arith.constant 0 : i32
    %scan3A_108 = arith.constant 16 : i32
    %scan3A_109 = arith.addi %scan3A_107, %scan3A_108 : i32
    %scan3A_110 = arith.constant 1 : i32
    %scan3A_111 = scf.for %scan3A_342 = %scan3A_107 to %scan3A_109 step %scan3A_110 iter_args(%scan3A_343 = %scan3A_106) -> (i32)  : i32 {
      %add3A_344 = arith.constant 16 : i32
      %add3A_345 = arith.addi %add3A_344, %scan3A_342 : i32
      %broadcast_in_dim3A = arith.constant 0.000000e+00 : f32
      %broadcast_in_dim3A_346 = vector.broadcast %broadcast_in_dim3A : f32 to vector<16xf32>
      %scan3A_347 = arith.constant 0 : i32
      %scan3A_348 = arith.constant 8 : i32
      %scan3A_349 = arith.addi %scan3A_347, %scan3A_348 : i32
      %scan3A_350 = arith.constant 1 : i32
      %scan3A_351:4 = scf.for %scan3A_361 = %scan3A_347 to %scan3A_349 step %scan3A_350 iter_args(%scan3A_362 = %broadcast_in_dim3A_346, %scan3A_363 = %broadcast_in_dim3A_346, %scan3A_364 = %broadcast_in_dim3A_346, %scan3A_365 = %broadcast_in_dim3A_346) -> (vector<16xf32>, vector<16xf32>, vector<16xf32>, vector<16xf32>)  : i32 {
        %mul3A_366 = arith.constant 16 : i32
        %mul3A_367 = arith.muli %scan3A_361, %mul3A_366 : i32
        %get3A = arith.index_cast %add3A_345 : i32 to index
        %get3A_368 = arith.index_cast %mul3A_367 : i32 to index
        %get3A_369 = tpu.vector_load %arg5[%get3A, %get3A_368] {strides = array<i32>} : memref<128x128xf32, #tpu.memory_space<vmem>>, vector<1x16xf32>,
        %get3A_370 = vector.shape_cast %get3A_369 : vector<1x16xf32> to vector<16xf32>
        %mul3A_371 = arith.constant 16 : i32
        %mul3A_372 = arith.muli %scan3A_361, %mul3A_371 : i32
        %mul3A_373 = arith.constant 16 : i32
        %mul3A_374 = arith.muli %mul3A_372, %mul3A_373 : i32
        %add3A_375 = arith.constant 0 : i32
        %add3A_376 = arith.addi %mul3A_374, %add3A_375 : i32
        %get3A_377 = arith.constant 1 : i32
        %get3A_378 = arith.index_cast %get3A_377 : i32 to index
        %get3A_379 = arith.index_cast %scan3A_342 : i32 to index
        %get3A_380 = arith.index_cast %add3A_376 : i32 to index
        %get3A_381 = tpu.vector_load %arg6[%get3A_378, %get3A_379, %get3A_380] {strides = array<i32>} : memref<2x16x2048xf32, #tpu.memory_space<vmem>>, vector<1x1x16xf32>,
        %get3A_382 = vector.shape_cast %get3A_381 : vector<1x1x16xf32> to vector<16xf32>
        %broadcast_in_dim3A_383 = arith.constant 0 : i32
        %broadcast_in_dim3A_384 = vector.broadcast %broadcast_in_dim3A_383 : i32 to vector<16xi32>
        %broadcast_in_dim3A_385 = vector.shape_cast %broadcast_in_dim3A_384 : vector<16xi32> to vector<16x1xi32>
        %gather3A = vector.shape_cast %broadcast_in_dim3A_385 : vector<16x1xi32> to vector<16xi32>
        %gather3A_386 = tpu.dynamic_gather %get3A_370[%gather3A] in [0] : vector<16xf32>, vector<16xi32> -> vector<16xf32>
        %mul3A_387 = arith.mulf %gather3A_386, %get3A_382 : vector<16xf32>
        %add3A_388 = arith.addf %scan3A_362, %mul3A_387 : vector<16xf32>
        %mul3A_389 = arith.constant 16 : i32
        %mul3A_390 = arith.muli %scan3A_361, %mul3A_389 : i32
        %mul3A_391 = arith.constant 16 : i32
        %mul3A_392 = arith.muli %mul3A_390, %mul3A_391 : i32
        %add3A_393 = arith.constant 16 : i32
        %add3A_394 = arith.addi %mul3A_392, %add3A_393 : i32
        %get3A_395 = arith.constant 1 : i32
        %get3A_396 = arith.index_cast %get3A_395 : i32 to index
        %get3A_397 = arith.index_cast %scan3A_342 : i32 to index
        %get3A_398 = arith.index_cast %add3A_394 : i32 to index
        %get3A_399 = tpu.vector_load %arg6[%get3A_396, %get3A_397, %get3A_398] {strides = array<i32>} : memref<2x16x2048xf32, #tpu.memory_space<vmem>>, vector<1x1x16xf32>,
        %get3A_400 = vector.shape_cast %get3A_399 : vector<1x1x16xf32> to vector<16xf32>
        %broadcast_in_dim3A_401 = arith.constant 1 : i32
        %broadcast_in_dim3A_402 = vector.broadcast %broadcast_in_dim3A_401 : i32 to vector<16xi32>
        %broadcast_in_dim3A_403 = vector.shape_cast %broadcast_in_dim3A_402 : vector<16xi32> to vector<16x1xi32>
        %gather3A_404 = vector.shape_cast %broadcast_in_dim3A_403 : vector<16x1xi32> to vector<16xi32>
        %gather3A_405 = tpu.dynamic_gather %get3A_370[%gather3A_404] in [0] : vector<16xf32>, vector<16xi32> -> vector<16xf32>
        %mul3A_406 = arith.mulf %gather3A_405, %get3A_400 : vector<16xf32>
        %add3A_407 = arith.addf %scan3A_363, %mul3A_406 : vector<16xf32>
        %mul3A_408 = arith.constant 16 : i32
        %mul3A_409 = arith.muli %scan3A_361, %mul3A_408 : i32
        %mul3A_410 = arith.constant 16 : i32
        %mul3A_411 = arith.muli %mul3A_409, %mul3A_410 : i32
        %add3A_412 = arith.constant 32 : i32
        %add3A_413 = arith.addi %mul3A_411, %add3A_412 : i32
        %get3A_414 = arith.constant 1 : i32
        %get3A_415 = arith.index_cast %get3A_414 : i32 to index
        %get3A_416 = arith.index_cast %scan3A_342 : i32 to index
        %get3A_417 = arith.index_cast %add3A_413 : i32 to index
        %get3A_418 = tpu.vector_load %arg6[%get3A_415, %get3A_416, %get3A_417] {strides = array<i32>} : memref<2x16x2048xf32, #tpu.memory_space<vmem>>, vector<1x1x16xf32>,
        %get3A_419 = vector.shape_cast %get3A_418 : vector<1x1x16xf32> to vector<16xf32>
        %broadcast_in_dim3A_420 = arith.constant 2 : i32
        %broadcast_in_dim3A_421 = vector.broadcast %broadcast_in_dim3A_420 : i32 to vector<16xi32>
        %broadcast_in_dim3A_422 = vector.shape_cast %broadcast_in_dim3A_421 : vector<16xi32> to vector<16x1xi32>
        %gather3A_423 = vector.shape_cast %broadcast_in_dim3A_422 : vector<16x1xi32> to vector<16xi32>
        %gather3A_424 = tpu.dynamic_gather %get3A_370[%gather3A_423] in [0] : vector<16xf32>, vector<16xi32> -> vector<16xf32>
        %mul3A_425 = arith.mulf %gather3A_424, %get3A_419 : vector<16xf32>
        %add3A_426 = arith.addf %scan3A_364, %mul3A_425 : vector<16xf32>
        %mul3A_427 = arith.constant 16 : i32
        %mul3A_428 = arith.muli %scan3A_361, %mul3A_427 : i32
        %mul3A_429 = arith.constant 16 : i32
        %mul3A_430 = arith.muli %mul3A_428, %mul3A_429 : i32
        %add3A_431 = arith.constant 48 : i32
        %add3A_432 = arith.addi %mul3A_430, %add3A_431 : i32
        %get3A_433 = arith.constant 1 : i32
        %get3A_434 = arith.index_cast %get3A_433 : i32 to index
        %get3A_435 = arith.index_cast %scan3A_342 : i32 to index
        %get3A_436 = arith.index_cast %add3A_432 : i32 to index
        %get3A_437 = tpu.vector_load %arg6[%get3A_434, %get3A_435, %get3A_436] {strides = array<i32>} : memref<2x16x2048xf32, #tpu.memory_space<vmem>>, vector<1x1x16xf32>,
        %get3A_438 = vector.shape_cast %get3A_437 : vector<1x1x16xf32> to vector<16xf32>
        %broadcast_in_dim3A_439 = arith.constant 3 : i32
        %broadcast_in_dim3A_440 = vector.broadcast %broadcast_in_dim3A_439 : i32 to vector<16xi32>
        %broadcast_in_dim3A_441 = vector.shape_cast %broadcast_in_dim3A_440 : vector<16xi32> to vector<16x1xi32>
        %gather3A_442 = vector.shape_cast %broadcast_in_dim3A_441 : vector<16x1xi32> to vector<16xi32>
        %gather3A_443 = tpu.dynamic_gather %get3A_370[%gather3A_442] in [0] : vector<16xf32>, vector<16xi32> -> vector<16xf32>
        %mul3A_444 = arith.mulf %gather3A_443, %get3A_438 : vector<16xf32>
        %add3A_445 = arith.addf %scan3A_365, %mul3A_444 : vector<16xf32>
        %mul3A_446 = arith.constant 16 : i32
        %mul3A_447 = arith.muli %scan3A_361, %mul3A_446 : i32
        %mul3A_448 = arith.constant 16 : i32
        %mul3A_449 = arith.muli %mul3A_447, %mul3A_448 : i32
        %add3A_450 = arith.constant 64 : i32
        %add3A_451 = arith.addi %mul3A_449, %add3A_450 : i32
        %get3A_452 = arith.constant 1 : i32
        %get3A_453 = arith.index_cast %get3A_452 : i32 to index
        %get3A_454 = arith.index_cast %scan3A_342 : i32 to index
        %get3A_455 = arith.index_cast %add3A_451 : i32 to index
        %get3A_456 = tpu.vector_load %arg6[%get3A_453, %get3A_454, %get3A_455] {strides = array<i32>} : memref<2x16x2048xf32, #tpu.memory_space<vmem>>, vector<1x1x16xf32>,
        %get3A_457 = vector.shape_cast %get3A_456 : vector<1x1x16xf32> to vector<16xf32>
        %broadcast_in_dim3A_458 = arith.constant 4 : i32
        %broadcast_in_dim3A_459 = vector.broadcast %broadcast_in_dim3A_458 : i32 to vector<16xi32>
        %broadcast_in_dim3A_460 = vector.shape_cast %broadcast_in_dim3A_459 : vector<16xi32> to vector<16x1xi32>
        %gather3A_461 = vector.shape_cast %broadcast_in_dim3A_460 : vector<16x1xi32> to vector<16xi32>
        %gather3A_462 = tpu.dynamic_gather %get3A_370[%gather3A_461] in [0] : vector<16xf32>, vector<16xi32> -> vector<16xf32>
        %mul3A_463 = arith.mulf %gather3A_462, %get3A_457 : vector<16xf32>
        %add3A_464 = arith.addf %add3A_388, %mul3A_463 : vector<16xf32>
        %mul3A_465 = arith.constant 16 : i32
        %mul3A_466 = arith.muli %scan3A_361, %mul3A_465 : i32
        %mul3A_467 = arith.constant 16 : i32
        %mul3A_468 = arith.muli %mul3A_466, %mul3A_467 : i32
        %add3A_469 = arith.constant 80 : i32
        %add3A_470 = arith.addi %mul3A_468, %add3A_469 : i32
        %get3A_471 = arith.constant 1 : i32
        %get3A_472 = arith.index_cast %get3A_471 : i32 to index
        %get3A_473 = arith.index_cast %scan3A_342 : i32 to index
        %get3A_474 = arith.index_cast %add3A_470 : i32 to index
        %get3A_475 = tpu.vector_load %arg6[%get3A_472, %get3A_473, %get3A_474] {strides = array<i32>} : memref<2x16x2048xf32, #tpu.memory_space<vmem>>, vector<1x1x16xf32>,
        %get3A_476 = vector.shape_cast %get3A_475 : vector<1x1x16xf32> to vector<16xf32>
        %broadcast_in_dim3A_477 = arith.constant 5 : i32
        %broadcast_in_dim3A_478 = vector.broadcast %broadcast_in_dim3A_477 : i32 to vector<16xi32>
        %broadcast_in_dim3A_479 = vector.shape_cast %broadcast_in_dim3A_478 : vector<16xi32> to vector<16x1xi32>
        %gather3A_480 = vector.shape_cast %broadcast_in_dim3A_479 : vector<16x1xi32> to vector<16xi32>
        %gather3A_481 = tpu.dynamic_gather %get3A_370[%gather3A_480] in [0] : vector<16xf32>, vector<16xi32> -> vector<16xf32>
        %mul3A_482 = arith.mulf %gather3A_481, %get3A_476 : vector<16xf32>
        %add3A_483 = arith.addf %add3A_407, %mul3A_482 : vector<16xf32>
        %mul3A_484 = arith.constant 16 : i32
        %mul3A_485 = arith.muli %scan3A_361, %mul3A_484 : i32
        %mul3A_486 = arith.constant 16 : i32
        %mul3A_487 = arith.muli %mul3A_485, %mul3A_486 : i32
        %add3A_488 = arith.constant 96 : i32
        %add3A_489 = arith.addi %mul3A_487, %add3A_488 : i32
        %get3A_490 = arith.constant 1 : i32
        %get3A_491 = arith.index_cast %get3A_490 : i32 to index
        %get3A_492 = arith.index_cast %scan3A_342 : i32 to index
        %get3A_493 = arith.index_cast %add3A_489 : i32 to index
        %get3A_494 = tpu.vector_load %arg6[%get3A_491, %get3A_492, %get3A_493] {strides = array<i32>} : memref<2x16x2048xf32, #tpu.memory_space<vmem>>, vector<1x1x16xf32>,
        %get3A_495 = vector.shape_cast %get3A_494 : vector<1x1x16xf32> to vector<16xf32>
        %broadcast_in_dim3A_496 = arith.constant 6 : i32
        %broadcast_in_dim3A_497 = vector.broadcast %broadcast_in_dim3A_496 : i32 to vector<16xi32>
        %broadcast_in_dim3A_498 = vector.shape_cast %broadcast_in_dim3A_497 : vector<16xi32> to vector<16x1xi32>
        %gather3A_499 = vector.shape_cast %broadcast_in_dim3A_498 : vector<16x1xi32> to vector<16xi32>
        %gather3A_500 = tpu.dynamic_gather %get3A_370[%gather3A_499] in [0] : vector<16xf32>, vector<16xi32> -> vector<16xf32>
        %mul3A_501 = arith.mulf %gather3A_500, %get3A_495 : vector<16xf32>
        %add3A_502 = arith.addf %add3A_426, %mul3A_501 : vector<16xf32>
        %mul3A_503 = arith.constant 16 : i32
        %mul3A_504 = arith.muli %scan3A_361, %mul3A_503 : i32
        %mul3A_505 = arith.constant 16 : i32
        %mul3A_506 = arith.muli %mul3A_504, %mul3A_505 : i32
        %add3A_507 = arith.constant 112 : i32
        %add3A_508 = arith.addi %mul3A_506, %add3A_507 : i32
        %get3A_509 = arith.constant 1 : i32
        %get3A_510 = arith.index_cast %get3A_509 : i32 to index
        %get3A_511 = arith.index_cast %scan3A_342 : i32 to index
        %get3A_512 = arith.index_cast %add3A_508 : i32 to index
        %get3A_513 = tpu.vector_load %arg6[%get3A_510, %get3A_511, %get3A_512] {strides = array<i32>} : memref<2x16x2048xf32, #tpu.memory_space<vmem>>, vector<1x1x16xf32>,
        %get3A_514 = vector.shape_cast %get3A_513 : vector<1x1x16xf32> to vector<16xf32>
        %broadcast_in_dim3A_515 = arith.constant 7 : i32
        %broadcast_in_dim3A_516 = vector.broadcast %broadcast_in_dim3A_515 : i32 to vector<16xi32>
        %broadcast_in_dim3A_517 = vector.shape_cast %broadcast_in_dim3A_516 : vector<16xi32> to vector<16x1xi32>
        %gather3A_518 = vector.shape_cast %broadcast_in_dim3A_517 : vector<16x1xi32> to vector<16xi32>
        %gather3A_519 = tpu.dynamic_gather %get3A_370[%gather3A_518] in [0] : vector<16xf32>, vector<16xi32> -> vector<16xf32>
        %mul3A_520 = arith.mulf %gather3A_519, %get3A_514 : vector<16xf32>
        %add3A_521 = arith.addf %add3A_445, %mul3A_520 : vector<16xf32>
        %mul3A_522 = arith.constant 16 : i32
        %mul3A_523 = arith.muli %scan3A_361, %mul3A_522 : i32
        %mul3A_524 = arith.constant 16 : i32
        %mul3A_525 = arith.muli %mul3A_523, %mul3A_524 : i32
        %add3A_526 = arith.constant 128 : i32
        %add3A_527 = arith.addi %mul3A_525, %add3A_526 : i32
        %get3A_528 = arith.constant 1 : i32
        %get3A_529 = arith.index_cast %get3A_528 : i32 to index
        %get3A_530 = arith.index_cast %scan3A_342 : i32 to index
        %get3A_531 = arith.index_cast %add3A_527 : i32 to index
        %get3A_532 = tpu.vector_load %arg6[%get3A_529, %get3A_530, %get3A_531] {strides = array<i32>} : memref<2x16x2048xf32, #tpu.memory_space<vmem>>, vector<1x1x16xf32>,
        %get3A_533 = vector.shape_cast %get3A_532 : vector<1x1x16xf32> to vector<16xf32>
        %broadcast_in_dim3A_534 = arith.constant 8 : i32
        %broadcast_in_dim3A_535 = vector.broadcast %broadcast_in_dim3A_534 : i32 to vector<16xi32>
        %broadcast_in_dim3A_536 = vector.shape_cast %broadcast_in_dim3A_535 : vector<16xi32> to vector<16x1xi32>
        %gather3A_537 = vector.shape_cast %broadcast_in_dim3A_536 : vector<16x1xi32> to vector<16xi32>
        %gather3A_538 = tpu.dynamic_gather %get3A_370[%gather3A_537] in [0] : vector<16xf32>, vector<16xi32> -> vector<16xf32>
        %mul3A_539 = arith.mulf %gather3A_538, %get3A_533 : vector<16xf32>
        %add3A_540 = arith.addf %add3A_464, %mul3A_539 : vector<16xf32>
        %mul3A_541 = arith.constant 16 : i32
        %mul3A_542 = arith.muli %scan3A_361, %mul3A_541 : i32
        %mul3A_543 = arith.constant 16 : i32
        %mul3A_544 = arith.muli %mul3A_542, %mul3A_543 : i32
        %add3A_545 = arith.constant 144 : i32
        %add3A_546 = arith.addi %mul3A_544, %add3A_545 : i32
        %get3A_547 = arith.constant 1 : i32
        %get3A_548 = arith.index_cast %get3A_547 : i32 to index
        %get3A_549 = arith.index_cast %scan3A_342 : i32 to index
        %get3A_550 = arith.index_cast %add3A_546 : i32 to index
        %get3A_551 = tpu.vector_load %arg6[%get3A_548, %get3A_549, %get3A_550] {strides = array<i32>} : memref<2x16x2048xf32, #tpu.memory_space<vmem>>, vector<1x1x16xf32>,
        %get3A_552 = vector.shape_cast %get3A_551 : vector<1x1x16xf32> to vector<16xf32>
        %broadcast_in_dim3A_553 = arith.constant 9 : i32
        %broadcast_in_dim3A_554 = vector.broadcast %broadcast_in_dim3A_553 : i32 to vector<16xi32>
        %broadcast_in_dim3A_555 = vector.shape_cast %broadcast_in_dim3A_554 : vector<16xi32> to vector<16x1xi32>
        %gather3A_556 = vector.shape_cast %broadcast_in_dim3A_555 : vector<16x1xi32> to vector<16xi32>
        %gather3A_557 = tpu.dynamic_gather %get3A_370[%gather3A_556] in [0] : vector<16xf32>, vector<16xi32> -> vector<16xf32>
        %mul3A_558 = arith.mulf %gather3A_557, %get3A_552 : vector<16xf32>
        %add3A_559 = arith.addf %add3A_483, %mul3A_558 : vector<16xf32>
        %mul3A_560 = arith.constant 16 : i32
        %mul3A_561 = arith.muli %scan3A_361, %mul3A_560 : i32
        %mul3A_562 = arith.constant 16 : i32
        %mul3A_563 = arith.muli %mul3A_561, %mul3A_562 : i32
        %add3A_564 = arith.constant 160 : i32
        %add3A_565 = arith.addi %mul3A_563, %add3A_564 : i32
        %get3A_566 = arith.constant 1 : i32
        %get3A_567 = arith.index_cast %get3A_566 : i32 to index
        %get3A_568 = arith.index_cast %scan3A_342 : i32 to index
        %get3A_569 = arith.index_cast %add3A_565 : i32 to index
        %get3A_570 = tpu.vector_load %arg6[%get3A_567, %get3A_568, %get3A_569] {strides = array<i32>} : memref<2x16x2048xf32, #tpu.memory_space<vmem>>, vector<1x1x16xf32>,
        %get3A_571 = vector.shape_cast %get3A_570 : vector<1x1x16xf32> to vector<16xf32>
        %broadcast_in_dim3A_572 = arith.constant 10 : i32
        %broadcast_in_dim3A_573 = vector.broadcast %broadcast_in_dim3A_572 : i32 to vector<16xi32>
        %broadcast_in_dim3A_574 = vector.shape_cast %broadcast_in_dim3A_573 : vector<16xi32> to vector<16x1xi32>
        %gather3A_575 = vector.shape_cast %broadcast_in_dim3A_574 : vector<16x1xi32> to vector<16xi32>
        %gather3A_576 = tpu.dynamic_gather %get3A_370[%gather3A_575] in [0] : vector<16xf32>, vector<16xi32> -> vector<16xf32>
        %mul3A_577 = arith.mulf %gather3A_576, %get3A_571 : vector<16xf32>
        %add3A_578 = arith.addf %add3A_502, %mul3A_577 : vector<16xf32>
        %mul3A_579 = arith.constant 16 : i32
        %mul3A_580 = arith.muli %scan3A_361, %mul3A_579 : i32
        %mul3A_581 = arith.constant 16 : i32
        %mul3A_582 = arith.muli %mul3A_580, %mul3A_581 : i32
        %add3A_583 = arith.constant 176 : i32
        %add3A_584 = arith.addi %mul3A_582, %add3A_583 : i32
        %get3A_585 = arith.constant 1 : i32
        %get3A_586 = arith.index_cast %get3A_585 : i32 to index
        %get3A_587 = arith.index_cast %scan3A_342 : i32 to index
        %get3A_588 = arith.index_cast %add3A_584 : i32 to index
        %get3A_589 = tpu.vector_load %arg6[%get3A_586, %get3A_587, %get3A_588] {strides = array<i32>} : memref<2x16x2048xf32, #tpu.memory_space<vmem>>, vector<1x1x16xf32>,
        %get3A_590 = vector.shape_cast %get3A_589 : vector<1x1x16xf32> to vector<16xf32>
        %broadcast_in_dim3A_591 = arith.constant 11 : i32
        %broadcast_in_dim3A_592 = vector.broadcast %broadcast_in_dim3A_591 : i32 to vector<16xi32>
        %broadcast_in_dim3A_593 = vector.shape_cast %broadcast_in_dim3A_592 : vector<16xi32> to vector<16x1xi32>
        %gather3A_594 = vector.shape_cast %broadcast_in_dim3A_593 : vector<16x1xi32> to vector<16xi32>
        %gather3A_595 = tpu.dynamic_gather %get3A_370[%gather3A_594] in [0] : vector<16xf32>, vector<16xi32> -> vector<16xf32>
        %mul3A_596 = arith.mulf %gather3A_595, %get3A_590 : vector<16xf32>
        %add3A_597 = arith.addf %add3A_521, %mul3A_596 : vector<16xf32>
        %mul3A_598 = arith.constant 16 : i32
        %mul3A_599 = arith.muli %scan3A_361, %mul3A_598 : i32
        %mul3A_600 = arith.constant 16 : i32
        %mul3A_601 = arith.muli %mul3A_599, %mul3A_600 : i32
        %add3A_602 = arith.constant 192 : i32
        %add3A_603 = arith.addi %mul3A_601, %add3A_602 : i32
        %get3A_604 = arith.constant 1 : i32
        %get3A_605 = arith.index_cast %get3A_604 : i32 to index
        %get3A_606 = arith.index_cast %scan3A_342 : i32 to index
        %get3A_607 = arith.index_cast %add3A_603 : i32 to index
        %get3A_608 = tpu.vector_load %arg6[%get3A_605, %get3A_606, %get3A_607] {strides = array<i32>} : memref<2x16x2048xf32, #tpu.memory_space<vmem>>, vector<1x1x16xf32>,
        %get3A_609 = vector.shape_cast %get3A_608 : vector<1x1x16xf32> to vector<16xf32>
        %broadcast_in_dim3A_610 = arith.constant 12 : i32
        %broadcast_in_dim3A_611 = vector.broadcast %broadcast_in_dim3A_610 : i32 to vector<16xi32>
        %broadcast_in_dim3A_612 = vector.shape_cast %broadcast_in_dim3A_611 : vector<16xi32> to vector<16x1xi32>
        %gather3A_613 = vector.shape_cast %broadcast_in_dim3A_612 : vector<16x1xi32> to vector<16xi32>
        %gather3A_614 = tpu.dynamic_gather %get3A_370[%gather3A_613] in [0] : vector<16xf32>, vector<16xi32> -> vector<16xf32>
        %mul3A_615 = arith.mulf %gather3A_614, %get3A_609 : vector<16xf32>
        %add3A_616 = arith.addf %add3A_540, %mul3A_615 : vector<16xf32>
        %mul3A_617 = arith.constant 16 : i32
        %mul3A_618 = arith.muli %scan3A_361, %mul3A_617 : i32
        %mul3A_619 = arith.constant 16 : i32
        %mul3A_620 = arith.muli %mul3A_618, %mul3A_619 : i32
        %add3A_621 = arith.constant 208 : i32
        %add3A_622 = arith.addi %mul3A_620, %add3A_621 : i32
        %get3A_623 = arith.constant 1 : i32
        %get3A_624 = arith.index_cast %get3A_623 : i32 to index
        %get3A_625 = arith.index_cast %scan3A_342 : i32 to index
        %get3A_626 = arith.index_cast %add3A_622 : i32 to index
        %get3A_627 = tpu.vector_load %arg6[%get3A_624, %get3A_625, %get3A_626] {strides = array<i32>} : memref<2x16x2048xf32, #tpu.memory_space<vmem>>, vector<1x1x16xf32>,
        %get3A_628 = vector.shape_cast %get3A_627 : vector<1x1x16xf32> to vector<16xf32>
        %broadcast_in_dim3A_629 = arith.constant 13 : i32
        %broadcast_in_dim3A_630 = vector.broadcast %broadcast_in_dim3A_629 : i32 to vector<16xi32>
        %broadcast_in_dim3A_631 = vector.shape_cast %broadcast_in_dim3A_630 : vector<16xi32> to vector<16x1xi32>
        %gather3A_632 = vector.shape_cast %broadcast_in_dim3A_631 : vector<16x1xi32> to vector<16xi32>
        %gather3A_633 = tpu.dynamic_gather %get3A_370[%gather3A_632] in [0] : vector<16xf32>, vector<16xi32> -> vector<16xf32>
        %mul3A_634 = arith.mulf %gather3A_633, %get3A_628 : vector<16xf32>
        %add3A_635 = arith.addf %add3A_559, %mul3A_634 : vector<16xf32>
        %mul3A_636 = arith.constant 16 : i32
        %mul3A_637 = arith.muli %scan3A_361, %mul3A_636 : i32
        %mul3A_638 = arith.constant 16 : i32
        %mul3A_639 = arith.muli %mul3A_637, %mul3A_638 : i32
        %add3A_640 = arith.constant 224 : i32
        %add3A_641 = arith.addi %mul3A_639, %add3A_640 : i32
        %get3A_642 = arith.constant 1 : i32
        %get3A_643 = arith.index_cast %get3A_642 : i32 to index
        %get3A_644 = arith.index_cast %scan3A_342 : i32 to index
        %get3A_645 = arith.index_cast %add3A_641 : i32 to index
        %get3A_646 = tpu.vector_load %arg6[%get3A_643, %get3A_644, %get3A_645] {strides = array<i32>} : memref<2x16x2048xf32, #tpu.memory_space<vmem>>, vector<1x1x16xf32>,
        %get3A_647 = vector.shape_cast %get3A_646 : vector<1x1x16xf32> to vector<16xf32>
        %broadcast_in_dim3A_648 = arith.constant 14 : i32
        %broadcast_in_dim3A_649 = vector.broadcast %broadcast_in_dim3A_648 : i32 to vector<16xi32>
        %broadcast_in_dim3A_650 = vector.shape_cast %broadcast_in_dim3A_649 : vector<16xi32> to vector<16x1xi32>
        %gather3A_651 = vector.shape_cast %broadcast_in_dim3A_650 : vector<16x1xi32> to vector<16xi32>
        %gather3A_652 = tpu.dynamic_gather %get3A_370[%gather3A_651] in [0] : vector<16xf32>, vector<16xi32> -> vector<16xf32>
        %mul3A_653 = arith.mulf %gather3A_652, %get3A_647 : vector<16xf32>
        %add3A_654 = arith.addf %add3A_578, %mul3A_653 : vector<16xf32>
        %mul3A_655 = arith.constant 16 : i32
        %mul3A_656 = arith.muli %scan3A_361, %mul3A_655 : i32
        %mul3A_657 = arith.constant 16 : i32
        %mul3A_658 = arith.muli %mul3A_656, %mul3A_657 : i32
        %add3A_659 = arith.constant 240 : i32
        %add3A_660 = arith.addi %mul3A_658, %add3A_659 : i32
        %get3A_661 = arith.constant 1 : i32
        %get3A_662 = arith.index_cast %get3A_661 : i32 to index
        %get3A_663 = arith.index_cast %scan3A_342 : i32 to index
        %get3A_664 = arith.index_cast %add3A_660 : i32 to index
        %get3A_665 = tpu.vector_load %arg6[%get3A_662, %get3A_663, %get3A_664] {strides = array<i32>} : memref<2x16x2048xf32, #tpu.memory_space<vmem>>, vector<1x1x16xf32>,
        %get3A_666 = vector.shape_cast %get3A_665 : vector<1x1x16xf32> to vector<16xf32>
        %broadcast_in_dim3A_667 = arith.constant 15 : i32
        %broadcast_in_dim3A_668 = vector.broadcast %broadcast_in_dim3A_667 : i32 to vector<16xi32>
        %broadcast_in_dim3A_669 = vector.shape_cast %broadcast_in_dim3A_668 : vector<16xi32> to vector<16x1xi32>
        %gather3A_670 = vector.shape_cast %broadcast_in_dim3A_669 : vector<16x1xi32> to vector<16xi32>
        %gather3A_671 = tpu.dynamic_gather %get3A_370[%gather3A_670] in [0] : vector<16xf32>, vector<16xi32> -> vector<16xf32>
        %mul3A_672 = arith.mulf %gather3A_671, %get3A_666 : vector<16xf32>
        %add3A_673 = arith.addf %add3A_597, %mul3A_672 : vector<16xf32>
        scf.yield %add3A_616, %add3A_635, %add3A_654, %add3A_673 : vector<16xf32>, vector<16xf32>, vector<16xf32>, vector<16xf32>
      }
      %scan3A_352 = arith.constant 8 : i32
      %add3A_353 = arith.addf %scan3A_351#0, %scan3A_351#1 : vector<16xf32>
      %add3A_354 = arith.addf %scan3A_351#2, %scan3A_351#3 : vector<16xf32>
      %add3A_355 = arith.addf %add3A_353, %add3A_354 : vector<16xf32>
      %swap3A = arith.index_cast %add3A_345 : i32 to index
      %swap3A_356 = arith.constant 0 : index
      %swap3A_357 = tpu.vector_load %arg7[%swap3A, %swap3A_356] {strides = array<i32>} : memref<128x16xf32, #tpu.memory_space<vmem>>, vector<1x16xf32>,
      %swap3A_358 = vector.shape_cast %swap3A_357 : vector<1x16xf32> to vector<16xf32>
      %swap3A_359 = vector.shape_cast %add3A_355 : vector<16xf32> to vector<1x16xf32>
      tpu.vector_store %arg7[%swap3A, %swap3A_356], %swap3A_359 {strides = array<i32>} : memref<128x16xf32, #tpu.memory_space<vmem>>, vector<1x16xf32>,
      %scan3A_360 = arith.constant 0 : i32
      scf.yield %scan3A_360 : i32
    }
    %scan3A_112 = arith.constant 16 : i32
    %dma_start3A_113 = arith.constant 1 : i32
    %dma_start3A_114 = arith.constant 0 : i32
    %dma_start3A_115 = arith.constant 0 : i32
    %dma_start3A_116 = tpu.memref_slice %arg6[%dma_start3A_113, %dma_start3A_114, %dma_start3A_115] : memref<2x16x2048xf32, #tpu.memory_space<vmem>> -> memref<1x16x2048xf32, #tpu.memory_space<vmem>>
    %dma_start3A_117 = tpu.memref_squeeze %dma_start3A_116 : memref<1x16x2048xf32, #tpu.memory_space<vmem>> -> memref<16x2048xf32, #tpu.memory_space<vmem>>
    %dma_start3A_118 = arith.constant 48 : i32
    %dma_start3A_119 = arith.constant 0 : i32
    %dma_start3A_120 = tpu.memref_slice %arg3[%add3A, %dma_start3A_118, %dma_start3A_119] : memref<32x128x2048xf32, #tpu.memory_space<hbm>> -> memref<1x16x2048xf32, #tpu.memory_space<hbm>>
    %dma_start3A_121 = tpu.memref_squeeze %dma_start3A_120 : memref<1x16x2048xf32, #tpu.memory_space<hbm>> -> memref<16x2048xf32, #tpu.memory_space<hbm>>
    %dma_start3A_122 = arith.constant 0 : i32
    %dma_start3A_123 = arith.constant 0 : i32
    %dma_start3A_124 = tpu.memref_slice %arg6[%dma_start3A_113, %dma_start3A_122, %dma_start3A_123] : memref<2x16x2048xf32, #tpu.memory_space<vmem>> -> memref<1x16x2048xf32, #tpu.memory_space<vmem>>
    %dma_start3A_125 = tpu.memref_squeeze %dma_start3A_124 : memref<1x16x2048xf32, #tpu.memory_space<vmem>> -> memref<16x2048xf32, #tpu.memory_space<vmem>>
    %dma_start3A_126 = arith.constant 48 : i32
    %dma_start3A_127 = arith.constant 0 : i32
    %dma_start3A_128 = tpu.memref_slice %arg3[%add3A, %dma_start3A_126, %dma_start3A_127] : memref<32x128x2048xf32, #tpu.memory_space<hbm>> -> memref<1x16x2048xf32, #tpu.memory_space<hbm>>
    %dma_start3A_129 = tpu.memref_squeeze %dma_start3A_128 : memref<1x16x2048xf32, #tpu.memory_space<hbm>> -> memref<16x2048xf32, #tpu.memory_space<hbm>>
    tpu.enqueue_dma source(%dma_start3A_129 : memref<16x2048xf32, #tpu.memory_space<hbm>>) target(%dma_start3A_125 : memref<16x2048xf32, #tpu.memory_space<vmem>>) target_semaphore(%arg10 : memref<!tpu.dma_semaphore, #tpu.memory_space<semaphore_mem>>)
    %dma_wait3A_130 = arith.constant 0 : i32
    %dma_wait3A_131 = arith.constant 0 : i32
    %dma_wait3A_132 = arith.constant 0 : i32
    %dma_wait3A_133 = tpu.memref_slice %arg6[%dma_wait3A_130, %dma_wait3A_131, %dma_wait3A_132] : memref<2x16x2048xf32, #tpu.memory_space<vmem>> -> memref<1x16x2048xf32, #tpu.memory_space<vmem>>
    %dma_wait3A_134 = tpu.memref_squeeze %dma_wait3A_133 : memref<1x16x2048xf32, #tpu.memory_space<vmem>> -> memref<16x2048xf32, #tpu.memory_space<vmem>>
    %dma_wait3A_135 = arith.constant 32 : i32
    %dma_wait3A_136 = arith.constant 0 : i32
    %dma_wait3A_137 = tpu.memref_slice %arg3[%add3A, %dma_wait3A_135, %dma_wait3A_136] : memref<32x128x2048xf32, #tpu.memory_space<hbm>> -> memref<1x16x2048xf32, #tpu.memory_space<hbm>>
    %dma_wait3A_138 = tpu.memref_squeeze %dma_wait3A_137 : memref<1x16x2048xf32, #tpu.memory_space<hbm>> -> memref<16x2048xf32, #tpu.memory_space<hbm>>
    %dma_wait3A_139 = arith.constant 0 : i32
    %dma_wait3A_140 = arith.constant 0 : i32
    %dma_wait3A_141 = tpu.memref_slice %arg6[%dma_wait3A_130, %dma_wait3A_139, %dma_wait3A_140] : memref<2x16x2048xf32, #tpu.memory_space<vmem>> -> memref<1x16x2048xf32, #tpu.memory_space<vmem>>
    %dma_wait3A_142 = tpu.memref_squeeze %dma_wait3A_141 : memref<1x16x2048xf32, #tpu.memory_space<vmem>> -> memref<16x2048xf32, #tpu.memory_space<vmem>>
    %dma_wait3A_143 = arith.constant 32 : i32
    %dma_wait3A_144 = arith.constant 0 : i32
    %dma_wait3A_145 = tpu.memref_slice %arg3[%add3A, %dma_wait3A_143, %dma_wait3A_144] : memref<32x128x2048xf32, #tpu.memory_space<hbm>> -> memref<1x16x2048xf32, #tpu.memory_space<hbm>>
    %dma_wait3A_146 = tpu.memref_squeeze %dma_wait3A_145 : memref<1x16x2048xf32, #tpu.memory_space<hbm>> -> memref<16x2048xf32, #tpu.memory_space<hbm>>
    tpu.wait_dma2 semaphore(%arg9 : memref<!tpu.dma_semaphore, #tpu.memory_space<semaphore_mem>>) src(%dma_wait3A_146 : memref<16x2048xf32, #tpu.memory_space<hbm>>) dst(%dma_wait3A_142 : memref<16x2048xf32, #tpu.memory_space<vmem>>)
    %scan3A_147 = arith.constant 0 : i32
    %scan3A_148 = arith.constant 0 : i32
    %scan3A_149 = arith.constant 16 : i32
    %scan3A_150 = arith.addi %scan3A_148, %scan3A_149 : i32
    %scan3A_151 = arith.constant 1 : i32
    %scan3A_152 = scf.for %scan3A_342 = %scan3A_148 to %scan3A_150 step %scan3A_151 iter_args(%scan3A_343 = %scan3A_147) -> (i32)  : i32 {
      %add3A_344 = arith.constant 32 : i32
      %add3A_345 = arith.addi %add3A_344, %scan3A_342 : i32
      %broadcast_in_dim3A = arith.constant 0.000000e+00 : f32
      %broadcast_in_dim3A_346 = vector.broadcast %broadcast_in_dim3A : f32 to vector<16xf32>
      %scan3A_347 = arith.constant 0 : i32
      %scan3A_348 = arith.constant 8 : i32
      %scan3A_349 = arith.addi %scan3A_347, %scan3A_348 : i32
      %scan3A_350 = arith.constant 1 : i32
      %scan3A_351:4 = scf.for %scan3A_361 = %scan3A_347 to %scan3A_349 step %scan3A_350 iter_args(%scan3A_362 = %broadcast_in_dim3A_346, %scan3A_363 = %broadcast_in_dim3A_346, %scan3A_364 = %broadcast_in_dim3A_346, %scan3A_365 = %broadcast_in_dim3A_346) -> (vector<16xf32>, vector<16xf32>, vector<16xf32>, vector<16xf32>)  : i32 {
        %mul3A_366 = arith.constant 16 : i32
        %mul3A_367 = arith.muli %scan3A_361, %mul3A_366 : i32
        %get3A = arith.index_cast %add3A_345 : i32 to index
        %get3A_368 = arith.index_cast %mul3A_367 : i32 to index
        %get3A_369 = tpu.vector_load %arg5[%get3A, %get3A_368] {strides = array<i32>} : memref<128x128xf32, #tpu.memory_space<vmem>>, vector<1x16xf32>,
        %get3A_370 = vector.shape_cast %get3A_369 : vector<1x16xf32> to vector<16xf32>
        %mul3A_371 = arith.constant 16 : i32
        %mul3A_372 = arith.muli %scan3A_361, %mul3A_371 : i32
        %mul3A_373 = arith.constant 16 : i32
        %mul3A_374 = arith.muli %mul3A_372, %mul3A_373 : i32
        %add3A_375 = arith.constant 0 : i32
        %add3A_376 = arith.addi %mul3A_374, %add3A_375 : i32
        %get3A_377 = arith.constant 0 : i32
        %get3A_378 = arith.index_cast %get3A_377 : i32 to index
        %get3A_379 = arith.index_cast %scan3A_342 : i32 to index
        %get3A_380 = arith.index_cast %add3A_376 : i32 to index
        %get3A_381 = tpu.vector_load %arg6[%get3A_378, %get3A_379, %get3A_380] {strides = array<i32>} : memref<2x16x2048xf32, #tpu.memory_space<vmem>>, vector<1x1x16xf32>,
        %get3A_382 = vector.shape_cast %get3A_381 : vector<1x1x16xf32> to vector<16xf32>
        %broadcast_in_dim3A_383 = arith.constant 0 : i32
        %broadcast_in_dim3A_384 = vector.broadcast %broadcast_in_dim3A_383 : i32 to vector<16xi32>
        %broadcast_in_dim3A_385 = vector.shape_cast %broadcast_in_dim3A_384 : vector<16xi32> to vector<16x1xi32>
        %gather3A = vector.shape_cast %broadcast_in_dim3A_385 : vector<16x1xi32> to vector<16xi32>
        %gather3A_386 = tpu.dynamic_gather %get3A_370[%gather3A] in [0] : vector<16xf32>, vector<16xi32> -> vector<16xf32>
        %mul3A_387 = arith.mulf %gather3A_386, %get3A_382 : vector<16xf32>
        %add3A_388 = arith.addf %scan3A_362, %mul3A_387 : vector<16xf32>
        %mul3A_389 = arith.constant 16 : i32
        %mul3A_390 = arith.muli %scan3A_361, %mul3A_389 : i32
        %mul3A_391 = arith.constant 16 : i32
        %mul3A_392 = arith.muli %mul3A_390, %mul3A_391 : i32
        %add3A_393 = arith.constant 16 : i32
        %add3A_394 = arith.addi %mul3A_392, %add3A_393 : i32
        %get3A_395 = arith.constant 0 : i32
        %get3A_396 = arith.index_cast %get3A_395 : i32 to index
        %get3A_397 = arith.index_cast %scan3A_342 : i32 to index
        %get3A_398 = arith.index_cast %add3A_394 : i32 to index
        %get3A_399 = tpu.vector_load %arg6[%get3A_396, %get3A_397, %get3A_398] {strides = array<i32>} : memref<2x16x2048xf32, #tpu.memory_space<vmem>>, vector<1x1x16xf32>,
        %get3A_400 = vector.shape_cast %get3A_399 : vector<1x1x16xf32> to vector<16xf32>
        %broadcast_in_dim3A_401 = arith.constant 1 : i32
        %broadcast_in_dim3A_402 = vector.broadcast %broadcast_in_dim3A_401 : i32 to vector<16xi32>
        %broadcast_in_dim3A_403 = vector.shape_cast %broadcast_in_dim3A_402 : vector<16xi32> to vector<16x1xi32>
        %gather3A_404 = vector.shape_cast %broadcast_in_dim3A_403 : vector<16x1xi32> to vector<16xi32>
        %gather3A_405 = tpu.dynamic_gather %get3A_370[%gather3A_404] in [0] : vector<16xf32>, vector<16xi32> -> vector<16xf32>
        %mul3A_406 = arith.mulf %gather3A_405, %get3A_400 : vector<16xf32>
        %add3A_407 = arith.addf %scan3A_363, %mul3A_406 : vector<16xf32>
        %mul3A_408 = arith.constant 16 : i32
        %mul3A_409 = arith.muli %scan3A_361, %mul3A_408 : i32
        %mul3A_410 = arith.constant 16 : i32
        %mul3A_411 = arith.muli %mul3A_409, %mul3A_410 : i32
        %add3A_412 = arith.constant 32 : i32
        %add3A_413 = arith.addi %mul3A_411, %add3A_412 : i32
        %get3A_414 = arith.constant 0 : i32
        %get3A_415 = arith.index_cast %get3A_414 : i32 to index
        %get3A_416 = arith.index_cast %scan3A_342 : i32 to index
        %get3A_417 = arith.index_cast %add3A_413 : i32 to index
        %get3A_418 = tpu.vector_load %arg6[%get3A_415, %get3A_416, %get3A_417] {strides = array<i32>} : memref<2x16x2048xf32, #tpu.memory_space<vmem>>, vector<1x1x16xf32>,
        %get3A_419 = vector.shape_cast %get3A_418 : vector<1x1x16xf32> to vector<16xf32>
        %broadcast_in_dim3A_420 = arith.constant 2 : i32
        %broadcast_in_dim3A_421 = vector.broadcast %broadcast_in_dim3A_420 : i32 to vector<16xi32>
        %broadcast_in_dim3A_422 = vector.shape_cast %broadcast_in_dim3A_421 : vector<16xi32> to vector<16x1xi32>
        %gather3A_423 = vector.shape_cast %broadcast_in_dim3A_422 : vector<16x1xi32> to vector<16xi32>
        %gather3A_424 = tpu.dynamic_gather %get3A_370[%gather3A_423] in [0] : vector<16xf32>, vector<16xi32> -> vector<16xf32>
        %mul3A_425 = arith.mulf %gather3A_424, %get3A_419 : vector<16xf32>
        %add3A_426 = arith.addf %scan3A_364, %mul3A_425 : vector<16xf32>
        %mul3A_427 = arith.constant 16 : i32
        %mul3A_428 = arith.muli %scan3A_361, %mul3A_427 : i32
        %mul3A_429 = arith.constant 16 : i32
        %mul3A_430 = arith.muli %mul3A_428, %mul3A_429 : i32
        %add3A_431 = arith.constant 48 : i32
        %add3A_432 = arith.addi %mul3A_430, %add3A_431 : i32
        %get3A_433 = arith.constant 0 : i32
        %get3A_434 = arith.index_cast %get3A_433 : i32 to index
        %get3A_435 = arith.index_cast %scan3A_342 : i32 to index
        %get3A_436 = arith.index_cast %add3A_432 : i32 to index
        %get3A_437 = tpu.vector_load %arg6[%get3A_434, %get3A_435, %get3A_436] {strides = array<i32>} : memref<2x16x2048xf32, #tpu.memory_space<vmem>>, vector<1x1x16xf32>,
        %get3A_438 = vector.shape_cast %get3A_437 : vector<1x1x16xf32> to vector<16xf32>
        %broadcast_in_dim3A_439 = arith.constant 3 : i32
        %broadcast_in_dim3A_440 = vector.broadcast %broadcast_in_dim3A_439 : i32 to vector<16xi32>
        %broadcast_in_dim3A_441 = vector.shape_cast %broadcast_in_dim3A_440 : vector<16xi32> to vector<16x1xi32>
        %gather3A_442 = vector.shape_cast %broadcast_in_dim3A_441 : vector<16x1xi32> to vector<16xi32>
        %gather3A_443 = tpu.dynamic_gather %get3A_370[%gather3A_442] in [0] : vector<16xf32>, vector<16xi32> -> vector<16xf32>
        %mul3A_444 = arith.mulf %gather3A_443, %get3A_438 : vector<16xf32>
        %add3A_445 = arith.addf %scan3A_365, %mul3A_444 : vector<16xf32>
        %mul3A_446 = arith.constant 16 : i32
        %mul3A_447 = arith.muli %scan3A_361, %mul3A_446 : i32
        %mul3A_448 = arith.constant 16 : i32
        %mul3A_449 = arith.muli %mul3A_447, %mul3A_448 : i32
        %add3A_450 = arith.constant 64 : i32
        %add3A_451 = arith.addi %mul3A_449, %add3A_450 : i32
        %get3A_452 = arith.constant 0 : i32
        %get3A_453 = arith.index_cast %get3A_452 : i32 to index
        %get3A_454 = arith.index_cast %scan3A_342 : i32 to index
        %get3A_455 = arith.index_cast %add3A_451 : i32 to index
        %get3A_456 = tpu.vector_load %arg6[%get3A_453, %get3A_454, %get3A_455] {strides = array<i32>} : memref<2x16x2048xf32, #tpu.memory_space<vmem>>, vector<1x1x16xf32>,
        %get3A_457 = vector.shape_cast %get3A_456 : vector<1x1x16xf32> to vector<16xf32>
        %broadcast_in_dim3A_458 = arith.constant 4 : i32
        %broadcast_in_dim3A_459 = vector.broadcast %broadcast_in_dim3A_458 : i32 to vector<16xi32>
        %broadcast_in_dim3A_460 = vector.shape_cast %broadcast_in_dim3A_459 : vector<16xi32> to vector<16x1xi32>
        %gather3A_461 = vector.shape_cast %broadcast_in_dim3A_460 : vector<16x1xi32> to vector<16xi32>
        %gather3A_462 = tpu.dynamic_gather %get3A_370[%gather3A_461] in [0] : vector<16xf32>, vector<16xi32> -> vector<16xf32>
        %mul3A_463 = arith.mulf %gather3A_462, %get3A_457 : vector<16xf32>
        %add3A_464 = arith.addf %add3A_388, %mul3A_463 : vector<16xf32>
        %mul3A_465 = arith.constant 16 : i32
        %mul3A_466 = arith.muli %scan3A_361, %mul3A_465 : i32
        %mul3A_467 = arith.constant 16 : i32
        %mul3A_468 = arith.muli %mul3A_466, %mul3A_467 : i32
        %add3A_469 = arith.constant 80 : i32
        %add3A_470 = arith.addi %mul3A_468, %add3A_469 : i32
        %get3A_471 = arith.constant 0 : i32
        %get3A_472 = arith.index_cast %get3A_471 : i32 to index
        %get3A_473 = arith.index_cast %scan3A_342 : i32 to index
        %get3A_474 = arith.index_cast %add3A_470 : i32 to index
        %get3A_475 = tpu.vector_load %arg6[%get3A_472, %get3A_473, %get3A_474] {strides = array<i32>} : memref<2x16x2048xf32, #tpu.memory_space<vmem>>, vector<1x1x16xf32>,
        %get3A_476 = vector.shape_cast %get3A_475 : vector<1x1x16xf32> to vector<16xf32>
        %broadcast_in_dim3A_477 = arith.constant 5 : i32
        %broadcast_in_dim3A_478 = vector.broadcast %broadcast_in_dim3A_477 : i32 to vector<16xi32>
        %broadcast_in_dim3A_479 = vector.shape_cast %broadcast_in_dim3A_478 : vector<16xi32> to vector<16x1xi32>
        %gather3A_480 = vector.shape_cast %broadcast_in_dim3A_479 : vector<16x1xi32> to vector<16xi32>
        %gather3A_481 = tpu.dynamic_gather %get3A_370[%gather3A_480] in [0] : vector<16xf32>, vector<16xi32> -> vector<16xf32>
        %mul3A_482 = arith.mulf %gather3A_481, %get3A_476 : vector<16xf32>
        %add3A_483 = arith.addf %add3A_407, %mul3A_482 : vector<16xf32>
        %mul3A_484 = arith.constant 16 : i32
        %mul3A_485 = arith.muli %scan3A_361, %mul3A_484 : i32
        %mul3A_486 = arith.constant 16 : i32
        %mul3A_487 = arith.muli %mul3A_485, %mul3A_486 : i32
        %add3A_488 = arith.constant 96 : i32
        %add3A_489 = arith.addi %mul3A_487, %add3A_488 : i32
        %get3A_490 = arith.constant 0 : i32
        %get3A_491 = arith.index_cast %get3A_490 : i32 to index
        %get3A_492 = arith.index_cast %scan3A_342 : i32 to index
        %get3A_493 = arith.index_cast %add3A_489 : i32 to index
        %get3A_494 = tpu.vector_load %arg6[%get3A_491, %get3A_492, %get3A_493] {strides = array<i32>} : memref<2x16x2048xf32, #tpu.memory_space<vmem>>, vector<1x1x16xf32>,
        %get3A_495 = vector.shape_cast %get3A_494 : vector<1x1x16xf32> to vector<16xf32>
        %broadcast_in_dim3A_496 = arith.constant 6 : i32
        %broadcast_in_dim3A_497 = vector.broadcast %broadcast_in_dim3A_496 : i32 to vector<16xi32>
        %broadcast_in_dim3A_498 = vector.shape_cast %broadcast_in_dim3A_497 : vector<16xi32> to vector<16x1xi32>
        %gather3A_499 = vector.shape_cast %broadcast_in_dim3A_498 : vector<16x1xi32> to vector<16xi32>
        %gather3A_500 = tpu.dynamic_gather %get3A_370[%gather3A_499] in [0] : vector<16xf32>, vector<16xi32> -> vector<16xf32>
        %mul3A_501 = arith.mulf %gather3A_500, %get3A_495 : vector<16xf32>
        %add3A_502 = arith.addf %add3A_426, %mul3A_501 : vector<16xf32>
        %mul3A_503 = arith.constant 16 : i32
        %mul3A_504 = arith.muli %scan3A_361, %mul3A_503 : i32
        %mul3A_505 = arith.constant 16 : i32
        %mul3A_506 = arith.muli %mul3A_504, %mul3A_505 : i32
        %add3A_507 = arith.constant 112 : i32
        %add3A_508 = arith.addi %mul3A_506, %add3A_507 : i32
        %get3A_509 = arith.constant 0 : i32
        %get3A_510 = arith.index_cast %get3A_509 : i32 to index
        %get3A_511 = arith.index_cast %scan3A_342 : i32 to index
        %get3A_512 = arith.index_cast %add3A_508 : i32 to index
        %get3A_513 = tpu.vector_load %arg6[%get3A_510, %get3A_511, %get3A_512] {strides = array<i32>} : memref<2x16x2048xf32, #tpu.memory_space<vmem>>, vector<1x1x16xf32>,
        %get3A_514 = vector.shape_cast %get3A_513 : vector<1x1x16xf32> to vector<16xf32>
        %broadcast_in_dim3A_515 = arith.constant 7 : i32
        %broadcast_in_dim3A_516 = vector.broadcast %broadcast_in_dim3A_515 : i32 to vector<16xi32>
        %broadcast_in_dim3A_517 = vector.shape_cast %broadcast_in_dim3A_516 : vector<16xi32> to vector<16x1xi32>
        %gather3A_518 = vector.shape_cast %broadcast_in_dim3A_517 : vector<16x1xi32> to vector<16xi32>
        %gather3A_519 = tpu.dynamic_gather %get3A_370[%gather3A_518] in [0] : vector<16xf32>, vector<16xi32> -> vector<16xf32>
        %mul3A_520 = arith.mulf %gather3A_519, %get3A_514 : vector<16xf32>
        %add3A_521 = arith.addf %add3A_445, %mul3A_520 : vector<16xf32>
        %mul3A_522 = arith.constant 16 : i32
        %mul3A_523 = arith.muli %scan3A_361, %mul3A_522 : i32
        %mul3A_524 = arith.constant 16 : i32
        %mul3A_525 = arith.muli %mul3A_523, %mul3A_524 : i32
        %add3A_526 = arith.constant 128 : i32
        %add3A_527 = arith.addi %mul3A_525, %add3A_526 : i32
        %get3A_528 = arith.constant 0 : i32
        %get3A_529 = arith.index_cast %get3A_528 : i32 to index
        %get3A_530 = arith.index_cast %scan3A_342 : i32 to index
        %get3A_531 = arith.index_cast %add3A_527 : i32 to index
        %get3A_532 = tpu.vector_load %arg6[%get3A_529, %get3A_530, %get3A_531] {strides = array<i32>} : memref<2x16x2048xf32, #tpu.memory_space<vmem>>, vector<1x1x16xf32>,
        %get3A_533 = vector.shape_cast %get3A_532 : vector<1x1x16xf32> to vector<16xf32>
        %broadcast_in_dim3A_534 = arith.constant 8 : i32
        %broadcast_in_dim3A_535 = vector.broadcast %broadcast_in_dim3A_534 : i32 to vector<16xi32>
        %broadcast_in_dim3A_536 = vector.shape_cast %broadcast_in_dim3A_535 : vector<16xi32> to vector<16x1xi32>
        %gather3A_537 = vector.shape_cast %broadcast_in_dim3A_536 : vector<16x1xi32> to vector<16xi32>
        %gather3A_538 = tpu.dynamic_gather %get3A_370[%gather3A_537] in [0] : vector<16xf32>, vector<16xi32> -> vector<16xf32>
        %mul3A_539 = arith.mulf %gather3A_538, %get3A_533 : vector<16xf32>
        %add3A_540 = arith.addf %add3A_464, %mul3A_539 : vector<16xf32>
        %mul3A_541 = arith.constant 16 : i32
        %mul3A_542 = arith.muli %scan3A_361, %mul3A_541 : i32
        %mul3A_543 = arith.constant 16 : i32
        %mul3A_544 = arith.muli %mul3A_542, %mul3A_543 : i32
        %add3A_545 = arith.constant 144 : i32
        %add3A_546 = arith.addi %mul3A_544, %add3A_545 : i32
        %get3A_547 = arith.constant 0 : i32
        %get3A_548 = arith.index_cast %get3A_547 : i32 to index
        %get3A_549 = arith.index_cast %scan3A_342 : i32 to index
        %get3A_550 = arith.index_cast %add3A_546 : i32 to index
        %get3A_551 = tpu.vector_load %arg6[%get3A_548, %get3A_549, %get3A_550] {strides = array<i32>} : memref<2x16x2048xf32, #tpu.memory_space<vmem>>, vector<1x1x16xf32>,
        %get3A_552 = vector.shape_cast %get3A_551 : vector<1x1x16xf32> to vector<16xf32>
        %broadcast_in_dim3A_553 = arith.constant 9 : i32
        %broadcast_in_dim3A_554 = vector.broadcast %broadcast_in_dim3A_553 : i32 to vector<16xi32>
        %broadcast_in_dim3A_555 = vector.shape_cast %broadcast_in_dim3A_554 : vector<16xi32> to vector<16x1xi32>
        %gather3A_556 = vector.shape_cast %broadcast_in_dim3A_555 : vector<16x1xi32> to vector<16xi32>
        %gather3A_557 = tpu.dynamic_gather %get3A_370[%gather3A_556] in [0] : vector<16xf32>, vector<16xi32> -> vector<16xf32>
        %mul3A_558 = arith.mulf %gather3A_557, %get3A_552 : vector<16xf32>
        %add3A_559 = arith.addf %add3A_483, %mul3A_558 : vector<16xf32>
        %mul3A_560 = arith.constant 16 : i32
        %mul3A_561 = arith.muli %scan3A_361, %mul3A_560 : i32
        %mul3A_562 = arith.constant 16 : i32
        %mul3A_563 = arith.muli %mul3A_561, %mul3A_562 : i32
        %add3A_564 = arith.constant 160 : i32
        %add3A_565 = arith.addi %mul3A_563, %add3A_564 : i32
        %get3A_566 = arith.constant 0 : i32
        %get3A_567 = arith.index_cast %get3A_566 : i32 to index
        %get3A_568 = arith.index_cast %scan3A_342 : i32 to index
        %get3A_569 = arith.index_cast %add3A_565 : i32 to index
        %get3A_570 = tpu.vector_load %arg6[%get3A_567, %get3A_568, %get3A_569] {strides = array<i32>} : memref<2x16x2048xf32, #tpu.memory_space<vmem>>, vector<1x1x16xf32>,
        %get3A_571 = vector.shape_cast %get3A_570 : vector<1x1x16xf32> to vector<16xf32>
        %broadcast_in_dim3A_572 = arith.constant 10 : i32
        %broadcast_in_dim3A_573 = vector.broadcast %broadcast_in_dim3A_572 : i32 to vector<16xi32>
        %broadcast_in_dim3A_574 = vector.shape_cast %broadcast_in_dim3A_573 : vector<16xi32> to vector<16x1xi32>
        %gather3A_575 = vector.shape_cast %broadcast_in_dim3A_574 : vector<16x1xi32> to vector<16xi32>
        %gather3A_576 = tpu.dynamic_gather %get3A_370[%gather3A_575] in [0] : vector<16xf32>, vector<16xi32> -> vector<16xf32>
        %mul3A_577 = arith.mulf %gather3A_576, %get3A_571 : vector<16xf32>
        %add3A_578 = arith.addf %add3A_502, %mul3A_577 : vector<16xf32>
        %mul3A_579 = arith.constant 16 : i32
        %mul3A_580 = arith.muli %scan3A_361, %mul3A_579 : i32
        %mul3A_581 = arith.constant 16 : i32
        %mul3A_582 = arith.muli %mul3A_580, %mul3A_581 : i32
        %add3A_583 = arith.constant 176 : i32
        %add3A_584 = arith.addi %mul3A_582, %add3A_583 : i32
        %get3A_585 = arith.constant 0 : i32
        %get3A_586 = arith.index_cast %get3A_585 : i32 to index
        %get3A_587 = arith.index_cast %scan3A_342 : i32 to index
        %get3A_588 = arith.index_cast %add3A_584 : i32 to index
        %get3A_589 = tpu.vector_load %arg6[%get3A_586, %get3A_587, %get3A_588] {strides = array<i32>} : memref<2x16x2048xf32, #tpu.memory_space<vmem>>, vector<1x1x16xf32>,
        %get3A_590 = vector.shape_cast %get3A_589 : vector<1x1x16xf32> to vector<16xf32>
        %broadcast_in_dim3A_591 = arith.constant 11 : i32
        %broadcast_in_dim3A_592 = vector.broadcast %broadcast_in_dim3A_591 : i32 to vector<16xi32>
        %broadcast_in_dim3A_593 = vector.shape_cast %broadcast_in_dim3A_592 : vector<16xi32> to vector<16x1xi32>
        %gather3A_594 = vector.shape_cast %broadcast_in_dim3A_593 : vector<16x1xi32> to vector<16xi32>
        %gather3A_595 = tpu.dynamic_gather %get3A_370[%gather3A_594] in [0] : vector<16xf32>, vector<16xi32> -> vector<16xf32>
        %mul3A_596 = arith.mulf %gather3A_595, %get3A_590 : vector<16xf32>
        %add3A_597 = arith.addf %add3A_521, %mul3A_596 : vector<16xf32>
        %mul3A_598 = arith.constant 16 : i32
        %mul3A_599 = arith.muli %scan3A_361, %mul3A_598 : i32
        %mul3A_600 = arith.constant 16 : i32
        %mul3A_601 = arith.muli %mul3A_599, %mul3A_600 : i32
        %add3A_602 = arith.constant 192 : i32
        %add3A_603 = arith.addi %mul3A_601, %add3A_602 : i32
        %get3A_604 = arith.constant 0 : i32
        %get3A_605 = arith.index_cast %get3A_604 : i32 to index
        %get3A_606 = arith.index_cast %scan3A_342 : i32 to index
        %get3A_607 = arith.index_cast %add3A_603 : i32 to index
        %get3A_608 = tpu.vector_load %arg6[%get3A_605, %get3A_606, %get3A_607] {strides = array<i32>} : memref<2x16x2048xf32, #tpu.memory_space<vmem>>, vector<1x1x16xf32>,
        %get3A_609 = vector.shape_cast %get3A_608 : vector<1x1x16xf32> to vector<16xf32>
        %broadcast_in_dim3A_610 = arith.constant 12 : i32
        %broadcast_in_dim3A_611 = vector.broadcast %broadcast_in_dim3A_610 : i32 to vector<16xi32>
        %broadcast_in_dim3A_612 = vector.shape_cast %broadcast_in_dim3A_611 : vector<16xi32> to vector<16x1xi32>
        %gather3A_613 = vector.shape_cast %broadcast_in_dim3A_612 : vector<16x1xi32> to vector<16xi32>
        %gather3A_614 = tpu.dynamic_gather %get3A_370[%gather3A_613] in [0] : vector<16xf32>, vector<16xi32> -> vector<16xf32>
        %mul3A_615 = arith.mulf %gather3A_614, %get3A_609 : vector<16xf32>
        %add3A_616 = arith.addf %add3A_540, %mul3A_615 : vector<16xf32>
        %mul3A_617 = arith.constant 16 : i32
        %mul3A_618 = arith.muli %scan3A_361, %mul3A_617 : i32
        %mul3A_619 = arith.constant 16 : i32
        %mul3A_620 = arith.muli %mul3A_618, %mul3A_619 : i32
        %add3A_621 = arith.constant 208 : i32
        %add3A_622 = arith.addi %mul3A_620, %add3A_621 : i32
        %get3A_623 = arith.constant 0 : i32
        %get3A_624 = arith.index_cast %get3A_623 : i32 to index
        %get3A_625 = arith.index_cast %scan3A_342 : i32 to index
        %get3A_626 = arith.index_cast %add3A_622 : i32 to index
        %get3A_627 = tpu.vector_load %arg6[%get3A_624, %get3A_625, %get3A_626] {strides = array<i32>} : memref<2x16x2048xf32, #tpu.memory_space<vmem>>, vector<1x1x16xf32>,
        %get3A_628 = vector.shape_cast %get3A_627 : vector<1x1x16xf32> to vector<16xf32>
        %broadcast_in_dim3A_629 = arith.constant 13 : i32
        %broadcast_in_dim3A_630 = vector.broadcast %broadcast_in_dim3A_629 : i32 to vector<16xi32>
        %broadcast_in_dim3A_631 = vector.shape_cast %broadcast_in_dim3A_630 : vector<16xi32> to vector<16x1xi32>
        %gather3A_632 = vector.shape_cast %broadcast_in_dim3A_631 : vector<16x1xi32> to vector<16xi32>
        %gather3A_633 = tpu.dynamic_gather %get3A_370[%gather3A_632] in [0] : vector<16xf32>, vector<16xi32> -> vector<16xf32>
        %mul3A_634 = arith.mulf %gather3A_633, %get3A_628 : vector<16xf32>
        %add3A_635 = arith.addf %add3A_559, %mul3A_634 : vector<16xf32>
        %mul3A_636 = arith.constant 16 : i32
        %mul3A_637 = arith.muli %scan3A_361, %mul3A_636 : i32
        %mul3A_638 = arith.constant 16 : i32
        %mul3A_639 = arith.muli %mul3A_637, %mul3A_638 : i32
        %add3A_640 = arith.constant 224 : i32
        %add3A_641 = arith.addi %mul3A_639, %add3A_640 : i32
        %get3A_642 = arith.constant 0 : i32
        %get3A_643 = arith.index_cast %get3A_642 : i32 to index
        %get3A_644 = arith.index_cast %scan3A_342 : i32 to index
        %get3A_645 = arith.index_cast %add3A_641 : i32 to index
        %get3A_646 = tpu.vector_load %arg6[%get3A_643, %get3A_644, %get3A_645] {strides = array<i32>} : memref<2x16x2048xf32, #tpu.memory_space<vmem>>, vector<1x1x16xf32>,
        %get3A_647 = vector.shape_cast %get3A_646 : vector<1x1x16xf32> to vector<16xf32>
        %broadcast_in_dim3A_648 = arith.constant 14 : i32
        %broadcast_in_dim3A_649 = vector.broadcast %broadcast_in_dim3A_648 : i32 to vector<16xi32>
        %broadcast_in_dim3A_650 = vector.shape_cast %broadcast_in_dim3A_649 : vector<16xi32> to vector<16x1xi32>
        %gather3A_651 = vector.shape_cast %broadcast_in_dim3A_650 : vector<16x1xi32> to vector<16xi32>
        %gather3A_652 = tpu.dynamic_gather %get3A_370[%gather3A_651] in [0] : vector<16xf32>, vector<16xi32> -> vector<16xf32>
        %mul3A_653 = arith.mulf %gather3A_652, %get3A_647 : vector<16xf32>
        %add3A_654 = arith.addf %add3A_578, %mul3A_653 : vector<16xf32>
        %mul3A_655 = arith.constant 16 : i32
        %mul3A_656 = arith.muli %scan3A_361, %mul3A_655 : i32
        %mul3A_657 = arith.constant 16 : i32
        %mul3A_658 = arith.muli %mul3A_656, %mul3A_657 : i32
        %add3A_659 = arith.constant 240 : i32
        %add3A_660 = arith.addi %mul3A_658, %add3A_659 : i32
        %get3A_661 = arith.constant 0 : i32
        %get3A_662 = arith.index_cast %get3A_661 : i32 to index
        %get3A_663 = arith.index_cast %scan3A_342 : i32 to index
        %get3A_664 = arith.index_cast %add3A_660 : i32 to index
        %get3A_665 = tpu.vector_load %arg6[%get3A_662, %get3A_663, %get3A_664] {strides = array<i32>} : memref<2x16x2048xf32, #tpu.memory_space<vmem>>, vector<1x1x16xf32>,
        %get3A_666 = vector.shape_cast %get3A_665 : vector<1x1x16xf32> to vector<16xf32>
        %broadcast_in_dim3A_667 = arith.constant 15 : i32
        %broadcast_in_dim3A_668 = vector.broadcast %broadcast_in_dim3A_667 : i32 to vector<16xi32>
        %broadcast_in_dim3A_669 = vector.shape_cast %broadcast_in_dim3A_668 : vector<16xi32> to vector<16x1xi32>
        %gather3A_670 = vector.shape_cast %broadcast_in_dim3A_669 : vector<16x1xi32> to vector<16xi32>
        %gather3A_671 = tpu.dynamic_gather %get3A_370[%gather3A_670] in [0] : vector<16xf32>, vector<16xi32> -> vector<16xf32>
        %mul3A_672 = arith.mulf %gather3A_671, %get3A_666 : vector<16xf32>
        %add3A_673 = arith.addf %add3A_597, %mul3A_672 : vector<16xf32>
        scf.yield %add3A_616, %add3A_635, %add3A_654, %add3A_673 : vector<16xf32>, vector<16xf32>, vector<16xf32>, vector<16xf32>
      }
      %scan3A_352 = arith.constant 8 : i32
      %add3A_353 = arith.addf %scan3A_351#0, %scan3A_351#1 : vector<16xf32>
      %add3A_354 = arith.addf %scan3A_351#2, %scan3A_351#3 : vector<16xf32>
      %add3A_355 = arith.addf %add3A_353, %add3A_354 : vector<16xf32>
      %swap3A = arith.index_cast %add3A_345 : i32 to index
      %swap3A_356 = arith.constant 0 : index
      %swap3A_357 = tpu.vector_load %arg7[%swap3A, %swap3A_356] {strides = array<i32>} : memref<128x16xf32, #tpu.memory_space<vmem>>, vector<1x16xf32>,
      %swap3A_358 = vector.shape_cast %swap3A_357 : vector<1x16xf32> to vector<16xf32>
      %swap3A_359 = vector.shape_cast %add3A_355 : vector<16xf32> to vector<1x16xf32>
      tpu.vector_store %arg7[%swap3A, %swap3A_356], %swap3A_359 {strides = array<i32>} : memref<128x16xf32, #tpu.memory_space<vmem>>, vector<1x16xf32>,
      %scan3A_360 = arith.constant 0 : i32
      scf.yield %scan3A_360 : i32
    }
    %scan3A_153 = arith.constant 16 : i32
    %dma_start3A_154 = arith.constant 0 : i32
    %dma_start3A_155 = arith.constant 0 : i32
    %dma_start3A_156 = arith.constant 0 : i32
    %dma_start3A_157 = tpu.memref_slice %arg6[%dma_start3A_154, %dma_start3A_155, %dma_start3A_156] : memref<2x16x2048xf32, #tpu.memory_space<vmem>> -> memref<1x16x2048xf32, #tpu.memory_space<vmem>>
    %dma_start3A_158 = tpu.memref_squeeze %dma_start3A_157 : memref<1x16x2048xf32, #tpu.memory_space<vmem>> -> memref<16x2048xf32, #tpu.memory_space<vmem>>
    %dma_start3A_159 = arith.constant 64 : i32
    %dma_start3A_160 = arith.constant 0 : i32
    %dma_start3A_161 = tpu.memref_slice %arg3[%add3A, %dma_start3A_159, %dma_start3A_160] : memref<32x128x2048xf32, #tpu.memory_space<hbm>> -> memref<1x16x2048xf32, #tpu.memory_space<hbm>>
    %dma_start3A_162 = tpu.memref_squeeze %dma_start3A_161 : memref<1x16x2048xf32, #tpu.memory_space<hbm>> -> memref<16x2048xf32, #tpu.memory_space<hbm>>
    %dma_start3A_163 = arith.constant 0 : i32
    %dma_start3A_164 = arith.constant 0 : i32
    %dma_start3A_165 = tpu.memref_slice %arg6[%dma_start3A_154, %dma_start3A_163, %dma_start3A_164] : memref<2x16x2048xf32, #tpu.memory_space<vmem>> -> memref<1x16x2048xf32, #tpu.memory_space<vmem>>
    %dma_start3A_166 = tpu.memref_squeeze %dma_start3A_165 : memref<1x16x2048xf32, #tpu.memory_space<vmem>> -> memref<16x2048xf32, #tpu.memory_space<vmem>>
    %dma_start3A_167 = arith.constant 64 : i32
    %dma_start3A_168 = arith.constant 0 : i32
    %dma_start3A_169 = tpu.memref_slice %arg3[%add3A, %dma_start3A_167, %dma_start3A_168] : memref<32x128x2048xf32, #tpu.memory_space<hbm>> -> memref<1x16x2048xf32, #tpu.memory_space<hbm>>
    %dma_start3A_170 = tpu.memref_squeeze %dma_start3A_169 : memref<1x16x2048xf32, #tpu.memory_space<hbm>> -> memref<16x2048xf32, #tpu.memory_space<hbm>>
    tpu.enqueue_dma source(%dma_start3A_170 : memref<16x2048xf32, #tpu.memory_space<hbm>>) target(%dma_start3A_166 : memref<16x2048xf32, #tpu.memory_space<vmem>>) target_semaphore(%arg9 : memref<!tpu.dma_semaphore, #tpu.memory_space<semaphore_mem>>)
    %dma_wait3A_171 = arith.constant 1 : i32
    %dma_wait3A_172 = arith.constant 0 : i32
    %dma_wait3A_173 = arith.constant 0 : i32
    %dma_wait3A_174 = tpu.memref_slice %arg6[%dma_wait3A_171, %dma_wait3A_172, %dma_wait3A_173] : memref<2x16x2048xf32, #tpu.memory_space<vmem>> -> memref<1x16x2048xf32, #tpu.memory_space<vmem>>
    %dma_wait3A_175 = tpu.memref_squeeze %dma_wait3A_174 : memref<1x16x2048xf32, #tpu.memory_space<vmem>> -> memref<16x2048xf32, #tpu.memory_space<vmem>>
    %dma_wait3A_176 = arith.constant 48 : i32
    %dma_wait3A_177 = arith.constant 0 : i32
    %dma_wait3A_178 = tpu.memref_slice %arg3[%add3A, %dma_wait3A_176, %dma_wait3A_177] : memref<32x128x2048xf32, #tpu.memory_space<hbm>> -> memref<1x16x2048xf32, #tpu.memory_space<hbm>>
    %dma_wait3A_179 = tpu.memref_squeeze %dma_wait3A_178 : memref<1x16x2048xf32, #tpu.memory_space<hbm>> -> memref<16x2048xf32, #tpu.memory_space<hbm>>
    %dma_wait3A_180 = arith.constant 0 : i32
    %dma_wait3A_181 = arith.constant 0 : i32
    %dma_wait3A_182 = tpu.memref_slice %arg6[%dma_wait3A_171, %dma_wait3A_180, %dma_wait3A_181] : memref<2x16x2048xf32, #tpu.memory_space<vmem>> -> memref<1x16x2048xf32, #tpu.memory_space<vmem>>
    %dma_wait3A_183 = tpu.memref_squeeze %dma_wait3A_182 : memref<1x16x2048xf32, #tpu.memory_space<vmem>> -> memref<16x2048xf32, #tpu.memory_space<vmem>>
    %dma_wait3A_184 = arith.constant 48 : i32
    %dma_wait3A_185 = arith.constant 0 : i32
    %dma_wait3A_186 = tpu.memref_slice %arg3[%add3A, %dma_wait3A_184, %dma_wait3A_185] : memref<32x128x2048xf32, #tpu.memory_space<hbm>> -> memref<1x16x2048xf32, #tpu.memory_space<hbm>>
    %dma_wait3A_187 = tpu.memref_squeeze %dma_wait3A_186 : memref<1x16x2048xf32, #tpu.memory_space<hbm>> -> memref<16x2048xf32, #tpu.memory_space<hbm>>
    tpu.wait_dma2 semaphore(%arg10 : memref<!tpu.dma_semaphore, #tpu.memory_space<semaphore_mem>>) src(%dma_wait3A_187 : memref<16x2048xf32, #tpu.memory_space<hbm>>) dst(%dma_wait3A_183 : memref<16x2048xf32, #tpu.memory_space<vmem>>)
    %scan3A_188 = arith.constant 0 : i32
    %scan3A_189 = arith.constant 0 : i32
    %scan3A_190 = arith.constant 16 : i32
    %scan3A_191 = arith.addi %scan3A_189, %scan3A_190 : i32
    %scan3A_192 = arith.constant 1 : i32
    %scan3A_193 = scf.for %scan3A_342 = %scan3A_189 to %scan3A_191 step %scan3A_192 iter_args(%scan3A_343 = %scan3A_188) -> (i32)  : i32 {
      %add3A_344 = arith.constant 48 : i32
      %add3A_345 = arith.addi %add3A_344, %scan3A_342 : i32
      %broadcast_in_dim3A = arith.constant 0.000000e+00 : f32
      %broadcast_in_dim3A_346 = vector.broadcast %broadcast_in_dim3A : f32 to vector<16xf32>
      %scan3A_347 = arith.constant 0 : i32
      %scan3A_348 = arith.constant 8 : i32
      %scan3A_349 = arith.addi %scan3A_347, %scan3A_348 : i32
      %scan3A_350 = arith.constant 1 : i32
      %scan3A_351:4 = scf.for %scan3A_361 = %scan3A_347 to %scan3A_349 step %scan3A_350 iter_args(%scan3A_362 = %broadcast_in_dim3A_346, %scan3A_363 = %broadcast_in_dim3A_346, %scan3A_364 = %broadcast_in_dim3A_346, %scan3A_365 = %broadcast_in_dim3A_346) -> (vector<16xf32>, vector<16xf32>, vector<16xf32>, vector<16xf32>)  : i32 {
        %mul3A_366 = arith.constant 16 : i32
        %mul3A_367 = arith.muli %scan3A_361, %mul3A_366 : i32
        %get3A = arith.index_cast %add3A_345 : i32 to index
        %get3A_368 = arith.index_cast %mul3A_367 : i32 to index
        %get3A_369 = tpu.vector_load %arg5[%get3A, %get3A_368] {strides = array<i32>} : memref<128x128xf32, #tpu.memory_space<vmem>>, vector<1x16xf32>,
        %get3A_370 = vector.shape_cast %get3A_369 : vector<1x16xf32> to vector<16xf32>
        %mul3A_371 = arith.constant 16 : i32
        %mul3A_372 = arith.muli %scan3A_361, %mul3A_371 : i32
        %mul3A_373 = arith.constant 16 : i32
        %mul3A_374 = arith.muli %mul3A_372, %mul3A_373 : i32
        %add3A_375 = arith.constant 0 : i32
        %add3A_376 = arith.addi %mul3A_374, %add3A_375 : i32
        %get3A_377 = arith.constant 1 : i32
        %get3A_378 = arith.index_cast %get3A_377 : i32 to index
        %get3A_379 = arith.index_cast %scan3A_342 : i32 to index
        %get3A_380 = arith.index_cast %add3A_376 : i32 to index
        %get3A_381 = tpu.vector_load %arg6[%get3A_378, %get3A_379, %get3A_380] {strides = array<i32>} : memref<2x16x2048xf32, #tpu.memory_space<vmem>>, vector<1x1x16xf32>,
        %get3A_382 = vector.shape_cast %get3A_381 : vector<1x1x16xf32> to vector<16xf32>
        %broadcast_in_dim3A_383 = arith.constant 0 : i32
        %broadcast_in_dim3A_384 = vector.broadcast %broadcast_in_dim3A_383 : i32 to vector<16xi32>
        %broadcast_in_dim3A_385 = vector.shape_cast %broadcast_in_dim3A_384 : vector<16xi32> to vector<16x1xi32>
        %gather3A = vector.shape_cast %broadcast_in_dim3A_385 : vector<16x1xi32> to vector<16xi32>
        %gather3A_386 = tpu.dynamic_gather %get3A_370[%gather3A] in [0] : vector<16xf32>, vector<16xi32> -> vector<16xf32>
        %mul3A_387 = arith.mulf %gather3A_386, %get3A_382 : vector<16xf32>
        %add3A_388 = arith.addf %scan3A_362, %mul3A_387 : vector<16xf32>
        %mul3A_389 = arith.constant 16 : i32
        %mul3A_390 = arith.muli %scan3A_361, %mul3A_389 : i32
        %mul3A_391 = arith.constant 16 : i32
        %mul3A_392 = arith.muli %mul3A_390, %mul3A_391 : i32
        %add3A_393 = arith.constant 16 : i32
        %add3A_394 = arith.addi %mul3A_392, %add3A_393 : i32
        %get3A_395 = arith.constant 1 : i32
        %get3A_396 = arith.index_cast %get3A_395 : i32 to index
        %get3A_397 = arith.index_cast %scan3A_342 : i32 to index
        %get3A_398 = arith.index_cast %add3A_394 : i32 to index
        %get3A_399 = tpu.vector_load %arg6[%get3A_396, %get3A_397, %get3A_398] {strides = array<i32>} : memref<2x16x2048xf32, #tpu.memory_space<vmem>>, vector<1x1x16xf32>,
        %get3A_400 = vector.shape_cast %get3A_399 : vector<1x1x16xf32> to vector<16xf32>
        %broadcast_in_dim3A_401 = arith.constant 1 : i32
        %broadcast_in_dim3A_402 = vector.broadcast %broadcast_in_dim3A_401 : i32 to vector<16xi32>
        %broadcast_in_dim3A_403 = vector.shape_cast %broadcast_in_dim3A_402 : vector<16xi32> to vector<16x1xi32>
        %gather3A_404 = vector.shape_cast %broadcast_in_dim3A_403 : vector<16x1xi32> to vector<16xi32>
        %gather3A_405 = tpu.dynamic_gather %get3A_370[%gather3A_404] in [0] : vector<16xf32>, vector<16xi32> -> vector<16xf32>
        %mul3A_406 = arith.mulf %gather3A_405, %get3A_400 : vector<16xf32>
        %add3A_407 = arith.addf %scan3A_363, %mul3A_406 : vector<16xf32>
        %mul3A_408 = arith.constant 16 : i32
        %mul3A_409 = arith.muli %scan3A_361, %mul3A_408 : i32
        %mul3A_410 = arith.constant 16 : i32
        %mul3A_411 = arith.muli %mul3A_409, %mul3A_410 : i32
        %add3A_412 = arith.constant 32 : i32
        %add3A_413 = arith.addi %mul3A_411, %add3A_412 : i32
        %get3A_414 = arith.constant 1 : i32
        %get3A_415 = arith.index_cast %get3A_414 : i32 to index
        %get3A_416 = arith.index_cast %scan3A_342 : i32 to index
        %get3A_417 = arith.index_cast %add3A_413 : i32 to index
        %get3A_418 = tpu.vector_load %arg6[%get3A_415, %get3A_416, %get3A_417] {strides = array<i32>} : memref<2x16x2048xf32, #tpu.memory_space<vmem>>, vector<1x1x16xf32>,
        %get3A_419 = vector.shape_cast %get3A_418 : vector<1x1x16xf32> to vector<16xf32>
        %broadcast_in_dim3A_420 = arith.constant 2 : i32
        %broadcast_in_dim3A_421 = vector.broadcast %broadcast_in_dim3A_420 : i32 to vector<16xi32>
        %broadcast_in_dim3A_422 = vector.shape_cast %broadcast_in_dim3A_421 : vector<16xi32> to vector<16x1xi32>
        %gather3A_423 = vector.shape_cast %broadcast_in_dim3A_422 : vector<16x1xi32> to vector<16xi32>
        %gather3A_424 = tpu.dynamic_gather %get3A_370[%gather3A_423] in [0] : vector<16xf32>, vector<16xi32> -> vector<16xf32>
        %mul3A_425 = arith.mulf %gather3A_424, %get3A_419 : vector<16xf32>
        %add3A_426 = arith.addf %scan3A_364, %mul3A_425 : vector<16xf32>
        %mul3A_427 = arith.constant 16 : i32
        %mul3A_428 = arith.muli %scan3A_361, %mul3A_427 : i32
        %mul3A_429 = arith.constant 16 : i32
        %mul3A_430 = arith.muli %mul3A_428, %mul3A_429 : i32
        %add3A_431 = arith.constant 48 : i32
        %add3A_432 = arith.addi %mul3A_430, %add3A_431 : i32
        %get3A_433 = arith.constant 1 : i32
        %get3A_434 = arith.index_cast %get3A_433 : i32 to index
        %get3A_435 = arith.index_cast %scan3A_342 : i32 to index
        %get3A_436 = arith.index_cast %add3A_432 : i32 to index
        %get3A_437 = tpu.vector_load %arg6[%get3A_434, %get3A_435, %get3A_436] {strides = array<i32>} : memref<2x16x2048xf32, #tpu.memory_space<vmem>>, vector<1x1x16xf32>,
        %get3A_438 = vector.shape_cast %get3A_437 : vector<1x1x16xf32> to vector<16xf32>
        %broadcast_in_dim3A_439 = arith.constant 3 : i32
        %broadcast_in_dim3A_440 = vector.broadcast %broadcast_in_dim3A_439 : i32 to vector<16xi32>
        %broadcast_in_dim3A_441 = vector.shape_cast %broadcast_in_dim3A_440 : vector<16xi32> to vector<16x1xi32>
        %gather3A_442 = vector.shape_cast %broadcast_in_dim3A_441 : vector<16x1xi32> to vector<16xi32>
        %gather3A_443 = tpu.dynamic_gather %get3A_370[%gather3A_442] in [0] : vector<16xf32>, vector<16xi32> -> vector<16xf32>
        %mul3A_444 = arith.mulf %gather3A_443, %get3A_438 : vector<16xf32>
        %add3A_445 = arith.addf %scan3A_365, %mul3A_444 : vector<16xf32>
        %mul3A_446 = arith.constant 16 : i32
        %mul3A_447 = arith.muli %scan3A_361, %mul3A_446 : i32
        %mul3A_448 = arith.constant 16 : i32
        %mul3A_449 = arith.muli %mul3A_447, %mul3A_448 : i32
        %add3A_450 = arith.constant 64 : i32
        %add3A_451 = arith.addi %mul3A_449, %add3A_450 : i32
        %get3A_452 = arith.constant 1 : i32
        %get3A_453 = arith.index_cast %get3A_452 : i32 to index
        %get3A_454 = arith.index_cast %scan3A_342 : i32 to index
        %get3A_455 = arith.index_cast %add3A_451 : i32 to index
        %get3A_456 = tpu.vector_load %arg6[%get3A_453, %get3A_454, %get3A_455] {strides = array<i32>} : memref<2x16x2048xf32, #tpu.memory_space<vmem>>, vector<1x1x16xf32>,
        %get3A_457 = vector.shape_cast %get3A_456 : vector<1x1x16xf32> to vector<16xf32>
        %broadcast_in_dim3A_458 = arith.constant 4 : i32
        %broadcast_in_dim3A_459 = vector.broadcast %broadcast_in_dim3A_458 : i32 to vector<16xi32>
        %broadcast_in_dim3A_460 = vector.shape_cast %broadcast_in_dim3A_459 : vector<16xi32> to vector<16x1xi32>
        %gather3A_461 = vector.shape_cast %broadcast_in_dim3A_460 : vector<16x1xi32> to vector<16xi32>
        %gather3A_462 = tpu.dynamic_gather %get3A_370[%gather3A_461] in [0] : vector<16xf32>, vector<16xi32> -> vector<16xf32>
        %mul3A_463 = arith.mulf %gather3A_462, %get3A_457 : vector<16xf32>
        %add3A_464 = arith.addf %add3A_388, %mul3A_463 : vector<16xf32>
        %mul3A_465 = arith.constant 16 : i32
        %mul3A_466 = arith.muli %scan3A_361, %mul3A_465 : i32
        %mul3A_467 = arith.constant 16 : i32
        %mul3A_468 = arith.muli %mul3A_466, %mul3A_467 : i32
        %add3A_469 = arith.constant 80 : i32
        %add3A_470 = arith.addi %mul3A_468, %add3A_469 : i32
        %get3A_471 = arith.constant 1 : i32
        %get3A_472 = arith.index_cast %get3A_471 : i32 to index
        %get3A_473 = arith.index_cast %scan3A_342 : i32 to index
        %get3A_474 = arith.index_cast %add3A_470 : i32 to index
        %get3A_475 = tpu.vector_load %arg6[%get3A_472, %get3A_473, %get3A_474] {strides = array<i32>} : memref<2x16x2048xf32, #tpu.memory_space<vmem>>, vector<1x1x16xf32>,
        %get3A_476 = vector.shape_cast %get3A_475 : vector<1x1x16xf32> to vector<16xf32>
        %broadcast_in_dim3A_477 = arith.constant 5 : i32
        %broadcast_in_dim3A_478 = vector.broadcast %broadcast_in_dim3A_477 : i32 to vector<16xi32>
        %broadcast_in_dim3A_479 = vector.shape_cast %broadcast_in_dim3A_478 : vector<16xi32> to vector<16x1xi32>
        %gather3A_480 = vector.shape_cast %broadcast_in_dim3A_479 : vector<16x1xi32> to vector<16xi32>
        %gather3A_481 = tpu.dynamic_gather %get3A_370[%gather3A_480] in [0] : vector<16xf32>, vector<16xi32> -> vector<16xf32>
        %mul3A_482 = arith.mulf %gather3A_481, %get3A_476 : vector<16xf32>
        %add3A_483 = arith.addf %add3A_407, %mul3A_482 : vector<16xf32>
        %mul3A_484 = arith.constant 16 : i32
        %mul3A_485 = arith.muli %scan3A_361, %mul3A_484 : i32
        %mul3A_486 = arith.constant 16 : i32
        %mul3A_487 = arith.muli %mul3A_485, %mul3A_486 : i32
        %add3A_488 = arith.constant 96 : i32
        %add3A_489 = arith.addi %mul3A_487, %add3A_488 : i32
        %get3A_490 = arith.constant 1 : i32
        %get3A_491 = arith.index_cast %get3A_490 : i32 to index
        %get3A_492 = arith.index_cast %scan3A_342 : i32 to index
        %get3A_493 = arith.index_cast %add3A_489 : i32 to index
        %get3A_494 = tpu.vector_load %arg6[%get3A_491, %get3A_492, %get3A_493] {strides = array<i32>} : memref<2x16x2048xf32, #tpu.memory_space<vmem>>, vector<1x1x16xf32>,
        %get3A_495 = vector.shape_cast %get3A_494 : vector<1x1x16xf32> to vector<16xf32>
        %broadcast_in_dim3A_496 = arith.constant 6 : i32
        %broadcast_in_dim3A_497 = vector.broadcast %broadcast_in_dim3A_496 : i32 to vector<16xi32>
        %broadcast_in_dim3A_498 = vector.shape_cast %broadcast_in_dim3A_497 : vector<16xi32> to vector<16x1xi32>
        %gather3A_499 = vector.shape_cast %broadcast_in_dim3A_498 : vector<16x1xi32> to vector<16xi32>
        %gather3A_500 = tpu.dynamic_gather %get3A_370[%gather3A_499] in [0] : vector<16xf32>, vector<16xi32> -> vector<16xf32>
        %mul3A_501 = arith.mulf %gather3A_500, %get3A_495 : vector<16xf32>
        %add3A_502 = arith.addf %add3A_426, %mul3A_501 : vector<16xf32>
        %mul3A_503 = arith.constant 16 : i32
        %mul3A_504 = arith.muli %scan3A_361, %mul3A_503 : i32
        %mul3A_505 = arith.constant 16 : i32
        %mul3A_506 = arith.muli %mul3A_504, %mul3A_505 : i32
        %add3A_507 = arith.constant 112 : i32
        %add3A_508 = arith.addi %mul3A_506, %add3A_507 : i32
        %get3A_509 = arith.constant 1 : i32
        %get3A_510 = arith.index_cast %get3A_509 : i32 to index
        %get3A_511 = arith.index_cast %scan3A_342 : i32 to index
        %get3A_512 = arith.index_cast %add3A_508 : i32 to index
        %get3A_513 = tpu.vector_load %arg6[%get3A_510, %get3A_511, %get3A_512] {strides = array<i32>} : memref<2x16x2048xf32, #tpu.memory_space<vmem>>, vector<1x1x16xf32>,
        %get3A_514 = vector.shape_cast %get3A_513 : vector<1x1x16xf32> to vector<16xf32>
        %broadcast_in_dim3A_515 = arith.constant 7 : i32
        %broadcast_in_dim3A_516 = vector.broadcast %broadcast_in_dim3A_515 : i32 to vector<16xi32>
        %broadcast_in_dim3A_517 = vector.shape_cast %broadcast_in_dim3A_516 : vector<16xi32> to vector<16x1xi32>
        %gather3A_518 = vector.shape_cast %broadcast_in_dim3A_517 : vector<16x1xi32> to vector<16xi32>
        %gather3A_519 = tpu.dynamic_gather %get3A_370[%gather3A_518] in [0] : vector<16xf32>, vector<16xi32> -> vector<16xf32>
        %mul3A_520 = arith.mulf %gather3A_519, %get3A_514 : vector<16xf32>
        %add3A_521 = arith.addf %add3A_445, %mul3A_520 : vector<16xf32>
        %mul3A_522 = arith.constant 16 : i32
        %mul3A_523 = arith.muli %scan3A_361, %mul3A_522 : i32
        %mul3A_524 = arith.constant 16 : i32
        %mul3A_525 = arith.muli %mul3A_523, %mul3A_524 : i32
        %add3A_526 = arith.constant 128 : i32
        %add3A_527 = arith.addi %mul3A_525, %add3A_526 : i32
        %get3A_528 = arith.constant 1 : i32
        %get3A_529 = arith.index_cast %get3A_528 : i32 to index
        %get3A_530 = arith.index_cast %scan3A_342 : i32 to index
        %get3A_531 = arith.index_cast %add3A_527 : i32 to index
        %get3A_532 = tpu.vector_load %arg6[%get3A_529, %get3A_530, %get3A_531] {strides = array<i32>} : memref<2x16x2048xf32, #tpu.memory_space<vmem>>, vector<1x1x16xf32>,
        %get3A_533 = vector.shape_cast %get3A_532 : vector<1x1x16xf32> to vector<16xf32>
        %broadcast_in_dim3A_534 = arith.constant 8 : i32
        %broadcast_in_dim3A_535 = vector.broadcast %broadcast_in_dim3A_534 : i32 to vector<16xi32>
        %broadcast_in_dim3A_536 = vector.shape_cast %broadcast_in_dim3A_535 : vector<16xi32> to vector<16x1xi32>
        %gather3A_537 = vector.shape_cast %broadcast_in_dim3A_536 : vector<16x1xi32> to vector<16xi32>
        %gather3A_538 = tpu.dynamic_gather %get3A_370[%gather3A_537] in [0] : vector<16xf32>, vector<16xi32> -> vector<16xf32>
        %mul3A_539 = arith.mulf %gather3A_538, %get3A_533 : vector<16xf32>
        %add3A_540 = arith.addf %add3A_464, %mul3A_539 : vector<16xf32>
        %mul3A_541 = arith.constant 16 : i32
        %mul3A_542 = arith.muli %scan3A_361, %mul3A_541 : i32
        %mul3A_543 = arith.constant 16 : i32
        %mul3A_544 = arith.muli %mul3A_542, %mul3A_543 : i32
        %add3A_545 = arith.constant 144 : i32
        %add3A_546 = arith.addi %mul3A_544, %add3A_545 : i32
        %get3A_547 = arith.constant 1 : i32
        %get3A_548 = arith.index_cast %get3A_547 : i32 to index
        %get3A_549 = arith.index_cast %scan3A_342 : i32 to index
        %get3A_550 = arith.index_cast %add3A_546 : i32 to index
        %get3A_551 = tpu.vector_load %arg6[%get3A_548, %get3A_549, %get3A_550] {strides = array<i32>} : memref<2x16x2048xf32, #tpu.memory_space<vmem>>, vector<1x1x16xf32>,
        %get3A_552 = vector.shape_cast %get3A_551 : vector<1x1x16xf32> to vector<16xf32>
        %broadcast_in_dim3A_553 = arith.constant 9 : i32
        %broadcast_in_dim3A_554 = vector.broadcast %broadcast_in_dim3A_553 : i32 to vector<16xi32>
        %broadcast_in_dim3A_555 = vector.shape_cast %broadcast_in_dim3A_554 : vector<16xi32> to vector<16x1xi32>
        %gather3A_556 = vector.shape_cast %broadcast_in_dim3A_555 : vector<16x1xi32> to vector<16xi32>
        %gather3A_557 = tpu.dynamic_gather %get3A_370[%gather3A_556] in [0] : vector<16xf32>, vector<16xi32> -> vector<16xf32>
        %mul3A_558 = arith.mulf %gather3A_557, %get3A_552 : vector<16xf32>
        %add3A_559 = arith.addf %add3A_483, %mul3A_558 : vector<16xf32>
        %mul3A_560 = arith.constant 16 : i32
        %mul3A_561 = arith.muli %scan3A_361, %mul3A_560 : i32
        %mul3A_562 = arith.constant 16 : i32
        %mul3A_563 = arith.muli %mul3A_561, %mul3A_562 : i32
        %add3A_564 = arith.constant 160 : i32
        %add3A_565 = arith.addi %mul3A_563, %add3A_564 : i32
        %get3A_566 = arith.constant 1 : i32
        %get3A_567 = arith.index_cast %get3A_566 : i32 to index
        %get3A_568 = arith.index_cast %scan3A_342 : i32 to index
        %get3A_569 = arith.index_cast %add3A_565 : i32 to index
        %get3A_570 = tpu.vector_load %arg6[%get3A_567, %get3A_568, %get3A_569] {strides = array<i32>} : memref<2x16x2048xf32, #tpu.memory_space<vmem>>, vector<1x1x16xf32>,
        %get3A_571 = vector.shape_cast %get3A_570 : vector<1x1x16xf32> to vector<16xf32>
        %broadcast_in_dim3A_572 = arith.constant 10 : i32
        %broadcast_in_dim3A_573 = vector.broadcast %broadcast_in_dim3A_572 : i32 to vector<16xi32>
        %broadcast_in_dim3A_574 = vector.shape_cast %broadcast_in_dim3A_573 : vector<16xi32> to vector<16x1xi32>
        %gather3A_575 = vector.shape_cast %broadcast_in_dim3A_574 : vector<16x1xi32> to vector<16xi32>
        %gather3A_576 = tpu.dynamic_gather %get3A_370[%gather3A_575] in [0] : vector<16xf32>, vector<16xi32> -> vector<16xf32>
        %mul3A_577 = arith.mulf %gather3A_576, %get3A_571 : vector<16xf32>
        %add3A_578 = arith.addf %add3A_502, %mul3A_577 : vector<16xf32>
        %mul3A_579 = arith.constant 16 : i32
        %mul3A_580 = arith.muli %scan3A_361, %mul3A_579 : i32
        %mul3A_581 = arith.constant 16 : i32
        %mul3A_582 = arith.muli %mul3A_580, %mul3A_581 : i32
        %add3A_583 = arith.constant 176 : i32
        %add3A_584 = arith.addi %mul3A_582, %add3A_583 : i32
        %get3A_585 = arith.constant 1 : i32
        %get3A_586 = arith.index_cast %get3A_585 : i32 to index
        %get3A_587 = arith.index_cast %scan3A_342 : i32 to index
        %get3A_588 = arith.index_cast %add3A_584 : i32 to index
        %get3A_589 = tpu.vector_load %arg6[%get3A_586, %get3A_587, %get3A_588] {strides = array<i32>} : memref<2x16x2048xf32, #tpu.memory_space<vmem>>, vector<1x1x16xf32>,
        %get3A_590 = vector.shape_cast %get3A_589 : vector<1x1x16xf32> to vector<16xf32>
        %broadcast_in_dim3A_591 = arith.constant 11 : i32
        %broadcast_in_dim3A_592 = vector.broadcast %broadcast_in_dim3A_591 : i32 to vector<16xi32>
        %broadcast_in_dim3A_593 = vector.shape_cast %broadcast_in_dim3A_592 : vector<16xi32> to vector<16x1xi32>
        %gather3A_594 = vector.shape_cast %broadcast_in_dim3A_593 : vector<16x1xi32> to vector<16xi32>
        %gather3A_595 = tpu.dynamic_gather %get3A_370[%gather3A_594] in [0] : vector<16xf32>, vector<16xi32> -> vector<16xf32>
        %mul3A_596 = arith.mulf %gather3A_595, %get3A_590 : vector<16xf32>
        %add3A_597 = arith.addf %add3A_521, %mul3A_596 : vector<16xf32>
        %mul3A_598 = arith.constant 16 : i32
        %mul3A_599 = arith.muli %scan3A_361, %mul3A_598 : i32
        %mul3A_600 = arith.constant 16 : i32
        %mul3A_601 = arith.muli %mul3A_599, %mul3A_600 : i32
        %add3A_602 = arith.constant 192 : i32
        %add3A_603 = arith.addi %mul3A_601, %add3A_602 : i32
        %get3A_604 = arith.constant 1 : i32
        %get3A_605 = arith.index_cast %get3A_604 : i32 to index
        %get3A_606 = arith.index_cast %scan3A_342 : i32 to index
        %get3A_607 = arith.index_cast %add3A_603 : i32 to index
        %get3A_608 = tpu.vector_load %arg6[%get3A_605, %get3A_606, %get3A_607] {strides = array<i32>} : memref<2x16x2048xf32, #tpu.memory_space<vmem>>, vector<1x1x16xf32>,
        %get3A_609 = vector.shape_cast %get3A_608 : vector<1x1x16xf32> to vector<16xf32>
        %broadcast_in_dim3A_610 = arith.constant 12 : i32
        %broadcast_in_dim3A_611 = vector.broadcast %broadcast_in_dim3A_610 : i32 to vector<16xi32>
        %broadcast_in_dim3A_612 = vector.shape_cast %broadcast_in_dim3A_611 : vector<16xi32> to vector<16x1xi32>
        %gather3A_613 = vector.shape_cast %broadcast_in_dim3A_612 : vector<16x1xi32> to vector<16xi32>
        %gather3A_614 = tpu.dynamic_gather %get3A_370[%gather3A_613] in [0] : vector<16xf32>, vector<16xi32> -> vector<16xf32>
        %mul3A_615 = arith.mulf %gather3A_614, %get3A_609 : vector<16xf32>
        %add3A_616 = arith.addf %add3A_540, %mul3A_615 : vector<16xf32>
        %mul3A_617 = arith.constant 16 : i32
        %mul3A_618 = arith.muli %scan3A_361, %mul3A_617 : i32
        %mul3A_619 = arith.constant 16 : i32
        %mul3A_620 = arith.muli %mul3A_618, %mul3A_619 : i32
        %add3A_621 = arith.constant 208 : i32
        %add3A_622 = arith.addi %mul3A_620, %add3A_621 : i32
        %get3A_623 = arith.constant 1 : i32
        %get3A_624 = arith.index_cast %get3A_623 : i32 to index
        %get3A_625 = arith.index_cast %scan3A_342 : i32 to index
        %get3A_626 = arith.index_cast %add3A_622 : i32 to index
        %get3A_627 = tpu.vector_load %arg6[%get3A_624, %get3A_625, %get3A_626] {strides = array<i32>} : memref<2x16x2048xf32, #tpu.memory_space<vmem>>, vector<1x1x16xf32>,
        %get3A_628 = vector.shape_cast %get3A_627 : vector<1x1x16xf32> to vector<16xf32>
        %broadcast_in_dim3A_629 = arith.constant 13 : i32
        %broadcast_in_dim3A_630 = vector.broadcast %broadcast_in_dim3A_629 : i32 to vector<16xi32>
        %broadcast_in_dim3A_631 = vector.shape_cast %broadcast_in_dim3A_630 : vector<16xi32> to vector<16x1xi32>
        %gather3A_632 = vector.shape_cast %broadcast_in_dim3A_631 : vector<16x1xi32> to vector<16xi32>
        %gather3A_633 = tpu.dynamic_gather %get3A_370[%gather3A_632] in [0] : vector<16xf32>, vector<16xi32> -> vector<16xf32>
        %mul3A_634 = arith.mulf %gather3A_633, %get3A_628 : vector<16xf32>
        %add3A_635 = arith.addf %add3A_559, %mul3A_634 : vector<16xf32>
        %mul3A_636 = arith.constant 16 : i32
        %mul3A_637 = arith.muli %scan3A_361, %mul3A_636 : i32
        %mul3A_638 = arith.constant 16 : i32
        %mul3A_639 = arith.muli %mul3A_637, %mul3A_638 : i32
        %add3A_640 = arith.constant 224 : i32
        %add3A_641 = arith.addi %mul3A_639, %add3A_640 : i32
        %get3A_642 = arith.constant 1 : i32
        %get3A_643 = arith.index_cast %get3A_642 : i32 to index
        %get3A_644 = arith.index_cast %scan3A_342 : i32 to index
        %get3A_645 = arith.index_cast %add3A_641 : i32 to index
        %get3A_646 = tpu.vector_load %arg6[%get3A_643, %get3A_644, %get3A_645] {strides = array<i32>} : memref<2x16x2048xf32, #tpu.memory_space<vmem>>, vector<1x1x16xf32>,
        %get3A_647 = vector.shape_cast %get3A_646 : vector<1x1x16xf32> to vector<16xf32>
        %broadcast_in_dim3A_648 = arith.constant 14 : i32
        %broadcast_in_dim3A_649 = vector.broadcast %broadcast_in_dim3A_648 : i32 to vector<16xi32>
        %broadcast_in_dim3A_650 = vector.shape_cast %broadcast_in_dim3A_649 : vector<16xi32> to vector<16x1xi32>
        %gather3A_651 = vector.shape_cast %broadcast_in_dim3A_650 : vector<16x1xi32> to vector<16xi32>
        %gather3A_652 = tpu.dynamic_gather %get3A_370[%gather3A_651] in [0] : vector<16xf32>, vector<16xi32> -> vector<16xf32>
        %mul3A_653 = arith.mulf %gather3A_652, %get3A_647 : vector<16xf32>
        %add3A_654 = arith.addf %add3A_578, %mul3A_653 : vector<16xf32>
        %mul3A_655 = arith.constant 16 : i32
        %mul3A_656 = arith.muli %scan3A_361, %mul3A_655 : i32
        %mul3A_657 = arith.constant 16 : i32
        %mul3A_658 = arith.muli %mul3A_656, %mul3A_657 : i32
        %add3A_659 = arith.constant 240 : i32
        %add3A_660 = arith.addi %mul3A_658, %add3A_659 : i32
        %get3A_661 = arith.constant 1 : i32
        %get3A_662 = arith.index_cast %get3A_661 : i32 to index
        %get3A_663 = arith.index_cast %scan3A_342 : i32 to index
        %get3A_664 = arith.index_cast %add3A_660 : i32 to index
        %get3A_665 = tpu.vector_load %arg6[%get3A_662, %get3A_663, %get3A_664] {strides = array<i32>} : memref<2x16x2048xf32, #tpu.memory_space<vmem>>, vector<1x1x16xf32>,
        %get3A_666 = vector.shape_cast %get3A_665 : vector<1x1x16xf32> to vector<16xf32>
        %broadcast_in_dim3A_667 = arith.constant 15 : i32
        %broadcast_in_dim3A_668 = vector.broadcast %broadcast_in_dim3A_667 : i32 to vector<16xi32>
        %broadcast_in_dim3A_669 = vector.shape_cast %broadcast_in_dim3A_668 : vector<16xi32> to vector<16x1xi32>
        %gather3A_670 = vector.shape_cast %broadcast_in_dim3A_669 : vector<16x1xi32> to vector<16xi32>
        %gather3A_671 = tpu.dynamic_gather %get3A_370[%gather3A_670] in [0] : vector<16xf32>, vector<16xi32> -> vector<16xf32>
        %mul3A_672 = arith.mulf %gather3A_671, %get3A_666 : vector<16xf32>
        %add3A_673 = arith.addf %add3A_597, %mul3A_672 : vector<16xf32>
        scf.yield %add3A_616, %add3A_635, %add3A_654, %add3A_673 : vector<16xf32>, vector<16xf32>, vector<16xf32>, vector<16xf32>
      }
      %scan3A_352 = arith.constant 8 : i32
      %add3A_353 = arith.addf %scan3A_351#0, %scan3A_351#1 : vector<16xf32>
      %add3A_354 = arith.addf %scan3A_351#2, %scan3A_351#3 : vector<16xf32>
      %add3A_355 = arith.addf %add3A_353, %add3A_354 : vector<16xf32>
      %swap3A = arith.index_cast %add3A_345 : i32 to index
      %swap3A_356 = arith.constant 0 : index
      %swap3A_357 = tpu.vector_load %arg7[%swap3A, %swap3A_356] {strides = array<i32>} : memref<128x16xf32, #tpu.memory_space<vmem>>, vector<1x16xf32>,
      %swap3A_358 = vector.shape_cast %swap3A_357 : vector<1x16xf32> to vector<16xf32>
      %swap3A_359 = vector.shape_cast %add3A_355 : vector<16xf32> to vector<1x16xf32>
      tpu.vector_store %arg7[%swap3A, %swap3A_356], %swap3A_359 {strides = array<i32>} : memref<128x16xf32, #tpu.memory_space<vmem>>, vector<1x16xf32>,
      %scan3A_360 = arith.constant 0 : i32
      scf.yield %scan3A_360 : i32
    }
    %scan3A_194 = arith.constant 16 : i32
    %dma_start3A_195 = arith.constant 1 : i32
    %dma_start3A_196 = arith.constant 0 : i32
    %dma_start3A_197 = arith.constant 0 : i32
    %dma_start3A_198 = tpu.memref_slice %arg6[%dma_start3A_195, %dma_start3A_196, %dma_start3A_197] : memref<2x16x2048xf32, #tpu.memory_space<vmem>> -> memref<1x16x2048xf32, #tpu.memory_space<vmem>>
    %dma_start3A_199 = tpu.memref_squeeze %dma_start3A_198 : memref<1x16x2048xf32, #tpu.memory_space<vmem>> -> memref<16x2048xf32, #tpu.memory_space<vmem>>
    %dma_start3A_200 = arith.constant 80 : i32
    %dma_start3A_201 = arith.constant 0 : i32
    %dma_start3A_202 = tpu.memref_slice %arg3[%add3A, %dma_start3A_200, %dma_start3A_201] : memref<32x128x2048xf32, #tpu.memory_space<hbm>> -> memref<1x16x2048xf32, #tpu.memory_space<hbm>>
    %dma_start3A_203 = tpu.memref_squeeze %dma_start3A_202 : memref<1x16x2048xf32, #tpu.memory_space<hbm>> -> memref<16x2048xf32, #tpu.memory_space<hbm>>
    %dma_start3A_204 = arith.constant 0 : i32
    %dma_start3A_205 = arith.constant 0 : i32
    %dma_start3A_206 = tpu.memref_slice %arg6[%dma_start3A_195, %dma_start3A_204, %dma_start3A_205] : memref<2x16x2048xf32, #tpu.memory_space<vmem>> -> memref<1x16x2048xf32, #tpu.memory_space<vmem>>
    %dma_start3A_207 = tpu.memref_squeeze %dma_start3A_206 : memref<1x16x2048xf32, #tpu.memory_space<vmem>> -> memref<16x2048xf32, #tpu.memory_space<vmem>>
    %dma_start3A_208 = arith.constant 80 : i32
    %dma_start3A_209 = arith.constant 0 : i32
    %dma_start3A_210 = tpu.memref_slice %arg3[%add3A, %dma_start3A_208, %dma_start3A_209] : memref<32x128x2048xf32, #tpu.memory_space<hbm>> -> memref<1x16x2048xf32, #tpu.memory_space<hbm>>
    %dma_start3A_211 = tpu.memref_squeeze %dma_start3A_210 : memref<1x16x2048xf32, #tpu.memory_space<hbm>> -> memref<16x2048xf32, #tpu.memory_space<hbm>>
    tpu.enqueue_dma source(%dma_start3A_211 : memref<16x2048xf32, #tpu.memory_space<hbm>>) target(%dma_start3A_207 : memref<16x2048xf32, #tpu.memory_space<vmem>>) target_semaphore(%arg10 : memref<!tpu.dma_semaphore, #tpu.memory_space<semaphore_mem>>)
    %dma_wait3A_212 = arith.constant 0 : i32
    %dma_wait3A_213 = arith.constant 0 : i32
    %dma_wait3A_214 = arith.constant 0 : i32
    %dma_wait3A_215 = tpu.memref_slice %arg6[%dma_wait3A_212, %dma_wait3A_213, %dma_wait3A_214] : memref<2x16x2048xf32, #tpu.memory_space<vmem>> -> memref<1x16x2048xf32, #tpu.memory_space<vmem>>
    %dma_wait3A_216 = tpu.memref_squeeze %dma_wait3A_215 : memref<1x16x2048xf32, #tpu.memory_space<vmem>> -> memref<16x2048xf32, #tpu.memory_space<vmem>>
    %dma_wait3A_217 = arith.constant 64 : i32
    %dma_wait3A_218 = arith.constant 0 : i32
    %dma_wait3A_219 = tpu.memref_slice %arg3[%add3A, %dma_wait3A_217, %dma_wait3A_218] : memref<32x128x2048xf32, #tpu.memory_space<hbm>> -> memref<1x16x2048xf32, #tpu.memory_space<hbm>>
    %dma_wait3A_220 = tpu.memref_squeeze %dma_wait3A_219 : memref<1x16x2048xf32, #tpu.memory_space<hbm>> -> memref<16x2048xf32, #tpu.memory_space<hbm>>
    %dma_wait3A_221 = arith.constant 0 : i32
    %dma_wait3A_222 = arith.constant 0 : i32
    %dma_wait3A_223 = tpu.memref_slice %arg6[%dma_wait3A_212, %dma_wait3A_221, %dma_wait3A_222] : memref<2x16x2048xf32, #tpu.memory_space<vmem>> -> memref<1x16x2048xf32, #tpu.memory_space<vmem>>
    %dma_wait3A_224 = tpu.memref_squeeze %dma_wait3A_223 : memref<1x16x2048xf32, #tpu.memory_space<vmem>> -> memref<16x2048xf32, #tpu.memory_space<vmem>>
    %dma_wait3A_225 = arith.constant 64 : i32
    %dma_wait3A_226 = arith.constant 0 : i32
    %dma_wait3A_227 = tpu.memref_slice %arg3[%add3A, %dma_wait3A_225, %dma_wait3A_226] : memref<32x128x2048xf32, #tpu.memory_space<hbm>> -> memref<1x16x2048xf32, #tpu.memory_space<hbm>>
    %dma_wait3A_228 = tpu.memref_squeeze %dma_wait3A_227 : memref<1x16x2048xf32, #tpu.memory_space<hbm>> -> memref<16x2048xf32, #tpu.memory_space<hbm>>
    tpu.wait_dma2 semaphore(%arg9 : memref<!tpu.dma_semaphore, #tpu.memory_space<semaphore_mem>>) src(%dma_wait3A_228 : memref<16x2048xf32, #tpu.memory_space<hbm>>) dst(%dma_wait3A_224 : memref<16x2048xf32, #tpu.memory_space<vmem>>)
    %scan3A_229 = arith.constant 0 : i32
    %scan3A_230 = arith.constant 0 : i32
    %scan3A_231 = arith.constant 16 : i32
    %scan3A_232 = arith.addi %scan3A_230, %scan3A_231 : i32
    %scan3A_233 = arith.constant 1 : i32
    %scan3A_234 = scf.for %scan3A_342 = %scan3A_230 to %scan3A_232 step %scan3A_233 iter_args(%scan3A_343 = %scan3A_229) -> (i32)  : i32 {
      %add3A_344 = arith.constant 64 : i32
      %add3A_345 = arith.addi %add3A_344, %scan3A_342 : i32
      %broadcast_in_dim3A = arith.constant 0.000000e+00 : f32
      %broadcast_in_dim3A_346 = vector.broadcast %broadcast_in_dim3A : f32 to vector<16xf32>
      %scan3A_347 = arith.constant 0 : i32
      %scan3A_348 = arith.constant 8 : i32
      %scan3A_349 = arith.addi %scan3A_347, %scan3A_348 : i32
      %scan3A_350 = arith.constant 1 : i32
      %scan3A_351:4 = scf.for %scan3A_361 = %scan3A_347 to %scan3A_349 step %scan3A_350 iter_args(%scan3A_362 = %broadcast_in_dim3A_346, %scan3A_363 = %broadcast_in_dim3A_346, %scan3A_364 = %broadcast_in_dim3A_346, %scan3A_365 = %broadcast_in_dim3A_346) -> (vector<16xf32>, vector<16xf32>, vector<16xf32>, vector<16xf32>)  : i32 {
        %mul3A_366 = arith.constant 16 : i32
        %mul3A_367 = arith.muli %scan3A_361, %mul3A_366 : i32
        %get3A = arith.index_cast %add3A_345 : i32 to index
        %get3A_368 = arith.index_cast %mul3A_367 : i32 to index
        %get3A_369 = tpu.vector_load %arg5[%get3A, %get3A_368] {strides = array<i32>} : memref<128x128xf32, #tpu.memory_space<vmem>>, vector<1x16xf32>,
        %get3A_370 = vector.shape_cast %get3A_369 : vector<1x16xf32> to vector<16xf32>
        %mul3A_371 = arith.constant 16 : i32
        %mul3A_372 = arith.muli %scan3A_361, %mul3A_371 : i32
        %mul3A_373 = arith.constant 16 : i32
        %mul3A_374 = arith.muli %mul3A_372, %mul3A_373 : i32
        %add3A_375 = arith.constant 0 : i32
        %add3A_376 = arith.addi %mul3A_374, %add3A_375 : i32
        %get3A_377 = arith.constant 0 : i32
        %get3A_378 = arith.index_cast %get3A_377 : i32 to index
        %get3A_379 = arith.index_cast %scan3A_342 : i32 to index
        %get3A_380 = arith.index_cast %add3A_376 : i32 to index
        %get3A_381 = tpu.vector_load %arg6[%get3A_378, %get3A_379, %get3A_380] {strides = array<i32>} : memref<2x16x2048xf32, #tpu.memory_space<vmem>>, vector<1x1x16xf32>,
        %get3A_382 = vector.shape_cast %get3A_381 : vector<1x1x16xf32> to vector<16xf32>
        %broadcast_in_dim3A_383 = arith.constant 0 : i32
        %broadcast_in_dim3A_384 = vector.broadcast %broadcast_in_dim3A_383 : i32 to vector<16xi32>
        %broadcast_in_dim3A_385 = vector.shape_cast %broadcast_in_dim3A_384 : vector<16xi32> to vector<16x1xi32>
        %gather3A = vector.shape_cast %broadcast_in_dim3A_385 : vector<16x1xi32> to vector<16xi32>
        %gather3A_386 = tpu.dynamic_gather %get3A_370[%gather3A] in [0] : vector<16xf32>, vector<16xi32> -> vector<16xf32>
        %mul3A_387 = arith.mulf %gather3A_386, %get3A_382 : vector<16xf32>
        %add3A_388 = arith.addf %scan3A_362, %mul3A_387 : vector<16xf32>
        %mul3A_389 = arith.constant 16 : i32
        %mul3A_390 = arith.muli %scan3A_361, %mul3A_389 : i32
        %mul3A_391 = arith.constant 16 : i32
        %mul3A_392 = arith.muli %mul3A_390, %mul3A_391 : i32
        %add3A_393 = arith.constant 16 : i32
        %add3A_394 = arith.addi %mul3A_392, %add3A_393 : i32
        %get3A_395 = arith.constant 0 : i32
        %get3A_396 = arith.index_cast %get3A_395 : i32 to index
        %get3A_397 = arith.index_cast %scan3A_342 : i32 to index
        %get3A_398 = arith.index_cast %add3A_394 : i32 to index
        %get3A_399 = tpu.vector_load %arg6[%get3A_396, %get3A_397, %get3A_398] {strides = array<i32>} : memref<2x16x2048xf32, #tpu.memory_space<vmem>>, vector<1x1x16xf32>,
        %get3A_400 = vector.shape_cast %get3A_399 : vector<1x1x16xf32> to vector<16xf32>
        %broadcast_in_dim3A_401 = arith.constant 1 : i32
        %broadcast_in_dim3A_402 = vector.broadcast %broadcast_in_dim3A_401 : i32 to vector<16xi32>
        %broadcast_in_dim3A_403 = vector.shape_cast %broadcast_in_dim3A_402 : vector<16xi32> to vector<16x1xi32>
        %gather3A_404 = vector.shape_cast %broadcast_in_dim3A_403 : vector<16x1xi32> to vector<16xi32>
        %gather3A_405 = tpu.dynamic_gather %get3A_370[%gather3A_404] in [0] : vector<16xf32>, vector<16xi32> -> vector<16xf32>
        %mul3A_406 = arith.mulf %gather3A_405, %get3A_400 : vector<16xf32>
        %add3A_407 = arith.addf %scan3A_363, %mul3A_406 : vector<16xf32>
        %mul3A_408 = arith.constant 16 : i32
        %mul3A_409 = arith.muli %scan3A_361, %mul3A_408 : i32
        %mul3A_410 = arith.constant 16 : i32
        %mul3A_411 = arith.muli %mul3A_409, %mul3A_410 : i32
        %add3A_412 = arith.constant 32 : i32
        %add3A_413 = arith.addi %mul3A_411, %add3A_412 : i32
        %get3A_414 = arith.constant 0 : i32
        %get3A_415 = arith.index_cast %get3A_414 : i32 to index
        %get3A_416 = arith.index_cast %scan3A_342 : i32 to index
        %get3A_417 = arith.index_cast %add3A_413 : i32 to index
        %get3A_418 = tpu.vector_load %arg6[%get3A_415, %get3A_416, %get3A_417] {strides = array<i32>} : memref<2x16x2048xf32, #tpu.memory_space<vmem>>, vector<1x1x16xf32>,
        %get3A_419 = vector.shape_cast %get3A_418 : vector<1x1x16xf32> to vector<16xf32>
        %broadcast_in_dim3A_420 = arith.constant 2 : i32
        %broadcast_in_dim3A_421 = vector.broadcast %broadcast_in_dim3A_420 : i32 to vector<16xi32>
        %broadcast_in_dim3A_422 = vector.shape_cast %broadcast_in_dim3A_421 : vector<16xi32> to vector<16x1xi32>
        %gather3A_423 = vector.shape_cast %broadcast_in_dim3A_422 : vector<16x1xi32> to vector<16xi32>
        %gather3A_424 = tpu.dynamic_gather %get3A_370[%gather3A_423] in [0] : vector<16xf32>, vector<16xi32> -> vector<16xf32>
        %mul3A_425 = arith.mulf %gather3A_424, %get3A_419 : vector<16xf32>
        %add3A_426 = arith.addf %scan3A_364, %mul3A_425 : vector<16xf32>
        %mul3A_427 = arith.constant 16 : i32
        %mul3A_428 = arith.muli %scan3A_361, %mul3A_427 : i32
        %mul3A_429 = arith.constant 16 : i32
        %mul3A_430 = arith.muli %mul3A_428, %mul3A_429 : i32
        %add3A_431 = arith.constant 48 : i32
        %add3A_432 = arith.addi %mul3A_430, %add3A_431 : i32
        %get3A_433 = arith.constant 0 : i32
        %get3A_434 = arith.index_cast %get3A_433 : i32 to index
        %get3A_435 = arith.index_cast %scan3A_342 : i32 to index
        %get3A_436 = arith.index_cast %add3A_432 : i32 to index
        %get3A_437 = tpu.vector_load %arg6[%get3A_434, %get3A_435, %get3A_436] {strides = array<i32>} : memref<2x16x2048xf32, #tpu.memory_space<vmem>>, vector<1x1x16xf32>,
        %get3A_438 = vector.shape_cast %get3A_437 : vector<1x1x16xf32> to vector<16xf32>
        %broadcast_in_dim3A_439 = arith.constant 3 : i32
        %broadcast_in_dim3A_440 = vector.broadcast %broadcast_in_dim3A_439 : i32 to vector<16xi32>
        %broadcast_in_dim3A_441 = vector.shape_cast %broadcast_in_dim3A_440 : vector<16xi32> to vector<16x1xi32>
        %gather3A_442 = vector.shape_cast %broadcast_in_dim3A_441 : vector<16x1xi32> to vector<16xi32>
        %gather3A_443 = tpu.dynamic_gather %get3A_370[%gather3A_442] in [0] : vector<16xf32>, vector<16xi32> -> vector<16xf32>
        %mul3A_444 = arith.mulf %gather3A_443, %get3A_438 : vector<16xf32>
        %add3A_445 = arith.addf %scan3A_365, %mul3A_444 : vector<16xf32>
        %mul3A_446 = arith.constant 16 : i32
        %mul3A_447 = arith.muli %scan3A_361, %mul3A_446 : i32
        %mul3A_448 = arith.constant 16 : i32
        %mul3A_449 = arith.muli %mul3A_447, %mul3A_448 : i32
        %add3A_450 = arith.constant 64 : i32
        %add3A_451 = arith.addi %mul3A_449, %add3A_450 : i32
        %get3A_452 = arith.constant 0 : i32
        %get3A_453 = arith.index_cast %get3A_452 : i32 to index
        %get3A_454 = arith.index_cast %scan3A_342 : i32 to index
        %get3A_455 = arith.index_cast %add3A_451 : i32 to index
        %get3A_456 = tpu.vector_load %arg6[%get3A_453, %get3A_454, %get3A_455] {strides = array<i32>} : memref<2x16x2048xf32, #tpu.memory_space<vmem>>, vector<1x1x16xf32>,
        %get3A_457 = vector.shape_cast %get3A_456 : vector<1x1x16xf32> to vector<16xf32>
        %broadcast_in_dim3A_458 = arith.constant 4 : i32
        %broadcast_in_dim3A_459 = vector.broadcast %broadcast_in_dim3A_458 : i32 to vector<16xi32>
        %broadcast_in_dim3A_460 = vector.shape_cast %broadcast_in_dim3A_459 : vector<16xi32> to vector<16x1xi32>
        %gather3A_461 = vector.shape_cast %broadcast_in_dim3A_460 : vector<16x1xi32> to vector<16xi32>
        %gather3A_462 = tpu.dynamic_gather %get3A_370[%gather3A_461] in [0] : vector<16xf32>, vector<16xi32> -> vector<16xf32>
        %mul3A_463 = arith.mulf %gather3A_462, %get3A_457 : vector<16xf32>
        %add3A_464 = arith.addf %add3A_388, %mul3A_463 : vector<16xf32>
        %mul3A_465 = arith.constant 16 : i32
        %mul3A_466 = arith.muli %scan3A_361, %mul3A_465 : i32
        %mul3A_467 = arith.constant 16 : i32
        %mul3A_468 = arith.muli %mul3A_466, %mul3A_467 : i32
        %add3A_469 = arith.constant 80 : i32
        %add3A_470 = arith.addi %mul3A_468, %add3A_469 : i32
        %get3A_471 = arith.constant 0 : i32
        %get3A_472 = arith.index_cast %get3A_471 : i32 to index
        %get3A_473 = arith.index_cast %scan3A_342 : i32 to index
        %get3A_474 = arith.index_cast %add3A_470 : i32 to index
        %get3A_475 = tpu.vector_load %arg6[%get3A_472, %get3A_473, %get3A_474] {strides = array<i32>} : memref<2x16x2048xf32, #tpu.memory_space<vmem>>, vector<1x1x16xf32>,
        %get3A_476 = vector.shape_cast %get3A_475 : vector<1x1x16xf32> to vector<16xf32>
        %broadcast_in_dim3A_477 = arith.constant 5 : i32
        %broadcast_in_dim3A_478 = vector.broadcast %broadcast_in_dim3A_477 : i32 to vector<16xi32>
        %broadcast_in_dim3A_479 = vector.shape_cast %broadcast_in_dim3A_478 : vector<16xi32> to vector<16x1xi32>
        %gather3A_480 = vector.shape_cast %broadcast_in_dim3A_479 : vector<16x1xi32> to vector<16xi32>
        %gather3A_481 = tpu.dynamic_gather %get3A_370[%gather3A_480] in [0] : vector<16xf32>, vector<16xi32> -> vector<16xf32>
        %mul3A_482 = arith.mulf %gather3A_481, %get3A_476 : vector<16xf32>
        %add3A_483 = arith.addf %add3A_407, %mul3A_482 : vector<16xf32>
        %mul3A_484 = arith.constant 16 : i32
        %mul3A_485 = arith.muli %scan3A_361, %mul3A_484 : i32
        %mul3A_486 = arith.constant 16 : i32
        %mul3A_487 = arith.muli %mul3A_485, %mul3A_486 : i32
        %add3A_488 = arith.constant 96 : i32
        %add3A_489 = arith.addi %mul3A_487, %add3A_488 : i32
        %get3A_490 = arith.constant 0 : i32
        %get3A_491 = arith.index_cast %get3A_490 : i32 to index
        %get3A_492 = arith.index_cast %scan3A_342 : i32 to index
        %get3A_493 = arith.index_cast %add3A_489 : i32 to index
        %get3A_494 = tpu.vector_load %arg6[%get3A_491, %get3A_492, %get3A_493] {strides = array<i32>} : memref<2x16x2048xf32, #tpu.memory_space<vmem>>, vector<1x1x16xf32>,
        %get3A_495 = vector.shape_cast %get3A_494 : vector<1x1x16xf32> to vector<16xf32>
        %broadcast_in_dim3A_496 = arith.constant 6 : i32
        %broadcast_in_dim3A_497 = vector.broadcast %broadcast_in_dim3A_496 : i32 to vector<16xi32>
        %broadcast_in_dim3A_498 = vector.shape_cast %broadcast_in_dim3A_497 : vector<16xi32> to vector<16x1xi32>
        %gather3A_499 = vector.shape_cast %broadcast_in_dim3A_498 : vector<16x1xi32> to vector<16xi32>
        %gather3A_500 = tpu.dynamic_gather %get3A_370[%gather3A_499] in [0] : vector<16xf32>, vector<16xi32> -> vector<16xf32>
        %mul3A_501 = arith.mulf %gather3A_500, %get3A_495 : vector<16xf32>
        %add3A_502 = arith.addf %add3A_426, %mul3A_501 : vector<16xf32>
        %mul3A_503 = arith.constant 16 : i32
        %mul3A_504 = arith.muli %scan3A_361, %mul3A_503 : i32
        %mul3A_505 = arith.constant 16 : i32
        %mul3A_506 = arith.muli %mul3A_504, %mul3A_505 : i32
        %add3A_507 = arith.constant 112 : i32
        %add3A_508 = arith.addi %mul3A_506, %add3A_507 : i32
        %get3A_509 = arith.constant 0 : i32
        %get3A_510 = arith.index_cast %get3A_509 : i32 to index
        %get3A_511 = arith.index_cast %scan3A_342 : i32 to index
        %get3A_512 = arith.index_cast %add3A_508 : i32 to index
        %get3A_513 = tpu.vector_load %arg6[%get3A_510, %get3A_511, %get3A_512] {strides = array<i32>} : memref<2x16x2048xf32, #tpu.memory_space<vmem>>, vector<1x1x16xf32>,
        %get3A_514 = vector.shape_cast %get3A_513 : vector<1x1x16xf32> to vector<16xf32>
        %broadcast_in_dim3A_515 = arith.constant 7 : i32
        %broadcast_in_dim3A_516 = vector.broadcast %broadcast_in_dim3A_515 : i32 to vector<16xi32>
        %broadcast_in_dim3A_517 = vector.shape_cast %broadcast_in_dim3A_516 : vector<16xi32> to vector<16x1xi32>
        %gather3A_518 = vector.shape_cast %broadcast_in_dim3A_517 : vector<16x1xi32> to vector<16xi32>
        %gather3A_519 = tpu.dynamic_gather %get3A_370[%gather3A_518] in [0] : vector<16xf32>, vector<16xi32> -> vector<16xf32>
        %mul3A_520 = arith.mulf %gather3A_519, %get3A_514 : vector<16xf32>
        %add3A_521 = arith.addf %add3A_445, %mul3A_520 : vector<16xf32>
        %mul3A_522 = arith.constant 16 : i32
        %mul3A_523 = arith.muli %scan3A_361, %mul3A_522 : i32
        %mul3A_524 = arith.constant 16 : i32
        %mul3A_525 = arith.muli %mul3A_523, %mul3A_524 : i32
        %add3A_526 = arith.constant 128 : i32
        %add3A_527 = arith.addi %mul3A_525, %add3A_526 : i32
        %get3A_528 = arith.constant 0 : i32
        %get3A_529 = arith.index_cast %get3A_528 : i32 to index
        %get3A_530 = arith.index_cast %scan3A_342 : i32 to index
        %get3A_531 = arith.index_cast %add3A_527 : i32 to index
        %get3A_532 = tpu.vector_load %arg6[%get3A_529, %get3A_530, %get3A_531] {strides = array<i32>} : memref<2x16x2048xf32, #tpu.memory_space<vmem>>, vector<1x1x16xf32>,
        %get3A_533 = vector.shape_cast %get3A_532 : vector<1x1x16xf32> to vector<16xf32>
        %broadcast_in_dim3A_534 = arith.constant 8 : i32
        %broadcast_in_dim3A_535 = vector.broadcast %broadcast_in_dim3A_534 : i32 to vector<16xi32>
        %broadcast_in_dim3A_536 = vector.shape_cast %broadcast_in_dim3A_535 : vector<16xi32> to vector<16x1xi32>
        %gather3A_537 = vector.shape_cast %broadcast_in_dim3A_536 : vector<16x1xi32> to vector<16xi32>
        %gather3A_538 = tpu.dynamic_gather %get3A_370[%gather3A_537] in [0] : vector<16xf32>, vector<16xi32> -> vector<16xf32>
        %mul3A_539 = arith.mulf %gather3A_538, %get3A_533 : vector<16xf32>
        %add3A_540 = arith.addf %add3A_464, %mul3A_539 : vector<16xf32>
        %mul3A_541 = arith.constant 16 : i32
        %mul3A_542 = arith.muli %scan3A_361, %mul3A_541 : i32
        %mul3A_543 = arith.constant 16 : i32
        %mul3A_544 = arith.muli %mul3A_542, %mul3A_543 : i32
        %add3A_545 = arith.constant 144 : i32
        %add3A_546 = arith.addi %mul3A_544, %add3A_545 : i32
        %get3A_547 = arith.constant 0 : i32
        %get3A_548 = arith.index_cast %get3A_547 : i32 to index
        %get3A_549 = arith.index_cast %scan3A_342 : i32 to index
        %get3A_550 = arith.index_cast %add3A_546 : i32 to index
        %get3A_551 = tpu.vector_load %arg6[%get3A_548, %get3A_549, %get3A_550] {strides = array<i32>} : memref<2x16x2048xf32, #tpu.memory_space<vmem>>, vector<1x1x16xf32>,
        %get3A_552 = vector.shape_cast %get3A_551 : vector<1x1x16xf32> to vector<16xf32>
        %broadcast_in_dim3A_553 = arith.constant 9 : i32
        %broadcast_in_dim3A_554 = vector.broadcast %broadcast_in_dim3A_553 : i32 to vector<16xi32>
        %broadcast_in_dim3A_555 = vector.shape_cast %broadcast_in_dim3A_554 : vector<16xi32> to vector<16x1xi32>
        %gather3A_556 = vector.shape_cast %broadcast_in_dim3A_555 : vector<16x1xi32> to vector<16xi32>
        %gather3A_557 = tpu.dynamic_gather %get3A_370[%gather3A_556] in [0] : vector<16xf32>, vector<16xi32> -> vector<16xf32>
        %mul3A_558 = arith.mulf %gather3A_557, %get3A_552 : vector<16xf32>
        %add3A_559 = arith.addf %add3A_483, %mul3A_558 : vector<16xf32>
        %mul3A_560 = arith.constant 16 : i32
        %mul3A_561 = arith.muli %scan3A_361, %mul3A_560 : i32
        %mul3A_562 = arith.constant 16 : i32
        %mul3A_563 = arith.muli %mul3A_561, %mul3A_562 : i32
        %add3A_564 = arith.constant 160 : i32
        %add3A_565 = arith.addi %mul3A_563, %add3A_564 : i32
        %get3A_566 = arith.constant 0 : i32
        %get3A_567 = arith.index_cast %get3A_566 : i32 to index
        %get3A_568 = arith.index_cast %scan3A_342 : i32 to index
        %get3A_569 = arith.index_cast %add3A_565 : i32 to index
        %get3A_570 = tpu.vector_load %arg6[%get3A_567, %get3A_568, %get3A_569] {strides = array<i32>} : memref<2x16x2048xf32, #tpu.memory_space<vmem>>, vector<1x1x16xf32>,
        %get3A_571 = vector.shape_cast %get3A_570 : vector<1x1x16xf32> to vector<16xf32>
        %broadcast_in_dim3A_572 = arith.constant 10 : i32
        %broadcast_in_dim3A_573 = vector.broadcast %broadcast_in_dim3A_572 : i32 to vector<16xi32>
        %broadcast_in_dim3A_574 = vector.shape_cast %broadcast_in_dim3A_573 : vector<16xi32> to vector<16x1xi32>
        %gather3A_575 = vector.shape_cast %broadcast_in_dim3A_574 : vector<16x1xi32> to vector<16xi32>
        %gather3A_576 = tpu.dynamic_gather %get3A_370[%gather3A_575] in [0] : vector<16xf32>, vector<16xi32> -> vector<16xf32>
        %mul3A_577 = arith.mulf %gather3A_576, %get3A_571 : vector<16xf32>
        %add3A_578 = arith.addf %add3A_502, %mul3A_577 : vector<16xf32>
        %mul3A_579 = arith.constant 16 : i32
        %mul3A_580 = arith.muli %scan3A_361, %mul3A_579 : i32
        %mul3A_581 = arith.constant 16 : i32
        %mul3A_582 = arith.muli %mul3A_580, %mul3A_581 : i32
        %add3A_583 = arith.constant 176 : i32
        %add3A_584 = arith.addi %mul3A_582, %add3A_583 : i32
        %get3A_585 = arith.constant 0 : i32
        %get3A_586 = arith.index_cast %get3A_585 : i32 to index
        %get3A_587 = arith.index_cast %scan3A_342 : i32 to index
        %get3A_588 = arith.index_cast %add3A_584 : i32 to index
        %get3A_589 = tpu.vector_load %arg6[%get3A_586, %get3A_587, %get3A_588] {strides = array<i32>} : memref<2x16x2048xf32, #tpu.memory_space<vmem>>, vector<1x1x16xf32>,
        %get3A_590 = vector.shape_cast %get3A_589 : vector<1x1x16xf32> to vector<16xf32>
        %broadcast_in_dim3A_591 = arith.constant 11 : i32
        %broadcast_in_dim3A_592 = vector.broadcast %broadcast_in_dim3A_591 : i32 to vector<16xi32>
        %broadcast_in_dim3A_593 = vector.shape_cast %broadcast_in_dim3A_592 : vector<16xi32> to vector<16x1xi32>
        %gather3A_594 = vector.shape_cast %broadcast_in_dim3A_593 : vector<16x1xi32> to vector<16xi32>
        %gather3A_595 = tpu.dynamic_gather %get3A_370[%gather3A_594] in [0] : vector<16xf32>, vector<16xi32> -> vector<16xf32>
        %mul3A_596 = arith.mulf %gather3A_595, %get3A_590 : vector<16xf32>
        %add3A_597 = arith.addf %add3A_521, %mul3A_596 : vector<16xf32>
        %mul3A_598 = arith.constant 16 : i32
        %mul3A_599 = arith.muli %scan3A_361, %mul3A_598 : i32
        %mul3A_600 = arith.constant 16 : i32
        %mul3A_601 = arith.muli %mul3A_599, %mul3A_600 : i32
        %add3A_602 = arith.constant 192 : i32
        %add3A_603 = arith.addi %mul3A_601, %add3A_602 : i32
        %get3A_604 = arith.constant 0 : i32
        %get3A_605 = arith.index_cast %get3A_604 : i32 to index
        %get3A_606 = arith.index_cast %scan3A_342 : i32 to index
        %get3A_607 = arith.index_cast %add3A_603 : i32 to index
        %get3A_608 = tpu.vector_load %arg6[%get3A_605, %get3A_606, %get3A_607] {strides = array<i32>} : memref<2x16x2048xf32, #tpu.memory_space<vmem>>, vector<1x1x16xf32>,
        %get3A_609 = vector.shape_cast %get3A_608 : vector<1x1x16xf32> to vector<16xf32>
        %broadcast_in_dim3A_610 = arith.constant 12 : i32
        %broadcast_in_dim3A_611 = vector.broadcast %broadcast_in_dim3A_610 : i32 to vector<16xi32>
        %broadcast_in_dim3A_612 = vector.shape_cast %broadcast_in_dim3A_611 : vector<16xi32> to vector<16x1xi32>
        %gather3A_613 = vector.shape_cast %broadcast_in_dim3A_612 : vector<16x1xi32> to vector<16xi32>
        %gather3A_614 = tpu.dynamic_gather %get3A_370[%gather3A_613] in [0] : vector<16xf32>, vector<16xi32> -> vector<16xf32>
        %mul3A_615 = arith.mulf %gather3A_614, %get3A_609 : vector<16xf32>
        %add3A_616 = arith.addf %add3A_540, %mul3A_615 : vector<16xf32>
        %mul3A_617 = arith.constant 16 : i32
        %mul3A_618 = arith.muli %scan3A_361, %mul3A_617 : i32
        %mul3A_619 = arith.constant 16 : i32
        %mul3A_620 = arith.muli %mul3A_618, %mul3A_619 : i32
        %add3A_621 = arith.constant 208 : i32
        %add3A_622 = arith.addi %mul3A_620, %add3A_621 : i32
        %get3A_623 = arith.constant 0 : i32
        %get3A_624 = arith.index_cast %get3A_623 : i32 to index
        %get3A_625 = arith.index_cast %scan3A_342 : i32 to index
        %get3A_626 = arith.index_cast %add3A_622 : i32 to index
        %get3A_627 = tpu.vector_load %arg6[%get3A_624, %get3A_625, %get3A_626] {strides = array<i32>} : memref<2x16x2048xf32, #tpu.memory_space<vmem>>, vector<1x1x16xf32>,
        %get3A_628 = vector.shape_cast %get3A_627 : vector<1x1x16xf32> to vector<16xf32>
        %broadcast_in_dim3A_629 = arith.constant 13 : i32
        %broadcast_in_dim3A_630 = vector.broadcast %broadcast_in_dim3A_629 : i32 to vector<16xi32>
        %broadcast_in_dim3A_631 = vector.shape_cast %broadcast_in_dim3A_630 : vector<16xi32> to vector<16x1xi32>
        %gather3A_632 = vector.shape_cast %broadcast_in_dim3A_631 : vector<16x1xi32> to vector<16xi32>
        %gather3A_633 = tpu.dynamic_gather %get3A_370[%gather3A_632] in [0] : vector<16xf32>, vector<16xi32> -> vector<16xf32>
        %mul3A_634 = arith.mulf %gather3A_633, %get3A_628 : vector<16xf32>
        %add3A_635 = arith.addf %add3A_559, %mul3A_634 : vector<16xf32>
        %mul3A_636 = arith.constant 16 : i32
        %mul3A_637 = arith.muli %scan3A_361, %mul3A_636 : i32
        %mul3A_638 = arith.constant 16 : i32
        %mul3A_639 = arith.muli %mul3A_637, %mul3A_638 : i32
        %add3A_640 = arith.constant 224 : i32
        %add3A_641 = arith.addi %mul3A_639, %add3A_640 : i32
        %get3A_642 = arith.constant 0 : i32
        %get3A_643 = arith.index_cast %get3A_642 : i32 to index
        %get3A_644 = arith.index_cast %scan3A_342 : i32 to index
        %get3A_645 = arith.index_cast %add3A_641 : i32 to index
        %get3A_646 = tpu.vector_load %arg6[%get3A_643, %get3A_644, %get3A_645] {strides = array<i32>} : memref<2x16x2048xf32, #tpu.memory_space<vmem>>, vector<1x1x16xf32>,
        %get3A_647 = vector.shape_cast %get3A_646 : vector<1x1x16xf32> to vector<16xf32>
        %broadcast_in_dim3A_648 = arith.constant 14 : i32
        %broadcast_in_dim3A_649 = vector.broadcast %broadcast_in_dim3A_648 : i32 to vector<16xi32>
        %broadcast_in_dim3A_650 = vector.shape_cast %broadcast_in_dim3A_649 : vector<16xi32> to vector<16x1xi32>
        %gather3A_651 = vector.shape_cast %broadcast_in_dim3A_650 : vector<16x1xi32> to vector<16xi32>
        %gather3A_652 = tpu.dynamic_gather %get3A_370[%gather3A_651] in [0] : vector<16xf32>, vector<16xi32> -> vector<16xf32>
        %mul3A_653 = arith.mulf %gather3A_652, %get3A_647 : vector<16xf32>
        %add3A_654 = arith.addf %add3A_578, %mul3A_653 : vector<16xf32>
        %mul3A_655 = arith.constant 16 : i32
        %mul3A_656 = arith.muli %scan3A_361, %mul3A_655 : i32
        %mul3A_657 = arith.constant 16 : i32
        %mul3A_658 = arith.muli %mul3A_656, %mul3A_657 : i32
        %add3A_659 = arith.constant 240 : i32
        %add3A_660 = arith.addi %mul3A_658, %add3A_659 : i32
        %get3A_661 = arith.constant 0 : i32
        %get3A_662 = arith.index_cast %get3A_661 : i32 to index
        %get3A_663 = arith.index_cast %scan3A_342 : i32 to index
        %get3A_664 = arith.index_cast %add3A_660 : i32 to index
        %get3A_665 = tpu.vector_load %arg6[%get3A_662, %get3A_663, %get3A_664] {strides = array<i32>} : memref<2x16x2048xf32, #tpu.memory_space<vmem>>, vector<1x1x16xf32>,
        %get3A_666 = vector.shape_cast %get3A_665 : vector<1x1x16xf32> to vector<16xf32>
        %broadcast_in_dim3A_667 = arith.constant 15 : i32
        %broadcast_in_dim3A_668 = vector.broadcast %broadcast_in_dim3A_667 : i32 to vector<16xi32>
        %broadcast_in_dim3A_669 = vector.shape_cast %broadcast_in_dim3A_668 : vector<16xi32> to vector<16x1xi32>
        %gather3A_670 = vector.shape_cast %broadcast_in_dim3A_669 : vector<16x1xi32> to vector<16xi32>
        %gather3A_671 = tpu.dynamic_gather %get3A_370[%gather3A_670] in [0] : vector<16xf32>, vector<16xi32> -> vector<16xf32>
        %mul3A_672 = arith.mulf %gather3A_671, %get3A_666 : vector<16xf32>
        %add3A_673 = arith.addf %add3A_597, %mul3A_672 : vector<16xf32>
        scf.yield %add3A_616, %add3A_635, %add3A_654, %add3A_673 : vector<16xf32>, vector<16xf32>, vector<16xf32>, vector<16xf32>
      }
      %scan3A_352 = arith.constant 8 : i32
      %add3A_353 = arith.addf %scan3A_351#0, %scan3A_351#1 : vector<16xf32>
      %add3A_354 = arith.addf %scan3A_351#2, %scan3A_351#3 : vector<16xf32>
      %add3A_355 = arith.addf %add3A_353, %add3A_354 : vector<16xf32>
      %swap3A = arith.index_cast %add3A_345 : i32 to index
      %swap3A_356 = arith.constant 0 : index
      %swap3A_357 = tpu.vector_load %arg7[%swap3A, %swap3A_356] {strides = array<i32>} : memref<128x16xf32, #tpu.memory_space<vmem>>, vector<1x16xf32>,
      %swap3A_358 = vector.shape_cast %swap3A_357 : vector<1x16xf32> to vector<16xf32>
      %swap3A_359 = vector.shape_cast %add3A_355 : vector<16xf32> to vector<1x16xf32>
      tpu.vector_store %arg7[%swap3A, %swap3A_356], %swap3A_359 {strides = array<i32>} : memref<128x16xf32, #tpu.memory_space<vmem>>, vector<1x16xf32>,
      %scan3A_360 = arith.constant 0 : i32
      scf.yield %scan3A_360 : i32
    }
    %scan3A_235 = arith.constant 16 : i32
    %dma_start3A_236 = arith.constant 0 : i32
    %dma_start3A_237 = arith.constant 0 : i32
    %dma_start3A_238 = arith.constant 0 : i32
    %dma_start3A_239 = tpu.memref_slice %arg6[%dma_start3A_236, %dma_start3A_237, %dma_start3A_238] : memref<2x16x2048xf32, #tpu.memory_space<vmem>> -> memref<1x16x2048xf32, #tpu.memory_space<vmem>>
    %dma_start3A_240 = tpu.memref_squeeze %dma_start3A_239 : memref<1x16x2048xf32, #tpu.memory_space<vmem>> -> memref<16x2048xf32, #tpu.memory_space<vmem>>
    %dma_start3A_241 = arith.constant 96 : i32
    %dma_start3A_242 = arith.constant 0 : i32
    %dma_start3A_243 = tpu.memref_slice %arg3[%add3A, %dma_start3A_241, %dma_start3A_242] : memref<32x128x2048xf32, #tpu.memory_space<hbm>> -> memref<1x16x2048xf32, #tpu.memory_space<hbm>>
    %dma_start3A_244 = tpu.memref_squeeze %dma_start3A_243 : memref<1x16x2048xf32, #tpu.memory_space<hbm>> -> memref<16x2048xf32, #tpu.memory_space<hbm>>
    %dma_start3A_245 = arith.constant 0 : i32
    %dma_start3A_246 = arith.constant 0 : i32
    %dma_start3A_247 = tpu.memref_slice %arg6[%dma_start3A_236, %dma_start3A_245, %dma_start3A_246] : memref<2x16x2048xf32, #tpu.memory_space<vmem>> -> memref<1x16x2048xf32, #tpu.memory_space<vmem>>
    %dma_start3A_248 = tpu.memref_squeeze %dma_start3A_247 : memref<1x16x2048xf32, #tpu.memory_space<vmem>> -> memref<16x2048xf32, #tpu.memory_space<vmem>>
    %dma_start3A_249 = arith.constant 96 : i32
    %dma_start3A_250 = arith.constant 0 : i32
    %dma_start3A_251 = tpu.memref_slice %arg3[%add3A, %dma_start3A_249, %dma_start3A_250] : memref<32x128x2048xf32, #tpu.memory_space<hbm>> -> memref<1x16x2048xf32, #tpu.memory_space<hbm>>
    %dma_start3A_252 = tpu.memref_squeeze %dma_start3A_251 : memref<1x16x2048xf32, #tpu.memory_space<hbm>> -> memref<16x2048xf32, #tpu.memory_space<hbm>>
    tpu.enqueue_dma source(%dma_start3A_252 : memref<16x2048xf32, #tpu.memory_space<hbm>>) target(%dma_start3A_248 : memref<16x2048xf32, #tpu.memory_space<vmem>>) target_semaphore(%arg9 : memref<!tpu.dma_semaphore, #tpu.memory_space<semaphore_mem>>)
    %dma_wait3A_253 = arith.constant 1 : i32
    %dma_wait3A_254 = arith.constant 0 : i32
    %dma_wait3A_255 = arith.constant 0 : i32
    %dma_wait3A_256 = tpu.memref_slice %arg6[%dma_wait3A_253, %dma_wait3A_254, %dma_wait3A_255] : memref<2x16x2048xf32, #tpu.memory_space<vmem>> -> memref<1x16x2048xf32, #tpu.memory_space<vmem>>
    %dma_wait3A_257 = tpu.memref_squeeze %dma_wait3A_256 : memref<1x16x2048xf32, #tpu.memory_space<vmem>> -> memref<16x2048xf32, #tpu.memory_space<vmem>>
    %dma_wait3A_258 = arith.constant 80 : i32
    %dma_wait3A_259 = arith.constant 0 : i32
    %dma_wait3A_260 = tpu.memref_slice %arg3[%add3A, %dma_wait3A_258, %dma_wait3A_259] : memref<32x128x2048xf32, #tpu.memory_space<hbm>> -> memref<1x16x2048xf32, #tpu.memory_space<hbm>>
    %dma_wait3A_261 = tpu.memref_squeeze %dma_wait3A_260 : memref<1x16x2048xf32, #tpu.memory_space<hbm>> -> memref<16x2048xf32, #tpu.memory_space<hbm>>
    %dma_wait3A_262 = arith.constant 0 : i32
    %dma_wait3A_263 = arith.constant 0 : i32
    %dma_wait3A_264 = tpu.memref_slice %arg6[%dma_wait3A_253, %dma_wait3A_262, %dma_wait3A_263] : memref<2x16x2048xf32, #tpu.memory_space<vmem>> -> memref<1x16x2048xf32, #tpu.memory_space<vmem>>
    %dma_wait3A_265 = tpu.memref_squeeze %dma_wait3A_264 : memref<1x16x2048xf32, #tpu.memory_space<vmem>> -> memref<16x2048xf32, #tpu.memory_space<vmem>>
    %dma_wait3A_266 = arith.constant 80 : i32
    %dma_wait3A_267 = arith.constant 0 : i32
    %dma_wait3A_268 = tpu.memref_slice %arg3[%add3A, %dma_wait3A_266, %dma_wait3A_267] : memref<32x128x2048xf32, #tpu.memory_space<hbm>> -> memref<1x16x2048xf32, #tpu.memory_space<hbm>>
    %dma_wait3A_269 = tpu.memref_squeeze %dma_wait3A_268 : memref<1x16x2048xf32, #tpu.memory_space<hbm>> -> memref<16x2048xf32, #tpu.memory_space<hbm>>
    tpu.wait_dma2 semaphore(%arg10 : memref<!tpu.dma_semaphore, #tpu.memory_space<semaphore_mem>>) src(%dma_wait3A_269 : memref<16x2048xf32, #tpu.memory_space<hbm>>) dst(%dma_wait3A_265 : memref<16x2048xf32, #tpu.memory_space<vmem>>)
    %scan3A_270 = arith.constant 0 : i32
    %scan3A_271 = arith.constant 0 : i32
    %scan3A_272 = arith.constant 16 : i32
    %scan3A_273 = arith.addi %scan3A_271, %scan3A_272 : i32
    %scan3A_274 = arith.constant 1 : i32
    %scan3A_275 = scf.for %scan3A_342 = %scan3A_271 to %scan3A_273 step %scan3A_274 iter_args(%scan3A_343 = %scan3A_270) -> (i32)  : i32 {
      %add3A_344 = arith.constant 80 : i32
      %add3A_345 = arith.addi %add3A_344, %scan3A_342 : i32
      %broadcast_in_dim3A = arith.constant 0.000000e+00 : f32
      %broadcast_in_dim3A_346 = vector.broadcast %broadcast_in_dim3A : f32 to vector<16xf32>
      %scan3A_347 = arith.constant 0 : i32
      %scan3A_348 = arith.constant 8 : i32
      %scan3A_349 = arith.addi %scan3A_347, %scan3A_348 : i32
      %scan3A_350 = arith.constant 1 : i32
      %scan3A_351:4 = scf.for %scan3A_361 = %scan3A_347 to %scan3A_349 step %scan3A_350 iter_args(%scan3A_362 = %broadcast_in_dim3A_346, %scan3A_363 = %broadcast_in_dim3A_346, %scan3A_364 = %broadcast_in_dim3A_346, %scan3A_365 = %broadcast_in_dim3A_346) -> (vector<16xf32>, vector<16xf32>, vector<16xf32>, vector<16xf32>)  : i32 {
        %mul3A_366 = arith.constant 16 : i32
        %mul3A_367 = arith.muli %scan3A_361, %mul3A_366 : i32
        %get3A = arith.index_cast %add3A_345 : i32 to index
        %get3A_368 = arith.index_cast %mul3A_367 : i32 to index
        %get3A_369 = tpu.vector_load %arg5[%get3A, %get3A_368] {strides = array<i32>} : memref<128x128xf32, #tpu.memory_space<vmem>>, vector<1x16xf32>,
        %get3A_370 = vector.shape_cast %get3A_369 : vector<1x16xf32> to vector<16xf32>
        %mul3A_371 = arith.constant 16 : i32
        %mul3A_372 = arith.muli %scan3A_361, %mul3A_371 : i32
        %mul3A_373 = arith.constant 16 : i32
        %mul3A_374 = arith.muli %mul3A_372, %mul3A_373 : i32
        %add3A_375 = arith.constant 0 : i32
        %add3A_376 = arith.addi %mul3A_374, %add3A_375 : i32
        %get3A_377 = arith.constant 1 : i32
        %get3A_378 = arith.index_cast %get3A_377 : i32 to index
        %get3A_379 = arith.index_cast %scan3A_342 : i32 to index
        %get3A_380 = arith.index_cast %add3A_376 : i32 to index
        %get3A_381 = tpu.vector_load %arg6[%get3A_378, %get3A_379, %get3A_380] {strides = array<i32>} : memref<2x16x2048xf32, #tpu.memory_space<vmem>>, vector<1x1x16xf32>,
        %get3A_382 = vector.shape_cast %get3A_381 : vector<1x1x16xf32> to vector<16xf32>
        %broadcast_in_dim3A_383 = arith.constant 0 : i32
        %broadcast_in_dim3A_384 = vector.broadcast %broadcast_in_dim3A_383 : i32 to vector<16xi32>
        %broadcast_in_dim3A_385 = vector.shape_cast %broadcast_in_dim3A_384 : vector<16xi32> to vector<16x1xi32>
        %gather3A = vector.shape_cast %broadcast_in_dim3A_385 : vector<16x1xi32> to vector<16xi32>
        %gather3A_386 = tpu.dynamic_gather %get3A_370[%gather3A] in [0] : vector<16xf32>, vector<16xi32> -> vector<16xf32>
        %mul3A_387 = arith.mulf %gather3A_386, %get3A_382 : vector<16xf32>
        %add3A_388 = arith.addf %scan3A_362, %mul3A_387 : vector<16xf32>
        %mul3A_389 = arith.constant 16 : i32
        %mul3A_390 = arith.muli %scan3A_361, %mul3A_389 : i32
        %mul3A_391 = arith.constant 16 : i32
        %mul3A_392 = arith.muli %mul3A_390, %mul3A_391 : i32
        %add3A_393 = arith.constant 16 : i32
        %add3A_394 = arith.addi %mul3A_392, %add3A_393 : i32
        %get3A_395 = arith.constant 1 : i32
        %get3A_396 = arith.index_cast %get3A_395 : i32 to index
        %get3A_397 = arith.index_cast %scan3A_342 : i32 to index
        %get3A_398 = arith.index_cast %add3A_394 : i32 to index
        %get3A_399 = tpu.vector_load %arg6[%get3A_396, %get3A_397, %get3A_398] {strides = array<i32>} : memref<2x16x2048xf32, #tpu.memory_space<vmem>>, vector<1x1x16xf32>,
        %get3A_400 = vector.shape_cast %get3A_399 : vector<1x1x16xf32> to vector<16xf32>
        %broadcast_in_dim3A_401 = arith.constant 1 : i32
        %broadcast_in_dim3A_402 = vector.broadcast %broadcast_in_dim3A_401 : i32 to vector<16xi32>
        %broadcast_in_dim3A_403 = vector.shape_cast %broadcast_in_dim3A_402 : vector<16xi32> to vector<16x1xi32>
        %gather3A_404 = vector.shape_cast %broadcast_in_dim3A_403 : vector<16x1xi32> to vector<16xi32>
        %gather3A_405 = tpu.dynamic_gather %get3A_370[%gather3A_404] in [0] : vector<16xf32>, vector<16xi32> -> vector<16xf32>
        %mul3A_406 = arith.mulf %gather3A_405, %get3A_400 : vector<16xf32>
        %add3A_407 = arith.addf %scan3A_363, %mul3A_406 : vector<16xf32>
        %mul3A_408 = arith.constant 16 : i32
        %mul3A_409 = arith.muli %scan3A_361, %mul3A_408 : i32
        %mul3A_410 = arith.constant 16 : i32
        %mul3A_411 = arith.muli %mul3A_409, %mul3A_410 : i32
        %add3A_412 = arith.constant 32 : i32
        %add3A_413 = arith.addi %mul3A_411, %add3A_412 : i32
        %get3A_414 = arith.constant 1 : i32
        %get3A_415 = arith.index_cast %get3A_414 : i32 to index
        %get3A_416 = arith.index_cast %scan3A_342 : i32 to index
        %get3A_417 = arith.index_cast %add3A_413 : i32 to index
        %get3A_418 = tpu.vector_load %arg6[%get3A_415, %get3A_416, %get3A_417] {strides = array<i32>} : memref<2x16x2048xf32, #tpu.memory_space<vmem>>, vector<1x1x16xf32>,
        %get3A_419 = vector.shape_cast %get3A_418 : vector<1x1x16xf32> to vector<16xf32>
        %broadcast_in_dim3A_420 = arith.constant 2 : i32
        %broadcast_in_dim3A_421 = vector.broadcast %broadcast_in_dim3A_420 : i32 to vector<16xi32>
        %broadcast_in_dim3A_422 = vector.shape_cast %broadcast_in_dim3A_421 : vector<16xi32> to vector<16x1xi32>
        %gather3A_423 = vector.shape_cast %broadcast_in_dim3A_422 : vector<16x1xi32> to vector<16xi32>
        %gather3A_424 = tpu.dynamic_gather %get3A_370[%gather3A_423] in [0] : vector<16xf32>, vector<16xi32> -> vector<16xf32>
        %mul3A_425 = arith.mulf %gather3A_424, %get3A_419 : vector<16xf32>
        %add3A_426 = arith.addf %scan3A_364, %mul3A_425 : vector<16xf32>
        %mul3A_427 = arith.constant 16 : i32
        %mul3A_428 = arith.muli %scan3A_361, %mul3A_427 : i32
        %mul3A_429 = arith.constant 16 : i32
        %mul3A_430 = arith.muli %mul3A_428, %mul3A_429 : i32
        %add3A_431 = arith.constant 48 : i32
        %add3A_432 = arith.addi %mul3A_430, %add3A_431 : i32
        %get3A_433 = arith.constant 1 : i32
        %get3A_434 = arith.index_cast %get3A_433 : i32 to index
        %get3A_435 = arith.index_cast %scan3A_342 : i32 to index
        %get3A_436 = arith.index_cast %add3A_432 : i32 to index
        %get3A_437 = tpu.vector_load %arg6[%get3A_434, %get3A_435, %get3A_436] {strides = array<i32>} : memref<2x16x2048xf32, #tpu.memory_space<vmem>>, vector<1x1x16xf32>,
        %get3A_438 = vector.shape_cast %get3A_437 : vector<1x1x16xf32> to vector<16xf32>
        %broadcast_in_dim3A_439 = arith.constant 3 : i32
        %broadcast_in_dim3A_440 = vector.broadcast %broadcast_in_dim3A_439 : i32 to vector<16xi32>
        %broadcast_in_dim3A_441 = vector.shape_cast %broadcast_in_dim3A_440 : vector<16xi32> to vector<16x1xi32>
        %gather3A_442 = vector.shape_cast %broadcast_in_dim3A_441 : vector<16x1xi32> to vector<16xi32>
        %gather3A_443 = tpu.dynamic_gather %get3A_370[%gather3A_442] in [0] : vector<16xf32>, vector<16xi32> -> vector<16xf32>
        %mul3A_444 = arith.mulf %gather3A_443, %get3A_438 : vector<16xf32>
        %add3A_445 = arith.addf %scan3A_365, %mul3A_444 : vector<16xf32>
        %mul3A_446 = arith.constant 16 : i32
        %mul3A_447 = arith.muli %scan3A_361, %mul3A_446 : i32
        %mul3A_448 = arith.constant 16 : i32
        %mul3A_449 = arith.muli %mul3A_447, %mul3A_448 : i32
        %add3A_450 = arith.constant 64 : i32
        %add3A_451 = arith.addi %mul3A_449, %add3A_450 : i32
        %get3A_452 = arith.constant 1 : i32
        %get3A_453 = arith.index_cast %get3A_452 : i32 to index
        %get3A_454 = arith.index_cast %scan3A_342 : i32 to index
        %get3A_455 = arith.index_cast %add3A_451 : i32 to index
        %get3A_456 = tpu.vector_load %arg6[%get3A_453, %get3A_454, %get3A_455] {strides = array<i32>} : memref<2x16x2048xf32, #tpu.memory_space<vmem>>, vector<1x1x16xf32>,
        %get3A_457 = vector.shape_cast %get3A_456 : vector<1x1x16xf32> to vector<16xf32>
        %broadcast_in_dim3A_458 = arith.constant 4 : i32
        %broadcast_in_dim3A_459 = vector.broadcast %broadcast_in_dim3A_458 : i32 to vector<16xi32>
        %broadcast_in_dim3A_460 = vector.shape_cast %broadcast_in_dim3A_459 : vector<16xi32> to vector<16x1xi32>
        %gather3A_461 = vector.shape_cast %broadcast_in_dim3A_460 : vector<16x1xi32> to vector<16xi32>
        %gather3A_462 = tpu.dynamic_gather %get3A_370[%gather3A_461] in [0] : vector<16xf32>, vector<16xi32> -> vector<16xf32>
        %mul3A_463 = arith.mulf %gather3A_462, %get3A_457 : vector<16xf32>
        %add3A_464 = arith.addf %add3A_388, %mul3A_463 : vector<16xf32>
        %mul3A_465 = arith.constant 16 : i32
        %mul3A_466 = arith.muli %scan3A_361, %mul3A_465 : i32
        %mul3A_467 = arith.constant 16 : i32
        %mul3A_468 = arith.muli %mul3A_466, %mul3A_467 : i32
        %add3A_469 = arith.constant 80 : i32
        %add3A_470 = arith.addi %mul3A_468, %add3A_469 : i32
        %get3A_471 = arith.constant 1 : i32
        %get3A_472 = arith.index_cast %get3A_471 : i32 to index
        %get3A_473 = arith.index_cast %scan3A_342 : i32 to index
        %get3A_474 = arith.index_cast %add3A_470 : i32 to index
        %get3A_475 = tpu.vector_load %arg6[%get3A_472, %get3A_473, %get3A_474] {strides = array<i32>} : memref<2x16x2048xf32, #tpu.memory_space<vmem>>, vector<1x1x16xf32>,
        %get3A_476 = vector.shape_cast %get3A_475 : vector<1x1x16xf32> to vector<16xf32>
        %broadcast_in_dim3A_477 = arith.constant 5 : i32
        %broadcast_in_dim3A_478 = vector.broadcast %broadcast_in_dim3A_477 : i32 to vector<16xi32>
        %broadcast_in_dim3A_479 = vector.shape_cast %broadcast_in_dim3A_478 : vector<16xi32> to vector<16x1xi32>
        %gather3A_480 = vector.shape_cast %broadcast_in_dim3A_479 : vector<16x1xi32> to vector<16xi32>
        %gather3A_481 = tpu.dynamic_gather %get3A_370[%gather3A_480] in [0] : vector<16xf32>, vector<16xi32> -> vector<16xf32>
        %mul3A_482 = arith.mulf %gather3A_481, %get3A_476 : vector<16xf32>
        %add3A_483 = arith.addf %add3A_407, %mul3A_482 : vector<16xf32>
        %mul3A_484 = arith.constant 16 : i32
        %mul3A_485 = arith.muli %scan3A_361, %mul3A_484 : i32
        %mul3A_486 = arith.constant 16 : i32
        %mul3A_487 = arith.muli %mul3A_485, %mul3A_486 : i32
        %add3A_488 = arith.constant 96 : i32
        %add3A_489 = arith.addi %mul3A_487, %add3A_488 : i32
        %get3A_490 = arith.constant 1 : i32
        %get3A_491 = arith.index_cast %get3A_490 : i32 to index
        %get3A_492 = arith.index_cast %scan3A_342 : i32 to index
        %get3A_493 = arith.index_cast %add3A_489 : i32 to index
        %get3A_494 = tpu.vector_load %arg6[%get3A_491, %get3A_492, %get3A_493] {strides = array<i32>} : memref<2x16x2048xf32, #tpu.memory_space<vmem>>, vector<1x1x16xf32>,
        %get3A_495 = vector.shape_cast %get3A_494 : vector<1x1x16xf32> to vector<16xf32>
        %broadcast_in_dim3A_496 = arith.constant 6 : i32
        %broadcast_in_dim3A_497 = vector.broadcast %broadcast_in_dim3A_496 : i32 to vector<16xi32>
        %broadcast_in_dim3A_498 = vector.shape_cast %broadcast_in_dim3A_497 : vector<16xi32> to vector<16x1xi32>
        %gather3A_499 = vector.shape_cast %broadcast_in_dim3A_498 : vector<16x1xi32> to vector<16xi32>
        %gather3A_500 = tpu.dynamic_gather %get3A_370[%gather3A_499] in [0] : vector<16xf32>, vector<16xi32> -> vector<16xf32>
        %mul3A_501 = arith.mulf %gather3A_500, %get3A_495 : vector<16xf32>
        %add3A_502 = arith.addf %add3A_426, %mul3A_501 : vector<16xf32>
        %mul3A_503 = arith.constant 16 : i32
        %mul3A_504 = arith.muli %scan3A_361, %mul3A_503 : i32
        %mul3A_505 = arith.constant 16 : i32
        %mul3A_506 = arith.muli %mul3A_504, %mul3A_505 : i32
        %add3A_507 = arith.constant 112 : i32
        %add3A_508 = arith.addi %mul3A_506, %add3A_507 : i32
        %get3A_509 = arith.constant 1 : i32
        %get3A_510 = arith.index_cast %get3A_509 : i32 to index
        %get3A_511 = arith.index_cast %scan3A_342 : i32 to index
        %get3A_512 = arith.index_cast %add3A_508 : i32 to index
        %get3A_513 = tpu.vector_load %arg6[%get3A_510, %get3A_511, %get3A_512] {strides = array<i32>} : memref<2x16x2048xf32, #tpu.memory_space<vmem>>, vector<1x1x16xf32>,
        %get3A_514 = vector.shape_cast %get3A_513 : vector<1x1x16xf32> to vector<16xf32>
        %broadcast_in_dim3A_515 = arith.constant 7 : i32
        %broadcast_in_dim3A_516 = vector.broadcast %broadcast_in_dim3A_515 : i32 to vector<16xi32>
        %broadcast_in_dim3A_517 = vector.shape_cast %broadcast_in_dim3A_516 : vector<16xi32> to vector<16x1xi32>
        %gather3A_518 = vector.shape_cast %broadcast_in_dim3A_517 : vector<16x1xi32> to vector<16xi32>
        %gather3A_519 = tpu.dynamic_gather %get3A_370[%gather3A_518] in [0] : vector<16xf32>, vector<16xi32> -> vector<16xf32>
        %mul3A_520 = arith.mulf %gather3A_519, %get3A_514 : vector<16xf32>
        %add3A_521 = arith.addf %add3A_445, %mul3A_520 : vector<16xf32>
        %mul3A_522 = arith.constant 16 : i32
        %mul3A_523 = arith.muli %scan3A_361, %mul3A_522 : i32
        %mul3A_524 = arith.constant 16 : i32
        %mul3A_525 = arith.muli %mul3A_523, %mul3A_524 : i32
        %add3A_526 = arith.constant 128 : i32
        %add3A_527 = arith.addi %mul3A_525, %add3A_526 : i32
        %get3A_528 = arith.constant 1 : i32
        %get3A_529 = arith.index_cast %get3A_528 : i32 to index
        %get3A_530 = arith.index_cast %scan3A_342 : i32 to index
        %get3A_531 = arith.index_cast %add3A_527 : i32 to index
        %get3A_532 = tpu.vector_load %arg6[%get3A_529, %get3A_530, %get3A_531] {strides = array<i32>} : memref<2x16x2048xf32, #tpu.memory_space<vmem>>, vector<1x1x16xf32>,
        %get3A_533 = vector.shape_cast %get3A_532 : vector<1x1x16xf32> to vector<16xf32>
        %broadcast_in_dim3A_534 = arith.constant 8 : i32
        %broadcast_in_dim3A_535 = vector.broadcast %broadcast_in_dim3A_534 : i32 to vector<16xi32>
        %broadcast_in_dim3A_536 = vector.shape_cast %broadcast_in_dim3A_535 : vector<16xi32> to vector<16x1xi32>
        %gather3A_537 = vector.shape_cast %broadcast_in_dim3A_536 : vector<16x1xi32> to vector<16xi32>
        %gather3A_538 = tpu.dynamic_gather %get3A_370[%gather3A_537] in [0] : vector<16xf32>, vector<16xi32> -> vector<16xf32>
        %mul3A_539 = arith.mulf %gather3A_538, %get3A_533 : vector<16xf32>
        %add3A_540 = arith.addf %add3A_464, %mul3A_539 : vector<16xf32>
        %mul3A_541 = arith.constant 16 : i32
        %mul3A_542 = arith.muli %scan3A_361, %mul3A_541 : i32
        %mul3A_543 = arith.constant 16 : i32
        %mul3A_544 = arith.muli %mul3A_542, %mul3A_543 : i32
        %add3A_545 = arith.constant 144 : i32
        %add3A_546 = arith.addi %mul3A_544, %add3A_545 : i32
        %get3A_547 = arith.constant 1 : i32
        %get3A_548 = arith.index_cast %get3A_547 : i32 to index
        %get3A_549 = arith.index_cast %scan3A_342 : i32 to index
        %get3A_550 = arith.index_cast %add3A_546 : i32 to index
        %get3A_551 = tpu.vector_load %arg6[%get3A_548, %get3A_549, %get3A_550] {strides = array<i32>} : memref<2x16x2048xf32, #tpu.memory_space<vmem>>, vector<1x1x16xf32>,
        %get3A_552 = vector.shape_cast %get3A_551 : vector<1x1x16xf32> to vector<16xf32>
        %broadcast_in_dim3A_553 = arith.constant 9 : i32
        %broadcast_in_dim3A_554 = vector.broadcast %broadcast_in_dim3A_553 : i32 to vector<16xi32>
        %broadcast_in_dim3A_555 = vector.shape_cast %broadcast_in_dim3A_554 : vector<16xi32> to vector<16x1xi32>
        %gather3A_556 = vector.shape_cast %broadcast_in_dim3A_555 : vector<16x1xi32> to vector<16xi32>
        %gather3A_557 = tpu.dynamic_gather %get3A_370[%gather3A_556] in [0] : vector<16xf32>, vector<16xi32> -> vector<16xf32>
        %mul3A_558 = arith.mulf %gather3A_557, %get3A_552 : vector<16xf32>
        %add3A_559 = arith.addf %add3A_483, %mul3A_558 : vector<16xf32>
        %mul3A_560 = arith.constant 16 : i32
        %mul3A_561 = arith.muli %scan3A_361, %mul3A_560 : i32
        %mul3A_562 = arith.constant 16 : i32
        %mul3A_563 = arith.muli %mul3A_561, %mul3A_562 : i32
        %add3A_564 = arith.constant 160 : i32
        %add3A_565 = arith.addi %mul3A_563, %add3A_564 : i32
        %get3A_566 = arith.constant 1 : i32
        %get3A_567 = arith.index_cast %get3A_566 : i32 to index
        %get3A_568 = arith.index_cast %scan3A_342 : i32 to index
        %get3A_569 = arith.index_cast %add3A_565 : i32 to index
        %get3A_570 = tpu.vector_load %arg6[%get3A_567, %get3A_568, %get3A_569] {strides = array<i32>} : memref<2x16x2048xf32, #tpu.memory_space<vmem>>, vector<1x1x16xf32>,
        %get3A_571 = vector.shape_cast %get3A_570 : vector<1x1x16xf32> to vector<16xf32>
        %broadcast_in_dim3A_572 = arith.constant 10 : i32
        %broadcast_in_dim3A_573 = vector.broadcast %broadcast_in_dim3A_572 : i32 to vector<16xi32>
        %broadcast_in_dim3A_574 = vector.shape_cast %broadcast_in_dim3A_573 : vector<16xi32> to vector<16x1xi32>
        %gather3A_575 = vector.shape_cast %broadcast_in_dim3A_574 : vector<16x1xi32> to vector<16xi32>
        %gather3A_576 = tpu.dynamic_gather %get3A_370[%gather3A_575] in [0] : vector<16xf32>, vector<16xi32> -> vector<16xf32>
        %mul3A_577 = arith.mulf %gather3A_576, %get3A_571 : vector<16xf32>
        %add3A_578 = arith.addf %add3A_502, %mul3A_577 : vector<16xf32>
        %mul3A_579 = arith.constant 16 : i32
        %mul3A_580 = arith.muli %scan3A_361, %mul3A_579 : i32
        %mul3A_581 = arith.constant 16 : i32
        %mul3A_582 = arith.muli %mul3A_580, %mul3A_581 : i32
        %add3A_583 = arith.constant 176 : i32
        %add3A_584 = arith.addi %mul3A_582, %add3A_583 : i32
        %get3A_585 = arith.constant 1 : i32
        %get3A_586 = arith.index_cast %get3A_585 : i32 to index
        %get3A_587 = arith.index_cast %scan3A_342 : i32 to index
        %get3A_588 = arith.index_cast %add3A_584 : i32 to index
        %get3A_589 = tpu.vector_load %arg6[%get3A_586, %get3A_587, %get3A_588] {strides = array<i32>} : memref<2x16x2048xf32, #tpu.memory_space<vmem>>, vector<1x1x16xf32>,
        %get3A_590 = vector.shape_cast %get3A_589 : vector<1x1x16xf32> to vector<16xf32>
        %broadcast_in_dim3A_591 = arith.constant 11 : i32
        %broadcast_in_dim3A_592 = vector.broadcast %broadcast_in_dim3A_591 : i32 to vector<16xi32>
        %broadcast_in_dim3A_593 = vector.shape_cast %broadcast_in_dim3A_592 : vector<16xi32> to vector<16x1xi32>
        %gather3A_594 = vector.shape_cast %broadcast_in_dim3A_593 : vector<16x1xi32> to vector<16xi32>
        %gather3A_595 = tpu.dynamic_gather %get3A_370[%gather3A_594] in [0] : vector<16xf32>, vector<16xi32> -> vector<16xf32>
        %mul3A_596 = arith.mulf %gather3A_595, %get3A_590 : vector<16xf32>
        %add3A_597 = arith.addf %add3A_521, %mul3A_596 : vector<16xf32>
        %mul3A_598 = arith.constant 16 : i32
        %mul3A_599 = arith.muli %scan3A_361, %mul3A_598 : i32
        %mul3A_600 = arith.constant 16 : i32
        %mul3A_601 = arith.muli %mul3A_599, %mul3A_600 : i32
        %add3A_602 = arith.constant 192 : i32
        %add3A_603 = arith.addi %mul3A_601, %add3A_602 : i32
        %get3A_604 = arith.constant 1 : i32
        %get3A_605 = arith.index_cast %get3A_604 : i32 to index
        %get3A_606 = arith.index_cast %scan3A_342 : i32 to index
        %get3A_607 = arith.index_cast %add3A_603 : i32 to index
        %get3A_608 = tpu.vector_load %arg6[%get3A_605, %get3A_606, %get3A_607] {strides = array<i32>} : memref<2x16x2048xf32, #tpu.memory_space<vmem>>, vector<1x1x16xf32>,
        %get3A_609 = vector.shape_cast %get3A_608 : vector<1x1x16xf32> to vector<16xf32>
        %broadcast_in_dim3A_610 = arith.constant 12 : i32
        %broadcast_in_dim3A_611 = vector.broadcast %broadcast_in_dim3A_610 : i32 to vector<16xi32>
        %broadcast_in_dim3A_612 = vector.shape_cast %broadcast_in_dim3A_611 : vector<16xi32> to vector<16x1xi32>
        %gather3A_613 = vector.shape_cast %broadcast_in_dim3A_612 : vector<16x1xi32> to vector<16xi32>
        %gather3A_614 = tpu.dynamic_gather %get3A_370[%gather3A_613] in [0] : vector<16xf32>, vector<16xi32> -> vector<16xf32>
        %mul3A_615 = arith.mulf %gather3A_614, %get3A_609 : vector<16xf32>
        %add3A_616 = arith.addf %add3A_540, %mul3A_615 : vector<16xf32>
        %mul3A_617 = arith.constant 16 : i32
        %mul3A_618 = arith.muli %scan3A_361, %mul3A_617 : i32
        %mul3A_619 = arith.constant 16 : i32
        %mul3A_620 = arith.muli %mul3A_618, %mul3A_619 : i32
        %add3A_621 = arith.constant 208 : i32
        %add3A_622 = arith.addi %mul3A_620, %add3A_621 : i32
        %get3A_623 = arith.constant 1 : i32
        %get3A_624 = arith.index_cast %get3A_623 : i32 to index
        %get3A_625 = arith.index_cast %scan3A_342 : i32 to index
        %get3A_626 = arith.index_cast %add3A_622 : i32 to index
        %get3A_627 = tpu.vector_load %arg6[%get3A_624, %get3A_625, %get3A_626] {strides = array<i32>} : memref<2x16x2048xf32, #tpu.memory_space<vmem>>, vector<1x1x16xf32>,
        %get3A_628 = vector.shape_cast %get3A_627 : vector<1x1x16xf32> to vector<16xf32>
        %broadcast_in_dim3A_629 = arith.constant 13 : i32
        %broadcast_in_dim3A_630 = vector.broadcast %broadcast_in_dim3A_629 : i32 to vector<16xi32>
        %broadcast_in_dim3A_631 = vector.shape_cast %broadcast_in_dim3A_630 : vector<16xi32> to vector<16x1xi32>
        %gather3A_632 = vector.shape_cast %broadcast_in_dim3A_631 : vector<16x1xi32> to vector<16xi32>
        %gather3A_633 = tpu.dynamic_gather %get3A_370[%gather3A_632] in [0] : vector<16xf32>, vector<16xi32> -> vector<16xf32>
        %mul3A_634 = arith.mulf %gather3A_633, %get3A_628 : vector<16xf32>
        %add3A_635 = arith.addf %add3A_559, %mul3A_634 : vector<16xf32>
        %mul3A_636 = arith.constant 16 : i32
        %mul3A_637 = arith.muli %scan3A_361, %mul3A_636 : i32
        %mul3A_638 = arith.constant 16 : i32
        %mul3A_639 = arith.muli %mul3A_637, %mul3A_638 : i32
        %add3A_640 = arith.constant 224 : i32
        %add3A_641 = arith.addi %mul3A_639, %add3A_640 : i32
        %get3A_642 = arith.constant 1 : i32
        %get3A_643 = arith.index_cast %get3A_642 : i32 to index
        %get3A_644 = arith.index_cast %scan3A_342 : i32 to index
        %get3A_645 = arith.index_cast %add3A_641 : i32 to index
        %get3A_646 = tpu.vector_load %arg6[%get3A_643, %get3A_644, %get3A_645] {strides = array<i32>} : memref<2x16x2048xf32, #tpu.memory_space<vmem>>, vector<1x1x16xf32>,
        %get3A_647 = vector.shape_cast %get3A_646 : vector<1x1x16xf32> to vector<16xf32>
        %broadcast_in_dim3A_648 = arith.constant 14 : i32
        %broadcast_in_dim3A_649 = vector.broadcast %broadcast_in_dim3A_648 : i32 to vector<16xi32>
        %broadcast_in_dim3A_650 = vector.shape_cast %broadcast_in_dim3A_649 : vector<16xi32> to vector<16x1xi32>
        %gather3A_651 = vector.shape_cast %broadcast_in_dim3A_650 : vector<16x1xi32> to vector<16xi32>
        %gather3A_652 = tpu.dynamic_gather %get3A_370[%gather3A_651] in [0] : vector<16xf32>, vector<16xi32> -> vector<16xf32>
        %mul3A_653 = arith.mulf %gather3A_652, %get3A_647 : vector<16xf32>
        %add3A_654 = arith.addf %add3A_578, %mul3A_653 : vector<16xf32>
        %mul3A_655 = arith.constant 16 : i32
        %mul3A_656 = arith.muli %scan3A_361, %mul3A_655 : i32
        %mul3A_657 = arith.constant 16 : i32
        %mul3A_658 = arith.muli %mul3A_656, %mul3A_657 : i32
        %add3A_659 = arith.constant 240 : i32
        %add3A_660 = arith.addi %mul3A_658, %add3A_659 : i32
        %get3A_661 = arith.constant 1 : i32
        %get3A_662 = arith.index_cast %get3A_661 : i32 to index
        %get3A_663 = arith.index_cast %scan3A_342 : i32 to index
        %get3A_664 = arith.index_cast %add3A_660 : i32 to index
        %get3A_665 = tpu.vector_load %arg6[%get3A_662, %get3A_663, %get3A_664] {strides = array<i32>} : memref<2x16x2048xf32, #tpu.memory_space<vmem>>, vector<1x1x16xf32>,
        %get3A_666 = vector.shape_cast %get3A_665 : vector<1x1x16xf32> to vector<16xf32>
        %broadcast_in_dim3A_667 = arith.constant 15 : i32
        %broadcast_in_dim3A_668 = vector.broadcast %broadcast_in_dim3A_667 : i32 to vector<16xi32>
        %broadcast_in_dim3A_669 = vector.shape_cast %broadcast_in_dim3A_668 : vector<16xi32> to vector<16x1xi32>
        %gather3A_670 = vector.shape_cast %broadcast_in_dim3A_669 : vector<16x1xi32> to vector<16xi32>
        %gather3A_671 = tpu.dynamic_gather %get3A_370[%gather3A_670] in [0] : vector<16xf32>, vector<16xi32> -> vector<16xf32>
        %mul3A_672 = arith.mulf %gather3A_671, %get3A_666 : vector<16xf32>
        %add3A_673 = arith.addf %add3A_597, %mul3A_672 : vector<16xf32>
        scf.yield %add3A_616, %add3A_635, %add3A_654, %add3A_673 : vector<16xf32>, vector<16xf32>, vector<16xf32>, vector<16xf32>
      }
      %scan3A_352 = arith.constant 8 : i32
      %add3A_353 = arith.addf %scan3A_351#0, %scan3A_351#1 : vector<16xf32>
      %add3A_354 = arith.addf %scan3A_351#2, %scan3A_351#3 : vector<16xf32>
      %add3A_355 = arith.addf %add3A_353, %add3A_354 : vector<16xf32>
      %swap3A = arith.index_cast %add3A_345 : i32 to index
      %swap3A_356 = arith.constant 0 : index
      %swap3A_357 = tpu.vector_load %arg7[%swap3A, %swap3A_356] {strides = array<i32>} : memref<128x16xf32, #tpu.memory_space<vmem>>, vector<1x16xf32>,
      %swap3A_358 = vector.shape_cast %swap3A_357 : vector<1x16xf32> to vector<16xf32>
      %swap3A_359 = vector.shape_cast %add3A_355 : vector<16xf32> to vector<1x16xf32>
      tpu.vector_store %arg7[%swap3A, %swap3A_356], %swap3A_359 {strides = array<i32>} : memref<128x16xf32, #tpu.memory_space<vmem>>, vector<1x16xf32>,
      %scan3A_360 = arith.constant 0 : i32
      scf.yield %scan3A_360 : i32
    }
    %scan3A_276 = arith.constant 16 : i32
    %dma_start3A_277 = arith.constant 1 : i32
    %dma_start3A_278 = arith.constant 0 : i32
    %dma_start3A_279 = arith.constant 0 : i32
    %dma_start3A_280 = tpu.memref_slice %arg6[%dma_start3A_277, %dma_start3A_278, %dma_start3A_279] : memref<2x16x2048xf32, #tpu.memory_space<vmem>> -> memref<1x16x2048xf32, #tpu.memory_space<vmem>>
    %dma_start3A_281 = tpu.memref_squeeze %dma_start3A_280 : memref<1x16x2048xf32, #tpu.memory_space<vmem>> -> memref<16x2048xf32, #tpu.memory_space<vmem>>
    %dma_start3A_282 = arith.constant 112 : i32
    %dma_start3A_283 = arith.constant 0 : i32
    %dma_start3A_284 = tpu.memref_slice %arg3[%add3A, %dma_start3A_282, %dma_start3A_283] : memref<32x128x2048xf32, #tpu.memory_space<hbm>> -> memref<1x16x2048xf32, #tpu.memory_space<hbm>>
    %dma_start3A_285 = tpu.memref_squeeze %dma_start3A_284 : memref<1x16x2048xf32, #tpu.memory_space<hbm>> -> memref<16x2048xf32, #tpu.memory_space<hbm>>
    %dma_start3A_286 = arith.constant 0 : i32
    %dma_start3A_287 = arith.constant 0 : i32
    %dma_start3A_288 = tpu.memref_slice %arg6[%dma_start3A_277, %dma_start3A_286, %dma_start3A_287] : memref<2x16x2048xf32, #tpu.memory_space<vmem>> -> memref<1x16x2048xf32, #tpu.memory_space<vmem>>
    %dma_start3A_289 = tpu.memref_squeeze %dma_start3A_288 : memref<1x16x2048xf32, #tpu.memory_space<vmem>> -> memref<16x2048xf32, #tpu.memory_space<vmem>>
    %dma_start3A_290 = arith.constant 112 : i32
    %dma_start3A_291 = arith.constant 0 : i32
    %dma_start3A_292 = tpu.memref_slice %arg3[%add3A, %dma_start3A_290, %dma_start3A_291] : memref<32x128x2048xf32, #tpu.memory_space<hbm>> -> memref<1x16x2048xf32, #tpu.memory_space<hbm>>
    %dma_start3A_293 = tpu.memref_squeeze %dma_start3A_292 : memref<1x16x2048xf32, #tpu.memory_space<hbm>> -> memref<16x2048xf32, #tpu.memory_space<hbm>>
    tpu.enqueue_dma source(%dma_start3A_293 : memref<16x2048xf32, #tpu.memory_space<hbm>>) target(%dma_start3A_289 : memref<16x2048xf32, #tpu.memory_space<vmem>>) target_semaphore(%arg10 : memref<!tpu.dma_semaphore, #tpu.memory_space<semaphore_mem>>)
    %dma_wait3A_294 = arith.constant 0 : i32
    %dma_wait3A_295 = arith.constant 0 : i32
    %dma_wait3A_296 = arith.constant 0 : i32
    %dma_wait3A_297 = tpu.memref_slice %arg6[%dma_wait3A_294, %dma_wait3A_295, %dma_wait3A_296] : memref<2x16x2048xf32, #tpu.memory_space<vmem>> -> memref<1x16x2048xf32, #tpu.memory_space<vmem>>
    %dma_wait3A_298 = tpu.memref_squeeze %dma_wait3A_297 : memref<1x16x2048xf32, #tpu.memory_space<vmem>> -> memref<16x2048xf32, #tpu.memory_space<vmem>>
    %dma_wait3A_299 = arith.constant 96 : i32
    %dma_wait3A_300 = arith.constant 0 : i32
    %dma_wait3A_301 = tpu.memref_slice %arg3[%add3A, %dma_wait3A_299, %dma_wait3A_300] : memref<32x128x2048xf32, #tpu.memory_space<hbm>> -> memref<1x16x2048xf32, #tpu.memory_space<hbm>>
    %dma_wait3A_302 = tpu.memref_squeeze %dma_wait3A_301 : memref<1x16x2048xf32, #tpu.memory_space<hbm>> -> memref<16x2048xf32, #tpu.memory_space<hbm>>
    %dma_wait3A_303 = arith.constant 0 : i32
    %dma_wait3A_304 = arith.constant 0 : i32
    %dma_wait3A_305 = tpu.memref_slice %arg6[%dma_wait3A_294, %dma_wait3A_303, %dma_wait3A_304] : memref<2x16x2048xf32, #tpu.memory_space<vmem>> -> memref<1x16x2048xf32, #tpu.memory_space<vmem>>
    %dma_wait3A_306 = tpu.memref_squeeze %dma_wait3A_305 : memref<1x16x2048xf32, #tpu.memory_space<vmem>> -> memref<16x2048xf32, #tpu.memory_space<vmem>>
    %dma_wait3A_307 = arith.constant 96 : i32
    %dma_wait3A_308 = arith.constant 0 : i32
    %dma_wait3A_309 = tpu.memref_slice %arg3[%add3A, %dma_wait3A_307, %dma_wait3A_308] : memref<32x128x2048xf32, #tpu.memory_space<hbm>> -> memref<1x16x2048xf32, #tpu.memory_space<hbm>>
    %dma_wait3A_310 = tpu.memref_squeeze %dma_wait3A_309 : memref<1x16x2048xf32, #tpu.memory_space<hbm>> -> memref<16x2048xf32, #tpu.memory_space<hbm>>
    tpu.wait_dma2 semaphore(%arg9 : memref<!tpu.dma_semaphore, #tpu.memory_space<semaphore_mem>>) src(%dma_wait3A_310 : memref<16x2048xf32, #tpu.memory_space<hbm>>) dst(%dma_wait3A_306 : memref<16x2048xf32, #tpu.memory_space<vmem>>)
    %scan3A_311 = arith.constant 0 : i32
    %scan3A_312 = arith.constant 0 : i32
    %scan3A_313 = arith.constant 16 : i32
    %scan3A_314 = arith.addi %scan3A_312, %scan3A_313 : i32
    %scan3A_315 = arith.constant 1 : i32
    %scan3A_316 = scf.for %scan3A_342 = %scan3A_312 to %scan3A_314 step %scan3A_315 iter_args(%scan3A_343 = %scan3A_311) -> (i32)  : i32 {
      %add3A_344 = arith.constant 96 : i32
      %add3A_345 = arith.addi %add3A_344, %scan3A_342 : i32
      %broadcast_in_dim3A = arith.constant 0.000000e+00 : f32
      %broadcast_in_dim3A_346 = vector.broadcast %broadcast_in_dim3A : f32 to vector<16xf32>
      %scan3A_347 = arith.constant 0 : i32
      %scan3A_348 = arith.constant 8 : i32
      %scan3A_349 = arith.addi %scan3A_347, %scan3A_348 : i32
      %scan3A_350 = arith.constant 1 : i32
      %scan3A_351:4 = scf.for %scan3A_361 = %scan3A_347 to %scan3A_349 step %scan3A_350 iter_args(%scan3A_362 = %broadcast_in_dim3A_346, %scan3A_363 = %broadcast_in_dim3A_346, %scan3A_364 = %broadcast_in_dim3A_346, %scan3A_365 = %broadcast_in_dim3A_346) -> (vector<16xf32>, vector<16xf32>, vector<16xf32>, vector<16xf32>)  : i32 {
        %mul3A_366 = arith.constant 16 : i32
        %mul3A_367 = arith.muli %scan3A_361, %mul3A_366 : i32
        %get3A = arith.index_cast %add3A_345 : i32 to index
        %get3A_368 = arith.index_cast %mul3A_367 : i32 to index
        %get3A_369 = tpu.vector_load %arg5[%get3A, %get3A_368] {strides = array<i32>} : memref<128x128xf32, #tpu.memory_space<vmem>>, vector<1x16xf32>,
        %get3A_370 = vector.shape_cast %get3A_369 : vector<1x16xf32> to vector<16xf32>
        %mul3A_371 = arith.constant 16 : i32
        %mul3A_372 = arith.muli %scan3A_361, %mul3A_371 : i32
        %mul3A_373 = arith.constant 16 : i32
        %mul3A_374 = arith.muli %mul3A_372, %mul3A_373 : i32
        %add3A_375 = arith.constant 0 : i32
        %add3A_376 = arith.addi %mul3A_374, %add3A_375 : i32
        %get3A_377 = arith.constant 0 : i32
        %get3A_378 = arith.index_cast %get3A_377 : i32 to index
        %get3A_379 = arith.index_cast %scan3A_342 : i32 to index
        %get3A_380 = arith.index_cast %add3A_376 : i32 to index
        %get3A_381 = tpu.vector_load %arg6[%get3A_378, %get3A_379, %get3A_380] {strides = array<i32>} : memref<2x16x2048xf32, #tpu.memory_space<vmem>>, vector<1x1x16xf32>,
        %get3A_382 = vector.shape_cast %get3A_381 : vector<1x1x16xf32> to vector<16xf32>
        %broadcast_in_dim3A_383 = arith.constant 0 : i32
        %broadcast_in_dim3A_384 = vector.broadcast %broadcast_in_dim3A_383 : i32 to vector<16xi32>
        %broadcast_in_dim3A_385 = vector.shape_cast %broadcast_in_dim3A_384 : vector<16xi32> to vector<16x1xi32>
        %gather3A = vector.shape_cast %broadcast_in_dim3A_385 : vector<16x1xi32> to vector<16xi32>
        %gather3A_386 = tpu.dynamic_gather %get3A_370[%gather3A] in [0] : vector<16xf32>, vector<16xi32> -> vector<16xf32>
        %mul3A_387 = arith.mulf %gather3A_386, %get3A_382 : vector<16xf32>
        %add3A_388 = arith.addf %scan3A_362, %mul3A_387 : vector<16xf32>
        %mul3A_389 = arith.constant 16 : i32
        %mul3A_390 = arith.muli %scan3A_361, %mul3A_389 : i32
        %mul3A_391 = arith.constant 16 : i32
        %mul3A_392 = arith.muli %mul3A_390, %mul3A_391 : i32
        %add3A_393 = arith.constant 16 : i32
        %add3A_394 = arith.addi %mul3A_392, %add3A_393 : i32
        %get3A_395 = arith.constant 0 : i32
        %get3A_396 = arith.index_cast %get3A_395 : i32 to index
        %get3A_397 = arith.index_cast %scan3A_342 : i32 to index
        %get3A_398 = arith.index_cast %add3A_394 : i32 to index
        %get3A_399 = tpu.vector_load %arg6[%get3A_396, %get3A_397, %get3A_398] {strides = array<i32>} : memref<2x16x2048xf32, #tpu.memory_space<vmem>>, vector<1x1x16xf32>,
        %get3A_400 = vector.shape_cast %get3A_399 : vector<1x1x16xf32> to vector<16xf32>
        %broadcast_in_dim3A_401 = arith.constant 1 : i32
        %broadcast_in_dim3A_402 = vector.broadcast %broadcast_in_dim3A_401 : i32 to vector<16xi32>
        %broadcast_in_dim3A_403 = vector.shape_cast %broadcast_in_dim3A_402 : vector<16xi32> to vector<16x1xi32>
        %gather3A_404 = vector.shape_cast %broadcast_in_dim3A_403 : vector<16x1xi32> to vector<16xi32>
        %gather3A_405 = tpu.dynamic_gather %get3A_370[%gather3A_404] in [0] : vector<16xf32>, vector<16xi32> -> vector<16xf32>
        %mul3A_406 = arith.mulf %gather3A_405, %get3A_400 : vector<16xf32>
        %add3A_407 = arith.addf %scan3A_363, %mul3A_406 : vector<16xf32>
        %mul3A_408 = arith.constant 16 : i32
        %mul3A_409 = arith.muli %scan3A_361, %mul3A_408 : i32
        %mul3A_410 = arith.constant 16 : i32
        %mul3A_411 = arith.muli %mul3A_409, %mul3A_410 : i32
        %add3A_412 = arith.constant 32 : i32
        %add3A_413 = arith.addi %mul3A_411, %add3A_412 : i32
        %get3A_414 = arith.constant 0 : i32
        %get3A_415 = arith.index_cast %get3A_414 : i32 to index
        %get3A_416 = arith.index_cast %scan3A_342 : i32 to index
        %get3A_417 = arith.index_cast %add3A_413 : i32 to index
        %get3A_418 = tpu.vector_load %arg6[%get3A_415, %get3A_416, %get3A_417] {strides = array<i32>} : memref<2x16x2048xf32, #tpu.memory_space<vmem>>, vector<1x1x16xf32>,
        %get3A_419 = vector.shape_cast %get3A_418 : vector<1x1x16xf32> to vector<16xf32>
        %broadcast_in_dim3A_420 = arith.constant 2 : i32
        %broadcast_in_dim3A_421 = vector.broadcast %broadcast_in_dim3A_420 : i32 to vector<16xi32>
        %broadcast_in_dim3A_422 = vector.shape_cast %broadcast_in_dim3A_421 : vector<16xi32> to vector<16x1xi32>
        %gather3A_423 = vector.shape_cast %broadcast_in_dim3A_422 : vector<16x1xi32> to vector<16xi32>
        %gather3A_424 = tpu.dynamic_gather %get3A_370[%gather3A_423] in [0] : vector<16xf32>, vector<16xi32> -> vector<16xf32>
        %mul3A_425 = arith.mulf %gather3A_424, %get3A_419 : vector<16xf32>
        %add3A_426 = arith.addf %scan3A_364, %mul3A_425 : vector<16xf32>
        %mul3A_427 = arith.constant 16 : i32
        %mul3A_428 = arith.muli %scan3A_361, %mul3A_427 : i32
        %mul3A_429 = arith.constant 16 : i32
        %mul3A_430 = arith.muli %mul3A_428, %mul3A_429 : i32
        %add3A_431 = arith.constant 48 : i32
        %add3A_432 = arith.addi %mul3A_430, %add3A_431 : i32
        %get3A_433 = arith.constant 0 : i32
        %get3A_434 = arith.index_cast %get3A_433 : i32 to index
        %get3A_435 = arith.index_cast %scan3A_342 : i32 to index
        %get3A_436 = arith.index_cast %add3A_432 : i32 to index
        %get3A_437 = tpu.vector_load %arg6[%get3A_434, %get3A_435, %get3A_436] {strides = array<i32>} : memref<2x16x2048xf32, #tpu.memory_space<vmem>>, vector<1x1x16xf32>,
        %get3A_438 = vector.shape_cast %get3A_437 : vector<1x1x16xf32> to vector<16xf32>
        %broadcast_in_dim3A_439 = arith.constant 3 : i32
        %broadcast_in_dim3A_440 = vector.broadcast %broadcast_in_dim3A_439 : i32 to vector<16xi32>
        %broadcast_in_dim3A_441 = vector.shape_cast %broadcast_in_dim3A_440 : vector<16xi32> to vector<16x1xi32>
        %gather3A_442 = vector.shape_cast %broadcast_in_dim3A_441 : vector<16x1xi32> to vector<16xi32>
        %gather3A_443 = tpu.dynamic_gather %get3A_370[%gather3A_442] in [0] : vector<16xf32>, vector<16xi32> -> vector<16xf32>
        %mul3A_444 = arith.mulf %gather3A_443, %get3A_438 : vector<16xf32>
        %add3A_445 = arith.addf %scan3A_365, %mul3A_444 : vector<16xf32>
        %mul3A_446 = arith.constant 16 : i32
        %mul3A_447 = arith.muli %scan3A_361, %mul3A_446 : i32
        %mul3A_448 = arith.constant 16 : i32
        %mul3A_449 = arith.muli %mul3A_447, %mul3A_448 : i32
        %add3A_450 = arith.constant 64 : i32
        %add3A_451 = arith.addi %mul3A_449, %add3A_450 : i32
        %get3A_452 = arith.constant 0 : i32
        %get3A_453 = arith.index_cast %get3A_452 : i32 to index
        %get3A_454 = arith.index_cast %scan3A_342 : i32 to index
        %get3A_455 = arith.index_cast %add3A_451 : i32 to index
        %get3A_456 = tpu.vector_load %arg6[%get3A_453, %get3A_454, %get3A_455] {strides = array<i32>} : memref<2x16x2048xf32, #tpu.memory_space<vmem>>, vector<1x1x16xf32>,
        %get3A_457 = vector.shape_cast %get3A_456 : vector<1x1x16xf32> to vector<16xf32>
        %broadcast_in_dim3A_458 = arith.constant 4 : i32
        %broadcast_in_dim3A_459 = vector.broadcast %broadcast_in_dim3A_458 : i32 to vector<16xi32>
        %broadcast_in_dim3A_460 = vector.shape_cast %broadcast_in_dim3A_459 : vector<16xi32> to vector<16x1xi32>
        %gather3A_461 = vector.shape_cast %broadcast_in_dim3A_460 : vector<16x1xi32> to vector<16xi32>
        %gather3A_462 = tpu.dynamic_gather %get3A_370[%gather3A_461] in [0] : vector<16xf32>, vector<16xi32> -> vector<16xf32>
        %mul3A_463 = arith.mulf %gather3A_462, %get3A_457 : vector<16xf32>
        %add3A_464 = arith.addf %add3A_388, %mul3A_463 : vector<16xf32>
        %mul3A_465 = arith.constant 16 : i32
        %mul3A_466 = arith.muli %scan3A_361, %mul3A_465 : i32
        %mul3A_467 = arith.constant 16 : i32
        %mul3A_468 = arith.muli %mul3A_466, %mul3A_467 : i32
        %add3A_469 = arith.constant 80 : i32
        %add3A_470 = arith.addi %mul3A_468, %add3A_469 : i32
        %get3A_471 = arith.constant 0 : i32
        %get3A_472 = arith.index_cast %get3A_471 : i32 to index
        %get3A_473 = arith.index_cast %scan3A_342 : i32 to index
        %get3A_474 = arith.index_cast %add3A_470 : i32 to index
        %get3A_475 = tpu.vector_load %arg6[%get3A_472, %get3A_473, %get3A_474] {strides = array<i32>} : memref<2x16x2048xf32, #tpu.memory_space<vmem>>, vector<1x1x16xf32>,
        %get3A_476 = vector.shape_cast %get3A_475 : vector<1x1x16xf32> to vector<16xf32>
        %broadcast_in_dim3A_477 = arith.constant 5 : i32
        %broadcast_in_dim3A_478 = vector.broadcast %broadcast_in_dim3A_477 : i32 to vector<16xi32>
        %broadcast_in_dim3A_479 = vector.shape_cast %broadcast_in_dim3A_478 : vector<16xi32> to vector<16x1xi32>
        %gather3A_480 = vector.shape_cast %broadcast_in_dim3A_479 : vector<16x1xi32> to vector<16xi32>
        %gather3A_481 = tpu.dynamic_gather %get3A_370[%gather3A_480] in [0] : vector<16xf32>, vector<16xi32> -> vector<16xf32>
        %mul3A_482 = arith.mulf %gather3A_481, %get3A_476 : vector<16xf32>
        %add3A_483 = arith.addf %add3A_407, %mul3A_482 : vector<16xf32>
        %mul3A_484 = arith.constant 16 : i32
        %mul3A_485 = arith.muli %scan3A_361, %mul3A_484 : i32
        %mul3A_486 = arith.constant 16 : i32
        %mul3A_487 = arith.muli %mul3A_485, %mul3A_486 : i32
        %add3A_488 = arith.constant 96 : i32
        %add3A_489 = arith.addi %mul3A_487, %add3A_488 : i32
        %get3A_490 = arith.constant 0 : i32
        %get3A_491 = arith.index_cast %get3A_490 : i32 to index
        %get3A_492 = arith.index_cast %scan3A_342 : i32 to index
        %get3A_493 = arith.index_cast %add3A_489 : i32 to index
        %get3A_494 = tpu.vector_load %arg6[%get3A_491, %get3A_492, %get3A_493] {strides = array<i32>} : memref<2x16x2048xf32, #tpu.memory_space<vmem>>, vector<1x1x16xf32>,
        %get3A_495 = vector.shape_cast %get3A_494 : vector<1x1x16xf32> to vector<16xf32>
        %broadcast_in_dim3A_496 = arith.constant 6 : i32
        %broadcast_in_dim3A_497 = vector.broadcast %broadcast_in_dim3A_496 : i32 to vector<16xi32>
        %broadcast_in_dim3A_498 = vector.shape_cast %broadcast_in_dim3A_497 : vector<16xi32> to vector<16x1xi32>
        %gather3A_499 = vector.shape_cast %broadcast_in_dim3A_498 : vector<16x1xi32> to vector<16xi32>
        %gather3A_500 = tpu.dynamic_gather %get3A_370[%gather3A_499] in [0] : vector<16xf32>, vector<16xi32> -> vector<16xf32>
        %mul3A_501 = arith.mulf %gather3A_500, %get3A_495 : vector<16xf32>
        %add3A_502 = arith.addf %add3A_426, %mul3A_501 : vector<16xf32>
        %mul3A_503 = arith.constant 16 : i32
        %mul3A_504 = arith.muli %scan3A_361, %mul3A_503 : i32
        %mul3A_505 = arith.constant 16 : i32
        %mul3A_506 = arith.muli %mul3A_504, %mul3A_505 : i32
        %add3A_507 = arith.constant 112 : i32
        %add3A_508 = arith.addi %mul3A_506, %add3A_507 : i32
        %get3A_509 = arith.constant 0 : i32
        %get3A_510 = arith.index_cast %get3A_509 : i32 to index
        %get3A_511 = arith.index_cast %scan3A_342 : i32 to index
        %get3A_512 = arith.index_cast %add3A_508 : i32 to index
        %get3A_513 = tpu.vector_load %arg6[%get3A_510, %get3A_511, %get3A_512] {strides = array<i32>} : memref<2x16x2048xf32, #tpu.memory_space<vmem>>, vector<1x1x16xf32>,
        %get3A_514 = vector.shape_cast %get3A_513 : vector<1x1x16xf32> to vector<16xf32>
        %broadcast_in_dim3A_515 = arith.constant 7 : i32
        %broadcast_in_dim3A_516 = vector.broadcast %broadcast_in_dim3A_515 : i32 to vector<16xi32>
        %broadcast_in_dim3A_517 = vector.shape_cast %broadcast_in_dim3A_516 : vector<16xi32> to vector<16x1xi32>
        %gather3A_518 = vector.shape_cast %broadcast_in_dim3A_517 : vector<16x1xi32> to vector<16xi32>
        %gather3A_519 = tpu.dynamic_gather %get3A_370[%gather3A_518] in [0] : vector<16xf32>, vector<16xi32> -> vector<16xf32>
        %mul3A_520 = arith.mulf %gather3A_519, %get3A_514 : vector<16xf32>
        %add3A_521 = arith.addf %add3A_445, %mul3A_520 : vector<16xf32>
        %mul3A_522 = arith.constant 16 : i32
        %mul3A_523 = arith.muli %scan3A_361, %mul3A_522 : i32
        %mul3A_524 = arith.constant 16 : i32
        %mul3A_525 = arith.muli %mul3A_523, %mul3A_524 : i32
        %add3A_526 = arith.constant 128 : i32
        %add3A_527 = arith.addi %mul3A_525, %add3A_526 : i32
        %get3A_528 = arith.constant 0 : i32
        %get3A_529 = arith.index_cast %get3A_528 : i32 to index
        %get3A_530 = arith.index_cast %scan3A_342 : i32 to index
        %get3A_531 = arith.index_cast %add3A_527 : i32 to index
        %get3A_532 = tpu.vector_load %arg6[%get3A_529, %get3A_530, %get3A_531] {strides = array<i32>} : memref<2x16x2048xf32, #tpu.memory_space<vmem>>, vector<1x1x16xf32>,
        %get3A_533 = vector.shape_cast %get3A_532 : vector<1x1x16xf32> to vector<16xf32>
        %broadcast_in_dim3A_534 = arith.constant 8 : i32
        %broadcast_in_dim3A_535 = vector.broadcast %broadcast_in_dim3A_534 : i32 to vector<16xi32>
        %broadcast_in_dim3A_536 = vector.shape_cast %broadcast_in_dim3A_535 : vector<16xi32> to vector<16x1xi32>
        %gather3A_537 = vector.shape_cast %broadcast_in_dim3A_536 : vector<16x1xi32> to vector<16xi32>
        %gather3A_538 = tpu.dynamic_gather %get3A_370[%gather3A_537] in [0] : vector<16xf32>, vector<16xi32> -> vector<16xf32>
        %mul3A_539 = arith.mulf %gather3A_538, %get3A_533 : vector<16xf32>
        %add3A_540 = arith.addf %add3A_464, %mul3A_539 : vector<16xf32>
        %mul3A_541 = arith.constant 16 : i32
        %mul3A_542 = arith.muli %scan3A_361, %mul3A_541 : i32
        %mul3A_543 = arith.constant 16 : i32
        %mul3A_544 = arith.muli %mul3A_542, %mul3A_543 : i32
        %add3A_545 = arith.constant 144 : i32
        %add3A_546 = arith.addi %mul3A_544, %add3A_545 : i32
        %get3A_547 = arith.constant 0 : i32
        %get3A_548 = arith.index_cast %get3A_547 : i32 to index
        %get3A_549 = arith.index_cast %scan3A_342 : i32 to index
        %get3A_550 = arith.index_cast %add3A_546 : i32 to index
        %get3A_551 = tpu.vector_load %arg6[%get3A_548, %get3A_549, %get3A_550] {strides = array<i32>} : memref<2x16x2048xf32, #tpu.memory_space<vmem>>, vector<1x1x16xf32>,
        %get3A_552 = vector.shape_cast %get3A_551 : vector<1x1x16xf32> to vector<16xf32>
        %broadcast_in_dim3A_553 = arith.constant 9 : i32
        %broadcast_in_dim3A_554 = vector.broadcast %broadcast_in_dim3A_553 : i32 to vector<16xi32>
        %broadcast_in_dim3A_555 = vector.shape_cast %broadcast_in_dim3A_554 : vector<16xi32> to vector<16x1xi32>
        %gather3A_556 = vector.shape_cast %broadcast_in_dim3A_555 : vector<16x1xi32> to vector<16xi32>
        %gather3A_557 = tpu.dynamic_gather %get3A_370[%gather3A_556] in [0] : vector<16xf32>, vector<16xi32> -> vector<16xf32>
        %mul3A_558 = arith.mulf %gather3A_557, %get3A_552 : vector<16xf32>
        %add3A_559 = arith.addf %add3A_483, %mul3A_558 : vector<16xf32>
        %mul3A_560 = arith.constant 16 : i32
        %mul3A_561 = arith.muli %scan3A_361, %mul3A_560 : i32
        %mul3A_562 = arith.constant 16 : i32
        %mul3A_563 = arith.muli %mul3A_561, %mul3A_562 : i32
        %add3A_564 = arith.constant 160 : i32
        %add3A_565 = arith.addi %mul3A_563, %add3A_564 : i32
        %get3A_566 = arith.constant 0 : i32
        %get3A_567 = arith.index_cast %get3A_566 : i32 to index
        %get3A_568 = arith.index_cast %scan3A_342 : i32 to index
        %get3A_569 = arith.index_cast %add3A_565 : i32 to index
        %get3A_570 = tpu.vector_load %arg6[%get3A_567, %get3A_568, %get3A_569] {strides = array<i32>} : memref<2x16x2048xf32, #tpu.memory_space<vmem>>, vector<1x1x16xf32>,
        %get3A_571 = vector.shape_cast %get3A_570 : vector<1x1x16xf32> to vector<16xf32>
        %broadcast_in_dim3A_572 = arith.constant 10 : i32
        %broadcast_in_dim3A_573 = vector.broadcast %broadcast_in_dim3A_572 : i32 to vector<16xi32>
        %broadcast_in_dim3A_574 = vector.shape_cast %broadcast_in_dim3A_573 : vector<16xi32> to vector<16x1xi32>
        %gather3A_575 = vector.shape_cast %broadcast_in_dim3A_574 : vector<16x1xi32> to vector<16xi32>
        %gather3A_576 = tpu.dynamic_gather %get3A_370[%gather3A_575] in [0] : vector<16xf32>, vector<16xi32> -> vector<16xf32>
        %mul3A_577 = arith.mulf %gather3A_576, %get3A_571 : vector<16xf32>
        %add3A_578 = arith.addf %add3A_502, %mul3A_577 : vector<16xf32>
        %mul3A_579 = arith.constant 16 : i32
        %mul3A_580 = arith.muli %scan3A_361, %mul3A_579 : i32
        %mul3A_581 = arith.constant 16 : i32
        %mul3A_582 = arith.muli %mul3A_580, %mul3A_581 : i32
        %add3A_583 = arith.constant 176 : i32
        %add3A_584 = arith.addi %mul3A_582, %add3A_583 : i32
        %get3A_585 = arith.constant 0 : i32
        %get3A_586 = arith.index_cast %get3A_585 : i32 to index
        %get3A_587 = arith.index_cast %scan3A_342 : i32 to index
        %get3A_588 = arith.index_cast %add3A_584 : i32 to index
        %get3A_589 = tpu.vector_load %arg6[%get3A_586, %get3A_587, %get3A_588] {strides = array<i32>} : memref<2x16x2048xf32, #tpu.memory_space<vmem>>, vector<1x1x16xf32>,
        %get3A_590 = vector.shape_cast %get3A_589 : vector<1x1x16xf32> to vector<16xf32>
        %broadcast_in_dim3A_591 = arith.constant 11 : i32
        %broadcast_in_dim3A_592 = vector.broadcast %broadcast_in_dim3A_591 : i32 to vector<16xi32>
        %broadcast_in_dim3A_593 = vector.shape_cast %broadcast_in_dim3A_592 : vector<16xi32> to vector<16x1xi32>
        %gather3A_594 = vector.shape_cast %broadcast_in_dim3A_593 : vector<16x1xi32> to vector<16xi32>
        %gather3A_595 = tpu.dynamic_gather %get3A_370[%gather3A_594] in [0] : vector<16xf32>, vector<16xi32> -> vector<16xf32>
        %mul3A_596 = arith.mulf %gather3A_595, %get3A_590 : vector<16xf32>
        %add3A_597 = arith.addf %add3A_521, %mul3A_596 : vector<16xf32>
        %mul3A_598 = arith.constant 16 : i32
        %mul3A_599 = arith.muli %scan3A_361, %mul3A_598 : i32
        %mul3A_600 = arith.constant 16 : i32
        %mul3A_601 = arith.muli %mul3A_599, %mul3A_600 : i32
        %add3A_602 = arith.constant 192 : i32
        %add3A_603 = arith.addi %mul3A_601, %add3A_602 : i32
        %get3A_604 = arith.constant 0 : i32
        %get3A_605 = arith.index_cast %get3A_604 : i32 to index
        %get3A_606 = arith.index_cast %scan3A_342 : i32 to index
        %get3A_607 = arith.index_cast %add3A_603 : i32 to index
        %get3A_608 = tpu.vector_load %arg6[%get3A_605, %get3A_606, %get3A_607] {strides = array<i32>} : memref<2x16x2048xf32, #tpu.memory_space<vmem>>, vector<1x1x16xf32>,
        %get3A_609 = vector.shape_cast %get3A_608 : vector<1x1x16xf32> to vector<16xf32>
        %broadcast_in_dim3A_610 = arith.constant 12 : i32
        %broadcast_in_dim3A_611 = vector.broadcast %broadcast_in_dim3A_610 : i32 to vector<16xi32>
        %broadcast_in_dim3A_612 = vector.shape_cast %broadcast_in_dim3A_611 : vector<16xi32> to vector<16x1xi32>
        %gather3A_613 = vector.shape_cast %broadcast_in_dim3A_612 : vector<16x1xi32> to vector<16xi32>
        %gather3A_614 = tpu.dynamic_gather %get3A_370[%gather3A_613] in [0] : vector<16xf32>, vector<16xi32> -> vector<16xf32>
        %mul3A_615 = arith.mulf %gather3A_614, %get3A_609 : vector<16xf32>
        %add3A_616 = arith.addf %add3A_540, %mul3A_615 : vector<16xf32>
        %mul3A_617 = arith.constant 16 : i32
        %mul3A_618 = arith.muli %scan3A_361, %mul3A_617 : i32
        %mul3A_619 = arith.constant 16 : i32
        %mul3A_620 = arith.muli %mul3A_618, %mul3A_619 : i32
        %add3A_621 = arith.constant 208 : i32
        %add3A_622 = arith.addi %mul3A_620, %add3A_621 : i32
        %get3A_623 = arith.constant 0 : i32
        %get3A_624 = arith.index_cast %get3A_623 : i32 to index
        %get3A_625 = arith.index_cast %scan3A_342 : i32 to index
        %get3A_626 = arith.index_cast %add3A_622 : i32 to index
        %get3A_627 = tpu.vector_load %arg6[%get3A_624, %get3A_625, %get3A_626] {strides = array<i32>} : memref<2x16x2048xf32, #tpu.memory_space<vmem>>, vector<1x1x16xf32>,
        %get3A_628 = vector.shape_cast %get3A_627 : vector<1x1x16xf32> to vector<16xf32>
        %broadcast_in_dim3A_629 = arith.constant 13 : i32
        %broadcast_in_dim3A_630 = vector.broadcast %broadcast_in_dim3A_629 : i32 to vector<16xi32>
        %broadcast_in_dim3A_631 = vector.shape_cast %broadcast_in_dim3A_630 : vector<16xi32> to vector<16x1xi32>
        %gather3A_632 = vector.shape_cast %broadcast_in_dim3A_631 : vector<16x1xi32> to vector<16xi32>
        %gather3A_633 = tpu.dynamic_gather %get3A_370[%gather3A_632] in [0] : vector<16xf32>, vector<16xi32> -> vector<16xf32>
        %mul3A_634 = arith.mulf %gather3A_633, %get3A_628 : vector<16xf32>
        %add3A_635 = arith.addf %add3A_559, %mul3A_634 : vector<16xf32>
        %mul3A_636 = arith.constant 16 : i32
        %mul3A_637 = arith.muli %scan3A_361, %mul3A_636 : i32
        %mul3A_638 = arith.constant 16 : i32
        %mul3A_639 = arith.muli %mul3A_637, %mul3A_638 : i32
        %add3A_640 = arith.constant 224 : i32
        %add3A_641 = arith.addi %mul3A_639, %add3A_640 : i32
        %get3A_642 = arith.constant 0 : i32
        %get3A_643 = arith.index_cast %get3A_642 : i32 to index
        %get3A_644 = arith.index_cast %scan3A_342 : i32 to index
        %get3A_645 = arith.index_cast %add3A_641 : i32 to index
        %get3A_646 = tpu.vector_load %arg6[%get3A_643, %get3A_644, %get3A_645] {strides = array<i32>} : memref<2x16x2048xf32, #tpu.memory_space<vmem>>, vector<1x1x16xf32>,
        %get3A_647 = vector.shape_cast %get3A_646 : vector<1x1x16xf32> to vector<16xf32>
        %broadcast_in_dim3A_648 = arith.constant 14 : i32
        %broadcast_in_dim3A_649 = vector.broadcast %broadcast_in_dim3A_648 : i32 to vector<16xi32>
        %broadcast_in_dim3A_650 = vector.shape_cast %broadcast_in_dim3A_649 : vector<16xi32> to vector<16x1xi32>
        %gather3A_651 = vector.shape_cast %broadcast_in_dim3A_650 : vector<16x1xi32> to vector<16xi32>
        %gather3A_652 = tpu.dynamic_gather %get3A_370[%gather3A_651] in [0] : vector<16xf32>, vector<16xi32> -> vector<16xf32>
        %mul3A_653 = arith.mulf %gather3A_652, %get3A_647 : vector<16xf32>
        %add3A_654 = arith.addf %add3A_578, %mul3A_653 : vector<16xf32>
        %mul3A_655 = arith.constant 16 : i32
        %mul3A_656 = arith.muli %scan3A_361, %mul3A_655 : i32
        %mul3A_657 = arith.constant 16 : i32
        %mul3A_658 = arith.muli %mul3A_656, %mul3A_657 : i32
        %add3A_659 = arith.constant 240 : i32
        %add3A_660 = arith.addi %mul3A_658, %add3A_659 : i32
        %get3A_661 = arith.constant 0 : i32
        %get3A_662 = arith.index_cast %get3A_661 : i32 to index
        %get3A_663 = arith.index_cast %scan3A_342 : i32 to index
        %get3A_664 = arith.index_cast %add3A_660 : i32 to index
        %get3A_665 = tpu.vector_load %arg6[%get3A_662, %get3A_663, %get3A_664] {strides = array<i32>} : memref<2x16x2048xf32, #tpu.memory_space<vmem>>, vector<1x1x16xf32>,
        %get3A_666 = vector.shape_cast %get3A_665 : vector<1x1x16xf32> to vector<16xf32>
        %broadcast_in_dim3A_667 = arith.constant 15 : i32
        %broadcast_in_dim3A_668 = vector.broadcast %broadcast_in_dim3A_667 : i32 to vector<16xi32>
        %broadcast_in_dim3A_669 = vector.shape_cast %broadcast_in_dim3A_668 : vector<16xi32> to vector<16x1xi32>
        %gather3A_670 = vector.shape_cast %broadcast_in_dim3A_669 : vector<16x1xi32> to vector<16xi32>
        %gather3A_671 = tpu.dynamic_gather %get3A_370[%gather3A_670] in [0] : vector<16xf32>, vector<16xi32> -> vector<16xf32>
        %mul3A_672 = arith.mulf %gather3A_671, %get3A_666 : vector<16xf32>
        %add3A_673 = arith.addf %add3A_597, %mul3A_672 : vector<16xf32>
        scf.yield %add3A_616, %add3A_635, %add3A_654, %add3A_673 : vector<16xf32>, vector<16xf32>, vector<16xf32>, vector<16xf32>
      }
      %scan3A_352 = arith.constant 8 : i32
      %add3A_353 = arith.addf %scan3A_351#0, %scan3A_351#1 : vector<16xf32>
      %add3A_354 = arith.addf %scan3A_351#2, %scan3A_351#3 : vector<16xf32>
      %add3A_355 = arith.addf %add3A_353, %add3A_354 : vector<16xf32>
      %swap3A = arith.index_cast %add3A_345 : i32 to index
      %swap3A_356 = arith.constant 0 : index
      %swap3A_357 = tpu.vector_load %arg7[%swap3A, %swap3A_356] {strides = array<i32>} : memref<128x16xf32, #tpu.memory_space<vmem>>, vector<1x16xf32>,
      %swap3A_358 = vector.shape_cast %swap3A_357 : vector<1x16xf32> to vector<16xf32>
      %swap3A_359 = vector.shape_cast %add3A_355 : vector<16xf32> to vector<1x16xf32>
      tpu.vector_store %arg7[%swap3A, %swap3A_356], %swap3A_359 {strides = array<i32>} : memref<128x16xf32, #tpu.memory_space<vmem>>, vector<1x16xf32>,
      %scan3A_360 = arith.constant 0 : i32
      scf.yield %scan3A_360 : i32
    }
    %scan3A_317 = arith.constant 16 : i32
    %dma_wait3A_318 = arith.constant 1 : i32
    %dma_wait3A_319 = arith.constant 0 : i32
    %dma_wait3A_320 = arith.constant 0 : i32
    %dma_wait3A_321 = tpu.memref_slice %arg6[%dma_wait3A_318, %dma_wait3A_319, %dma_wait3A_320] : memref<2x16x2048xf32, #tpu.memory_space<vmem>> -> memref<1x16x2048xf32, #tpu.memory_space<vmem>>
    %dma_wait3A_322 = tpu.memref_squeeze %dma_wait3A_321 : memref<1x16x2048xf32, #tpu.memory_space<vmem>> -> memref<16x2048xf32, #tpu.memory_space<vmem>>
    %dma_wait3A_323 = arith.constant 112 : i32
    %dma_wait3A_324 = arith.constant 0 : i32
    %dma_wait3A_325 = tpu.memref_slice %arg3[%add3A, %dma_wait3A_323, %dma_wait3A_324] : memref<32x128x2048xf32, #tpu.memory_space<hbm>> -> memref<1x16x2048xf32, #tpu.memory_space<hbm>>
    %dma_wait3A_326 = tpu.memref_squeeze %dma_wait3A_325 : memref<1x16x2048xf32, #tpu.memory_space<hbm>> -> memref<16x2048xf32, #tpu.memory_space<hbm>>
    %dma_wait3A_327 = arith.constant 0 : i32
    %dma_wait3A_328 = arith.constant 0 : i32
    %dma_wait3A_329 = tpu.memref_slice %arg6[%dma_wait3A_318, %dma_wait3A_327, %dma_wait3A_328] : memref<2x16x2048xf32, #tpu.memory_space<vmem>> -> memref<1x16x2048xf32, #tpu.memory_space<vmem>>
    %dma_wait3A_330 = tpu.memref_squeeze %dma_wait3A_329 : memref<1x16x2048xf32, #tpu.memory_space<vmem>> -> memref<16x2048xf32, #tpu.memory_space<vmem>>
    %dma_wait3A_331 = arith.constant 112 : i32
    %dma_wait3A_332 = arith.constant 0 : i32
    %dma_wait3A_333 = tpu.memref_slice %arg3[%add3A, %dma_wait3A_331, %dma_wait3A_332] : memref<32x128x2048xf32, #tpu.memory_space<hbm>> -> memref<1x16x2048xf32, #tpu.memory_space<hbm>>
    %dma_wait3A_334 = tpu.memref_squeeze %dma_wait3A_333 : memref<1x16x2048xf32, #tpu.memory_space<hbm>> -> memref<16x2048xf32, #tpu.memory_space<hbm>>
    tpu.wait_dma2 semaphore(%arg10 : memref<!tpu.dma_semaphore, #tpu.memory_space<semaphore_mem>>) src(%dma_wait3A_334 : memref<16x2048xf32, #tpu.memory_space<hbm>>) dst(%dma_wait3A_330 : memref<16x2048xf32, #tpu.memory_space<vmem>>)
    %scan3A_335 = arith.constant 0 : i32
    %scan3A_336 = arith.constant 0 : i32
    %scan3A_337 = arith.constant 16 : i32
    %scan3A_338 = arith.addi %scan3A_336, %scan3A_337 : i32
    %scan3A_339 = arith.constant 1 : i32
    %scan3A_340 = scf.for %scan3A_342 = %scan3A_336 to %scan3A_338 step %scan3A_339 iter_args(%scan3A_343 = %scan3A_335) -> (i32)  : i32 {
      %add3A_344 = arith.constant 112 : i32
      %add3A_345 = arith.addi %add3A_344, %scan3A_342 : i32
      %broadcast_in_dim3A = arith.constant 0.000000e+00 : f32
      %broadcast_in_dim3A_346 = vector.broadcast %broadcast_in_dim3A : f32 to vector<16xf32>
      %scan3A_347 = arith.constant 0 : i32
      %scan3A_348 = arith.constant 8 : i32
      %scan3A_349 = arith.addi %scan3A_347, %scan3A_348 : i32
      %scan3A_350 = arith.constant 1 : i32
      %scan3A_351:4 = scf.for %scan3A_361 = %scan3A_347 to %scan3A_349 step %scan3A_350 iter_args(%scan3A_362 = %broadcast_in_dim3A_346, %scan3A_363 = %broadcast_in_dim3A_346, %scan3A_364 = %broadcast_in_dim3A_346, %scan3A_365 = %broadcast_in_dim3A_346) -> (vector<16xf32>, vector<16xf32>, vector<16xf32>, vector<16xf32>)  : i32 {
        %mul3A_366 = arith.constant 16 : i32
        %mul3A_367 = arith.muli %scan3A_361, %mul3A_366 : i32
        %get3A = arith.index_cast %add3A_345 : i32 to index
        %get3A_368 = arith.index_cast %mul3A_367 : i32 to index
        %get3A_369 = tpu.vector_load %arg5[%get3A, %get3A_368] {strides = array<i32>} : memref<128x128xf32, #tpu.memory_space<vmem>>, vector<1x16xf32>,
        %get3A_370 = vector.shape_cast %get3A_369 : vector<1x16xf32> to vector<16xf32>
        %mul3A_371 = arith.constant 16 : i32
        %mul3A_372 = arith.muli %scan3A_361, %mul3A_371 : i32
        %mul3A_373 = arith.constant 16 : i32
        %mul3A_374 = arith.muli %mul3A_372, %mul3A_373 : i32
        %add3A_375 = arith.constant 0 : i32
        %add3A_376 = arith.addi %mul3A_374, %add3A_375 : i32
        %get3A_377 = arith.constant 1 : i32
        %get3A_378 = arith.index_cast %get3A_377 : i32 to index
        %get3A_379 = arith.index_cast %scan3A_342 : i32 to index
        %get3A_380 = arith.index_cast %add3A_376 : i32 to index
        %get3A_381 = tpu.vector_load %arg6[%get3A_378, %get3A_379, %get3A_380] {strides = array<i32>} : memref<2x16x2048xf32, #tpu.memory_space<vmem>>, vector<1x1x16xf32>,
        %get3A_382 = vector.shape_cast %get3A_381 : vector<1x1x16xf32> to vector<16xf32>
        %broadcast_in_dim3A_383 = arith.constant 0 : i32
        %broadcast_in_dim3A_384 = vector.broadcast %broadcast_in_dim3A_383 : i32 to vector<16xi32>
        %broadcast_in_dim3A_385 = vector.shape_cast %broadcast_in_dim3A_384 : vector<16xi32> to vector<16x1xi32>
        %gather3A = vector.shape_cast %broadcast_in_dim3A_385 : vector<16x1xi32> to vector<16xi32>
        %gather3A_386 = tpu.dynamic_gather %get3A_370[%gather3A] in [0] : vector<16xf32>, vector<16xi32> -> vector<16xf32>
        %mul3A_387 = arith.mulf %gather3A_386, %get3A_382 : vector<16xf32>
        %add3A_388 = arith.addf %scan3A_362, %mul3A_387 : vector<16xf32>
        %mul3A_389 = arith.constant 16 : i32
        %mul3A_390 = arith.muli %scan3A_361, %mul3A_389 : i32
        %mul3A_391 = arith.constant 16 : i32
        %mul3A_392 = arith.muli %mul3A_390, %mul3A_391 : i32
        %add3A_393 = arith.constant 16 : i32
        %add3A_394 = arith.addi %mul3A_392, %add3A_393 : i32
        %get3A_395 = arith.constant 1 : i32
        %get3A_396 = arith.index_cast %get3A_395 : i32 to index
        %get3A_397 = arith.index_cast %scan3A_342 : i32 to index
        %get3A_398 = arith.index_cast %add3A_394 : i32 to index
        %get3A_399 = tpu.vector_load %arg6[%get3A_396, %get3A_397, %get3A_398] {strides = array<i32>} : memref<2x16x2048xf32, #tpu.memory_space<vmem>>, vector<1x1x16xf32>,
        %get3A_400 = vector.shape_cast %get3A_399 : vector<1x1x16xf32> to vector<16xf32>
        %broadcast_in_dim3A_401 = arith.constant 1 : i32
        %broadcast_in_dim3A_402 = vector.broadcast %broadcast_in_dim3A_401 : i32 to vector<16xi32>
        %broadcast_in_dim3A_403 = vector.shape_cast %broadcast_in_dim3A_402 : vector<16xi32> to vector<16x1xi32>
        %gather3A_404 = vector.shape_cast %broadcast_in_dim3A_403 : vector<16x1xi32> to vector<16xi32>
        %gather3A_405 = tpu.dynamic_gather %get3A_370[%gather3A_404] in [0] : vector<16xf32>, vector<16xi32> -> vector<16xf32>
        %mul3A_406 = arith.mulf %gather3A_405, %get3A_400 : vector<16xf32>
        %add3A_407 = arith.addf %scan3A_363, %mul3A_406 : vector<16xf32>
        %mul3A_408 = arith.constant 16 : i32
        %mul3A_409 = arith.muli %scan3A_361, %mul3A_408 : i32
        %mul3A_410 = arith.constant 16 : i32
        %mul3A_411 = arith.muli %mul3A_409, %mul3A_410 : i32
        %add3A_412 = arith.constant 32 : i32
        %add3A_413 = arith.addi %mul3A_411, %add3A_412 : i32
        %get3A_414 = arith.constant 1 : i32
        %get3A_415 = arith.index_cast %get3A_414 : i32 to index
        %get3A_416 = arith.index_cast %scan3A_342 : i32 to index
        %get3A_417 = arith.index_cast %add3A_413 : i32 to index
        %get3A_418 = tpu.vector_load %arg6[%get3A_415, %get3A_416, %get3A_417] {strides = array<i32>} : memref<2x16x2048xf32, #tpu.memory_space<vmem>>, vector<1x1x16xf32>,
        %get3A_419 = vector.shape_cast %get3A_418 : vector<1x1x16xf32> to vector<16xf32>
        %broadcast_in_dim3A_420 = arith.constant 2 : i32
        %broadcast_in_dim3A_421 = vector.broadcast %broadcast_in_dim3A_420 : i32 to vector<16xi32>
        %broadcast_in_dim3A_422 = vector.shape_cast %broadcast_in_dim3A_421 : vector<16xi32> to vector<16x1xi32>
        %gather3A_423 = vector.shape_cast %broadcast_in_dim3A_422 : vector<16x1xi32> to vector<16xi32>
        %gather3A_424 = tpu.dynamic_gather %get3A_370[%gather3A_423] in [0] : vector<16xf32>, vector<16xi32> -> vector<16xf32>
        %mul3A_425 = arith.mulf %gather3A_424, %get3A_419 : vector<16xf32>
        %add3A_426 = arith.addf %scan3A_364, %mul3A_425 : vector<16xf32>
        %mul3A_427 = arith.constant 16 : i32
        %mul3A_428 = arith.muli %scan3A_361, %mul3A_427 : i32
        %mul3A_429 = arith.constant 16 : i32
        %mul3A_430 = arith.muli %mul3A_428, %mul3A_429 : i32
        %add3A_431 = arith.constant 48 : i32
        %add3A_432 = arith.addi %mul3A_430, %add3A_431 : i32
        %get3A_433 = arith.constant 1 : i32
        %get3A_434 = arith.index_cast %get3A_433 : i32 to index
        %get3A_435 = arith.index_cast %scan3A_342 : i32 to index
        %get3A_436 = arith.index_cast %add3A_432 : i32 to index
        %get3A_437 = tpu.vector_load %arg6[%get3A_434, %get3A_435, %get3A_436] {strides = array<i32>} : memref<2x16x2048xf32, #tpu.memory_space<vmem>>, vector<1x1x16xf32>,
        %get3A_438 = vector.shape_cast %get3A_437 : vector<1x1x16xf32> to vector<16xf32>
        %broadcast_in_dim3A_439 = arith.constant 3 : i32
        %broadcast_in_dim3A_440 = vector.broadcast %broadcast_in_dim3A_439 : i32 to vector<16xi32>
        %broadcast_in_dim3A_441 = vector.shape_cast %broadcast_in_dim3A_440 : vector<16xi32> to vector<16x1xi32>
        %gather3A_442 = vector.shape_cast %broadcast_in_dim3A_441 : vector<16x1xi32> to vector<16xi32>
        %gather3A_443 = tpu.dynamic_gather %get3A_370[%gather3A_442] in [0] : vector<16xf32>, vector<16xi32> -> vector<16xf32>
        %mul3A_444 = arith.mulf %gather3A_443, %get3A_438 : vector<16xf32>
        %add3A_445 = arith.addf %scan3A_365, %mul3A_444 : vector<16xf32>
        %mul3A_446 = arith.constant 16 : i32
        %mul3A_447 = arith.muli %scan3A_361, %mul3A_446 : i32
        %mul3A_448 = arith.constant 16 : i32
        %mul3A_449 = arith.muli %mul3A_447, %mul3A_448 : i32
        %add3A_450 = arith.constant 64 : i32
        %add3A_451 = arith.addi %mul3A_449, %add3A_450 : i32
        %get3A_452 = arith.constant 1 : i32
        %get3A_453 = arith.index_cast %get3A_452 : i32 to index
        %get3A_454 = arith.index_cast %scan3A_342 : i32 to index
        %get3A_455 = arith.index_cast %add3A_451 : i32 to index
        %get3A_456 = tpu.vector_load %arg6[%get3A_453, %get3A_454, %get3A_455] {strides = array<i32>} : memref<2x16x2048xf32, #tpu.memory_space<vmem>>, vector<1x1x16xf32>,
        %get3A_457 = vector.shape_cast %get3A_456 : vector<1x1x16xf32> to vector<16xf32>
        %broadcast_in_dim3A_458 = arith.constant 4 : i32
        %broadcast_in_dim3A_459 = vector.broadcast %broadcast_in_dim3A_458 : i32 to vector<16xi32>
        %broadcast_in_dim3A_460 = vector.shape_cast %broadcast_in_dim3A_459 : vector<16xi32> to vector<16x1xi32>
        %gather3A_461 = vector.shape_cast %broadcast_in_dim3A_460 : vector<16x1xi32> to vector<16xi32>
        %gather3A_462 = tpu.dynamic_gather %get3A_370[%gather3A_461] in [0] : vector<16xf32>, vector<16xi32> -> vector<16xf32>
        %mul3A_463 = arith.mulf %gather3A_462, %get3A_457 : vector<16xf32>
        %add3A_464 = arith.addf %add3A_388, %mul3A_463 : vector<16xf32>
        %mul3A_465 = arith.constant 16 : i32
        %mul3A_466 = arith.muli %scan3A_361, %mul3A_465 : i32
        %mul3A_467 = arith.constant 16 : i32
        %mul3A_468 = arith.muli %mul3A_466, %mul3A_467 : i32
        %add3A_469 = arith.constant 80 : i32
        %add3A_470 = arith.addi %mul3A_468, %add3A_469 : i32
        %get3A_471 = arith.constant 1 : i32
        %get3A_472 = arith.index_cast %get3A_471 : i32 to index
        %get3A_473 = arith.index_cast %scan3A_342 : i32 to index
        %get3A_474 = arith.index_cast %add3A_470 : i32 to index
        %get3A_475 = tpu.vector_load %arg6[%get3A_472, %get3A_473, %get3A_474] {strides = array<i32>} : memref<2x16x2048xf32, #tpu.memory_space<vmem>>, vector<1x1x16xf32>,
        %get3A_476 = vector.shape_cast %get3A_475 : vector<1x1x16xf32> to vector<16xf32>
        %broadcast_in_dim3A_477 = arith.constant 5 : i32
        %broadcast_in_dim3A_478 = vector.broadcast %broadcast_in_dim3A_477 : i32 to vector<16xi32>
        %broadcast_in_dim3A_479 = vector.shape_cast %broadcast_in_dim3A_478 : vector<16xi32> to vector<16x1xi32>
        %gather3A_480 = vector.shape_cast %broadcast_in_dim3A_479 : vector<16x1xi32> to vector<16xi32>
        %gather3A_481 = tpu.dynamic_gather %get3A_370[%gather3A_480] in [0] : vector<16xf32>, vector<16xi32> -> vector<16xf32>
        %mul3A_482 = arith.mulf %gather3A_481, %get3A_476 : vector<16xf32>
        %add3A_483 = arith.addf %add3A_407, %mul3A_482 : vector<16xf32>
        %mul3A_484 = arith.constant 16 : i32
        %mul3A_485 = arith.muli %scan3A_361, %mul3A_484 : i32
        %mul3A_486 = arith.constant 16 : i32
        %mul3A_487 = arith.muli %mul3A_485, %mul3A_486 : i32
        %add3A_488 = arith.constant 96 : i32
        %add3A_489 = arith.addi %mul3A_487, %add3A_488 : i32
        %get3A_490 = arith.constant 1 : i32
        %get3A_491 = arith.index_cast %get3A_490 : i32 to index
        %get3A_492 = arith.index_cast %scan3A_342 : i32 to index
        %get3A_493 = arith.index_cast %add3A_489 : i32 to index
        %get3A_494 = tpu.vector_load %arg6[%get3A_491, %get3A_492, %get3A_493] {strides = array<i32>} : memref<2x16x2048xf32, #tpu.memory_space<vmem>>, vector<1x1x16xf32>,
        %get3A_495 = vector.shape_cast %get3A_494 : vector<1x1x16xf32> to vector<16xf32>
        %broadcast_in_dim3A_496 = arith.constant 6 : i32
        %broadcast_in_dim3A_497 = vector.broadcast %broadcast_in_dim3A_496 : i32 to vector<16xi32>
        %broadcast_in_dim3A_498 = vector.shape_cast %broadcast_in_dim3A_497 : vector<16xi32> to vector<16x1xi32>
        %gather3A_499 = vector.shape_cast %broadcast_in_dim3A_498 : vector<16x1xi32> to vector<16xi32>
        %gather3A_500 = tpu.dynamic_gather %get3A_370[%gather3A_499] in [0] : vector<16xf32>, vector<16xi32> -> vector<16xf32>
        %mul3A_501 = arith.mulf %gather3A_500, %get3A_495 : vector<16xf32>
        %add3A_502 = arith.addf %add3A_426, %mul3A_501 : vector<16xf32>
        %mul3A_503 = arith.constant 16 : i32
        %mul3A_504 = arith.muli %scan3A_361, %mul3A_503 : i32
        %mul3A_505 = arith.constant 16 : i32
        %mul3A_506 = arith.muli %mul3A_504, %mul3A_505 : i32
        %add3A_507 = arith.constant 112 : i32
        %add3A_508 = arith.addi %mul3A_506, %add3A_507 : i32
        %get3A_509 = arith.constant 1 : i32
        %get3A_510 = arith.index_cast %get3A_509 : i32 to index
        %get3A_511 = arith.index_cast %scan3A_342 : i32 to index
        %get3A_512 = arith.index_cast %add3A_508 : i32 to index
        %get3A_513 = tpu.vector_load %arg6[%get3A_510, %get3A_511, %get3A_512] {strides = array<i32>} : memref<2x16x2048xf32, #tpu.memory_space<vmem>>, vector<1x1x16xf32>,
        %get3A_514 = vector.shape_cast %get3A_513 : vector<1x1x16xf32> to vector<16xf32>
        %broadcast_in_dim3A_515 = arith.constant 7 : i32
        %broadcast_in_dim3A_516 = vector.broadcast %broadcast_in_dim3A_515 : i32 to vector<16xi32>
        %broadcast_in_dim3A_517 = vector.shape_cast %broadcast_in_dim3A_516 : vector<16xi32> to vector<16x1xi32>
        %gather3A_518 = vector.shape_cast %broadcast_in_dim3A_517 : vector<16x1xi32> to vector<16xi32>
        %gather3A_519 = tpu.dynamic_gather %get3A_370[%gather3A_518] in [0] : vector<16xf32>, vector<16xi32> -> vector<16xf32>
        %mul3A_520 = arith.mulf %gather3A_519, %get3A_514 : vector<16xf32>
        %add3A_521 = arith.addf %add3A_445, %mul3A_520 : vector<16xf32>
        %mul3A_522 = arith.constant 16 : i32
        %mul3A_523 = arith.muli %scan3A_361, %mul3A_522 : i32
        %mul3A_524 = arith.constant 16 : i32
        %mul3A_525 = arith.muli %mul3A_523, %mul3A_524 : i32
        %add3A_526 = arith.constant 128 : i32
        %add3A_527 = arith.addi %mul3A_525, %add3A_526 : i32
        %get3A_528 = arith.constant 1 : i32
        %get3A_529 = arith.index_cast %get3A_528 : i32 to index
        %get3A_530 = arith.index_cast %scan3A_342 : i32 to index
        %get3A_531 = arith.index_cast %add3A_527 : i32 to index
        %get3A_532 = tpu.vector_load %arg6[%get3A_529, %get3A_530, %get3A_531] {strides = array<i32>} : memref<2x16x2048xf32, #tpu.memory_space<vmem>>, vector<1x1x16xf32>,
        %get3A_533 = vector.shape_cast %get3A_532 : vector<1x1x16xf32> to vector<16xf32>
        %broadcast_in_dim3A_534 = arith.constant 8 : i32
        %broadcast_in_dim3A_535 = vector.broadcast %broadcast_in_dim3A_534 : i32 to vector<16xi32>
        %broadcast_in_dim3A_536 = vector.shape_cast %broadcast_in_dim3A_535 : vector<16xi32> to vector<16x1xi32>
        %gather3A_537 = vector.shape_cast %broadcast_in_dim3A_536 : vector<16x1xi32> to vector<16xi32>
        %gather3A_538 = tpu.dynamic_gather %get3A_370[%gather3A_537] in [0] : vector<16xf32>, vector<16xi32> -> vector<16xf32>
        %mul3A_539 = arith.mulf %gather3A_538, %get3A_533 : vector<16xf32>
        %add3A_540 = arith.addf %add3A_464, %mul3A_539 : vector<16xf32>
        %mul3A_541 = arith.constant 16 : i32
        %mul3A_542 = arith.muli %scan3A_361, %mul3A_541 : i32
        %mul3A_543 = arith.constant 16 : i32
        %mul3A_544 = arith.muli %mul3A_542, %mul3A_543 : i32
        %add3A_545 = arith.constant 144 : i32
        %add3A_546 = arith.addi %mul3A_544, %add3A_545 : i32
        %get3A_547 = arith.constant 1 : i32
        %get3A_548 = arith.index_cast %get3A_547 : i32 to index
        %get3A_549 = arith.index_cast %scan3A_342 : i32 to index
        %get3A_550 = arith.index_cast %add3A_546 : i32 to index
        %get3A_551 = tpu.vector_load %arg6[%get3A_548, %get3A_549, %get3A_550] {strides = array<i32>} : memref<2x16x2048xf32, #tpu.memory_space<vmem>>, vector<1x1x16xf32>,
        %get3A_552 = vector.shape_cast %get3A_551 : vector<1x1x16xf32> to vector<16xf32>
        %broadcast_in_dim3A_553 = arith.constant 9 : i32
        %broadcast_in_dim3A_554 = vector.broadcast %broadcast_in_dim3A_553 : i32 to vector<16xi32>
        %broadcast_in_dim3A_555 = vector.shape_cast %broadcast_in_dim3A_554 : vector<16xi32> to vector<16x1xi32>
        %gather3A_556 = vector.shape_cast %broadcast_in_dim3A_555 : vector<16x1xi32> to vector<16xi32>
        %gather3A_557 = tpu.dynamic_gather %get3A_370[%gather3A_556] in [0] : vector<16xf32>, vector<16xi32> -> vector<16xf32>
        %mul3A_558 = arith.mulf %gather3A_557, %get3A_552 : vector<16xf32>
        %add3A_559 = arith.addf %add3A_483, %mul3A_558 : vector<16xf32>
        %mul3A_560 = arith.constant 16 : i32
        %mul3A_561 = arith.muli %scan3A_361, %mul3A_560 : i32
        %mul3A_562 = arith.constant 16 : i32
        %mul3A_563 = arith.muli %mul3A_561, %mul3A_562 : i32
        %add3A_564 = arith.constant 160 : i32
        %add3A_565 = arith.addi %mul3A_563, %add3A_564 : i32
        %get3A_566 = arith.constant 1 : i32
        %get3A_567 = arith.index_cast %get3A_566 : i32 to index
        %get3A_568 = arith.index_cast %scan3A_342 : i32 to index
        %get3A_569 = arith.index_cast %add3A_565 : i32 to index
        %get3A_570 = tpu.vector_load %arg6[%get3A_567, %get3A_568, %get3A_569] {strides = array<i32>} : memref<2x16x2048xf32, #tpu.memory_space<vmem>>, vector<1x1x16xf32>,
        %get3A_571 = vector.shape_cast %get3A_570 : vector<1x1x16xf32> to vector<16xf32>
        %broadcast_in_dim3A_572 = arith.constant 10 : i32
        %broadcast_in_dim3A_573 = vector.broadcast %broadcast_in_dim3A_572 : i32 to vector<16xi32>
        %broadcast_in_dim3A_574 = vector.shape_cast %broadcast_in_dim3A_573 : vector<16xi32> to vector<16x1xi32>
        %gather3A_575 = vector.shape_cast %broadcast_in_dim3A_574 : vector<16x1xi32> to vector<16xi32>
        %gather3A_576 = tpu.dynamic_gather %get3A_370[%gather3A_575] in [0] : vector<16xf32>, vector<16xi32> -> vector<16xf32>
        %mul3A_577 = arith.mulf %gather3A_576, %get3A_571 : vector<16xf32>
        %add3A_578 = arith.addf %add3A_502, %mul3A_577 : vector<16xf32>
        %mul3A_579 = arith.constant 16 : i32
        %mul3A_580 = arith.muli %scan3A_361, %mul3A_579 : i32
        %mul3A_581 = arith.constant 16 : i32
        %mul3A_582 = arith.muli %mul3A_580, %mul3A_581 : i32
        %add3A_583 = arith.constant 176 : i32
        %add3A_584 = arith.addi %mul3A_582, %add3A_583 : i32
        %get3A_585 = arith.constant 1 : i32
        %get3A_586 = arith.index_cast %get3A_585 : i32 to index
        %get3A_587 = arith.index_cast %scan3A_342 : i32 to index
        %get3A_588 = arith.index_cast %add3A_584 : i32 to index
        %get3A_589 = tpu.vector_load %arg6[%get3A_586, %get3A_587, %get3A_588] {strides = array<i32>} : memref<2x16x2048xf32, #tpu.memory_space<vmem>>, vector<1x1x16xf32>,
        %get3A_590 = vector.shape_cast %get3A_589 : vector<1x1x16xf32> to vector<16xf32>
        %broadcast_in_dim3A_591 = arith.constant 11 : i32
        %broadcast_in_dim3A_592 = vector.broadcast %broadcast_in_dim3A_591 : i32 to vector<16xi32>
        %broadcast_in_dim3A_593 = vector.shape_cast %broadcast_in_dim3A_592 : vector<16xi32> to vector<16x1xi32>
        %gather3A_594 = vector.shape_cast %broadcast_in_dim3A_593 : vector<16x1xi32> to vector<16xi32>
        %gather3A_595 = tpu.dynamic_gather %get3A_370[%gather3A_594] in [0] : vector<16xf32>, vector<16xi32> -> vector<16xf32>
        %mul3A_596 = arith.mulf %gather3A_595, %get3A_590 : vector<16xf32>
        %add3A_597 = arith.addf %add3A_521, %mul3A_596 : vector<16xf32>
        %mul3A_598 = arith.constant 16 : i32
        %mul3A_599 = arith.muli %scan3A_361, %mul3A_598 : i32
        %mul3A_600 = arith.constant 16 : i32
        %mul3A_601 = arith.muli %mul3A_599, %mul3A_600 : i32
        %add3A_602 = arith.constant 192 : i32
        %add3A_603 = arith.addi %mul3A_601, %add3A_602 : i32
        %get3A_604 = arith.constant 1 : i32
        %get3A_605 = arith.index_cast %get3A_604 : i32 to index
        %get3A_606 = arith.index_cast %scan3A_342 : i32 to index
        %get3A_607 = arith.index_cast %add3A_603 : i32 to index
        %get3A_608 = tpu.vector_load %arg6[%get3A_605, %get3A_606, %get3A_607] {strides = array<i32>} : memref<2x16x2048xf32, #tpu.memory_space<vmem>>, vector<1x1x16xf32>,
        %get3A_609 = vector.shape_cast %get3A_608 : vector<1x1x16xf32> to vector<16xf32>
        %broadcast_in_dim3A_610 = arith.constant 12 : i32
        %broadcast_in_dim3A_611 = vector.broadcast %broadcast_in_dim3A_610 : i32 to vector<16xi32>
        %broadcast_in_dim3A_612 = vector.shape_cast %broadcast_in_dim3A_611 : vector<16xi32> to vector<16x1xi32>
        %gather3A_613 = vector.shape_cast %broadcast_in_dim3A_612 : vector<16x1xi32> to vector<16xi32>
        %gather3A_614 = tpu.dynamic_gather %get3A_370[%gather3A_613] in [0] : vector<16xf32>, vector<16xi32> -> vector<16xf32>
        %mul3A_615 = arith.mulf %gather3A_614, %get3A_609 : vector<16xf32>
        %add3A_616 = arith.addf %add3A_540, %mul3A_615 : vector<16xf32>
        %mul3A_617 = arith.constant 16 : i32
        %mul3A_618 = arith.muli %scan3A_361, %mul3A_617 : i32
        %mul3A_619 = arith.constant 16 : i32
        %mul3A_620 = arith.muli %mul3A_618, %mul3A_619 : i32
        %add3A_621 = arith.constant 208 : i32
        %add3A_622 = arith.addi %mul3A_620, %add3A_621 : i32
        %get3A_623 = arith.constant 1 : i32
        %get3A_624 = arith.index_cast %get3A_623 : i32 to index
        %get3A_625 = arith.index_cast %scan3A_342 : i32 to index
        %get3A_626 = arith.index_cast %add3A_622 : i32 to index
        %get3A_627 = tpu.vector_load %arg6[%get3A_624, %get3A_625, %get3A_626] {strides = array<i32>} : memref<2x16x2048xf32, #tpu.memory_space<vmem>>, vector<1x1x16xf32>,
        %get3A_628 = vector.shape_cast %get3A_627 : vector<1x1x16xf32> to vector<16xf32>
        %broadcast_in_dim3A_629 = arith.constant 13 : i32
        %broadcast_in_dim3A_630 = vector.broadcast %broadcast_in_dim3A_629 : i32 to vector<16xi32>
        %broadcast_in_dim3A_631 = vector.shape_cast %broadcast_in_dim3A_630 : vector<16xi32> to vector<16x1xi32>
        %gather3A_632 = vector.shape_cast %broadcast_in_dim3A_631 : vector<16x1xi32> to vector<16xi32>
        %gather3A_633 = tpu.dynamic_gather %get3A_370[%gather3A_632] in [0] : vector<16xf32>, vector<16xi32> -> vector<16xf32>
        %mul3A_634 = arith.mulf %gather3A_633, %get3A_628 : vector<16xf32>
        %add3A_635 = arith.addf %add3A_559, %mul3A_634 : vector<16xf32>
        %mul3A_636 = arith.constant 16 : i32
        %mul3A_637 = arith.muli %scan3A_361, %mul3A_636 : i32
        %mul3A_638 = arith.constant 16 : i32
        %mul3A_639 = arith.muli %mul3A_637, %mul3A_638 : i32
        %add3A_640 = arith.constant 224 : i32
        %add3A_641 = arith.addi %mul3A_639, %add3A_640 : i32
        %get3A_642 = arith.constant 1 : i32
        %get3A_643 = arith.index_cast %get3A_642 : i32 to index
        %get3A_644 = arith.index_cast %scan3A_342 : i32 to index
        %get3A_645 = arith.index_cast %add3A_641 : i32 to index
        %get3A_646 = tpu.vector_load %arg6[%get3A_643, %get3A_644, %get3A_645] {strides = array<i32>} : memref<2x16x2048xf32, #tpu.memory_space<vmem>>, vector<1x1x16xf32>,
        %get3A_647 = vector.shape_cast %get3A_646 : vector<1x1x16xf32> to vector<16xf32>
        %broadcast_in_dim3A_648 = arith.constant 14 : i32
        %broadcast_in_dim3A_649 = vector.broadcast %broadcast_in_dim3A_648 : i32 to vector<16xi32>
        %broadcast_in_dim3A_650 = vector.shape_cast %broadcast_in_dim3A_649 : vector<16xi32> to vector<16x1xi32>
        %gather3A_651 = vector.shape_cast %broadcast_in_dim3A_650 : vector<16x1xi32> to vector<16xi32>
        %gather3A_652 = tpu.dynamic_gather %get3A_370[%gather3A_651] in [0] : vector<16xf32>, vector<16xi32> -> vector<16xf32>
        %mul3A_653 = arith.mulf %gather3A_652, %get3A_647 : vector<16xf32>
        %add3A_654 = arith.addf %add3A_578, %mul3A_653 : vector<16xf32>
        %mul3A_655 = arith.constant 16 : i32
        %mul3A_656 = arith.muli %scan3A_361, %mul3A_655 : i32
        %mul3A_657 = arith.constant 16 : i32
        %mul3A_658 = arith.muli %mul3A_656, %mul3A_657 : i32
        %add3A_659 = arith.constant 240 : i32
        %add3A_660 = arith.addi %mul3A_658, %add3A_659 : i32
        %get3A_661 = arith.constant 1 : i32
        %get3A_662 = arith.index_cast %get3A_661 : i32 to index
        %get3A_663 = arith.index_cast %scan3A_342 : i32 to index
        %get3A_664 = arith.index_cast %add3A_660 : i32 to index
        %get3A_665 = tpu.vector_load %arg6[%get3A_662, %get3A_663, %get3A_664] {strides = array<i32>} : memref<2x16x2048xf32, #tpu.memory_space<vmem>>, vector<1x1x16xf32>,
        %get3A_666 = vector.shape_cast %get3A_665 : vector<1x1x16xf32> to vector<16xf32>
        %broadcast_in_dim3A_667 = arith.constant 15 : i32
        %broadcast_in_dim3A_668 = vector.broadcast %broadcast_in_dim3A_667 : i32 to vector<16xi32>
        %broadcast_in_dim3A_669 = vector.shape_cast %broadcast_in_dim3A_668 : vector<16xi32> to vector<16x1xi32>
        %gather3A_670 = vector.shape_cast %broadcast_in_dim3A_669 : vector<16x1xi32> to vector<16xi32>
        %gather3A_671 = tpu.dynamic_gather %get3A_370[%gather3A_670] in [0] : vector<16xf32>, vector<16xi32> -> vector<16xf32>
        %mul3A_672 = arith.mulf %gather3A_671, %get3A_666 : vector<16xf32>
        %add3A_673 = arith.addf %add3A_597, %mul3A_672 : vector<16xf32>
        scf.yield %add3A_616, %add3A_635, %add3A_654, %add3A_673 : vector<16xf32>, vector<16xf32>, vector<16xf32>, vector<16xf32>
      }
      %scan3A_352 = arith.constant 8 : i32
      %add3A_353 = arith.addf %scan3A_351#0, %scan3A_351#1 : vector<16xf32>
      %add3A_354 = arith.addf %scan3A_351#2, %scan3A_351#3 : vector<16xf32>
      %add3A_355 = arith.addf %add3A_353, %add3A_354 : vector<16xf32>
      %swap3A = arith.index_cast %add3A_345 : i32 to index
      %swap3A_356 = arith.constant 0 : index
      %swap3A_357 = tpu.vector_load %arg7[%swap3A, %swap3A_356] {strides = array<i32>} : memref<128x16xf32, #tpu.memory_space<vmem>>, vector<1x16xf32>,
      %swap3A_358 = vector.shape_cast %swap3A_357 : vector<1x16xf32> to vector<16xf32>
      %swap3A_359 = vector.shape_cast %add3A_355 : vector<16xf32> to vector<1x16xf32>
      tpu.vector_store %arg7[%swap3A, %swap3A_356], %swap3A_359 {strides = array<i32>} : memref<128x16xf32, #tpu.memory_space<vmem>>, vector<1x16xf32>,
      %scan3A_360 = arith.constant 0 : i32
      scf.yield %scan3A_360 : i32
    }
    %scan3A_341 = arith.constant 16 : i32
    "tpu.region"() ({
      %run_scoped3A = tpu.sem_alloc : memref<!tpu.dma_semaphore, #tpu.memory_space<semaphore_mem>>
      %dma_start3A_342 = arith.constant 0 : i32
      %dma_start3A_343 = arith.constant 0 : i32
      %dma_start3A_344 = tpu.memref_slice %arg4[%add3A, %dma_start3A_342, %dma_start3A_343] : memref<32x128x16xf32, #tpu.memory_space<hbm>> -> memref<1x128x16xf32, #tpu.memory_space<hbm>>
      %dma_start3A_345 = tpu.memref_squeeze %dma_start3A_344 : memref<1x128x16xf32, #tpu.memory_space<hbm>> -> memref<128x16xf32, #tpu.memory_space<hbm>>
      %dma_start3A_346 = arith.constant 0 : i32
      %dma_start3A_347 = arith.constant 0 : i32
      %dma_start3A_348 = tpu.memref_slice %arg4[%add3A, %dma_start3A_346, %dma_start3A_347] : memref<32x128x16xf32, #tpu.memory_space<hbm>> -> memref<1x128x16xf32, #tpu.memory_space<hbm>>
      %dma_start3A_349 = tpu.memref_squeeze %dma_start3A_348 : memref<1x128x16xf32, #tpu.memory_space<hbm>> -> memref<128x16xf32, #tpu.memory_space<hbm>>
      tpu.enqueue_dma source(%arg7 : memref<128x16xf32, #tpu.memory_space<vmem>>) target(%dma_start3A_349 : memref<128x16xf32, #tpu.memory_space<hbm>>) target_semaphore(%run_scoped3A : memref<!tpu.dma_semaphore, #tpu.memory_space<semaphore_mem>>)
      %dma_wait3A_350 = arith.constant 0 : i32
      %dma_wait3A_351 = arith.constant 0 : i32
      %dma_wait3A_352 = tpu.memref_slice %arg4[%add3A, %dma_wait3A_350, %dma_wait3A_351] : memref<32x128x16xf32, #tpu.memory_space<hbm>> -> memref<1x128x16xf32, #tpu.memory_space<hbm>>
      %dma_wait3A_353 = tpu.memref_squeeze %dma_wait3A_352 : memref<1x128x16xf32, #tpu.memory_space<hbm>> -> memref<128x16xf32, #tpu.memory_space<hbm>>
      %dma_wait3A_354 = arith.constant 0 : i32
      %dma_wait3A_355 = arith.constant 0 : i32
      %dma_wait3A_356 = tpu.memref_slice %arg4[%add3A, %dma_wait3A_354, %dma_wait3A_355] : memref<32x128x16xf32, #tpu.memory_space<hbm>> -> memref<1x128x16xf32, #tpu.memory_space<hbm>>
      %dma_wait3A_357 = tpu.memref_squeeze %dma_wait3A_356 : memref<1x128x16xf32, #tpu.memory_space<hbm>> -> memref<128x16xf32, #tpu.memory_space<hbm>>
      tpu.wait_dma2 semaphore(%run_scoped3A : memref<!tpu.dma_semaphore, #tpu.memory_space<semaphore_mem>>) src(%arg7 : memref<128x16xf32, #tpu.memory_space<vmem>>) dst(%dma_wait3A_357 : memref<128x16xf32, #tpu.memory_space<hbm>>)
      tpu.yield
    }) : () -> ()
    return
  }
}

module attributes {stable_mosaic.version = 14 : i64} {
  func.func @_tc_body(%arg0: i32, %arg1: memref<512x512xf32, #tpu.memory_space<vmem>>, %arg2: memref<512x128xf32, #tpu.memory_space<vmem>>, %arg3: memref<512x16xf32, #tpu.memory_space<vmem>>, %arg4: memref<512x1024xf32, #tpu.memory_space<vmem>>, %arg5: memref<16x512xf32, #tpu.memory_space<vmem>>, %arg6: memref<1x512xf32, #tpu.memory_space<vmem>>, %arg7: memref<512x512xf32, #tpu.memory_space<vmem>>) attributes {dimension_semantics = [#tpu.dimension_semantics<arbitrary>], iteration_bounds = array<i64: 8>, scalar_prefetch = 0 : i64, scratch_operands = 0 : i64, tpu.core_type = #tpu.core_type<tc>, window_params = [{transform_indices = @transform_0, window_bounds = array<i64: 512, 512>}, {transform_indices = @transform_1, window_bounds = array<i64: 512, 128>}, {transform_indices = @transform_2, window_bounds = array<i64: 512, 16>}, {pipeline_mode = #tpu.pipeline_mode<synchronous>, transform_indices = @transform_3, window_bounds = array<i64: 512, 1024>}, {pipeline_mode = #tpu.pipeline_mode<synchronous>, transform_indices = @transform_4, window_bounds = array<i64: 16, 512>}, {pipeline_mode = #tpu.pipeline_mode<synchronous>, transform_indices = @transform_5, window_bounds = array<i64: 1, 512>}, {transform_indices = @transform_6, window_bounds = array<i64: 512, 512>}]} {
    %get3A = arith.constant 0 : index
    %get3A_0 = arith.constant 0 : index
    %get3A_1 = vector.load %arg1[%get3A, %get3A_0] : memref<512x512xf32, #tpu.memory_space<vmem>>, vector<512x512xf32>
    %get3A_2 = arith.constant 0 : index
    %get3A_3 = arith.constant 0 : index
    %get3A_4 = vector.load %arg4[%get3A_2, %get3A_3] : memref<512x1024xf32, #tpu.memory_space<vmem>>, vector<512x1024xf32>
    %dot_general3A = arith.constant dense<0.000000e+00> : vector<512x1024xf32>
    %dot_general3A_5 = tpu.matmul %get3A_1, %get3A_4, %dot_general3A {dimension_numbers = #tpu.dot_dimension_numbers<[1], [0], [0], [1], [0, 0, 1, 1], [], []>, transpose_lhs_hint = false} : vector<512x512xf32>, vector<512x1024xf32>, vector<512x1024xf32> -> vector<512x1024xf32>
    %get3A_6 = arith.constant 0 : index
    %get3A_7 = arith.constant 0 : index
    %get3A_8 = vector.load %arg2[%get3A_6, %get3A_7] : memref<512x128xf32, #tpu.memory_space<vmem>>, vector<512x128xf32>
    %reduce_sum3A = arith.constant dense<0.000000e+00> : vector<512xf32>
    %reduce_sum3A_9 = vector.multi_reduction <add>, %get3A_8, %reduce_sum3A [1] : vector<512x128xf32> to vector<512xf32>
    %broadcast_in_dim3A = vector.shape_cast %reduce_sum3A_9 : vector<512xf32> to vector<512x1xf32>
    %get3A_10 = arith.constant 0 : index
    %get3A_11 = arith.constant 0 : index
    %get3A_12 = vector.load %arg3[%get3A_10, %get3A_11] : memref<512x16xf32, #tpu.memory_space<vmem>>, vector<512x16xf32>
    %get3A_13 = arith.constant 0 : index
    %get3A_14 = arith.constant 0 : index
    %get3A_15 = vector.load %arg5[%get3A_13, %get3A_14] : memref<16x512xf32, #tpu.memory_space<vmem>>, vector<16x512xf32>
    %dot_general3A_16 = arith.constant dense<0.000000e+00> : vector<512x512xf32>
    %dot_general3A_17 = tpu.matmul %get3A_12, %get3A_15, %dot_general3A_16 {dimension_numbers = #tpu.dot_dimension_numbers<[1], [0], [0], [1], [0, 0, 1, 1], [], []>, transpose_lhs_hint = false} : vector<512x16xf32>, vector<16x512xf32>, vector<512x512xf32> -> vector<512x512xf32>
    %slice3A = vector.extract_strided_slice %dot_general3A_5 {offsets = [0, 0], sizes = [512, 512], strides = [1, 1]} : vector<512x1024xf32> to vector<512x512xf32>
    %slice3A_18 = vector.extract_strided_slice %dot_general3A_5 {offsets = [0, 512], sizes = [512, 512], strides = [1, 1]} : vector<512x1024xf32> to vector<512x512xf32>
    %mul3A = vector.broadcast %broadcast_in_dim3A : vector<512x1xf32> to vector<512x512xf32>
    %mul3A_19 = arith.mulf %mul3A, %slice3A_18 : vector<512x512xf32>
    %add3A = arith.addf %slice3A, %mul3A_19 : vector<512x512xf32>
    %add3A_20 = arith.addf %add3A, %dot_general3A_17 : vector<512x512xf32>
    %get3A_21 = arith.constant 0 : index
    %get3A_22 = arith.constant 0 : index
    %get3A_23 = vector.load %arg6[%get3A_21, %get3A_22] : memref<1x512xf32, #tpu.memory_space<vmem>>, vector<1x512xf32>
    %add3A_24 = vector.broadcast %get3A_23 : vector<1x512xf32> to vector<512x512xf32>
    %add3A_25 = arith.addf %add3A_20, %add3A_24 : vector<512x512xf32>
    %swap3A = arith.constant 0 : index
    %swap3A_26 = arith.constant 0 : index
    %swap3A_27 = vector.load %arg7[%swap3A, %swap3A_26] : memref<512x512xf32, #tpu.memory_space<vmem>>, vector<512x512xf32>
    tpu.vector_store %arg7[%swap3A, %swap3A_26], %add3A_25 {strides = array<i32>} : memref<512x512xf32, #tpu.memory_space<vmem>>, vector<512x512xf32>,
    return
  }
  func.func @transform_0(%arg0: i32) -> (i32, i32) {
    %c0_i32 = arith.constant 0 : i32
    %c0_i32_0 = arith.constant 0 : i32
    return %arg0, %c0_i32 : i32, i32
  }
  func.func @transform_1(%arg0: i32) -> (i32, i32) {
    %c0_i32 = arith.constant 0 : i32
    %c0_i32_0 = arith.constant 0 : i32
    return %arg0, %c0_i32 : i32, i32
  }
  func.func @transform_2(%arg0: i32) -> (i32, i32) {
    %c0_i32 = arith.constant 0 : i32
    %c0_i32_0 = arith.constant 0 : i32
    return %arg0, %c0_i32 : i32, i32
  }
  func.func @transform_3(%arg0: i32) -> (i32, i32) {
    %c0_i32 = arith.constant 0 : i32
    %c0_i32_0 = arith.constant 0 : i32
    %c0_i32_1 = arith.constant 0 : i32
    return %c0_i32, %c0_i32_0 : i32, i32
  }
  func.func @transform_4(%arg0: i32) -> (i32, i32) {
    %c0_i32 = arith.constant 0 : i32
    %c0_i32_0 = arith.constant 0 : i32
    %c0_i32_1 = arith.constant 0 : i32
    return %c0_i32, %c0_i32_0 : i32, i32
  }
  func.func @transform_5(%arg0: i32) -> (i32, i32) {
    %c0_i32 = arith.constant 0 : i32
    %c0_i32_0 = arith.constant 0 : i32
    %c0_i32_1 = arith.constant 0 : i32
    return %c0_i32, %c0_i32_0 : i32, i32
  }
  func.func @transform_6(%arg0: i32) -> (i32, i32) {
    %c0_i32 = arith.constant 0 : i32
    %c0_i32_0 = arith.constant 0 : i32
    return %arg0, %c0_i32 : i32, i32
  }
}

</mosaic_0001>

<sc_bundles>
// kernel: kernel.4.cloned.1.call-start
scs
__scs_entry_jumppad:
0x0: {  	(pc) =	sbr.rel $0x88, $3  }
0x1: {  	(tag) =	ssettag $0x0;
	lr =	simm.s32 $0x1  }
0x2: {  	[smem:$0x3F9B] =	sst lr;
	_ =	strace $0xD0000000  }
0x3: {  	_ = 	snop  }
0x4: {  	_ = 	snop  }
0x5: {  	_ = 	snop  }
0x6: {  	_ = 	snop  }
0x7: {  	_ = 	snop  }
__scs_overlays_trampoline_lowered:
0x8: {  	[smem:$0x3FAA] =	sst s0  }
0x9: {  	[smem:$0x3FAB] =	sst s1  }
0xa: {  	[smem:$0x3FAC] =	sst s2  }
0xb: {  	[smem:$0x3FAD] =	sst s3  }
0xc: {  	[smem:$0x3FAE] =	sst s4  }
0xd: {  	[smem:$0x3FAF] =	sst s5  }
0xe: {  	[smem:$0x3FB0] =	sst s6  }
0xf: {  	[smem:$0x3FB1] =	sst s7  }
0x10: {  	[smem:$0x3FB2] =	sst s8  }
0x11: {  	[smem:$0x3FB3] =	sst s9;
	s0 =	simm.s32 @!p0 $0x0  }
0x12: {  	s1 =	sld [smem:$0x3F99];
	s0 =	simm.s32 @p0 $0x1  }
0x13: {  	[smem:$0x3FB4] =	sst s0;
	s0 =	simm.s32 @!p1 $0x0  }
0x14: {  	s2 =	sld [smem:$0x3F98];
	s0 =	simm.s32 @p1 $0x1  }
0x15: {  	[smem:$0x3FB5] =	sst s0;
	s0 =	simm.s32 @!p2 $0x0  }
0x16: {  	s3 =	sld [smem:$0x3FDB];
	s0 =	simm.s32 @p2 $0x1  }
0x17: {  	s4 =	simm.s32 $0x1BF5;
	[smem:$0x3FB7] =	sst s0  }
0x18: {  	s0 =	sld [smem:$0x3F9A];
	_ =	swait.ge [sflag:s4], $0x0  }
0x19: {  	s7 =	sld [smem:$0x3F9B]  }
0x1a: {  	s8 =	sadd.s32 $0xFFFFE003, lr  }
0x1b: {  	s9 =	sadd.s32 $0xFFFFFEF7, lr;
	s5 =	simm.s32 $0xFFFFFFFF;
	p2 =	slt.u32 s8, $0xFFFFF086  }
0x1c: {  	p1 =	slt.u32 s9, $0xF7A;
	s5 =	simm.s32 @!p2 $0x0  }
0x1d: {  	s5 =	simm.s32 @p1 $0x1;
	p0 =	seq.s32 s7, s2  }
0x1e: {  	s7 =	smul.u32 @!p0 $0xF7A, s2;
	p2 =	seq.s32 @!p0 s5, $0x0  }
0x1f: {  	s9 =	smul.u32 $0xF7A, s1;
	s8 =	simm.s32 @!p0 $0x1BF5;
	p2 =	por !p2, p0  }
0x20: {  	[sflag:s8] =	ssyncset.s32 @!p0 $0xFFFFF086;
	s6 =	sadd.s32 @!p0 s3, s7;
	s7 =	simm.s32 @!p0 $0x108  }
0x21: {  	s3 =	sadd.s32 s3, s9;
	s6 =	sadd.s32 @!p0 $0x88, s6;
	s7 =	simm.s32 @p2 $0x1082  }
0x22: {  	[simem:s7], [sflag:s8] =	dma.local @!p0 [hbm:s6], $0xF7A  }
0x23: {  	s9 =	sor.u32 $0xD0000000, s2;
	s6 =	simm.s32 $0x108;
	_ =	swait.ge @!p0 [sflag:s8], $0x0  }
0x24: {  	s3 =	sadd.s32 $0x88, s3;
	s6 =	simm.s32 @!p1 $0x1082;
	[sflag:s4] =	ssyncset.s32 $0xFFFFF086  }
0x25: {  	[simem:s6], [sflag:s4] =	dma.local [hbm:s3], $0xF7A  }
0x26: {  	[smem:$0x3F9B] =	sst s1;
	(tag) =	ssettag s2;
	_ =	strace s9  }
0x27: {  	s1 =	sld [smem:$0x3FAB]  }
0x28: {  	s2 =	sld [smem:$0x3FAC]  }
0x29: {  	s4 =	sld [smem:$0x3FAE]  }
0x2a: {  	p0 =	seq.s32 s5, $0x0;
	s5 =	sld [smem:$0x3FAF]  }
0x2b: {  	s6 =	sld [smem:$0x3FB0]  }
0x2c: {  	s7 =	sld [smem:$0x3FB1]  }
0x2d: {  	s3 =	simm.s32 $0x108;
	s8 =	sld [smem:$0x3FB2]  }
0x2e: {  	s3 =	simm.s32 @!p0 $0x1082;
	s9 =	sld [smem:$0x3FB3]  }
0x2f: {  	lr =	sadd.s32 s0, s3;
	s0 =	sld [smem:$0x3FAA]  }
0x30: {  	s3 =	sld [smem:$0x3FAD]  }
0x31: {  	[smem:$0x3FB6] =	sst s10  }
0x32: {  	s10 =	sld [smem:$0x3FB4];
	_ =	sdelay $0x3  }
0x33: {  	p0 =	seq.s32 s10, $0x1;
	s10 =	sld [smem:$0x3FB6];
	_ =	sdelay $0x3  }
0x34: {  	[smem:$0x3FB6] =	sst s10  }
0x35: {  	s10 =	sld [smem:$0x3FB5];
	_ =	sdelay $0x3  }
0x36: {  	p1 =	seq.s32 s10, $0x1;
	s10 =	sld [smem:$0x3FB6];
	_ =	sdelay $0x3  }
0x37: {  	[smem:$0x3FB6] =	sst s10  }
0x38: {  	s10 =	sld [smem:$0x3FB7]  }
0x39: {  	_ = 	snop;
	(pc) =	sbr.ind lr, $3  }
0x3a: {  	_ = 	snop  }
0x3b: {  	_ = 	snop  }
0x3c: {  	p2 =	seq.s32 s10, $0x1;
	s10 =	sld [smem:$0x3FB6]  }
0x3d: {  	_ =	shalt  }
0x3e: {  	_ =	shalt  }
0x3f: {  	_ =	shalt  }
0x40: {  	_ =	shalt  }
0x41: {  	_ =	shalt  }
0x42: {  	_ =	shalt  }
0x43: {  	_ =	shalt  }
0x44: {  	_ =	shalt  }
0x45: {  	_ =	shalt  }
0x46: {  	_ =	shalt  }
0x47: {  	_ =	shalt  }
0x48: {  	_ =	shalt  }
0x49: {  	_ =	shalt  }
0x4a: {  	_ =	shalt  }
0x4b: {  	_ =	shalt  }
0x4c: {  	_ =	shalt  }
0x4d: {  	_ =	shalt  }
0x4e: {  	_ =	shalt  }
0x4f: {  	_ =	shalt  }
0x50: {  	_ =	shalt  }
0x51: {  	_ =	shalt  }
0x52: {  	_ =	shalt  }
0x53: {  	_ =	shalt  }
0x54: {  	_ =	shalt  }
0x55: {  	_ =	shalt  }
0x56: {  	_ =	shalt  }
0x57: {  	_ =	shalt  }
0x58: {  	_ =	shalt  }
0x59: {  	_ =	shalt  }
0x5a: {  	_ =	shalt  }
0x5b: {  	_ =	shalt  }
0x5c: {  	_ =	shalt  }
0x5d: {  	_ =	shalt  }
0x5e: {  	_ =	shalt  }
0x5f: {  	_ =	shalt  }
0x60: {  	_ =	shalt  }
0x61: {  	_ =	shalt  }
0x62: {  	_ =	shalt  }
0x63: {  	_ =	shalt  }
0x64: {  	_ =	shalt  }
0x65: {  	_ =	shalt  }
0x66: {  	_ =	shalt  }
0x67: {  	_ =	shalt  }
0x68: {  	_ =	shalt  }
0x69: {  	_ =	shalt  }
0x6a: {  	_ =	shalt  }
0x6b: {  	_ =	shalt  }
0x6c: {  	_ =	shalt  }
0x6d: {  	_ =	shalt  }
0x6e: {  	_ =	shalt  }
0x6f: {  	_ =	shalt  }
0x70: {  	_ =	shalt  }
0x71: {  	_ =	shalt  }
0x72: {  	_ =	shalt  }
0x73: {  	_ =	shalt  }
0x74: {  	_ =	shalt  }
0x75: {  	_ =	shalt  }
0x76: {  	_ =	shalt  }
0x77: {  	_ =	shalt  }
0x78: {  	_ =	shalt  }
0x79: {  	_ =	shalt  }
0x7a: {  	_ =	shalt  }
0x7b: {  	_ =	shalt  }
0x7c: {  	_ =	shalt  }
0x7d: {  	_ =	shalt  }
0x7e: {  	_ =	shalt  }
0x7f: {  	_ =	shalt  }
0x80: {  	_ =	shalt  }
0x81: {  	_ =	shalt  }
0x82: {  	_ =	shalt  }
0x83: {  	_ =	shalt  }
0x84: {  	_ =	shalt  }
0x85: {  	_ =	shalt  }
0x86: {  	_ =	shalt  }
0x87: {  	_ =	shalt  }
.Lfunc_end0:
.L_simem_size_0:
called_computation_lowered:
.L_overlay_start_0:
0x88: {  	s2 =	sld [smem:$0x3FD9]  }
0x89: {  	s3 =	sld [smem:$0x3FFE];
	_ =	sdelay $0x1  }
0x8a: {  	s1 =	srdreg.scid  }
0x8b: {  	s0 =	sand.u32 $0x1, s1  }
0x8c: {  	s17 =	sshll.u32 s0, $0xA;
	s2 =	sadd.s32 s3, s2  }
0x8d: {  	s2 =	sadd.s32 s2, s17  }
0x8e: {  	[smem:$0x3FC2] =	sst s2  }
0x8f: {  	_ = 	snop  }
0x90: {  	s2 =	sld [smem:$0x3FC8]  }
0x91: {  	s18 =	sld [smem:$0x3FD0];
	(tm) =	ssettm $0x1  }
0x92: {  	s4 =	sld [smem:$0x3FFB];
	_ =	sdelay $0x3  }
0x93: {  	_ =	strace s4  }
0x94: {  	s4 =	sld [smem:$0x3FFC];
	_ =	sdelay $0x3  }
0x95: {  	_ =	strace s4  }
0x96: {  	s4 =	sld [smem:$0x3FFD];
	_ =	sdelay $0x3  }
0x97: {  	_ =	strace s4  }
0x98: {  	_ =	strace $0x8FFFFFFF  }
0x99: {  	s19 =	sld [smem:$0x3FDB];
	_ =	sdelay $0x1  }
0x9a: {  	s5 =	simm.s32 $_scs_section_size  }
0x9b: {  	s6 =	simm.s32 $_size__tile_overlayer_lowered;
	s7 =	simm.s32 $_tile_overlayer_lowered  }
0x9c: {  	s22 =	simm.s32 $0x1BFF;
	s21 =	sshll.u32 s7, $0x1;
	s4 =	sadd.s32 s5, s19  }
0x9d: {  	s8 =	simm.s32 $0x0;
	s20 =	sshll.u32 s6, $0x1;
	s6 =	sadd.s32 s21, s4  }
0x9e: {  	[timem:s8], [sflag:s22] =	dma.local [hbm:s6], s20  }
0x9f: {  	_ =	swait.ge [sflag:s22], s20  }
0xa0: {  	s5 =	ssub.s32 $0x0, s20;
	[sflag:s22] =	ssyncset.done $0x0  }
0xa1: {  	[sflag:s22] =	ssyncadd.s32 s5;
	_ =	sdelay $0x1  }
0xa2: {  	s23 =	simm.s32 $0x1B8B  }
0xa3: {  	_ =	swait.ge [sflag:s23], $0x1  }
0xa4: {  	[sflag:s23] =	ssyncset.done $0x0  }
0xa5: {  	s25 =	simm.s32 $0x1B8E;
	s24 =	sld [smem:$0x3FFE];
	[sflag:s23] =	ssyncadd.s32 $0xFFFFFFFF  }
0xa6: {  	s26 =	simm.s32 $execute0_lowered;
	[smem:$0x3FD2] =	sst s25  }
0xa7: {  	s6 =	sshll.u32 s26, $0x1;
	_ =	strace $0x80000046;
	[dreg:$0x1] =	wrdreg $0xFFFFFFFF  }
0xa8: {  	s28 =	simm.s32 $_size_execute0_lowered;
	s4 =	sadd.s32 s4, s6;
	[dreg:$0x0] =	wrdreg $0x0  }
0xa9: {  	s6 =	sshll.u32 s28, $0x1;
	[dreg:$0x2] =	wrdreg s4  }
0xaa: {  	[dreg:$0x3] =	wrdreg s6  }
0xab: {  	[dreg:$0x4] =	wrdreg $0xC0  }
0xac: {  	_ =	task [dreg:s8], $0x5FFFF  }
0xad: {  	[dreg:$0x1] =	wrdreg $0xFFFFFFFF  }
0xae: {  	[dreg:$0x0] =	wrdreg $0x60  }
0xaf: {  	[dreg:$0x2] =	wrdreg s2  }
0xb0: {  	[dreg:$0x3] =	wrdreg s24  }
0xb1: {  	[dreg:$0x4] =	wrdreg s18  }
0xb2: {  	[dreg:$0x5] =	wrdreg $0x9  }
0xb3: {  	_ =	task.clear_ibuf [dreg:s8], $0x6FFFF;
	_ =	strace $0x90000046  }
0xb4: {  	s29 =	simm.s32 $0x9;
	_ =	strace $0x80000048  }
0xb5: {  	_ =	swait.ge [sflag:s29], $0x1  }
0xb6: {  	[sflag:s29] =	ssyncadd.s32 $0xFFFFFFFF  }
0xb7: {  	_ =	strace $0x90000048  }
0xb8: {  	_ =	sfence  }
0xb9: {  	s30 =	sld [smem:$0x0];
	_ =	sdelay $0x2  }
0xba: {  	s31 =	sshll.u32 s1, $0xD;
	s1 =	sshrl.u32 s1, $0x2  }
0xbb: {  	s3 =	sand.u32 $0x4000, s31;
	s1 =	sadd.s32 s1, s30  }
0xbc: {  	s0 =	sor.u32 s3, s0;
	s1 =	sshll.u32 s1, $0x11  }
0xbd: {  	s0 =	sor.u32 s1, s0  }
0xbe: {  	s0 =	sadd.s32 $0x8F2B, s0  }
0xbf: {  	[sflag:s0] =	ssyncadd.remote.s32 $0x1  }
0xc0: {  	_ =	sfence.sel $0xFFFF  }
0xc1: {  	[dreg:$0x0] =	wrdreg $0xFFFFFFFF;
	(pc) =	sbr.abs _section_cstart, $3  }
0xc2: {  	[dreg:$0x1] =	wrdreg $0xFFFFFFFF  }
0xc3: {  	_ =	task.clear_ibuf [dreg:s8], $0x2FFFF;
	_ =	strace $0x9FFFFFFF  }
0xc4: {  	(tm) =	ssettm $0x7FFFFFFF  }
0xc5: {  	_ =	shalt  }
tec
execute0_lowered:
.L_overlay_start_1:
0x0: {  	(tag) =	ssettag $0x1  }
0x1: {  	s7 =	rddreg [dreg:$0x0]  }
0x2: {  	s3 =	rddreg [dreg:$0x1]  }
0x3: {  	s12 =	rddreg [dreg:$0x2]  }
0x4: {  	s0 =	rddreg [dreg:$0x3]  }
0x5: {  	s4 =	srdreg.scid;
	s1 =	stileid.u32;
	s2 =	simm.s32 $0x0  }
0x6: {  	s15 =	simm.s32 $0x1;
	s16 =	simm.s32 $0xC000;
	s17 =	simm.s32 $0x2  }
0x7: {  	s18 =	simm.s32 $0x3;
	s4 =	sand.u32 $0x1, s4;
	s5 =	sshll.u32 s1, $0x1  }
0x8: {  	s19 =	simm.s32 $0x14000;
	s20 =	simm.s32 $0x4;
	s5 =	sor.u32 s4, s5  }
0x9: {  	s21 =	simm.s32 $0x0;
	[smem:$0x7FF] =	sst s2;
	s6 =	sshll.u32 s5, $0xF  }
0xa: {  	v0 =	vimm.s32 $0x0;
	_ =	strace $0x80000047;
	s30 =	ssub.s32 $0x2, s4;
	s11 =	sadd.s32 s6, s3  }
0xb: {  	v1 =	vimm.s32 $0x1;
	v2 =	vimm.s32 $0x2;
	v3 =	vimm.s32 $0x3;
	s13 =	sshll.u32 s5, $0xB;
	s31 =	sshrl.u32 s30, $0x1;
	s3 =	sadd.s32 $0x101A00, s11  }
0xc: {  	v4 =	vimm.s32 $0x4;
	v5 =	vimm.s32 $0x5;
	v6 =	vimm.s32 $0x6;
	s14 =	ssub.s32 s30, s31;
	s4 =	sadd.s32 $0x102A00, s11;
	s5 =	sadd.s32 $0x103A00, s11  }
0xd: {  	v7 =	vimm.s32 $0x7;
	v9 =	vimm.s32 $0x9;
	v10 =	vimm.s32 $0xA;
	s7 =	sadd.s32 s7, s13;
	s6 =	sadd.s32 $0x104A00, s11;
	s8 =	sadd.s32 $0x105A00, s11  }
0xe: {  	v8 =	vimm.s32 $0x8;
	v11 =	vimm.s32 $0xB;
	v12 =	vimm.s32 $0xC;
	s12 =	sadd.s32 s12, s13;
	s9 =	sadd.s32 $0x106A00, s11;
	s10 =	sadd.s32 $0x107A00, s11  }
0xf: {  	v13 =	vimm.s32 $0xD;
	v14 =	vimm.s32 $0xE;
	v15 =	vimm.s32 $0xF;
	s11 =	sadd.s32 $0x108A00, s11;
	s13 =	smax.u32 s14, $0x1;
	s14 =	simm.s32 $0x4000  }
.LBB2_1:
0x10: {  	[tilespmem:s2], [sflag:$0x1] =	stream.linear.gather [hbm4b:s7+s2], $0x4000, $0x38;
	[tilespmem:$0x18000] =	vst v63  }
0x11: {  	_ = 	snop  }
0x12: {  	[tilespmem:s14], [sflag:$0x2] =	stream.linear.gather [hbm4b:s3+s2], $0x8000, $0x38;
	[tilespmem:$0x18000] =	vst v63  }
0x13: {  	_ =	swait.ge [sflag:s15], $0x4000  }
0x14: {  	[sflag:s15] =	ssyncset.done $0x0  }
0x15: {  	[sflag:s15] =	ssyncadd.s32 $0xFFFFC000  }
0x16: {  	[tilespmem:s16], [sflag:$0x3] =	stream.linear.gather [hbm4b:s4+s2], $0x8000, $0x38;
	[tilespmem:$0x18000] =	vst v63  }
0x17: {  	_ =	swait.ge [sflag:s17], $0x8000  }
0x18: {  	s22 =	simm.s32 $0x0;
	s23 =	simm.s32 $0x0;
	[sflag:s17] =	ssyncset.done $0x0  }
0x19: {  	s24 =	simm.s32 $0x0;
	s25 =	simm.s32 $0x0;
	[sflag:s17] =	ssyncadd.s32 $0xFFFF8000  }
.LBB2_2:
0x1a: {  	s26 =	sshll.u32 s23, $0x2;
	s28 =	sand.u32 $0x7, s22  }
0x1b: {  	v16 =	vmov s24;
	s26 =	sand.u32 $0xFFFF0000, s26;
	s28 =	sshll.u32 s28, $0x9  }
0x1c: {  	s26 =	sor.u32 s28, s26  }
0x1d: {  	s26 =	sshrl.u32 s26, $0x2  }
0x1e: {  	s26 =	sadd.s32 $0x4400, s26  }
0x1f: {  	s28 =	simm.s32 $0x0;
	v21 =	vld [tilespmem:s26+$0xFFFFFC70]  }
0x20: {  	v22 =	vld.idx.msk [tilespmem:v16+s28+$0x0 ss:$0x1], $0xffff  }
0x21: {  	v19 =	vld [tilespmem:s26+$0xFFFFFC10]  }
0x22: {  	v23 =	vld [tilespmem:s26+$0xFFFFFC30]  }
0x23: {  	v17 =	vld [tilespmem:s26+$0xFFFFFC00]  }
0x24: {  	v18 =	vld [tilespmem:s26+$0xFFFFFC20]  }
0x25: {  	v20 =	vld [tilespmem:s26+$0xFFFFFC40]  }
0x26: {  	v24 =	vld [tilespmem:s26+$0xFFFFFC50];
	v25 =	vperm.xlane v22, v0;
	v26 =	vperm.xlane v22, v6  }
0x27: {  	v27 =	vld [tilespmem:s26+$0x0];
	v28 =	vperm.xlane v22, v2;
	v29 =	vperm.xlane v22, v5  }
0x28: {  	v33 =	vld [tilespmem:s26+$0xFFFFFC60];
	v38 =	vperm.xlane v22, v3;
	v39 =	vperm.xlane v22, v7  }
0x29: {  	v31 =	vld [tilespmem:s26+$0x30];
	v51 =	vperm.xlane v22, v1;
	v52 =	vperm.xlane v22, v14  }
0x2a: {  	v40 =	vld [tilespmem:s26+$0x60];
	v53 =	vperm.xlane v22, v11;
	v17 =	vmul.f32 v25, v17  }
0x2b: {  	v30 =	vld [tilespmem:s26+$0x10];
	v25 =	vperm.xlane v22, v4;
	v18 =	vmul.f32 v28, v18  }
0x2c: {  	v32 =	vld [tilespmem:s26+$0x50];
	v28 =	vperm.xlane v22, v10;
	v29 =	vmul.f32 v29, v24  }
0x2d: {  	v34 =	vld [tilespmem:s26+$0x70];
	v24 =	vperm.xlane v22, v9;
	v26 =	vmul.f32 v26, v33  }
0x2e: {  	v35 =	vld [tilespmem:s26+$0x20];
	v20 =	vmul.f32 v25, v20;
	v25 =	vperm.xlane v22, v8  }
0x2f: {  	v36 =	vld [tilespmem:s26+$0x40];
	s29 =	sadd.s32 $0x800, s26;
	v55 =	vmul.f32 v53, v31;
	v31 =	vmul.f32 v52, v40  }
0x30: {  	v54 =	vld [tilespmem:s29+$0xFFFFFC00];
	v25 =	vmul.f32 v25, v27;
	v27 =	vperm.xlane v22, v13  }
0x31: {  	v37 =	vimm.f32 $0.0e+00;
	s31 =	simm.s32 $0x10;
	v57 =	vld [tilespmem:s29+$0xFFFFFC40];
	v21 =	vmul.f32 v39, v21;
	v23 =	vmul.f32 v38, v23  }
0x32: {  	v41 =	vadd.f32 v17, v37;
	v42 =	vmul.f32 v27, v32;
	v27 =	vadd.f32 v18, v37;
	v18 =	vld.idx.msk [tilespmem:v16+s31+$0x0 ss:$0x1], $0xffff  }
0x33: {  	v60 =	vld [tilespmem:s29+$0x0];
	v30 =	vmul.f32 v24, v30;
	v24 =	vperm.xlane v22, v12;
	v23 =	vadd.f32 v23, v37  }
0x34: {  	v43 =	vld [tilespmem:s29+$0x10];
	v28 =	vmul.f32 v28, v35;
	v41 =	vadd.f32 v20, v41;
	v26 =	vadd.f32 v26, v27  }
0x35: {  	v44 =	vld [tilespmem:s29+$0x50];
	v22 =	vperm.xlane v22, v15;
	v23 =	vadd.f32 v21, v23;
	v27 =	vmul.f32 v51, v19  }
0x36: {  	v17 =	vld [tilespmem:s29+$0xFFFFFC70];
	v58 =	vmul.f32 v24, v36;
	v25 =	vadd.f32 v25, v41;
	v26 =	vadd.f32 v28, v26  }
0x37: {  	v22 =	vmul.f32 v22, v34;
	v28 =	vld [tilespmem:s29+$0xFFFFFC20];
	v56 =	vadd.f32 v27, v37;
	v27 =	vperm.xlane v18, v6  }
0x38: {  	v20 =	vld [tilespmem:s29+$0xFFFFFC10];
	v59 =	vperm.xlane v18, v5;
	v24 =	vadd.f32 v31, v26;
	v26 =	vperm.xlane v18, v0  }
0x39: {  	v25 =	vadd.f32 v58, v25;
	v62 =	vperm.xlane v18, v4;
	v63 =	vperm.xlane v18, v8;
	v31 =	vld [tilespmem:s29+$0xFFFFFC50]  }
0x3a: {  	v36 =	vld [tilespmem:s29+$0x20];
	v33 =	vadd.f32 v29, v56;
	v29 =	vperm.xlane v18, v2;
	v61 =	vmul.f32 v26, v54  }
0x3b: {  	v40 =	vadd.f32 v55, v23;
	v19 =	vld [tilespmem:s29+$0xFFFFFC30];
	v45 =	vperm.xlane v18, v13;
	v35 =	vperm.xlane v18, v3  }
0x3c: {  	v37 =	vld [tilespmem:s29+$0xFFFFFC60];
	v34 =	vmul.f32 v62, v57;
	v32 =	vmul.f32 v29, v28;
	v28 =	vadd.f32 v61, v25  }
0x3d: {  	v39 =	vperm.xlane v18, v7;
	v38 =	vmul.f32 v63, v60;
	v26 =	vld [tilespmem:s29+$0x30];
	v33 =	vadd.f32 v30, v33  }
0x3e: {  	v30 =	vld [tilespmem:s29+$0x70];
	v25 =	vmul.f32 v59, v31;
	v31 =	vperm.xlane v18, v9;
	v28 =	vadd.f32 v34, v28  }
0x3f: {  	v23 =	vmul.f32 v45, v44;
	v29 =	vperm.xlane v18, v10;
	v34 =	vadd.f32 v42, v33;
	v33 =	vld [tilespmem:s29+$0x40]  }
0x40: {  	s26 =	sshll.u32 s25, $0x9;
	s28 =	simm.s32 $0x80;
	v21 =	vmul.f32 v31, v43;
	v31 =	vperm.xlane v18, v12;
	v28 =	vadd.f32 v38, v28;
	v38 =	vld [tilespmem:s29+$0x60];
	s29 =	sadd.s32 $0x800, s29  }
.LBB2_3:
0x41: {  	s30 =	sshra.s32 s28, $0x2;
	v41 =	vld [tilespmem:s29+$0xFFFFFC70];
	p0 =	sne.s32 s28, $0x1C0;
	s28 =	sadd.s32 $0x40, s28;
	v24 =	vadd.f32 v32, v24;
	v27 =	vmul.f32 v27, v37;
	v32 =	vadd.f32 v22, v40  }
0x42: {  	v22 =	vperm.xlane v18, v1;
	v40 =	vperm.xlane v18, v14;
	v37 =	vld.idx.msk [tilespmem:v16+s30+$0x0 ss:$0x1], $0xffff  }
0x43: {  	v42 =	vld [tilespmem:s29+$0xFFFFFC10];
	v24 =	vadd.f32 v27, v24;
	v27 =	vmul.f32 v29, v36;
	v29 =	vperm.xlane v18, v11  }
0x44: {  	v20 =	vmul.f32 v22, v20;
	v18 =	vperm.xlane v18, v15;
	v36 =	vld [tilespmem:s29+$0xFFFFFC30]  }
0x45: {  	v43 =	vld [tilespmem:s29+$0xFFFFFC00];
	v24 =	vadd.f32 v27, v24;
	v44 =	vmul.f32 v29, v26;
	v26 =	vmul.f32 v40, v38  }
0x46: {  	v40 =	vadd.f32 v20, v34;
	v34 =	vmul.f32 v39, v17;
	v22 =	vmul.f32 v18, v30;
	v29 =	vld [tilespmem:s29+$0xFFFFFC20];
	v17 =	vmovc v41  }
0x47: {  	v45 =	vmul.f32 v35, v19;
	v31 =	vmul.f32 v31, v33;
	v30 =	vld [tilespmem:s29+$0xFFFFFC40];
	v24 =	vadd.f32 v26, v24  }
0x48: {  	v26 =	vperm.xlane v37, v0;
	v27 =	vperm.xlane v37, v6;
	v35 =	vadd.f32 v25, v40;
	v18 =	vmovc v37;
	v33 =	vld [tilespmem:s29+$0xFFFFFC50]  }
0x49: {  	v39 =	vadd.f32 v45, v32;
	v25 =	vperm.xlane v18, v2;
	v37 =	vperm.xlane v18, v5;
	v20 =	vmovc v42;
	v38 =	vld [tilespmem:s29+$0x0]  }
0x4a: {  	v28 =	vadd.f32 v31, v28;
	v41 =	vperm.xlane v18, v4;
	v19 =	vmovc v36;
	v40 =	vmul.f32 v26, v43;
	v42 =	vld [tilespmem:s29+$0x10]  }
0x4b: {  	v39 =	vadd.f32 v34, v39;
	v32 =	vmul.f32 v25, v29;
	v29 =	vperm.xlane v18, v10;
	v26 =	vld [tilespmem:s29+$0x30]  }
0x4c: {  	v31 =	vperm.xlane v18, v8;
	v28 =	vadd.f32 v40, v28;
	v30 =	vmul.f32 v41, v30;
	v41 =	vld [tilespmem:s29+$0x50]  }
.Ltmp0:
0x4d: {  	v34 =	vadd.f32 v21, v35;
	v25 =	vmul.f32 v37, v33;
	v37 =	vld [tilespmem:s29+$0xFFFFFC60];
	v33 =	vperm.xlane v18, v9;
	(pc) =	sbr.rel @p0 .LBB2_3-.Ltmp0, $4  }
0x4e: {  	v43 =	vperm.xlane v18, v13;
	v28 =	vadd.f32 v30, v28;
	v38 =	vmul.f32 v31, v38;
	v30 =	vld [tilespmem:s29+$0x70]  }
0x4f: {  	v34 =	vadd.f32 v23, v34;
	v31 =	vperm.xlane v18, v12;
	v21 =	vmul.f32 v33, v42;
	v36 =	vld [tilespmem:s29+$0x20]  }
0x50: {  	v35 =	vperm.xlane v18, v3;
	v40 =	vadd.f32 v44, v39;
	v28 =	vadd.f32 v38, v28;
	v33 =	vld [tilespmem:s29+$0x40]  }
0x51: {  	v39 =	vperm.xlane v18, v7;
	v23 =	vmul.f32 v43, v41;
	v38 =	vld [tilespmem:s29+$0x60];
	s29 =	sadd.s32 $0x800, s29  }
0x52: {  	v16 =	vperm.xlane v18, v1  }
0x53: {  	v27 =	vmul.f32 v27, v37  }
0x54: {  	v22 =	vadd.f32 v22, v40;
	v19 =	vmul.f32 v35, v19;
	v16 =	vmul.f32 v16, v20  }
0x55: {  	v55 =	vadd.f32 v32, v24;
	v56 =	vperm.xlane v18, v14;
	v57 =	vperm.xlane v18, v11  }
0x56: {  	v17 =	vmul.f32 v39, v17;
	v19 =	vadd.f32 v19, v22;
	v16 =	vadd.f32 v16, v34  }
0x57: {  	v59 =	vperm.xlane v18, v15;
	v20 =	vadd.f32 v27, v55;
	v58 =	vmul.f32 v29, v36  }
0x58: {  	v26 =	vmul.f32 v57, v26;
	v17 =	vadd.f32 v17, v19;
	v16 =	vadd.f32 v25, v16  }
0x59: {  	v62 =	vmul.f32 v31, v33;
	v60 =	vadd.f32 v58, v20;
	v61 =	vmul.f32 v56, v38  }
0x5a: {  	v18 =	vmul.f32 v59, v30;
	v17 =	vadd.f32 v26, v17;
	v16 =	vadd.f32 v21, v16  }
0x5b: {  	v63 =	vadd.f32 v62, v28;
	v19 =	vadd.f32 v61, v60  }
0x5c: {  	s25 =	sadd.s32 $0x1, s25;
	v17 =	vadd.f32 v18, v17;
	v16 =	vadd.f32 v23, v16  }
0x5d: {  	p0 =	sne.s32 s25, $0x10  }
.Ltmp1:
0x5e: {  	v17 =	vadd.f32 v17, v19;
	v16 =	vadd.f32 v16, v63;
	(pc) =	sbr.rel @p0 .LBB2_2-.Ltmp1, $4  }
0x5f: {  	_ = 	snop  }
0x60: {  	v16 =	vadd.f32 v17, v16  }
0x61: {  	s26 =	sshrl.u32 s26, $0x2  }
0x62: {  	s24 =	sadd.s32 $0x80, s24;
	s23 =	sadd.s32 $0x800, s23;
	s22 =	sadd.s32 $0x1, s22;
	[tilespmem:s26+$0x14000] =	vst v16  }
0x63: {  	s22 =	simm.s32 $0x0  }
0x64: {  	[tilespmem:s14], [sflag:$0x2] =	stream.linear.gather [hbm4b:s5+s22], $0x8000, $0x38;
	[tilespmem:$0x18000] =	vst v63  }
0x65: {  	_ =	swait.ge [sflag:s18], $0x8000  }
0x66: {  	[sflag:s18] =	ssyncset.done $0x0  }
0x67: {  	s23 =	simm.s32 $0x0;
	s24 =	simm.s32 $0x0;
	[sflag:s18] =	ssyncadd.s32 $0xFFFF8000  }
.LBB2_6:
0x68: {  	s25 =	sshll.u32 s23, $0x2;
	s26 =	sand.u32 $0x7, s22  }
0x69: {  	s25 =	sand.u32 $0xFFFF0000, s25;
	s26 =	sshll.u32 s26, $0x9  }
0x6a: {  	s25 =	sor.u32 s26, s25  }
0x6b: {  	s25 =	sshrl.u32 s25, $0x2  }
0x6c: {  	s25 =	sadd.s32 $0x4000, s25  }
0x6d: {  	v16 =	vmov s25  }
0x6e: {  	s31 =	sshll.u32 s24, $0x9  }
0x6f: {  	s25 =	sor.u32 $0x2000, s31  }
0x70: {  	s25 =	sshra.s32 s25, $0x2  }
0x71: {  	s28 =	simm.s32 $0x0;
	v26 =	vld [tilespmem:s25+$0x0]  }
0x72: {  	v23 =	vld.idx.msk [tilespmem:v16+s28+$0x8430 ss:$0x1], $0xffff  }
0x73: {  	v30 =	vld.idx.msk [tilespmem:v16+s28+$0x8400 ss:$0x1], $0xffff  }
0x74: {  	v21 =	vld.idx.msk [tilespmem:v16+s28+$0x8040 ss:$0x1], $0xffff  }
0x75: {  	v29 =	vld.idx.msk [tilespmem:v16+s28+$0x8070 ss:$0x1], $0xffff  }
0x76: {  	v34 =	vld.idx.msk [tilespmem:v16+s28+$0x8060 ss:$0x1], $0xffff;
	v19 =	vperm.xlane v26, v10  }
0x77: {  	v37 =	vld.idx.msk [tilespmem:v16+s28+$0x8050 ss:$0x1], $0xffff;
	v18 =	vperm.xlane v26, v15;
	v20 =	vperm.xlane v26, v3  }
0x78: {  	v25 =	vld.idx.msk [tilespmem:v16+s28+$0x8000 ss:$0x1], $0xffff;
	v17 =	vperm.xlane v26, v14;
	v31 =	vperm.xlane v26, v2  }
0x79: {  	v32 =	vld.idx.msk [tilespmem:v16+s28+$0x8020 ss:$0x1], $0xffff;
	v22 =	vperm.xlane v26, v12;
	v24 =	vperm.xlane v26, v1  }
0x7a: {  	v28 =	vld.idx.msk [tilespmem:v16+s28+$0x8010 ss:$0x1], $0xffff;
	v39 =	vperm.xlane v26, v6;
	v38 =	vperm.xlane v26, v5  }
0x7b: {  	v33 =	vld.idx.msk [tilespmem:v16+s28+$0x8030 ss:$0x1], $0xffff;
	v27 =	vperm.xlane v26, v4;
	v42 =	vperm.xlane v26, v8  }
0x7c: {  	v35 =	vld.idx.msk [tilespmem:v16+s28+$0x8410 ss:$0x1], $0xffff;
	v40 =	vperm.xlane v26, v7;
	v41 =	vperm.xlane v26, v11  }
0x7d: {  	v36 =	vld.idx.msk [tilespmem:v16+s28+$0x8420 ss:$0x1], $0xffff;
	v43 =	vperm.xlane v26, v9;
	v46 =	vperm.xlane v26, v0  }
0x7e: {  	v27 =	vmul.f32 v27, v21;
	v21 =	vmul.f32 v38, v37;
	v37 =	vld.idx.msk [tilespmem:v16+s28+$0x8440 ss:$0x1], $0xffff  }
0x7f: {  	v45 =	vimm.f32 $0.0e+00;
	v29 =	vmul.f32 v40, v29;
	v23 =	vmul.f32 v41, v23;
	v38 =	vld.idx.msk [tilespmem:v16+s28+$0x8450 ss:$0x1], $0xffff  }
0x80: {  	v44 =	vimm.f32 $0.0e+00;
	v40 =	vmul.f32 v39, v34;
	v41 =	vperm.xlane v26, v13;
	v39 =	vld.idx.msk [tilespmem:v16+s28+$0x8460 ss:$0x1], $0xffff  }
0x81: {  	s26 =	simm.s32 $0x2000;
	v34 =	vimm.f32 $0.0e+00;
	v30 =	vmul.f32 v42, v30;
	v26 =	vld.idx.msk [tilespmem:v16+s28+$0x8470 ss:$0x1], $0xffff;
	s28 =	sadd.s32 $0x10, s25;
	v42 =	vimm.f32 $0.0e+00  }
.LBB2_7:
0x82: {  	v47 =	vld [tilespmem:s28+$0x0];
	s29 =	sshra.s32 s26, $0x2;
	p0 =	sne.s32 s26, $0xE000;
	s26 =	sadd.s32 $0x2000, s26;
	v31 =	vmul.f32 v31, v32;
	v43 =	vmul.f32 v43, v35  }
0x83: {  	v32 =	vmul.f32 v19, v36;
	v48 =	vld.idx.msk [tilespmem:v16+s29+$0x8430 ss:$0x1], $0xffff;
	v25 =	vmul.f32 v46, v25  }
0x84: {  	v20 =	vmul.f32 v20, v33;
	v46 =	vmul.f32 v22, v37;
	v49 =	vld.idx.msk [tilespmem:v16+s29+$0x8400 ss:$0x1], $0xffff;
	v19 =	vadd.f32 v31, v34  }
0x85: {  	v24 =	vmul.f32 v24, v28;
	v50 =	vmul.f32 v41, v38;
	v36 =	vld.idx.msk [tilespmem:v16+s29+$0x8040 ss:$0x1], $0xffff;
	v22 =	vadd.f32 v25, v45  }
0x86: {  	v28 =	vadd.f32 v20, v44;
	v34 =	vmul.f32 v17, v39;
	v38 =	vld.idx.msk [tilespmem:v16+s29+$0x8070 ss:$0x1], $0xffff;
	v33 =	vadd.f32 v40, v19  }
0x87: {  	v35 =	vadd.f32 v24, v42;
	v39 =	vld.idx.msk [tilespmem:v16+s29+$0x8060 ss:$0x1], $0xffff;
	v19 =	vperm.xlane v47, v10;
	v51 =	vperm.xlane v47, v15  }
0x88: {  	v20 =	vperm.xlane v47, v3;
	v17 =	vperm.xlane v47, v14;
	v27 =	vadd.f32 v27, v22;
	v37 =	vld.idx.msk [tilespmem:v16+s29+$0x8050 ss:$0x1], $0xffff  }
0x89: {  	v31 =	vperm.xlane v47, v2;
	v22 =	vperm.xlane v47, v12;
	v33 =	vadd.f32 v32, v33;
	v25 =	vld.idx.msk [tilespmem:v16+s29+$0x8000 ss:$0x1], $0xffff  }
0x8a: {  	v29 =	vadd.f32 v29, v28;
	v24 =	vperm.xlane v47, v1;
	v40 =	vperm.xlane v47, v6;
	v32 =	vld.idx.msk [tilespmem:v16+s29+$0x8020 ss:$0x1], $0xffff  }
0x8b: {  	v41 =	vperm.xlane v47, v5;
	v52 =	vperm.xlane v47, v8;
	v34 =	vadd.f32 v34, v33;
	v28 =	vld.idx.msk [tilespmem:v16+s29+$0x8010 ss:$0x1], $0xffff  }
0x8c: {  	v21 =	vadd.f32 v21, v35;
	v42 =	vperm.xlane v47, v4;
	v44 =	vadd.f32 v23, v29;
	v33 =	vld.idx.msk [tilespmem:v16+s29+$0x8030 ss:$0x1], $0xffff  }
0x8d: {  	v53 =	vperm.xlane v47, v11;
	v23 =	vperm.xlane v47, v7;
	v29 =	vadd.f32 v30, v27;
	v35 =	vld.idx.msk [tilespmem:v16+s29+$0x8410 ss:$0x1], $0xffff  }
.Ltmp2:
0x8e: {  	v18 =	vmul.f32 v18, v26;
	v30 =	vadd.f32 v43, v21;
	v27 =	vmul.f32 v42, v36;
	v36 =	vld.idx.msk [tilespmem:v16+s29+$0x8420 ss:$0x1], $0xffff;
	(pc) =	sbr.rel @p0 .LBB2_7-.Ltmp2, $4  }
0x8f: {  	v43 =	vperm.xlane v47, v9;
	v45 =	vadd.f32 v46, v29;
	v21 =	vmul.f32 v41, v37;
	v37 =	vld.idx.msk [tilespmem:v16+s29+$0x8440 ss:$0x1], $0xffff  }
0x90: {  	v44 =	vadd.f32 v18, v44;
	v29 =	vmul.f32 v23, v38;
	v23 =	vmul.f32 v53, v48;
	v38 =	vld.idx.msk [tilespmem:v16+s29+$0x8450 ss:$0x1], $0xffff  }
0x91: {  	v42 =	vadd.f32 v50, v30;
	v40 =	vmul.f32 v40, v39;
	v41 =	vperm.xlane v47, v13;
	v39 =	vld.idx.msk [tilespmem:v16+s29+$0x8460 ss:$0x1], $0xffff  }
0x92: {  	s28 =	sadd.s32 $0x10, s28;
	v18 =	vmov v51;
	v46 =	vperm.xlane v47, v0;
	v30 =	vmul.f32 v52, v49;
	v26 =	vld.idx.msk [tilespmem:v16+s29+$0x8470 ss:$0x1], $0xffff  }
0x93: {  	v16 =	vmul.f32 v31, v32;
	v20 =	vmul.f32 v20, v33  }
0x94: {  	v24 =	vmul.f32 v24, v28;
	v25 =	vmul.f32 v46, v25  }
0x95: {  	v60 =	vmul.f32 v43, v35;
	v16 =	vadd.f32 v16, v34;
	v20 =	vadd.f32 v20, v44  }
0x96: {  	v19 =	vmul.f32 v19, v36;
	v24 =	vadd.f32 v24, v42;
	v25 =	vadd.f32 v25, v45  }
0x97: {  	v22 =	vmul.f32 v22, v37;
	v16 =	vadd.f32 v40, v16;
	v20 =	vadd.f32 v29, v20  }
0x98: {  	v17 =	vmul.f32 v17, v39;
	v21 =	vadd.f32 v21, v24;
	v25 =	vadd.f32 v27, v25  }
0x99: {  	v18 =	vmul.f32 v18, v26;
	v16 =	vadd.f32 v19, v16;
	v20 =	vadd.f32 v23, v20  }
0x9a: {  	v61 =	vmul.f32 v41, v38;
	v21 =	vadd.f32 v60, v21;
	v62 =	vadd.f32 v30, v25  }
0x9b: {  	v16 =	vadd.f32 v17, v16;
	v18 =	vadd.f32 v18, v20  }
0x9c: {  	s24 =	sadd.s32 $0x1, s24;
	v63 =	vadd.f32 v61, v21;
	v17 =	vadd.f32 v22, v62  }
0x9d: {  	p0 =	sne.s32 s24, $0x10  }
.Ltmp3:
0x9e: {  	v16 =	vadd.f32 v18, v16;
	v17 =	vadd.f32 v63, v17;
	(pc) =	sbr.rel @p0 .LBB2_6-.Ltmp3, $3  }
0x9f: {  	_ = 	snop  }
0xa0: {  	v16 =	vadd.f32 v16, v17;
	_ =	sdelay $0x1  }
0xa1: {  	s23 =	sadd.s32 $0x800, s23;
	s22 =	sadd.s32 $0x1, s22;
	[tilespmem:s25+$0x14000] =	vst v16  }
0xa2: {  	s22 =	simm.s32 $0x0  }
0xa3: {  	[tilespmem:s16], [sflag:$0x3] =	stream.linear.gather [hbm4b:s6+s22], $0x8000, $0x38;
	[tilespmem:$0x18000] =	vst v63  }
0xa4: {  	_ =	swait.ge [sflag:s17], $0x8000  }
0xa5: {  	[sflag:s17] =	ssyncset.done $0x0  }
0xa6: {  	s23 =	simm.s32 $0x0;
	s24 =	simm.s32 $0x0;
	[sflag:s17] =	ssyncadd.s32 $0xFFFF8000  }
.LBB2_10:
0xa7: {  	s25 =	sshll.u32 s24, $0x9  }
0xa8: {  	s26 =	sshll.u32 s23, $0x2;
	s28 =	sand.u32 $0x7, s22;
	s25 =	sor.u32 $0x4000, s25  }
0xa9: {  	s26 =	sand.u32 $0xFFFF0000, s26;
	s28 =	sshll.u32 s28, $0x9;
	s25 =	sshra.s32 s25, $0x2  }
0xaa: {  	s26 =	sor.u32 s28, s26;
	v16 =	vmov s25  }
0xab: {  	s26 =	sshrl.u32 s26, $0x2  }
0xac: {  	s26 =	sadd.s32 $0x4400, s26  }
0xad: {  	v21 =	vld [tilespmem:s26+$0xFFFFFC70]  }
0xae: {  	s28 =	simm.s32 $0x0;
	v19 =	vld [tilespmem:s26+$0xFFFFFC10]  }
0xaf: {  	v22 =	vld.idx.msk [tilespmem:v16+s28+$0x0 ss:$0x1], $0xffff  }
0xb0: {  	v23 =	vld [tilespmem:s26+$0xFFFFFC30]  }
0xb1: {  	v17 =	vld [tilespmem:s26+$0xFFFFFC00]  }
0xb2: {  	v18 =	vld [tilespmem:s26+$0xFFFFFC20]  }
0xb3: {  	v20 =	vld [tilespmem:s26+$0xFFFFFC40]  }
0xb4: {  	v24 =	vld [tilespmem:s26+$0xFFFFFC50];
	v25 =	vperm.xlane v22, v0;
	v26 =	vperm.xlane v22, v6  }
0xb5: {  	v27 =	vld [tilespmem:s26+$0x0];
	v28 =	vperm.xlane v22, v2;
	v29 =	vperm.xlane v22, v5  }
0xb6: {  	v33 =	vld [tilespmem:s26+$0xFFFFFC60];
	v38 =	vperm.xlane v22, v3;
	v39 =	vperm.xlane v22, v7  }
0xb7: {  	v31 =	vld [tilespmem:s26+$0x30];
	v51 =	vperm.xlane v22, v1;
	v52 =	vperm.xlane v22, v14  }
0xb8: {  	v40 =	vld [tilespmem:s26+$0x60];
	v53 =	vperm.xlane v22, v11;
	v17 =	vmul.f32 v25, v17  }
0xb9: {  	v30 =	vld [tilespmem:s26+$0x10];
	v25 =	vperm.xlane v22, v4;
	v18 =	vmul.f32 v28, v18  }
0xba: {  	v32 =	vld [tilespmem:s26+$0x50];
	v28 =	vperm.xlane v22, v10;
	v29 =	vmul.f32 v29, v24  }
0xbb: {  	v34 =	vld [tilespmem:s26+$0x70];
	v24 =	vperm.xlane v22, v9;
	v26 =	vmul.f32 v26, v33  }
0xbc: {  	v35 =	vld [tilespmem:s26+$0x20];
	v20 =	vmul.f32 v25, v20;
	v25 =	vperm.xlane v22, v8  }
0xbd: {  	v36 =	vld [tilespmem:s26+$0x40];
	s28 =	sadd.s32 $0x800, s26;
	v55 =	vmul.f32 v53, v31;
	v31 =	vmul.f32 v52, v40  }
0xbe: {  	v54 =	vld [tilespmem:s28+$0xFFFFFC00];
	v25 =	vmul.f32 v25, v27;
	v27 =	vperm.xlane v22, v13  }
0xbf: {  	v37 =	vimm.f32 $0.0e+00;
	s31 =	simm.s32 $0x10;
	v57 =	vld [tilespmem:s28+$0xFFFFFC40];
	v21 =	vmul.f32 v39, v21;
	v23 =	vmul.f32 v38, v23  }
0xc0: {  	v41 =	vadd.f32 v17, v37;
	v42 =	vmul.f32 v27, v32;
	v27 =	vadd.f32 v18, v37;
	v18 =	vld.idx.msk [tilespmem:v16+s31+$0x0 ss:$0x1], $0xffff  }
0xc1: {  	v60 =	vld [tilespmem:s28+$0x0];
	v30 =	vmul.f32 v24, v30;
	v24 =	vperm.xlane v22, v12;
	v23 =	vadd.f32 v23, v37  }
0xc2: {  	v43 =	vld [tilespmem:s28+$0x10];
	v28 =	vmul.f32 v28, v35;
	v41 =	vadd.f32 v20, v41;
	v26 =	vadd.f32 v26, v27  }
0xc3: {  	v44 =	vld [tilespmem:s28+$0x50];
	v22 =	vperm.xlane v22, v15;
	v23 =	vadd.f32 v21, v23;
	v27 =	vmul.f32 v51, v19  }
0xc4: {  	v17 =	vld [tilespmem:s28+$0xFFFFFC70];
	v58 =	vmul.f32 v24, v36;
	v25 =	vadd.f32 v25, v41;
	v26 =	vadd.f32 v28, v26  }
0xc5: {  	v22 =	vmul.f32 v22, v34;
	v28 =	vld [tilespmem:s28+$0xFFFFFC20];
	v56 =	vadd.f32 v27, v37;
	v27 =	vperm.xlane v18, v6  }
0xc6: {  	v20 =	vld [tilespmem:s28+$0xFFFFFC10];
	v59 =	vperm.xlane v18, v5;
	v24 =	vadd.f32 v31, v26;
	v26 =	vperm.xlane v18, v0  }
0xc7: {  	v25 =	vadd.f32 v58, v25;
	v62 =	vperm.xlane v18, v4;
	v63 =	vperm.xlane v18, v8;
	v31 =	vld [tilespmem:s28+$0xFFFFFC50]  }
0xc8: {  	v36 =	vld [tilespmem:s28+$0x20];
	v33 =	vadd.f32 v29, v56;
	v29 =	vperm.xlane v18, v2;
	v61 =	vmul.f32 v26, v54  }
0xc9: {  	v40 =	vadd.f32 v55, v23;
	v19 =	vld [tilespmem:s28+$0xFFFFFC30];
	v45 =	vperm.xlane v18, v13;
	v35 =	vperm.xlane v18, v3  }
0xca: {  	v37 =	vld [tilespmem:s28+$0xFFFFFC60];
	v34 =	vmul.f32 v62, v57;
	v32 =	vmul.f32 v29, v28;
	v28 =	vadd.f32 v61, v25  }
0xcb: {  	v39 =	vperm.xlane v18, v7;
	v38 =	vmul.f32 v63, v60;
	v26 =	vld [tilespmem:s28+$0x30];
	v33 =	vadd.f32 v30, v33  }
0xcc: {  	v30 =	vld [tilespmem:s28+$0x70];
	v25 =	vmul.f32 v59, v31;
	v31 =	vperm.xlane v18, v9;
	v28 =	vadd.f32 v34, v28  }
0xcd: {  	v23 =	vmul.f32 v45, v44;
	v29 =	vperm.xlane v18, v10;
	v34 =	vadd.f32 v42, v33;
	v33 =	vld [tilespmem:s28+$0x40]  }
0xce: {  	s26 =	simm.s32 $0x80;
	v21 =	vmul.f32 v31, v43;
	v31 =	vperm.xlane v18, v12;
	v28 =	vadd.f32 v38, v28;
	v38 =	vld [tilespmem:s28+$0x60];
	s28 =	sadd.s32 $0x800, s28  }
.LBB2_11:
0xcf: {  	s29 =	sshra.s32 s26, $0x2;
	v41 =	vld [tilespmem:s28+$0xFFFFFC70];
	p0 =	sne.s32 s26, $0x1C0;
	s26 =	sadd.s32 $0x40, s26;
	v24 =	vadd.f32 v32, v24;
	v27 =	vmul.f32 v27, v37;
	v32 =	vadd.f32 v22, v40  }
0xd0: {  	v22 =	vperm.xlane v18, v1;
	v40 =	vperm.xlane v18, v14;
	v37 =	vld.idx.msk [tilespmem:v16+s29+$0x0 ss:$0x1], $0xffff  }
0xd1: {  	v42 =	vld [tilespmem:s28+$0xFFFFFC10];
	v24 =	vadd.f32 v27, v24;
	v27 =	vmul.f32 v29, v36;
	v29 =	vperm.xlane v18, v11  }
0xd2: {  	v20 =	vmul.f32 v22, v20;
	v18 =	vperm.xlane v18, v15;
	v36 =	vld [tilespmem:s28+$0xFFFFFC30]  }
0xd3: {  	v43 =	vld [tilespmem:s28+$0xFFFFFC00];
	v24 =	vadd.f32 v27, v24;
	v44 =	vmul.f32 v29, v26;
	v26 =	vmul.f32 v40, v38  }
0xd4: {  	v40 =	vadd.f32 v20, v34;
	v34 =	vmul.f32 v39, v17;
	v22 =	vmul.f32 v18, v30;
	v29 =	vld [tilespmem:s28+$0xFFFFFC20];
	v17 =	vmovc v41  }
0xd5: {  	v45 =	vmul.f32 v35, v19;
	v31 =	vmul.f32 v31, v33;
	v30 =	vld [tilespmem:s28+$0xFFFFFC40];
	v24 =	vadd.f32 v26, v24  }
0xd6: {  	v26 =	vperm.xlane v37, v0;
	v27 =	vperm.xlane v37, v6;
	v35 =	vadd.f32 v25, v40;
	v18 =	vmovc v37;
	v33 =	vld [tilespmem:s28+$0xFFFFFC50]  }
0xd7: {  	v39 =	vadd.f32 v45, v32;
	v25 =	vperm.xlane v18, v2;
	v37 =	vperm.xlane v18, v5;
	v20 =	vmovc v42;
	v38 =	vld [tilespmem:s28+$0x0]  }
0xd8: {  	v28 =	vadd.f32 v31, v28;
	v41 =	vperm.xlane v18, v4;
	v19 =	vmovc v36;
	v40 =	vmul.f32 v26, v43;
	v42 =	vld [tilespmem:s28+$0x10]  }
0xd9: {  	v39 =	vadd.f32 v34, v39;
	v32 =	vmul.f32 v25, v29;
	v29 =	vperm.xlane v18, v10;
	v26 =	vld [tilespmem:s28+$0x30]  }
0xda: {  	v31 =	vperm.xlane v18, v8;
	v28 =	vadd.f32 v40, v28;
	v30 =	vmul.f32 v41, v30;
	v41 =	vld [tilespmem:s28+$0x50]  }
.Ltmp4:
0xdb: {  	v34 =	vadd.f32 v21, v35;
	v25 =	vmul.f32 v37, v33;
	v37 =	vld [tilespmem:s28+$0xFFFFFC60];
	v33 =	vperm.xlane v18, v9;
	(pc) =	sbr.rel @p0 .LBB2_11-.Ltmp4, $4  }
0xdc: {  	v43 =	vperm.xlane v18, v13;
	v28 =	vadd.f32 v30, v28;
	v38 =	vmul.f32 v31, v38;
	v30 =	vld [tilespmem:s28+$0x70]  }
0xdd: {  	v34 =	vadd.f32 v23, v34;
	v31 =	vperm.xlane v18, v12;
	v21 =	vmul.f32 v33, v42;
	v36 =	vld [tilespmem:s28+$0x20]  }
0xde: {  	v35 =	vperm.xlane v18, v3;
	v40 =	vadd.f32 v44, v39;
	v28 =	vadd.f32 v38, v28;
	v33 =	vld [tilespmem:s28+$0x40]  }
0xdf: {  	v39 =	vperm.xlane v18, v7;
	v23 =	vmul.f32 v43, v41;
	v38 =	vld [tilespmem:s28+$0x60];
	s28 =	sadd.s32 $0x800, s28  }
0xe0: {  	v16 =	vperm.xlane v18, v1  }
0xe1: {  	v27 =	vmul.f32 v27, v37  }
0xe2: {  	v22 =	vadd.f32 v22, v40;
	v19 =	vmul.f32 v35, v19;
	v16 =	vmul.f32 v16, v20  }
0xe3: {  	v55 =	vadd.f32 v32, v24;
	v56 =	vperm.xlane v18, v14;
	v57 =	vperm.xlane v18, v11  }
0xe4: {  	v17 =	vmul.f32 v39, v17;
	v19 =	vadd.f32 v19, v22;
	v16 =	vadd.f32 v16, v34  }
0xe5: {  	v59 =	vperm.xlane v18, v15;
	v20 =	vadd.f32 v27, v55;
	v58 =	vmul.f32 v29, v36  }
0xe6: {  	v26 =	vmul.f32 v57, v26;
	v17 =	vadd.f32 v17, v19;
	v16 =	vadd.f32 v25, v16  }
0xe7: {  	v62 =	vmul.f32 v31, v33;
	v60 =	vadd.f32 v58, v20;
	v61 =	vmul.f32 v56, v38  }
0xe8: {  	v18 =	vmul.f32 v59, v30;
	v17 =	vadd.f32 v26, v17;
	v16 =	vadd.f32 v21, v16  }
0xe9: {  	v63 =	vadd.f32 v62, v28;
	v19 =	vadd.f32 v61, v60  }
0xea: {  	s24 =	sadd.s32 $0x1, s24;
	v17 =	vadd.f32 v18, v17;
	v16 =	vadd.f32 v23, v16  }
0xeb: {  	p0 =	sne.s32 s24, $0x10  }
.Ltmp5:
0xec: {  	v17 =	vadd.f32 v17, v19;
	v16 =	vadd.f32 v16, v63;
	(pc) =	sbr.rel @p0 .LBB2_10-.Ltmp5, $3  }
0xed: {  	_ = 	snop  }
0xee: {  	v16 =	vadd.f32 v17, v16;
	_ =	sdelay $0x1  }
0xef: {  	s23 =	sadd.s32 $0x800, s23;
	s22 =	sadd.s32 $0x1, s22;
	[tilespmem:s25+$0x14000] =	vst v16  }
0xf0: {  	s22 =	simm.s32 $0x0  }
0xf1: {  	[tilespmem:s14], [sflag:$0x2] =	stream.linear.gather [hbm4b:s8+s22], $0x8000, $0x38;
	[tilespmem:$0x18000] =	vst v63  }
0xf2: {  	_ =	swait.ge [sflag:s18], $0x8000  }
0xf3: {  	[sflag:s18] =	ssyncset.done $0x0  }
0xf4: {  	s23 =	simm.s32 $0x0;
	s24 =	simm.s32 $0x0;
	[sflag:s18] =	ssyncadd.s32 $0xFFFF8000  }
.LBB2_14:
0xf5: {  	s25 =	sshll.u32 s23, $0x2;
	s26 =	sand.u32 $0x7, s22  }
0xf6: {  	s25 =	sand.u32 $0xFFFF0000, s25;
	s26 =	sshll.u32 s26, $0x9  }
0xf7: {  	s25 =	sor.u32 s26, s25  }
0xf8: {  	s25 =	sshrl.u32 s25, $0x2  }
0xf9: {  	s25 =	sadd.s32 $0x4000, s25  }
0xfa: {  	v16 =	vmov s25  }
0xfb: {  	s31 =	sshll.u32 s24, $0x9  }
0xfc: {  	s25 =	sor.u32 $0x6000, s31  }
0xfd: {  	s25 =	sshra.s32 s25, $0x2  }
0xfe: {  	s28 =	simm.s32 $0x0;
	v26 =	vld [tilespmem:s25+$0x0]  }
0xff: {  	v23 =	vld.idx.msk [tilespmem:v16+s28+$0x8430 ss:$0x1], $0xffff  }
0x100: {  	v30 =	vld.idx.msk [tilespmem:v16+s28+$0x8400 ss:$0x1], $0xffff  }
0x101: {  	v21 =	vld.idx.msk [tilespmem:v16+s28+$0x8040 ss:$0x1], $0xffff  }
0x102: {  	v29 =	vld.idx.msk [tilespmem:v16+s28+$0x8070 ss:$0x1], $0xffff  }
0x103: {  	v34 =	vld.idx.msk [tilespmem:v16+s28+$0x8060 ss:$0x1], $0xffff;
	v19 =	vperm.xlane v26, v10  }
0x104: {  	v37 =	vld.idx.msk [tilespmem:v16+s28+$0x8050 ss:$0x1], $0xffff;
	v18 =	vperm.xlane v26, v15;
	v20 =	vperm.xlane v26, v3  }
0x105: {  	v25 =	vld.idx.msk [tilespmem:v16+s28+$0x8000 ss:$0x1], $0xffff;
	v17 =	vperm.xlane v26, v14;
	v31 =	vperm.xlane v26, v2  }
0x106: {  	v32 =	vld.idx.msk [tilespmem:v16+s28+$0x8020 ss:$0x1], $0xffff;
	v22 =	vperm.xlane v26, v12;
	v24 =	vperm.xlane v26, v1  }
0x107: {  	v28 =	vld.idx.msk [tilespmem:v16+s28+$0x8010 ss:$0x1], $0xffff;
	v39 =	vperm.xlane v26, v6;
	v38 =	vperm.xlane v26, v5  }
0x108: {  	v33 =	vld.idx.msk [tilespmem:v16+s28+$0x8030 ss:$0x1], $0xffff;
	v27 =	vperm.xlane v26, v4;
	v42 =	vperm.xlane v26, v8  }
0x109: {  	v35 =	vld.idx.msk [tilespmem:v16+s28+$0x8410 ss:$0x1], $0xffff;
	v40 =	vperm.xlane v26, v7;
	v41 =	vperm.xlane v26, v11  }
0x10a: {  	v36 =	vld.idx.msk [tilespmem:v16+s28+$0x8420 ss:$0x1], $0xffff;
	v43 =	vperm.xlane v26, v9;
	v46 =	vperm.xlane v26, v0  }
0x10b: {  	v27 =	vmul.f32 v27, v21;
	v21 =	vmul.f32 v38, v37;
	v37 =	vld.idx.msk [tilespmem:v16+s28+$0x8440 ss:$0x1], $0xffff  }
0x10c: {  	v45 =	vimm.f32 $0.0e+00;
	v29 =	vmul.f32 v40, v29;
	v23 =	vmul.f32 v41, v23;
	v38 =	vld.idx.msk [tilespmem:v16+s28+$0x8450 ss:$0x1], $0xffff  }
0x10d: {  	v44 =	vimm.f32 $0.0e+00;
	v40 =	vmul.f32 v39, v34;
	v41 =	vperm.xlane v26, v13;
	v39 =	vld.idx.msk [tilespmem:v16+s28+$0x8460 ss:$0x1], $0xffff  }
0x10e: {  	s26 =	simm.s32 $0x2000;
	v34 =	vimm.f32 $0.0e+00;
	v30 =	vmul.f32 v42, v30;
	v26 =	vld.idx.msk [tilespmem:v16+s28+$0x8470 ss:$0x1], $0xffff;
	s28 =	sadd.s32 $0x10, s25;
	v42 =	vimm.f32 $0.0e+00  }
.LBB2_15:
0x10f: {  	v47 =	vld [tilespmem:s28+$0x0];
	s29 =	sshra.s32 s26, $0x2;
	p0 =	sne.s32 s26, $0xE000;
	s26 =	sadd.s32 $0x2000, s26;
	v31 =	vmul.f32 v31, v32;
	v43 =	vmul.f32 v43, v35  }
0x110: {  	v32 =	vmul.f32 v19, v36;
	v48 =	vld.idx.msk [tilespmem:v16+s29+$0x8430 ss:$0x1], $0xffff;
	v25 =	vmul.f32 v46, v25  }
0x111: {  	v20 =	vmul.f32 v20, v33;
	v46 =	vmul.f32 v22, v37;
	v49 =	vld.idx.msk [tilespmem:v16+s29+$0x8400 ss:$0x1], $0xffff;
	v19 =	vadd.f32 v31, v34  }
0x112: {  	v24 =	vmul.f32 v24, v28;
	v50 =	vmul.f32 v41, v38;
	v36 =	vld.idx.msk [tilespmem:v16+s29+$0x8040 ss:$0x1], $0xffff;
	v22 =	vadd.f32 v25, v45  }
0x113: {  	v28 =	vadd.f32 v20, v44;
	v34 =	vmul.f32 v17, v39;
	v38 =	vld.idx.msk [tilespmem:v16+s29+$0x8070 ss:$0x1], $0xffff;
	v33 =	vadd.f32 v40, v19  }
0x114: {  	v35 =	vadd.f32 v24, v42;
	v39 =	vld.idx.msk [tilespmem:v16+s29+$0x8060 ss:$0x1], $0xffff;
	v19 =	vperm.xlane v47, v10;
	v51 =	vperm.xlane v47, v15  }
0x115: {  	v20 =	vperm.xlane v47, v3;
	v17 =	vperm.xlane v47, v14;
	v27 =	vadd.f32 v27, v22;
	v37 =	vld.idx.msk [tilespmem:v16+s29+$0x8050 ss:$0x1], $0xffff  }
0x116: {  	v31 =	vperm.xlane v47, v2;
	v22 =	vperm.xlane v47, v12;
	v33 =	vadd.f32 v32, v33;
	v25 =	vld.idx.msk [tilespmem:v16+s29+$0x8000 ss:$0x1], $0xffff  }
0x117: {  	v29 =	vadd.f32 v29, v28;
	v24 =	vperm.xlane v47, v1;
	v40 =	vperm.xlane v47, v6;
	v32 =	vld.idx.msk [tilespmem:v16+s29+$0x8020 ss:$0x1], $0xffff  }
0x118: {  	v41 =	vperm.xlane v47, v5;
	v52 =	vperm.xlane v47, v8;
	v34 =	vadd.f32 v34, v33;
	v28 =	vld.idx.msk [tilespmem:v16+s29+$0x8010 ss:$0x1], $0xffff  }
0x119: {  	v21 =	vadd.f32 v21, v35;
	v42 =	vperm.xlane v47, v4;
	v44 =	vadd.f32 v23, v29;
	v33 =	vld.idx.msk [tilespmem:v16+s29+$0x8030 ss:$0x1], $0xffff  }
0x11a: {  	v53 =	vperm.xlane v47, v11;
	v23 =	vperm.xlane v47, v7;
	v29 =	vadd.f32 v30, v27;
	v35 =	vld.idx.msk [tilespmem:v16+s29+$0x8410 ss:$0x1], $0xffff  }
.Ltmp6:
0x11b: {  	v18 =	vmul.f32 v18, v26;
	v30 =	vadd.f32 v43, v21;
	v27 =	vmul.f32 v42, v36;
	v36 =	vld.idx.msk [tilespmem:v16+s29+$0x8420 ss:$0x1], $0xffff;
	(pc) =	sbr.rel @p0 .LBB2_15-.Ltmp6, $4  }
0x11c: {  	v43 =	vperm.xlane v47, v9;
	v45 =	vadd.f32 v46, v29;
	v21 =	vmul.f32 v41, v37;
	v37 =	vld.idx.msk [tilespmem:v16+s29+$0x8440 ss:$0x1], $0xffff  }
0x11d: {  	v44 =	vadd.f32 v18, v44;
	v29 =	vmul.f32 v23, v38;
	v23 =	vmul.f32 v53, v48;
	v38 =	vld.idx.msk [tilespmem:v16+s29+$0x8450 ss:$0x1], $0xffff  }
0x11e: {  	v42 =	vadd.f32 v50, v30;
	v40 =	vmul.f32 v40, v39;
	v41 =	vperm.xlane v47, v13;
	v39 =	vld.idx.msk [tilespmem:v16+s29+$0x8460 ss:$0x1], $0xffff  }
0x11f: {  	s28 =	sadd.s32 $0x10, s28;
	v18 =	vmov v51;
	v46 =	vperm.xlane v47, v0;
	v30 =	vmul.f32 v52, v49;
	v26 =	vld.idx.msk [tilespmem:v16+s29+$0x8470 ss:$0x1], $0xffff  }
0x120: {  	v16 =	vmul.f32 v31, v32;
	v20 =	vmul.f32 v20, v33  }
0x121: {  	v24 =	vmul.f32 v24, v28;
	v25 =	vmul.f32 v46, v25  }
0x122: {  	v60 =	vmul.f32 v43, v35;
	v16 =	vadd.f32 v16, v34;
	v20 =	vadd.f32 v20, v44  }
0x123: {  	v19 =	vmul.f32 v19, v36;
	v24 =	vadd.f32 v24, v42;
	v25 =	vadd.f32 v25, v45  }
0x124: {  	v22 =	vmul.f32 v22, v37;
	v16 =	vadd.f32 v40, v16;
	v20 =	vadd.f32 v29, v20  }
0x125: {  	v17 =	vmul.f32 v17, v39;
	v21 =	vadd.f32 v21, v24;
	v25 =	vadd.f32 v27, v25  }
0x126: {  	v18 =	vmul.f32 v18, v26;
	v16 =	vadd.f32 v19, v16;
	v20 =	vadd.f32 v23, v20  }
0x127: {  	v61 =	vmul.f32 v41, v38;
	v21 =	vadd.f32 v60, v21;
	v62 =	vadd.f32 v30, v25  }
0x128: {  	v16 =	vadd.f32 v17, v16;
	v18 =	vadd.f32 v18, v20  }
0x129: {  	s24 =	sadd.s32 $0x1, s24;
	v63 =	vadd.f32 v61, v21;
	v17 =	vadd.f32 v22, v62  }
0x12a: {  	p0 =	sne.s32 s24, $0x10  }
.Ltmp7:
0x12b: {  	v16 =	vadd.f32 v18, v16;
	v17 =	vadd.f32 v63, v17;
	(pc) =	sbr.rel @p0 .LBB2_14-.Ltmp7, $3  }
0x12c: {  	_ = 	snop  }
0x12d: {  	v16 =	vadd.f32 v16, v17;
	_ =	sdelay $0x1  }
0x12e: {  	s23 =	sadd.s32 $0x800, s23;
	s22 =	sadd.s32 $0x1, s22;
	[tilespmem:s25+$0x14000] =	vst v16  }
0x12f: {  	s22 =	simm.s32 $0x0  }
0x130: {  	[tilespmem:s16], [sflag:$0x3] =	stream.linear.gather [hbm4b:s9+s22], $0x8000, $0x38;
	[tilespmem:$0x18000] =	vst v63  }
0x131: {  	_ =	swait.ge [sflag:s17], $0x8000  }
0x132: {  	[sflag:s17] =	ssyncset.done $0x0  }
0x133: {  	s23 =	simm.s32 $0x0;
	s24 =	simm.s32 $0x0;
	[sflag:s17] =	ssyncadd.s32 $0xFFFF8000  }
.LBB2_18:
0x134: {  	s25 =	sshll.u32 s24, $0x9  }
0x135: {  	s26 =	sshll.u32 s23, $0x2;
	s28 =	sand.u32 $0x7, s22;
	s25 =	sor.u32 $0x8000, s25  }
0x136: {  	s26 =	sand.u32 $0xFFFF0000, s26;
	s28 =	sshll.u32 s28, $0x9;
	s25 =	sshra.s32 s25, $0x2  }
0x137: {  	s26 =	sor.u32 s28, s26;
	v16 =	vmov s25  }
0x138: {  	s26 =	sshrl.u32 s26, $0x2  }
0x139: {  	s26 =	sadd.s32 $0x4400, s26  }
0x13a: {  	v21 =	vld [tilespmem:s26+$0xFFFFFC70]  }
0x13b: {  	s28 =	simm.s32 $0x0;
	v19 =	vld [tilespmem:s26+$0xFFFFFC10]  }
0x13c: {  	v22 =	vld.idx.msk [tilespmem:v16+s28+$0x0 ss:$0x1], $0xffff  }
0x13d: {  	v23 =	vld [tilespmem:s26+$0xFFFFFC30]  }
0x13e: {  	v17 =	vld [tilespmem:s26+$0xFFFFFC00]  }
0x13f: {  	v18 =	vld [tilespmem:s26+$0xFFFFFC20]  }
0x140: {  	v20 =	vld [tilespmem:s26+$0xFFFFFC40]  }
0x141: {  	v24 =	vld [tilespmem:s26+$0xFFFFFC50];
	v25 =	vperm.xlane v22, v0;
	v26 =	vperm.xlane v22, v6  }
0x142: {  	v27 =	vld [tilespmem:s26+$0x0];
	v28 =	vperm.xlane v22, v2;
	v29 =	vperm.xlane v22, v5  }
0x143: {  	v33 =	vld [tilespmem:s26+$0xFFFFFC60];
	v38 =	vperm.xlane v22, v3;
	v39 =	vperm.xlane v22, v7  }
0x144: {  	v31 =	vld [tilespmem:s26+$0x30];
	v51 =	vperm.xlane v22, v1;
	v52 =	vperm.xlane v22, v14  }
0x145: {  	v40 =	vld [tilespmem:s26+$0x60];
	v53 =	vperm.xlane v22, v11;
	v17 =	vmul.f32 v25, v17  }
0x146: {  	v30 =	vld [tilespmem:s26+$0x10];
	v25 =	vperm.xlane v22, v4;
	v18 =	vmul.f32 v28, v18  }
0x147: {  	v32 =	vld [tilespmem:s26+$0x50];
	v28 =	vperm.xlane v22, v10;
	v29 =	vmul.f32 v29, v24  }
0x148: {  	v34 =	vld [tilespmem:s26+$0x70];
	v24 =	vperm.xlane v22, v9;
	v26 =	vmul.f32 v26, v33  }
0x149: {  	v35 =	vld [tilespmem:s26+$0x20];
	v20 =	vmul.f32 v25, v20;
	v25 =	vperm.xlane v22, v8  }
0x14a: {  	v36 =	vld [tilespmem:s26+$0x40];
	s28 =	sadd.s32 $0x800, s26;
	v55 =	vmul.f32 v53, v31;
	v31 =	vmul.f32 v52, v40  }
0x14b: {  	v54 =	vld [tilespmem:s28+$0xFFFFFC00];
	v25 =	vmul.f32 v25, v27;
	v27 =	vperm.xlane v22, v13  }
0x14c: {  	v37 =	vimm.f32 $0.0e+00;
	s31 =	simm.s32 $0x10;
	v57 =	vld [tilespmem:s28+$0xFFFFFC40];
	v21 =	vmul.f32 v39, v21;
	v23 =	vmul.f32 v38, v23  }
0x14d: {  	v41 =	vadd.f32 v17, v37;
	v42 =	vmul.f32 v27, v32;
	v27 =	vadd.f32 v18, v37;
	v18 =	vld.idx.msk [tilespmem:v16+s31+$0x0 ss:$0x1], $0xffff  }
0x14e: {  	v60 =	vld [tilespmem:s28+$0x0];
	v30 =	vmul.f32 v24, v30;
	v24 =	vperm.xlane v22, v12;
	v23 =	vadd.f32 v23, v37  }
0x14f: {  	v43 =	vld [tilespmem:s28+$0x10];
	v28 =	vmul.f32 v28, v35;
	v41 =	vadd.f32 v20, v41;
	v26 =	vadd.f32 v26, v27  }
0x150: {  	v44 =	vld [tilespmem:s28+$0x50];
	v22 =	vperm.xlane v22, v15;
	v23 =	vadd.f32 v21, v23;
	v27 =	vmul.f32 v51, v19  }
0x151: {  	v17 =	vld [tilespmem:s28+$0xFFFFFC70];
	v58 =	vmul.f32 v24, v36;
	v25 =	vadd.f32 v25, v41;
	v26 =	vadd.f32 v28, v26  }
0x152: {  	v22 =	vmul.f32 v22, v34;
	v28 =	vld [tilespmem:s28+$0xFFFFFC20];
	v56 =	vadd.f32 v27, v37;
	v27 =	vperm.xlane v18, v6  }
0x153: {  	v20 =	vld [tilespmem:s28+$0xFFFFFC10];
	v59 =	vperm.xlane v18, v5;
	v24 =	vadd.f32 v31, v26;
	v26 =	vperm.xlane v18, v0  }
0x154: {  	v25 =	vadd.f32 v58, v25;
	v62 =	vperm.xlane v18, v4;
	v63 =	vperm.xlane v18, v8;
	v31 =	vld [tilespmem:s28+$0xFFFFFC50]  }
0x155: {  	v36 =	vld [tilespmem:s28+$0x20];
	v33 =	vadd.f32 v29, v56;
	v29 =	vperm.xlane v18, v2;
	v61 =	vmul.f32 v26, v54  }
0x156: {  	v40 =	vadd.f32 v55, v23;
	v19 =	vld [tilespmem:s28+$0xFFFFFC30];
	v45 =	vperm.xlane v18, v13;
	v35 =	vperm.xlane v18, v3  }
0x157: {  	v37 =	vld [tilespmem:s28+$0xFFFFFC60];
	v34 =	vmul.f32 v62, v57;
	v32 =	vmul.f32 v29, v28;
	v28 =	vadd.f32 v61, v25  }
0x158: {  	v39 =	vperm.xlane v18, v7;
	v38 =	vmul.f32 v63, v60;
	v26 =	vld [tilespmem:s28+$0x30];
	v33 =	vadd.f32 v30, v33  }
0x159: {  	v30 =	vld [tilespmem:s28+$0x70];
	v25 =	vmul.f32 v59, v31;
	v31 =	vperm.xlane v18, v9;
	v28 =	vadd.f32 v34, v28  }
0x15a: {  	v23 =	vmul.f32 v45, v44;
	v29 =	vperm.xlane v18, v10;
	v34 =	vadd.f32 v42, v33;
	v33 =	vld [tilespmem:s28+$0x40]  }
0x15b: {  	s26 =	simm.s32 $0x80;
	v21 =	vmul.f32 v31, v43;
	v31 =	vperm.xlane v18, v12;
	v28 =	vadd.f32 v38, v28;
	v38 =	vld [tilespmem:s28+$0x60];
	s28 =	sadd.s32 $0x800, s28  }
.LBB2_19:
0x15c: {  	s29 =	sshra.s32 s26, $0x2;
	v41 =	vld [tilespmem:s28+$0xFFFFFC70];
	p0 =	sne.s32 s26, $0x1C0;
	s26 =	sadd.s32 $0x40, s26;
	v24 =	vadd.f32 v32, v24;
	v27 =	vmul.f32 v27, v37;
	v32 =	vadd.f32 v22, v40  }
0x15d: {  	v22 =	vperm.xlane v18, v1;
	v40 =	vperm.xlane v18, v14;
	v37 =	vld.idx.msk [tilespmem:v16+s29+$0x0 ss:$0x1], $0xffff  }
0x15e: {  	v42 =	vld [tilespmem:s28+$0xFFFFFC10];
	v24 =	vadd.f32 v27, v24;
	v27 =	vmul.f32 v29, v36;
	v29 =	vperm.xlane v18, v11  }
0x15f: {  	v20 =	vmul.f32 v22, v20;
	v18 =	vperm.xlane v18, v15;
	v36 =	vld [tilespmem:s28+$0xFFFFFC30]  }
0x160: {  	v43 =	vld [tilespmem:s28+$0xFFFFFC00];
	v24 =	vadd.f32 v27, v24;
	v44 =	vmul.f32 v29, v26;
	v26 =	vmul.f32 v40, v38  }
0x161: {  	v40 =	vadd.f32 v20, v34;
	v34 =	vmul.f32 v39, v17;
	v22 =	vmul.f32 v18, v30;
	v29 =	vld [tilespmem:s28+$0xFFFFFC20];
	v17 =	vmovc v41  }
0x162: {  	v45 =	vmul.f32 v35, v19;
	v31 =	vmul.f32 v31, v33;
	v30 =	vld [tilespmem:s28+$0xFFFFFC40];
	v24 =	vadd.f32 v26, v24  }
0x163: {  	v26 =	vperm.xlane v37, v0;
	v27 =	vperm.xlane v37, v6;
	v35 =	vadd.f32 v25, v40;
	v18 =	vmovc v37;
	v33 =	vld [tilespmem:s28+$0xFFFFFC50]  }
0x164: {  	v39 =	vadd.f32 v45, v32;
	v25 =	vperm.xlane v18, v2;
	v37 =	vperm.xlane v18, v5;
	v20 =	vmovc v42;
	v38 =	vld [tilespmem:s28+$0x0]  }
0x165: {  	v28 =	vadd.f32 v31, v28;
	v41 =	vperm.xlane v18, v4;
	v19 =	vmovc v36;
	v40 =	vmul.f32 v26, v43;
	v42 =	vld [tilespmem:s28+$0x10]  }
0x166: {  	v39 =	vadd.f32 v34, v39;
	v32 =	vmul.f32 v25, v29;
	v29 =	vperm.xlane v18, v10;
	v26 =	vld [tilespmem:s28+$0x30]  }
0x167: {  	v31 =	vperm.xlane v18, v8;
	v28 =	vadd.f32 v40, v28;
	v30 =	vmul.f32 v41, v30;
	v41 =	vld [tilespmem:s28+$0x50]  }
.Ltmp8:
0x168: {  	v34 =	vadd.f32 v21, v35;
	v25 =	vmul.f32 v37, v33;
	v37 =	vld [tilespmem:s28+$0xFFFFFC60];
	v33 =	vperm.xlane v18, v9;
	(pc) =	sbr.rel @p0 .LBB2_19-.Ltmp8, $4  }
0x169: {  	v43 =	vperm.xlane v18, v13;
	v28 =	vadd.f32 v30, v28;
	v38 =	vmul.f32 v31, v38;
	v30 =	vld [tilespmem:s28+$0x70]  }
0x16a: {  	v34 =	vadd.f32 v23, v34;
	v31 =	vperm.xlane v18, v12;
	v21 =	vmul.f32 v33, v42;
	v36 =	vld [tilespmem:s28+$0x20]  }
0x16b: {  	v35 =	vperm.xlane v18, v3;
	v40 =	vadd.f32 v44, v39;
	v28 =	vadd.f32 v38, v28;
	v33 =	vld [tilespmem:s28+$0x40]  }
0x16c: {  	v39 =	vperm.xlane v18, v7;
	v23 =	vmul.f32 v43, v41;
	v38 =	vld [tilespmem:s28+$0x60];
	s28 =	sadd.s32 $0x800, s28  }
0x16d: {  	v16 =	vperm.xlane v18, v1  }
0x16e: {  	v27 =	vmul.f32 v27, v37  }
0x16f: {  	v22 =	vadd.f32 v22, v40;
	v19 =	vmul.f32 v35, v19;
	v16 =	vmul.f32 v16, v20  }
0x170: {  	v55 =	vadd.f32 v32, v24;
	v56 =	vperm.xlane v18, v14;
	v57 =	vperm.xlane v18, v11  }
0x171: {  	v17 =	vmul.f32 v39, v17;
	v19 =	vadd.f32 v19, v22;
	v16 =	vadd.f32 v16, v34  }
0x172: {  	v59 =	vperm.xlane v18, v15;
	v20 =	vadd.f32 v27, v55;
	v58 =	vmul.f32 v29, v36  }
0x173: {  	v26 =	vmul.f32 v57, v26;
	v17 =	vadd.f32 v17, v19;
	v16 =	vadd.f32 v25, v16  }
0x174: {  	v62 =	vmul.f32 v31, v33;
	v60 =	vadd.f32 v58, v20;
	v61 =	vmul.f32 v56, v38  }
0x175: {  	v18 =	vmul.f32 v59, v30;
	v17 =	vadd.f32 v26, v17;
	v16 =	vadd.f32 v21, v16  }
0x176: {  	v63 =	vadd.f32 v62, v28;
	v19 =	vadd.f32 v61, v60  }
0x177: {  	s24 =	sadd.s32 $0x1, s24;
	v17 =	vadd.f32 v18, v17;
	v16 =	vadd.f32 v23, v16  }
0x178: {  	p0 =	sne.s32 s24, $0x10  }
.Ltmp9:
0x179: {  	v17 =	vadd.f32 v17, v19;
	v16 =	vadd.f32 v16, v63;
	(pc) =	sbr.rel @p0 .LBB2_18-.Ltmp9, $3  }
0x17a: {  	_ = 	snop  }
0x17b: {  	v16 =	vadd.f32 v17, v16;
	_ =	sdelay $0x1  }
0x17c: {  	s23 =	sadd.s32 $0x800, s23;
	s22 =	sadd.s32 $0x1, s22;
	[tilespmem:s25+$0x14000] =	vst v16  }
0x17d: {  	s22 =	simm.s32 $0x0  }
0x17e: {  	[tilespmem:s14], [sflag:$0x2] =	stream.linear.gather [hbm4b:s10+s22], $0x8000, $0x38;
	[tilespmem:$0x18000] =	vst v63  }
0x17f: {  	_ =	swait.ge [sflag:s18], $0x8000  }
0x180: {  	[sflag:s18] =	ssyncset.done $0x0  }
0x181: {  	s23 =	simm.s32 $0x0;
	s24 =	simm.s32 $0x0;
	[sflag:s18] =	ssyncadd.s32 $0xFFFF8000  }
.LBB2_22:
0x182: {  	s25 =	sshll.u32 s23, $0x2;
	s26 =	sand.u32 $0x7, s22  }
0x183: {  	s25 =	sand.u32 $0xFFFF0000, s25;
	s26 =	sshll.u32 s26, $0x9  }
0x184: {  	s25 =	sor.u32 s26, s25  }
0x185: {  	s25 =	sshrl.u32 s25, $0x2  }
0x186: {  	s25 =	sadd.s32 $0x4000, s25  }
0x187: {  	v16 =	vmov s25  }
0x188: {  	s31 =	sshll.u32 s24, $0x9  }
0x189: {  	s25 =	sor.u32 $0xA000, s31  }
0x18a: {  	s25 =	sshra.s32 s25, $0x2  }
0x18b: {  	s28 =	simm.s32 $0x0;
	v26 =	vld [tilespmem:s25+$0x0]  }
0x18c: {  	v23 =	vld.idx.msk [tilespmem:v16+s28+$0x8430 ss:$0x1], $0xffff  }
0x18d: {  	v30 =	vld.idx.msk [tilespmem:v16+s28+$0x8400 ss:$0x1], $0xffff  }
0x18e: {  	v21 =	vld.idx.msk [tilespmem:v16+s28+$0x8040 ss:$0x1], $0xffff  }
0x18f: {  	v29 =	vld.idx.msk [tilespmem:v16+s28+$0x8070 ss:$0x1], $0xffff  }
0x190: {  	v34 =	vld.idx.msk [tilespmem:v16+s28+$0x8060 ss:$0x1], $0xffff;
	v19 =	vperm.xlane v26, v10  }
0x191: {  	v37 =	vld.idx.msk [tilespmem:v16+s28+$0x8050 ss:$0x1], $0xffff;
	v18 =	vperm.xlane v26, v15;
	v20 =	vperm.xlane v26, v3  }
0x192: {  	v25 =	vld.idx.msk [tilespmem:v16+s28+$0x8000 ss:$0x1], $0xffff;
	v17 =	vperm.xlane v26, v14;
	v31 =	vperm.xlane v26, v2  }
0x193: {  	v32 =	vld.idx.msk [tilespmem:v16+s28+$0x8020 ss:$0x1], $0xffff;
	v22 =	vperm.xlane v26, v12;
	v24 =	vperm.xlane v26, v1  }
0x194: {  	v28 =	vld.idx.msk [tilespmem:v16+s28+$0x8010 ss:$0x1], $0xffff;
	v39 =	vperm.xlane v26, v6;
	v38 =	vperm.xlane v26, v5  }
0x195: {  	v33 =	vld.idx.msk [tilespmem:v16+s28+$0x8030 ss:$0x1], $0xffff;
	v27 =	vperm.xlane v26, v4;
	v42 =	vperm.xlane v26, v8  }
0x196: {  	v35 =	vld.idx.msk [tilespmem:v16+s28+$0x8410 ss:$0x1], $0xffff;
	v40 =	vperm.xlane v26, v7;
	v41 =	vperm.xlane v26, v11  }
0x197: {  	v36 =	vld.idx.msk [tilespmem:v16+s28+$0x8420 ss:$0x1], $0xffff;
	v43 =	vperm.xlane v26, v9;
	v46 =	vperm.xlane v26, v0  }
0x198: {  	v27 =	vmul.f32 v27, v21;
	v21 =	vmul.f32 v38, v37;
	v37 =	vld.idx.msk [tilespmem:v16+s28+$0x8440 ss:$0x1], $0xffff  }
0x199: {  	v45 =	vimm.f32 $0.0e+00;
	v29 =	vmul.f32 v40, v29;
	v23 =	vmul.f32 v41, v23;
	v38 =	vld.idx.msk [tilespmem:v16+s28+$0x8450 ss:$0x1], $0xffff  }
0x19a: {  	v44 =	vimm.f32 $0.0e+00;
	v40 =	vmul.f32 v39, v34;
	v41 =	vperm.xlane v26, v13;
	v39 =	vld.idx.msk [tilespmem:v16+s28+$0x8460 ss:$0x1], $0xffff  }
0x19b: {  	s26 =	simm.s32 $0x2000;
	v34 =	vimm.f32 $0.0e+00;
	v30 =	vmul.f32 v42, v30;
	v26 =	vld.idx.msk [tilespmem:v16+s28+$0x8470 ss:$0x1], $0xffff;
	s28 =	sadd.s32 $0x10, s25;
	v42 =	vimm.f32 $0.0e+00  }
.LBB2_23:
0x19c: {  	v47 =	vld [tilespmem:s28+$0x0];
	s29 =	sshra.s32 s26, $0x2;
	p0 =	sne.s32 s26, $0xE000;
	s26 =	sadd.s32 $0x2000, s26;
	v31 =	vmul.f32 v31, v32;
	v43 =	vmul.f32 v43, v35  }
0x19d: {  	v32 =	vmul.f32 v19, v36;
	v48 =	vld.idx.msk [tilespmem:v16+s29+$0x8430 ss:$0x1], $0xffff;
	v25 =	vmul.f32 v46, v25  }
0x19e: {  	v20 =	vmul.f32 v20, v33;
	v46 =	vmul.f32 v22, v37;
	v49 =	vld.idx.msk [tilespmem:v16+s29+$0x8400 ss:$0x1], $0xffff;
	v19 =	vadd.f32 v31, v34  }
0x19f: {  	v24 =	vmul.f32 v24, v28;
	v50 =	vmul.f32 v41, v38;
	v36 =	vld.idx.msk [tilespmem:v16+s29+$0x8040 ss:$0x1], $0xffff;
	v22 =	vadd.f32 v25, v45  }
0x1a0: {  	v28 =	vadd.f32 v20, v44;
	v34 =	vmul.f32 v17, v39;
	v38 =	vld.idx.msk [tilespmem:v16+s29+$0x8070 ss:$0x1], $0xffff;
	v33 =	vadd.f32 v40, v19  }
0x1a1: {  	v35 =	vadd.f32 v24, v42;
	v39 =	vld.idx.msk [tilespmem:v16+s29+$0x8060 ss:$0x1], $0xffff;
	v19 =	vperm.xlane v47, v10;
	v51 =	vperm.xlane v47, v15  }
0x1a2: {  	v20 =	vperm.xlane v47, v3;
	v17 =	vperm.xlane v47, v14;
	v27 =	vadd.f32 v27, v22;
	v37 =	vld.idx.msk [tilespmem:v16+s29+$0x8050 ss:$0x1], $0xffff  }
0x1a3: {  	v31 =	vperm.xlane v47, v2;
	v22 =	vperm.xlane v47, v12;
	v33 =	vadd.f32 v32, v33;
	v25 =	vld.idx.msk [tilespmem:v16+s29+$0x8000 ss:$0x1], $0xffff  }
0x1a4: {  	v29 =	vadd.f32 v29, v28;
	v24 =	vperm.xlane v47, v1;
	v40 =	vperm.xlane v47, v6;
	v32 =	vld.idx.msk [tilespmem:v16+s29+$0x8020 ss:$0x1], $0xffff  }
0x1a5: {  	v41 =	vperm.xlane v47, v5;
	v52 =	vperm.xlane v47, v8;
	v34 =	vadd.f32 v34, v33;
	v28 =	vld.idx.msk [tilespmem:v16+s29+$0x8010 ss:$0x1], $0xffff  }
0x1a6: {  	v21 =	vadd.f32 v21, v35;
	v42 =	vperm.xlane v47, v4;
	v44 =	vadd.f32 v23, v29;
	v33 =	vld.idx.msk [tilespmem:v16+s29+$0x8030 ss:$0x1], $0xffff  }
0x1a7: {  	v53 =	vperm.xlane v47, v11;
	v23 =	vperm.xlane v47, v7;
	v29 =	vadd.f32 v30, v27;
	v35 =	vld.idx.msk [tilespmem:v16+s29+$0x8410 ss:$0x1], $0xffff  }
.Ltmp10:
0x1a8: {  	v18 =	vmul.f32 v18, v26;
	v30 =	vadd.f32 v43, v21;
	v27 =	vmul.f32 v42, v36;
	v36 =	vld.idx.msk [tilespmem:v16+s29+$0x8420 ss:$0x1], $0xffff;
	(pc) =	sbr.rel @p0 .LBB2_23-.Ltmp10, $4  }
0x1a9: {  	v43 =	vperm.xlane v47, v9;
	v45 =	vadd.f32 v46, v29;
	v21 =	vmul.f32 v41, v37;
	v37 =	vld.idx.msk [tilespmem:v16+s29+$0x8440 ss:$0x1], $0xffff  }
0x1aa: {  	v44 =	vadd.f32 v18, v44;
	v29 =	vmul.f32 v23, v38;
	v23 =	vmul.f32 v53, v48;
	v38 =	vld.idx.msk [tilespmem:v16+s29+$0x8450 ss:$0x1], $0xffff  }
0x1ab: {  	v42 =	vadd.f32 v50, v30;
	v40 =	vmul.f32 v40, v39;
	v41 =	vperm.xlane v47, v13;
	v39 =	vld.idx.msk [tilespmem:v16+s29+$0x8460 ss:$0x1], $0xffff  }
0x1ac: {  	s28 =	sadd.s32 $0x10, s28;
	v18 =	vmov v51;
	v46 =	vperm.xlane v47, v0;
	v30 =	vmul.f32 v52, v49;
	v26 =	vld.idx.msk [tilespmem:v16+s29+$0x8470 ss:$0x1], $0xffff  }
0x1ad: {  	v16 =	vmul.f32 v31, v32;
	v20 =	vmul.f32 v20, v33  }
0x1ae: {  	v24 =	vmul.f32 v24, v28;
	v25 =	vmul.f32 v46, v25  }
0x1af: {  	v60 =	vmul.f32 v43, v35;
	v16 =	vadd.f32 v16, v34;
	v20 =	vadd.f32 v20, v44  }
0x1b0: {  	v19 =	vmul.f32 v19, v36;
	v24 =	vadd.f32 v24, v42;
	v25 =	vadd.f32 v25, v45  }
0x1b1: {  	v22 =	vmul.f32 v22, v37;
	v16 =	vadd.f32 v40, v16;
	v20 =	vadd.f32 v29, v20  }
0x1b2: {  	v17 =	vmul.f32 v17, v39;
	v21 =	vadd.f32 v21, v24;
	v25 =	vadd.f32 v27, v25  }
0x1b3: {  	v18 =	vmul.f32 v18, v26;
	v16 =	vadd.f32 v19, v16;
	v20 =	vadd.f32 v23, v20  }
0x1b4: {  	v61 =	vmul.f32 v41, v38;
	v21 =	vadd.f32 v60, v21;
	v62 =	vadd.f32 v30, v25  }
0x1b5: {  	v16 =	vadd.f32 v17, v16;
	v18 =	vadd.f32 v18, v20  }
0x1b6: {  	s24 =	sadd.s32 $0x1, s24;
	v63 =	vadd.f32 v61, v21;
	v17 =	vadd.f32 v22, v62  }
0x1b7: {  	p0 =	sne.s32 s24, $0x10  }
.Ltmp11:
0x1b8: {  	v16 =	vadd.f32 v18, v16;
	v17 =	vadd.f32 v63, v17;
	(pc) =	sbr.rel @p0 .LBB2_22-.Ltmp11, $3  }
0x1b9: {  	_ = 	snop  }
0x1ba: {  	v16 =	vadd.f32 v16, v17;
	_ =	sdelay $0x1  }
0x1bb: {  	s23 =	sadd.s32 $0x800, s23;
	s22 =	sadd.s32 $0x1, s22;
	[tilespmem:s25+$0x14000] =	vst v16  }
0x1bc: {  	s22 =	simm.s32 $0x0  }
0x1bd: {  	[tilespmem:s16], [sflag:$0x3] =	stream.linear.gather [hbm4b:s11+s22], $0x8000, $0x38;
	[tilespmem:$0x18000] =	vst v63  }
0x1be: {  	_ =	swait.ge [sflag:s17], $0x8000  }
0x1bf: {  	[sflag:s17] =	ssyncset.done $0x0  }
0x1c0: {  	s23 =	simm.s32 $0x0;
	s24 =	simm.s32 $0x0;
	[sflag:s17] =	ssyncadd.s32 $0xFFFF8000  }
.LBB2_26:
0x1c1: {  	s25 =	sshll.u32 s24, $0x9  }
0x1c2: {  	s26 =	sshll.u32 s23, $0x2;
	s28 =	sand.u32 $0x7, s22;
	s25 =	sor.u32 $0xC000, s25  }
0x1c3: {  	s26 =	sand.u32 $0xFFFF0000, s26;
	s28 =	sshll.u32 s28, $0x9;
	s25 =	sshra.s32 s25, $0x2  }
0x1c4: {  	s26 =	sor.u32 s28, s26;
	v16 =	vmov s25  }
0x1c5: {  	s26 =	sshrl.u32 s26, $0x2  }
0x1c6: {  	s26 =	sadd.s32 $0x4400, s26  }
0x1c7: {  	v21 =	vld [tilespmem:s26+$0xFFFFFC70]  }
0x1c8: {  	s28 =	simm.s32 $0x0;
	v19 =	vld [tilespmem:s26+$0xFFFFFC10]  }
0x1c9: {  	v22 =	vld.idx.msk [tilespmem:v16+s28+$0x0 ss:$0x1], $0xffff  }
0x1ca: {  	v23 =	vld [tilespmem:s26+$0xFFFFFC30]  }
0x1cb: {  	v17 =	vld [tilespmem:s26+$0xFFFFFC00]  }
0x1cc: {  	v18 =	vld [tilespmem:s26+$0xFFFFFC20]  }
0x1cd: {  	v20 =	vld [tilespmem:s26+$0xFFFFFC40]  }
0x1ce: {  	v24 =	vld [tilespmem:s26+$0xFFFFFC50];
	v25 =	vperm.xlane v22, v0;
	v26 =	vperm.xlane v22, v6  }
0x1cf: {  	v27 =	vld [tilespmem:s26+$0x0];
	v28 =	vperm.xlane v22, v2;
	v29 =	vperm.xlane v22, v5  }
0x1d0: {  	v33 =	vld [tilespmem:s26+$0xFFFFFC60];
	v38 =	vperm.xlane v22, v3;
	v39 =	vperm.xlane v22, v7  }
0x1d1: {  	v31 =	vld [tilespmem:s26+$0x30];
	v51 =	vperm.xlane v22, v1;
	v52 =	vperm.xlane v22, v14  }
0x1d2: {  	v40 =	vld [tilespmem:s26+$0x60];
	v53 =	vperm.xlane v22, v11;
	v17 =	vmul.f32 v25, v17  }
0x1d3: {  	v30 =	vld [tilespmem:s26+$0x10];
	v25 =	vperm.xlane v22, v4;
	v18 =	vmul.f32 v28, v18  }
0x1d4: {  	v32 =	vld [tilespmem:s26+$0x50];
	v28 =	vperm.xlane v22, v10;
	v29 =	vmul.f32 v29, v24  }
0x1d5: {  	v34 =	vld [tilespmem:s26+$0x70];
	v24 =	vperm.xlane v22, v9;
	v26 =	vmul.f32 v26, v33  }
0x1d6: {  	v35 =	vld [tilespmem:s26+$0x20];
	v20 =	vmul.f32 v25, v20;
	v25 =	vperm.xlane v22, v8  }
0x1d7: {  	v36 =	vld [tilespmem:s26+$0x40];
	s28 =	sadd.s32 $0x800, s26;
	v55 =	vmul.f32 v53, v31;
	v31 =	vmul.f32 v52, v40  }
0x1d8: {  	v54 =	vld [tilespmem:s28+$0xFFFFFC00];
	v25 =	vmul.f32 v25, v27;
	v27 =	vperm.xlane v22, v13  }
0x1d9: {  	v37 =	vimm.f32 $0.0e+00;
	s31 =	simm.s32 $0x10;
	v57 =	vld [tilespmem:s28+$0xFFFFFC40];
	v21 =	vmul.f32 v39, v21;
	v23 =	vmul.f32 v38, v23  }
0x1da: {  	v41 =	vadd.f32 v17, v37;
	v42 =	vmul.f32 v27, v32;
	v27 =	vadd.f32 v18, v37;
	v18 =	vld.idx.msk [tilespmem:v16+s31+$0x0 ss:$0x1], $0xffff  }
0x1db: {  	v60 =	vld [tilespmem:s28+$0x0];
	v30 =	vmul.f32 v24, v30;
	v24 =	vperm.xlane v22, v12;
	v23 =	vadd.f32 v23, v37  }
0x1dc: {  	v43 =	vld [tilespmem:s28+$0x10];
	v28 =	vmul.f32 v28, v35;
	v41 =	vadd.f32 v20, v41;
	v26 =	vadd.f32 v26, v27  }
0x1dd: {  	v44 =	vld [tilespmem:s28+$0x50];
	v22 =	vperm.xlane v22, v15;
	v23 =	vadd.f32 v21, v23;
	v27 =	vmul.f32 v51, v19  }
0x1de: {  	v17 =	vld [tilespmem:s28+$0xFFFFFC70];
	v58 =	vmul.f32 v24, v36;
	v25 =	vadd.f32 v25, v41;
	v26 =	vadd.f32 v28, v26  }
0x1df: {  	v22 =	vmul.f32 v22, v34;
	v28 =	vld [tilespmem:s28+$0xFFFFFC20];
	v56 =	vadd.f32 v27, v37;
	v27 =	vperm.xlane v18, v6  }
0x1e0: {  	v20 =	vld [tilespmem:s28+$0xFFFFFC10];
	v59 =	vperm.xlane v18, v5;
	v24 =	vadd.f32 v31, v26;
	v26 =	vperm.xlane v18, v0  }
0x1e1: {  	v25 =	vadd.f32 v58, v25;
	v62 =	vperm.xlane v18, v4;
	v63 =	vperm.xlane v18, v8;
	v31 =	vld [tilespmem:s28+$0xFFFFFC50]  }
0x1e2: {  	v36 =	vld [tilespmem:s28+$0x20];
	v33 =	vadd.f32 v29, v56;
	v29 =	vperm.xlane v18, v2;
	v61 =	vmul.f32 v26, v54  }
0x1e3: {  	v40 =	vadd.f32 v55, v23;
	v19 =	vld [tilespmem:s28+$0xFFFFFC30];
	v45 =	vperm.xlane v18, v13;
	v35 =	vperm.xlane v18, v3  }
0x1e4: {  	v37 =	vld [tilespmem:s28+$0xFFFFFC60];
	v34 =	vmul.f32 v62, v57;
	v32 =	vmul.f32 v29, v28;
	v28 =	vadd.f32 v61, v25  }
0x1e5: {  	v39 =	vperm.xlane v18, v7;
	v38 =	vmul.f32 v63, v60;
	v26 =	vld [tilespmem:s28+$0x30];
	v33 =	vadd.f32 v30, v33  }
0x1e6: {  	v30 =	vld [tilespmem:s28+$0x70];
	v25 =	vmul.f32 v59, v31;
	v31 =	vperm.xlane v18, v9;
	v28 =	vadd.f32 v34, v28  }
0x1e7: {  	v23 =	vmul.f32 v45, v44;
	v29 =	vperm.xlane v18, v10;
	v34 =	vadd.f32 v42, v33;
	v33 =	vld [tilespmem:s28+$0x40]  }
0x1e8: {  	s26 =	simm.s32 $0x80;
	v21 =	vmul.f32 v31, v43;
	v31 =	vperm.xlane v18, v12;
	v28 =	vadd.f32 v38, v28;
	v38 =	vld [tilespmem:s28+$0x60];
	s28 =	sadd.s32 $0x800, s28  }
.LBB2_27:
0x1e9: {  	s29 =	sshra.s32 s26, $0x2;
	v41 =	vld [tilespmem:s28+$0xFFFFFC70];
	p0 =	sne.s32 s26, $0x1C0;
	s26 =	sadd.s32 $0x40, s26;
	v24 =	vadd.f32 v32, v24;
	v27 =	vmul.f32 v27, v37;
	v32 =	vadd.f32 v22, v40  }
0x1ea: {  	v22 =	vperm.xlane v18, v1;
	v40 =	vperm.xlane v18, v14;
	v37 =	vld.idx.msk [tilespmem:v16+s29+$0x0 ss:$0x1], $0xffff  }
0x1eb: {  	v42 =	vld [tilespmem:s28+$0xFFFFFC10];
	v24 =	vadd.f32 v27, v24;
	v27 =	vmul.f32 v29, v36;
	v29 =	vperm.xlane v18, v11  }
0x1ec: {  	v20 =	vmul.f32 v22, v20;
	v18 =	vperm.xlane v18, v15;
	v36 =	vld [tilespmem:s28+$0xFFFFFC30]  }
0x1ed: {  	v43 =	vld [tilespmem:s28+$0xFFFFFC00];
	v24 =	vadd.f32 v27, v24;
	v44 =	vmul.f32 v29, v26;
	v26 =	vmul.f32 v40, v38  }
0x1ee: {  	v40 =	vadd.f32 v20, v34;
	v34 =	vmul.f32 v39, v17;
	v22 =	vmul.f32 v18, v30;
	v29 =	vld [tilespmem:s28+$0xFFFFFC20];
	v17 =	vmovc v41  }
0x1ef: {  	v45 =	vmul.f32 v35, v19;
	v31 =	vmul.f32 v31, v33;
	v30 =	vld [tilespmem:s28+$0xFFFFFC40];
	v24 =	vadd.f32 v26, v24  }
0x1f0: {  	v26 =	vperm.xlane v37, v0;
	v27 =	vperm.xlane v37, v6;
	v35 =	vadd.f32 v25, v40;
	v18 =	vmovc v37;
	v33 =	vld [tilespmem:s28+$0xFFFFFC50]  }
0x1f1: {  	v39 =	vadd.f32 v45, v32;
	v25 =	vperm.xlane v18, v2;
	v37 =	vperm.xlane v18, v5;
	v20 =	vmovc v42;
	v38 =	vld [tilespmem:s28+$0x0]  }
0x1f2: {  	v28 =	vadd.f32 v31, v28;
	v41 =	vperm.xlane v18, v4;
	v19 =	vmovc v36;
	v40 =	vmul.f32 v26, v43;
	v42 =	vld [tilespmem:s28+$0x10]  }
0x1f3: {  	v39 =	vadd.f32 v34, v39;
	v32 =	vmul.f32 v25, v29;
	v29 =	vperm.xlane v18, v10;
	v26 =	vld [tilespmem:s28+$0x30]  }
0x1f4: {  	v31 =	vperm.xlane v18, v8;
	v28 =	vadd.f32 v40, v28;
	v30 =	vmul.f32 v41, v30;
	v41 =	vld [tilespmem:s28+$0x50]  }
.Ltmp12:
0x1f5: {  	v34 =	vadd.f32 v21, v35;
	v25 =	vmul.f32 v37, v33;
	v37 =	vld [tilespmem:s28+$0xFFFFFC60];
	v33 =	vperm.xlane v18, v9;
	(pc) =	sbr.rel @p0 .LBB2_27-.Ltmp12, $4  }
0x1f6: {  	v43 =	vperm.xlane v18, v13;
	v28 =	vadd.f32 v30, v28;
	v38 =	vmul.f32 v31, v38;
	v30 =	vld [tilespmem:s28+$0x70]  }
0x1f7: {  	v34 =	vadd.f32 v23, v34;
	v31 =	vperm.xlane v18, v12;
	v21 =	vmul.f32 v33, v42;
	v36 =	vld [tilespmem:s28+$0x20]  }
0x1f8: {  	v35 =	vperm.xlane v18, v3;
	v40 =	vadd.f32 v44, v39;
	v28 =	vadd.f32 v38, v28;
	v33 =	vld [tilespmem:s28+$0x40]  }
0x1f9: {  	v39 =	vperm.xlane v18, v7;
	v23 =	vmul.f32 v43, v41;
	v38 =	vld [tilespmem:s28+$0x60];
	s28 =	sadd.s32 $0x800, s28  }
0x1fa: {  	v16 =	vperm.xlane v18, v1  }
0x1fb: {  	v27 =	vmul.f32 v27, v37  }
0x1fc: {  	v22 =	vadd.f32 v22, v40;
	v19 =	vmul.f32 v35, v19;
	v16 =	vmul.f32 v16, v20  }
0x1fd: {  	v55 =	vadd.f32 v32, v24;
	v56 =	vperm.xlane v18, v14;
	v57 =	vperm.xlane v18, v11  }
0x1fe: {  	v17 =	vmul.f32 v39, v17;
	v19 =	vadd.f32 v19, v22;
	v16 =	vadd.f32 v16, v34  }
0x1ff: {  	v59 =	vperm.xlane v18, v15;
	v20 =	vadd.f32 v27, v55;
	v58 =	vmul.f32 v29, v36  }
0x200: {  	v26 =	vmul.f32 v57, v26;
	v17 =	vadd.f32 v17, v19;
	v16 =	vadd.f32 v25, v16  }
0x201: {  	v62 =	vmul.f32 v31, v33;
	v60 =	vadd.f32 v58, v20;
	v61 =	vmul.f32 v56, v38  }
0x202: {  	v18 =	vmul.f32 v59, v30;
	v17 =	vadd.f32 v26, v17;
	v16 =	vadd.f32 v21, v16  }
0x203: {  	v63 =	vadd.f32 v62, v28;
	v19 =	vadd.f32 v61, v60  }
0x204: {  	s24 =	sadd.s32 $0x1, s24;
	v17 =	vadd.f32 v18, v17;
	v16 =	vadd.f32 v23, v16  }
0x205: {  	p0 =	sne.s32 s24, $0x10  }
.Ltmp13:
0x206: {  	v17 =	vadd.f32 v17, v19;
	v16 =	vadd.f32 v16, v63;
	(pc) =	sbr.rel @p0 .LBB2_26-.Ltmp13, $3  }
0x207: {  	_ = 	snop  }
0x208: {  	v16 =	vadd.f32 v17, v16;
	_ =	sdelay $0x1  }
0x209: {  	s23 =	sadd.s32 $0x800, s23;
	s22 =	sadd.s32 $0x1, s22;
	[tilespmem:s25+$0x14000] =	vst v16  }
0x20a: {  	_ =	swait.ge [sflag:s18], $0x8000  }
0x20b: {  	s22 =	simm.s32 $0x0;
	[sflag:s18] =	ssyncset.done $0x0  }
0x20c: {  	s23 =	simm.s32 $0x0;
	s24 =	simm.s32 $0x0;
	[sflag:s18] =	ssyncadd.s32 $0xFFFF8000  }
.LBB2_30:
0x20d: {  	s25 =	sshll.u32 s23, $0x2;
	s26 =	sand.u32 $0x7, s22  }
0x20e: {  	s25 =	sand.u32 $0xFFFF0000, s25;
	s26 =	sshll.u32 s26, $0x9  }
0x20f: {  	s25 =	sor.u32 s26, s25  }
0x210: {  	s25 =	sshrl.u32 s25, $0x2  }
0x211: {  	s25 =	sadd.s32 $0x4000, s25  }
0x212: {  	v16 =	vmov s25  }
0x213: {  	s31 =	sshll.u32 s24, $0x9  }
0x214: {  	s25 =	sor.u32 $0xE000, s31  }
0x215: {  	s25 =	sshra.s32 s25, $0x2  }
0x216: {  	s28 =	simm.s32 $0x0;
	v26 =	vld [tilespmem:s25+$0x0]  }
0x217: {  	v23 =	vld.idx.msk [tilespmem:v16+s28+$0x8430 ss:$0x1], $0xffff  }
0x218: {  	v30 =	vld.idx.msk [tilespmem:v16+s28+$0x8400 ss:$0x1], $0xffff  }
0x219: {  	v21 =	vld.idx.msk [tilespmem:v16+s28+$0x8040 ss:$0x1], $0xffff  }
0x21a: {  	v29 =	vld.idx.msk [tilespmem:v16+s28+$0x8070 ss:$0x1], $0xffff  }
0x21b: {  	v34 =	vld.idx.msk [tilespmem:v16+s28+$0x8060 ss:$0x1], $0xffff;
	v19 =	vperm.xlane v26, v10  }
0x21c: {  	v37 =	vld.idx.msk [tilespmem:v16+s28+$0x8050 ss:$0x1], $0xffff;
	v18 =	vperm.xlane v26, v15;
	v20 =	vperm.xlane v26, v3  }
0x21d: {  	v25 =	vld.idx.msk [tilespmem:v16+s28+$0x8000 ss:$0x1], $0xffff;
	v17 =	vperm.xlane v26, v14;
	v31 =	vperm.xlane v26, v2  }
0x21e: {  	v32 =	vld.idx.msk [tilespmem:v16+s28+$0x8020 ss:$0x1], $0xffff;
	v22 =	vperm.xlane v26, v12;
	v24 =	vperm.xlane v26, v1  }
0x21f: {  	v28 =	vld.idx.msk [tilespmem:v16+s28+$0x8010 ss:$0x1], $0xffff;
	v39 =	vperm.xlane v26, v6;
	v38 =	vperm.xlane v26, v5  }
0x220: {  	v33 =	vld.idx.msk [tilespmem:v16+s28+$0x8030 ss:$0x1], $0xffff;
	v27 =	vperm.xlane v26, v4;
	v42 =	vperm.xlane v26, v8  }
0x221: {  	v35 =	vld.idx.msk [tilespmem:v16+s28+$0x8410 ss:$0x1], $0xffff;
	v40 =	vperm.xlane v26, v7;
	v41 =	vperm.xlane v26, v11  }
0x222: {  	v36 =	vld.idx.msk [tilespmem:v16+s28+$0x8420 ss:$0x1], $0xffff;
	v43 =	vperm.xlane v26, v9;
	v46 =	vperm.xlane v26, v0  }
0x223: {  	v27 =	vmul.f32 v27, v21;
	v21 =	vmul.f32 v38, v37;
	v37 =	vld.idx.msk [tilespmem:v16+s28+$0x8440 ss:$0x1], $0xffff  }
0x224: {  	v45 =	vimm.f32 $0.0e+00;
	v29 =	vmul.f32 v40, v29;
	v23 =	vmul.f32 v41, v23;
	v38 =	vld.idx.msk [tilespmem:v16+s28+$0x8450 ss:$0x1], $0xffff  }
0x225: {  	v44 =	vimm.f32 $0.0e+00;
	v40 =	vmul.f32 v39, v34;
	v41 =	vperm.xlane v26, v13;
	v39 =	vld.idx.msk [tilespmem:v16+s28+$0x8460 ss:$0x1], $0xffff  }
0x226: {  	s26 =	simm.s32 $0x2000;
	v34 =	vimm.f32 $0.0e+00;
	v30 =	vmul.f32 v42, v30;
	v26 =	vld.idx.msk [tilespmem:v16+s28+$0x8470 ss:$0x1], $0xffff;
	s28 =	sadd.s32 $0x10, s25;
	v42 =	vimm.f32 $0.0e+00  }
.LBB2_31:
0x227: {  	v47 =	vld [tilespmem:s28+$0x0];
	s29 =	sshra.s32 s26, $0x2;
	p0 =	sne.s32 s26, $0xE000;
	s26 =	sadd.s32 $0x2000, s26;
	v31 =	vmul.f32 v31, v32;
	v43 =	vmul.f32 v43, v35  }
0x228: {  	v32 =	vmul.f32 v19, v36;
	v48 =	vld.idx.msk [tilespmem:v16+s29+$0x8430 ss:$0x1], $0xffff;
	v25 =	vmul.f32 v46, v25  }
0x229: {  	v20 =	vmul.f32 v20, v33;
	v46 =	vmul.f32 v22, v37;
	v49 =	vld.idx.msk [tilespmem:v16+s29+$0x8400 ss:$0x1], $0xffff;
	v19 =	vadd.f32 v31, v34  }
0x22a: {  	v24 =	vmul.f32 v24, v28;
	v50 =	vmul.f32 v41, v38;
	v36 =	vld.idx.msk [tilespmem:v16+s29+$0x8040 ss:$0x1], $0xffff;
	v22 =	vadd.f32 v25, v45  }
0x22b: {  	v28 =	vadd.f32 v20, v44;
	v34 =	vmul.f32 v17, v39;
	v38 =	vld.idx.msk [tilespmem:v16+s29+$0x8070 ss:$0x1], $0xffff;
	v33 =	vadd.f32 v40, v19  }
0x22c: {  	v35 =	vadd.f32 v24, v42;
	v39 =	vld.idx.msk [tilespmem:v16+s29+$0x8060 ss:$0x1], $0xffff;
	v19 =	vperm.xlane v47, v10;
	v51 =	vperm.xlane v47, v15  }
0x22d: {  	v20 =	vperm.xlane v47, v3;
	v17 =	vperm.xlane v47, v14;
	v27 =	vadd.f32 v27, v22;
	v37 =	vld.idx.msk [tilespmem:v16+s29+$0x8050 ss:$0x1], $0xffff  }
0x22e: {  	v31 =	vperm.xlane v47, v2;
	v22 =	vperm.xlane v47, v12;
	v33 =	vadd.f32 v32, v33;
	v25 =	vld.idx.msk [tilespmem:v16+s29+$0x8000 ss:$0x1], $0xffff  }
0x22f: {  	v29 =	vadd.f32 v29, v28;
	v24 =	vperm.xlane v47, v1;
	v40 =	vperm.xlane v47, v6;
	v32 =	vld.idx.msk [tilespmem:v16+s29+$0x8020 ss:$0x1], $0xffff  }
0x230: {  	v41 =	vperm.xlane v47, v5;
	v52 =	vperm.xlane v47, v8;
	v34 =	vadd.f32 v34, v33;
	v28 =	vld.idx.msk [tilespmem:v16+s29+$0x8010 ss:$0x1], $0xffff  }
0x231: {  	v21 =	vadd.f32 v21, v35;
	v42 =	vperm.xlane v47, v4;
	v44 =	vadd.f32 v23, v29;
	v33 =	vld.idx.msk [tilespmem:v16+s29+$0x8030 ss:$0x1], $0xffff  }
0x232: {  	v53 =	vperm.xlane v47, v11;
	v23 =	vperm.xlane v47, v7;
	v29 =	vadd.f32 v30, v27;
	v35 =	vld.idx.msk [tilespmem:v16+s29+$0x8410 ss:$0x1], $0xffff  }
.Ltmp14:
0x233: {  	v18 =	vmul.f32 v18, v26;
	v30 =	vadd.f32 v43, v21;
	v27 =	vmul.f32 v42, v36;
	v36 =	vld.idx.msk [tilespmem:v16+s29+$0x8420 ss:$0x1], $0xffff;
	(pc) =	sbr.rel @p0 .LBB2_31-.Ltmp14, $4  }
0x234: {  	v43 =	vperm.xlane v47, v9;
	v45 =	vadd.f32 v46, v29;
	v21 =	vmul.f32 v41, v37;
	v37 =	vld.idx.msk [tilespmem:v16+s29+$0x8440 ss:$0x1], $0xffff  }
0x235: {  	v44 =	vadd.f32 v18, v44;
	v29 =	vmul.f32 v23, v38;
	v23 =	vmul.f32 v53, v48;
	v38 =	vld.idx.msk [tilespmem:v16+s29+$0x8450 ss:$0x1], $0xffff  }
0x236: {  	v42 =	vadd.f32 v50, v30;
	v40 =	vmul.f32 v40, v39;
	v41 =	vperm.xlane v47, v13;
	v39 =	vld.idx.msk [tilespmem:v16+s29+$0x8460 ss:$0x1], $0xffff  }
0x237: {  	s28 =	sadd.s32 $0x10, s28;
	v18 =	vmov v51;
	v46 =	vperm.xlane v47, v0;
	v30 =	vmul.f32 v52, v49;
	v26 =	vld.idx.msk [tilespmem:v16+s29+$0x8470 ss:$0x1], $0xffff  }
0x238: {  	v16 =	vmul.f32 v31, v32;
	v20 =	vmul.f32 v20, v33  }
0x239: {  	v24 =	vmul.f32 v24, v28;
	v25 =	vmul.f32 v46, v25  }
0x23a: {  	v60 =	vmul.f32 v43, v35;
	v16 =	vadd.f32 v16, v34;
	v20 =	vadd.f32 v20, v44  }
0x23b: {  	v19 =	vmul.f32 v19, v36;
	v24 =	vadd.f32 v24, v42;
	v25 =	vadd.f32 v25, v45  }
0x23c: {  	v22 =	vmul.f32 v22, v37;
	v16 =	vadd.f32 v40, v16;
	v20 =	vadd.f32 v29, v20  }
0x23d: {  	v17 =	vmul.f32 v17, v39;
	v21 =	vadd.f32 v21, v24;
	v25 =	vadd.f32 v27, v25  }
0x23e: {  	v18 =	vmul.f32 v18, v26;
	v16 =	vadd.f32 v19, v16;
	v20 =	vadd.f32 v23, v20  }
0x23f: {  	v61 =	vmul.f32 v41, v38;
	v21 =	vadd.f32 v60, v21;
	v62 =	vadd.f32 v30, v25  }
0x240: {  	v16 =	vadd.f32 v17, v16;
	v18 =	vadd.f32 v18, v20  }
0x241: {  	s24 =	sadd.s32 $0x1, s24;
	v63 =	vadd.f32 v61, v21;
	v17 =	vadd.f32 v22, v62  }
0x242: {  	p0 =	sne.s32 s24, $0x10  }
.Ltmp15:
0x243: {  	v16 =	vadd.f32 v18, v16;
	v17 =	vadd.f32 v63, v17;
	(pc) =	sbr.rel @p0 .LBB2_30-.Ltmp15, $3  }
0x244: {  	_ = 	snop  }
0x245: {  	v16 =	vadd.f32 v16, v17;
	_ =	sdelay $0x1  }
0x246: {  	s23 =	sadd.s32 $0x800, s23;
	s22 =	sadd.s32 $0x1, s22;
	[tilespmem:s25+$0x14000] =	vst v16  }
0x247: {  	s21 =	sadd.s32 $0x1, s21  }
0x248: {  	p0 =	sne.s32 s21, s13  }
.Ltmp16:
0x249: {  	_ = 	snop;
	(pc) =	sbr.rel @p0 .LBB2_1-.Ltmp16, $4  }
0x24a: {  	[hbm4b:s12+s2] =	stream.linear.scatter [tilespmem:s19], [sflag:$0x4], $0x4000, $0x38;
	[tilespmem:$0x18000] =	vst v63  }
0x24b: {  	_ =	swait.ge [sflag:s20], $0x4000  }
0x24c: {  	[sflag:s20] =	ssyncset.done $0x0  }
0x24d: {  	[sflag:s20] =	ssyncadd.s32 $0xFFFFC000  }
0x24e: {  	_ =	sfence.sel $0x180000  }
0x24f: {  	[bflag:$0x0] =	sbarrier.arrive $0xFFFF  }
0x250: {  	p0 =	sne.s32 s1, $0x0;
	_ =	strace $0x90000047  }
0x251: {  	s0 =	sadd.s32 @!p0 $0x100000, s0;
	[bflag:$0x2] =	sbarrier.arrive $0xFFFF  }
0x252: {  	[sflag:s0] =	ssyncadd.tile.s32 @!p0 $0x1;
	_ =	shalt  }
.Lfunc_end2:
_tile_overlayer_lowered:
.L_overlay_start_2:
0x253: {  	(tag) =	ssettag $0x2  }
0x254: {  	s0 =	rddreg [dreg:$0x0];
	s2 =	stileid.u32  }
0x255: {  	s1 =	rddreg [dreg:$0x1];
	p0 =	sne.s32 s2, $0x0  }
0x256: {  	s3 =	rddreg [dreg:$0x2];
	[bflag:$0x3] =	sbarrier.arrive $0xFFFF;
	s2 =	simm.s32 @!p0 $0x1C04  }
0x257: {  	[timem:s3], [sflag:s2] =	dma.local @!p0 [hbm:s0], s1  }
0x258: {  	s0 =	simm.s32 @!p0 $0x4  }
0x259: {  	_ =	swait.ge @!p0 [sflag:s0], s1  }
0x25a: {  	s1 =	ssub.s32 @!p0 $0x0, s1;
	[sflag:s0] =	ssyncset.done @!p0 $0x0  }
0x25b: {  	[sflag:s0] =	ssyncadd.s32 @!p0 s1  }
0x25c: {  	[bflag:$0x3] =	sbarrier.arrive $0xFFFF  }
0x25d: {  	_ =	shalt  }

</sc_bundles>
